<compile_context>
chip_gen: v7x
topology: tpu7x:2x2x1
jax: 0.10.2.dev20260603
libtpu: 0.0.44.dev20260713+nightly
codegen_flags: <defaults>
</compile_context>

<pallas_src>
import functools

import jax
import jax.numpy as jnp
from jax import lax
from jax.experimental import pallas as pl
from jax.experimental.pallas import tpu as pltpu
from jax.experimental.pallas import tpu_sc as plsc

_R = 4
_RP = 8
_D = 64
_SCALING = 1.0 / _R

_NC = 2
_NS = 16
_NW = _NC * _NS

_CHUNK = 128
_FIRE = 16
_LANES = 16
_CV = 4000
_TPR = 128 // _RP


def _transpose_kernel(v: int):
    n_chunks = v // _CV
    n_steps = -(-n_chunks // _NW)
    mesh = plsc.VectorSubcoreMesh(core_axis_name="c", subcore_axis_name="s")

    @functools.partial(
        pl.kernel,
        mesh=mesh,
        out_type=jax.ShapeDtypeStruct((v * _RP,), jnp.float32),
        scratch_types=[
            pltpu.VMEM((2, _R, _CV), jnp.float32),
            pltpu.VMEM((2, _CV * _RP), jnp.float32),
            pltpu.SemaphoreType.DMA,
            pltpu.SemaphoreType.DMA,
            pltpu.SemaphoreType.DMA,
            pltpu.SemaphoreType.DMA,
        ],
        compiler_params=pltpu.CompilerParams(
            use_tc_tiling_on_sc=False, needs_layout_passes=False
        ),
    )
    def transpose(a_hbm, table_hbm, buf_v, slab_v, semg0, semg1, semo0, semo1):
        wid = lax.axis_index("s") * _NC + lax.axis_index("c")
        io8 = lax.broadcasted_iota(jnp.int32, (_LANES,), 0) * _RP
        semg = [semg0, semg1]
        semo = [semo0, semo1]

        zvec = jnp.zeros((_LANES,), jnp.float32)

        def zbody(k, carry):
            for p in range(2):
                slab_v[p, pl.ds(k * _LANES, _LANES)] = zvec
            return carry

        lax.fori_loop(0, _CV * _RP // _LANES, zbody, 0, unroll=False)

        def chunk_of(s):
            return wid + s * _NW

        def load_copy(c, p, r):
            return pltpu.make_async_copy(
                a_hbm.at[r, pl.ds(c * _CV, _CV)], buf_v.at[p, r], semg[p]
            )

        def out_copy(c, p):
            return pltpu.make_async_copy(
                slab_v.at[p],
                table_hbm.at[pl.ds(c * _CV * _RP, _CV * _RP)],
                semo[p],
            )

        def fire_loads(s, p):
            c = chunk_of(s)

            @pl.when(c < n_chunks)
            def _():
                for r in range(_R):
                    load_copy(c, p, r).start()

        fire_loads(0, 0)
        for s in range(n_steps):
            p = s % 2
            c = chunk_of(s)
            fire_loads(s + 1, 1 - p)

            @pl.when(c < n_chunks)
            def _():
                for r in range(_R):
                    load_copy(c, p, r).wait()
                if s >= 2:
                    out_copy(c, p).wait()

                def qbody(q, carry):
                    for r in range(_R):
                        plsc.store_scatter(
                            slab_v.at[p],
                            [io8 + (q * _LANES * _RP + r)],
                            buf_v[p, r, pl.ds(q * _LANES, _LANES)],
                        )
                    return carry

                lax.fori_loop(0, _CV // _LANES, qbody, 0, unroll=2)
                out_copy(c, p).start()

        out_copy(0, 0).wait()
        out_copy(0, 1).wait()

    return transpose


def _gather_kernel(n_tokens: int, v: int):
    b_per_w = n_tokens // _NW
    n_chunks = b_per_w // _CHUNK
    mesh = plsc.VectorSubcoreMesh(core_axis_name="c", subcore_axis_name="s")

    @functools.partial(
        pl.kernel,
        mesh=mesh,
        out_type=jax.ShapeDtypeStruct((_NW, b_per_w, _RP), jnp.float32),
        scratch_types=[
            pltpu.VMEM((b_per_w,), jnp.int32),
            pltpu.VMEM((b_per_w, _RP), jnp.float32),
            pltpu.SemaphoreType.DMA,
        ],
        compiler_params=pltpu.CompilerParams(
            use_tc_tiling_on_sc=False, needs_layout_passes=False
        ),
    )
    def gather(table_hbm, idx_hbm, out_hbm, idx_v, rows_v, sem):
        wid = lax.axis_index("s") * _NC + lax.axis_index("c")
        base = wid * b_per_w
        pltpu.sync_copy(idx_hbm.at[pl.ds(base, b_per_w)], idx_v)

        def copy(j):
            return pltpu.make_async_copy(
                table_hbm.at[idx_v.at[pl.ds(j * _CHUNK, _CHUNK)]],
                rows_v.at[pl.ds(j * _CHUNK, _CHUNK)],
                sem,
            )

        def body(j, carry):
            copy(j).start()

            @pl.when(j >= _FIRE)
            def _():
                copy(j - _FIRE).wait()

            return carry

        lax.fori_loop(0, n_chunks, body, 0, unroll=False)
        for j in range(max(n_chunks - _FIRE, 0), n_chunks):
            copy(j).wait()
        pltpu.sync_copy(rows_v, out_hbm.at[wid])

    return gather


def _matmul_call(emb2, w, n_rows: int):
    grid = 8
    bm = n_rows // grid
    n_cols = _TPR * _D

    def body(e_ref, w_ref, o_ref):
        o_ref[...] = jnp.dot(
            e_ref[...], w_ref[...], preferred_element_type=jnp.float32
        )

    return pl.pallas_call(
        body,
        grid=(grid,),
        in_specs=[
            pl.BlockSpec((bm, 128), lambda i: (i, 0)),
            pl.BlockSpec((128, n_cols), lambda i: (0, 0)),
        ],
        out_specs=pl.BlockSpec((bm, n_cols), lambda i: (i, 0)),
        out_shape=jax.ShapeDtypeStruct((n_rows, n_cols), jnp.float32),
    )(emb2, w)


def kernel(x, A, B):
    b, l = x.shape
    n_tokens = b * l
    v = A.shape[1]
    idx = x.reshape(n_tokens).astype(jnp.int32)
    bt8 = jnp.zeros((_RP, _D), jnp.float32).at[:_R, :].set(B.T * _SCALING)
    w = jnp.kron(jnp.eye(_TPR, dtype=jnp.float32), bt8)

    table = _transpose_kernel(v)(A).reshape(v, _RP)
    emb = _gather_kernel(n_tokens, v)(table, idx)
    n_rows = n_tokens * _RP // 128
    emb2 = emb.reshape(n_rows, 128)
    out = _matmul_call(emb2, w, n_rows)
    return out.reshape(b, l, _D)

# --- scband reference (transcript-rebuilt; emitter-appended) ---
"""Pipeline reference for scband-embedding-adapter-17806934409337 (READ-ONLY COPY).

The authoritative reference and input builder live on the scoring server;
editing this copy changes nothing except your own understanding.
"""

import jax, jax.numpy as jnp
import numpy as np

NUM_EMBEDDINGS = 1000000
EMBEDDING_DIM = 64
R = 4
ALPHA = 1
SCALING = ALPHA / R


def setup_inputs(seed: int = 0) -> dict:
    key = jax.random.key(seed)
    k1, k2, k3 = jax.random.split(key, 3)
    x = jax.random.randint(k1, (4096, 50), 0, NUM_EMBEDDINGS, dtype=jnp.int64 if jax.config.jax_enable_x64 else jnp.int32)
    # LoRA params: A is (r, num_embeddings), B is (embedding_dim, r).
    # (Original init zeros A; we use small random values so outputs/grads are nontrivial.)
    A = jax.random.normal(k2, (R, NUM_EMBEDDINGS), dtype=jnp.float32) * 0.02
    B = jax.random.normal(k3, (EMBEDDING_DIM, R), dtype=jnp.float32)
    return {"x": x, "A": A, "B": B}


def reference(x, A, B):
    # F.embedding(x, A.T) -> gather rows of A.T (shape [vocab, r]) => [B, L, r]
    emb = jnp.take(A.T, x, axis=0)
    # @ B.T * scaling => [B, L, embedding_dim]
    out = emb @ B.T * SCALING
    return out

if __name__ == "__main__":
    import jax
    _d = setup_inputs()
    print(jax.jit(kernel)(*tuple(_d.values())))

</pallas_src>

<mosaic_0001>
#map = affine_map<(d0, d1) -> (0, 0)>
#map1 = affine_map<(d0, d1) -> (0)>
#map2 = affine_map<(d0, d1) -> (0, 0, 0)>
module attributes {stable_mosaic.version = 14 : i64} {
  func.func @gather(%arg0: i32, %arg1: i32, %arg2: memref<1000000x8xf32, #tpu.memory_space<hbm>>, %arg3: memref<204800xi32, #tpu.memory_space<hbm>>, %arg4: memref<32x6400x8xf32, #tpu.memory_space<hbm>>, %arg5: memref<6400xi32, #tpu.memory_space<vmem>>, %arg6: memref<6400x8xf32, #tpu.memory_space<vmem>>, %arg7: memref<!tpu.dma_semaphore, #tpu.memory_space<semaphore_mem>>) attributes {dimension_semantics = [#tpu.dimension_semantics<core_parallel>, #tpu.dimension_semantics<subcore_parallel>], iteration_bounds = array<i64: 2, 16>, scalar_prefetch = 0 : i64, scratch_operands = 3 : i64, tpu.core_type = #tpu.core_type<sc_vector_subcore>, window_params = [{transform_indices = #map}, {transform_indices = #map1}, {transform_indices = #map2}]} {
    %mul3A = arith.constant 2 : i32
    %mul3A_0 = arith.muli %arg1, %mul3A : i32
    %add3A = arith.addi %mul3A_0, %arg0 : i32
    %mul3A_1 = arith.constant 6400 : i32
    %mul3A_2 = arith.muli %add3A, %mul3A_1 : i32
    "tpu.region"() ({
      %run_scoped3A = tpu.sem_alloc : memref<!tpu.dma_semaphore, #tpu.memory_space<semaphore_mem>>
      %dma_start3A = tpu.memref_slice %arg3[%mul3A_2] : memref<204800xi32, #tpu.memory_space<hbm>> -> memref<6400xi32, #tpu.memory_space<hbm>>
      %dma_start3A_135 = tpu.memref_slice %arg3[%mul3A_2] : memref<204800xi32, #tpu.memory_space<hbm>> -> memref<6400xi32, #tpu.memory_space<hbm>>
      tpu.enqueue_dma source(%dma_start3A_135 : memref<6400xi32, #tpu.memory_space<hbm>>) target(%arg5 : memref<6400xi32, #tpu.memory_space<vmem>>) target_semaphore(%run_scoped3A : memref<!tpu.dma_semaphore, #tpu.memory_space<semaphore_mem>>)
      %dma_wait3A_136 = tpu.memref_slice %arg3[%mul3A_2] : memref<204800xi32, #tpu.memory_space<hbm>> -> memref<6400xi32, #tpu.memory_space<hbm>>
      %dma_wait3A_137 = tpu.memref_slice %arg3[%mul3A_2] : memref<204800xi32, #tpu.memory_space<hbm>> -> memref<6400xi32, #tpu.memory_space<hbm>>
      tpu.wait_dma2 semaphore(%run_scoped3A : memref<!tpu.dma_semaphore, #tpu.memory_space<semaphore_mem>>) src(%dma_wait3A_137 : memref<6400xi32, #tpu.memory_space<hbm>>) dst(%arg5 : memref<6400xi32, #tpu.memory_space<vmem>>)
      tpu.yield
    }) : () -> ()
    %scan3A = arith.constant 0 : i32
    %scan3A_3 = arith.constant 0 : i32
    %scan3A_4 = arith.constant 50 : i32
    %scan3A_5 = arith.addi %scan3A_3, %scan3A_4 : i32
    %scan3A_6 = arith.constant 1 : i32
    scf.for %scan3A_135 = %scan3A_3 to %scan3A_5 step %scan3A_6  : i32 {
      %mul3A_136 = arith.constant 128 : i32
      %mul3A_137 = arith.muli %scan3A_135, %mul3A_136 : i32
      %mul3A_138 = arith.constant 128 : i32
      %mul3A_139 = arith.muli %scan3A_135, %mul3A_138 : i32
      %dma_start3A = arith.constant 0 : i32
      %dma_start3A_140 = tpu.memref_slice %arg6[%mul3A_139, %dma_start3A] : memref<6400x8xf32, #tpu.memory_space<vmem>> -> memref<128x8xf32, #tpu.memory_space<vmem>>
      %dma_start3A_141 = tpu.memref_slice %arg5[%mul3A_137] : memref<6400xi32, #tpu.memory_space<vmem>> -> memref<128xi32, #tpu.memory_space<vmem>>
      %dma_start3A_142 = arith.constant 0 : i32
      %dma_start3A_143 = arith.constant 0 : i32
      %dma_start3A_144 = tpu.memref_slice %arg2[%dma_start3A_142, %dma_start3A_143] : memref<1000000x8xf32, #tpu.memory_space<hbm>> -> memref<1000000x8xf32, #tpu.memory_space<hbm>>
      tpu.enqueue_indirect_dma source(%dma_start3A_144 : memref<1000000x8xf32, #tpu.memory_space<hbm>>) target(%dma_start3A_140 : memref<128x8xf32, #tpu.memory_space<vmem>>) offsets(%dma_start3A_141 : memref<128xi32, #tpu.memory_space<vmem>>) semaphore(%arg7 : memref<!tpu.dma_semaphore, #tpu.memory_space<semaphore_mem>>)
      %ge3A = arith.constant 16 : i32
      %ge3A_145 = arith.cmpi sge, %scan3A_135, %ge3A : i32
      %convert_element_type3A = arith.extui %ge3A_145 : i1 to i32
      %cond3A = arith.constant 0 : i32
      %cond3A_146 = arith.cmpi ne, %convert_element_type3A, %cond3A : i32
      scf.if %cond3A_146 {
        %sub3A = arith.constant 16 : i32
        %sub3A_147 = arith.subi %scan3A_135, %sub3A : i32
        %mul3A_148 = arith.constant 128 : i32
        %mul3A_149 = arith.muli %sub3A_147, %mul3A_148 : i32
        %mul3A_150 = arith.constant 128 : i32
        %mul3A_151 = arith.muli %sub3A_147, %mul3A_150 : i32
        %dma_wait3A_152 = arith.constant 0 : i32
        %dma_wait3A_153 = tpu.memref_slice %arg6[%mul3A_151, %dma_wait3A_152] : memref<6400x8xf32, #tpu.memory_space<vmem>> -> memref<128x8xf32, #tpu.memory_space<vmem>>
        %dma_wait3A_154 = tpu.memref_slice %arg5[%mul3A_149] : memref<6400xi32, #tpu.memory_space<vmem>> -> memref<128xi32, #tpu.memory_space<vmem>>
        %dma_wait3A_155 = arith.constant 0 : i32
        %dma_wait3A_156 = arith.constant 0 : i32
        %dma_wait3A_157 = tpu.memref_slice %arg2[%dma_wait3A_155, %dma_wait3A_156] : memref<1000000x8xf32, #tpu.memory_space<hbm>> -> memref<1000000x8xf32, #tpu.memory_space<hbm>>
        tpu.wait_indirect_dma semaphore(%arg7 : memref<!tpu.dma_semaphore, #tpu.memory_space<semaphore_mem>>) src(%dma_wait3A_157 : memref<1000000x8xf32, #tpu.memory_space<hbm>>) dst(%dma_wait3A_153 : memref<128x8xf32, #tpu.memory_space<vmem>>)
      } else {
      }
    }
    %scan3A_7 = arith.constant 50 : i32
    %dma_wait3A = arith.constant 4352 : i32
    %dma_wait3A_8 = arith.constant 0 : i32
    %dma_wait3A_9 = tpu.memref_slice %arg6[%dma_wait3A, %dma_wait3A_8] : memref<6400x8xf32, #tpu.memory_space<vmem>> -> memref<128x8xf32, #tpu.memory_space<vmem>>
    %dma_wait3A_10 = arith.constant 4352 : i32
    %dma_wait3A_11 = tpu.memref_slice %arg5[%dma_wait3A_10] : memref<6400xi32, #tpu.memory_space<vmem>> -> memref<128xi32, #tpu.memory_space<vmem>>
    %dma_wait3A_12 = arith.constant 0 : i32
    %dma_wait3A_13 = arith.constant 0 : i32
    %dma_wait3A_14 = tpu.memref_slice %arg2[%dma_wait3A_12, %dma_wait3A_13] : memref<1000000x8xf32, #tpu.memory_space<hbm>> -> memref<1000000x8xf32, #tpu.memory_space<hbm>>
    tpu.wait_indirect_dma semaphore(%arg7 : memref<!tpu.dma_semaphore, #tpu.memory_space<semaphore_mem>>) src(%dma_wait3A_14 : memref<1000000x8xf32, #tpu.memory_space<hbm>>) dst(%dma_wait3A_9 : memref<128x8xf32, #tpu.memory_space<vmem>>)
    %dma_wait3A_15 = arith.constant 4480 : i32
    %dma_wait3A_16 = arith.constant 0 : i32
    %dma_wait3A_17 = tpu.memref_slice %arg6[%dma_wait3A_15, %dma_wait3A_16] : memref<6400x8xf32, #tpu.memory_space<vmem>> -> memref<128x8xf32, #tpu.memory_space<vmem>>
    %dma_wait3A_18 = arith.constant 4480 : i32
    %dma_wait3A_19 = tpu.memref_slice %arg5[%dma_wait3A_18] : memref<6400xi32, #tpu.memory_space<vmem>> -> memref<128xi32, #tpu.memory_space<vmem>>
    %dma_wait3A_20 = arith.constant 0 : i32
    %dma_wait3A_21 = arith.constant 0 : i32
    %dma_wait3A_22 = tpu.memref_slice %arg2[%dma_wait3A_20, %dma_wait3A_21] : memref<1000000x8xf32, #tpu.memory_space<hbm>> -> memref<1000000x8xf32, #tpu.memory_space<hbm>>
    tpu.wait_indirect_dma semaphore(%arg7 : memref<!tpu.dma_semaphore, #tpu.memory_space<semaphore_mem>>) src(%dma_wait3A_22 : memref<1000000x8xf32, #tpu.memory_space<hbm>>) dst(%dma_wait3A_17 : memref<128x8xf32, #tpu.memory_space<vmem>>)
    %dma_wait3A_23 = arith.constant 4608 : i32
    %dma_wait3A_24 = arith.constant 0 : i32
    %dma_wait3A_25 = tpu.memref_slice %arg6[%dma_wait3A_23, %dma_wait3A_24] : memref<6400x8xf32, #tpu.memory_space<vmem>> -> memref<128x8xf32, #tpu.memory_space<vmem>>
    %dma_wait3A_26 = arith.constant 4608 : i32
    %dma_wait3A_27 = tpu.memref_slice %arg5[%dma_wait3A_26] : memref<6400xi32, #tpu.memory_space<vmem>> -> memref<128xi32, #tpu.memory_space<vmem>>
    %dma_wait3A_28 = arith.constant 0 : i32
    %dma_wait3A_29 = arith.constant 0 : i32
    %dma_wait3A_30 = tpu.memref_slice %arg2[%dma_wait3A_28, %dma_wait3A_29] : memref<1000000x8xf32, #tpu.memory_space<hbm>> -> memref<1000000x8xf32, #tpu.memory_space<hbm>>
    tpu.wait_indirect_dma semaphore(%arg7 : memref<!tpu.dma_semaphore, #tpu.memory_space<semaphore_mem>>) src(%dma_wait3A_30 : memref<1000000x8xf32, #tpu.memory_space<hbm>>) dst(%dma_wait3A_25 : memref<128x8xf32, #tpu.memory_space<vmem>>)
    %dma_wait3A_31 = arith.constant 4736 : i32
    %dma_wait3A_32 = arith.constant 0 : i32
    %dma_wait3A_33 = tpu.memref_slice %arg6[%dma_wait3A_31, %dma_wait3A_32] : memref<6400x8xf32, #tpu.memory_space<vmem>> -> memref<128x8xf32, #tpu.memory_space<vmem>>
    %dma_wait3A_34 = arith.constant 4736 : i32
    %dma_wait3A_35 = tpu.memref_slice %arg5[%dma_wait3A_34] : memref<6400xi32, #tpu.memory_space<vmem>> -> memref<128xi32, #tpu.memory_space<vmem>>
    %dma_wait3A_36 = arith.constant 0 : i32
    %dma_wait3A_37 = arith.constant 0 : i32
    %dma_wait3A_38 = tpu.memref_slice %arg2[%dma_wait3A_36, %dma_wait3A_37] : memref<1000000x8xf32, #tpu.memory_space<hbm>> -> memref<1000000x8xf32, #tpu.memory_space<hbm>>
    tpu.wait_indirect_dma semaphore(%arg7 : memref<!tpu.dma_semaphore, #tpu.memory_space<semaphore_mem>>) src(%dma_wait3A_38 : memref<1000000x8xf32, #tpu.memory_space<hbm>>) dst(%dma_wait3A_33 : memref<128x8xf32, #tpu.memory_space<vmem>>)
    %dma_wait3A_39 = arith.constant 4864 : i32
    %dma_wait3A_40 = arith.constant 0 : i32
    %dma_wait3A_41 = tpu.memref_slice %arg6[%dma_wait3A_39, %dma_wait3A_40] : memref<6400x8xf32, #tpu.memory_space<vmem>> -> memref<128x8xf32, #tpu.memory_space<vmem>>
    %dma_wait3A_42 = arith.constant 4864 : i32
    %dma_wait3A_43 = tpu.memref_slice %arg5[%dma_wait3A_42] : memref<6400xi32, #tpu.memory_space<vmem>> -> memref<128xi32, #tpu.memory_space<vmem>>
    %dma_wait3A_44 = arith.constant 0 : i32
    %dma_wait3A_45 = arith.constant 0 : i32
    %dma_wait3A_46 = tpu.memref_slice %arg2[%dma_wait3A_44, %dma_wait3A_45] : memref<1000000x8xf32, #tpu.memory_space<hbm>> -> memref<1000000x8xf32, #tpu.memory_space<hbm>>
    tpu.wait_indirect_dma semaphore(%arg7 : memref<!tpu.dma_semaphore, #tpu.memory_space<semaphore_mem>>) src(%dma_wait3A_46 : memref<1000000x8xf32, #tpu.memory_space<hbm>>) dst(%dma_wait3A_41 : memref<128x8xf32, #tpu.memory_space<vmem>>)
    %dma_wait3A_47 = arith.constant 4992 : i32
    %dma_wait3A_48 = arith.constant 0 : i32
    %dma_wait3A_49 = tpu.memref_slice %arg6[%dma_wait3A_47, %dma_wait3A_48] : memref<6400x8xf32, #tpu.memory_space<vmem>> -> memref<128x8xf32, #tpu.memory_space<vmem>>
    %dma_wait3A_50 = arith.constant 4992 : i32
    %dma_wait3A_51 = tpu.memref_slice %arg5[%dma_wait3A_50] : memref<6400xi32, #tpu.memory_space<vmem>> -> memref<128xi32, #tpu.memory_space<vmem>>
    %dma_wait3A_52 = arith.constant 0 : i32
    %dma_wait3A_53 = arith.constant 0 : i32
    %dma_wait3A_54 = tpu.memref_slice %arg2[%dma_wait3A_52, %dma_wait3A_53] : memref<1000000x8xf32, #tpu.memory_space<hbm>> -> memref<1000000x8xf32, #tpu.memory_space<hbm>>
    tpu.wait_indirect_dma semaphore(%arg7 : memref<!tpu.dma_semaphore, #tpu.memory_space<semaphore_mem>>) src(%dma_wait3A_54 : memref<1000000x8xf32, #tpu.memory_space<hbm>>) dst(%dma_wait3A_49 : memref<128x8xf32, #tpu.memory_space<vmem>>)
    %dma_wait3A_55 = arith.constant 5120 : i32
    %dma_wait3A_56 = arith.constant 0 : i32
    %dma_wait3A_57 = tpu.memref_slice %arg6[%dma_wait3A_55, %dma_wait3A_56] : memref<6400x8xf32, #tpu.memory_space<vmem>> -> memref<128x8xf32, #tpu.memory_space<vmem>>
    %dma_wait3A_58 = arith.constant 5120 : i32
    %dma_wait3A_59 = tpu.memref_slice %arg5[%dma_wait3A_58] : memref<6400xi32, #tpu.memory_space<vmem>> -> memref<128xi32, #tpu.memory_space<vmem>>
    %dma_wait3A_60 = arith.constant 0 : i32
    %dma_wait3A_61 = arith.constant 0 : i32
    %dma_wait3A_62 = tpu.memref_slice %arg2[%dma_wait3A_60, %dma_wait3A_61] : memref<1000000x8xf32, #tpu.memory_space<hbm>> -> memref<1000000x8xf32, #tpu.memory_space<hbm>>
    tpu.wait_indirect_dma semaphore(%arg7 : memref<!tpu.dma_semaphore, #tpu.memory_space<semaphore_mem>>) src(%dma_wait3A_62 : memref<1000000x8xf32, #tpu.memory_space<hbm>>) dst(%dma_wait3A_57 : memref<128x8xf32, #tpu.memory_space<vmem>>)
    %dma_wait3A_63 = arith.constant 5248 : i32
    %dma_wait3A_64 = arith.constant 0 : i32
    %dma_wait3A_65 = tpu.memref_slice %arg6[%dma_wait3A_63, %dma_wait3A_64] : memref<6400x8xf32, #tpu.memory_space<vmem>> -> memref<128x8xf32, #tpu.memory_space<vmem>>
    %dma_wait3A_66 = arith.constant 5248 : i32
    %dma_wait3A_67 = tpu.memref_slice %arg5[%dma_wait3A_66] : memref<6400xi32, #tpu.memory_space<vmem>> -> memref<128xi32, #tpu.memory_space<vmem>>
    %dma_wait3A_68 = arith.constant 0 : i32
    %dma_wait3A_69 = arith.constant 0 : i32
    %dma_wait3A_70 = tpu.memref_slice %arg2[%dma_wait3A_68, %dma_wait3A_69] : memref<1000000x8xf32, #tpu.memory_space<hbm>> -> memref<1000000x8xf32, #tpu.memory_space<hbm>>
    tpu.wait_indirect_dma semaphore(%arg7 : memref<!tpu.dma_semaphore, #tpu.memory_space<semaphore_mem>>) src(%dma_wait3A_70 : memref<1000000x8xf32, #tpu.memory_space<hbm>>) dst(%dma_wait3A_65 : memref<128x8xf32, #tpu.memory_space<vmem>>)
    %dma_wait3A_71 = arith.constant 5376 : i32
    %dma_wait3A_72 = arith.constant 0 : i32
    %dma_wait3A_73 = tpu.memref_slice %arg6[%dma_wait3A_71, %dma_wait3A_72] : memref<6400x8xf32, #tpu.memory_space<vmem>> -> memref<128x8xf32, #tpu.memory_space<vmem>>
    %dma_wait3A_74 = arith.constant 5376 : i32
    %dma_wait3A_75 = tpu.memref_slice %arg5[%dma_wait3A_74] : memref<6400xi32, #tpu.memory_space<vmem>> -> memref<128xi32, #tpu.memory_space<vmem>>
    %dma_wait3A_76 = arith.constant 0 : i32
    %dma_wait3A_77 = arith.constant 0 : i32
    %dma_wait3A_78 = tpu.memref_slice %arg2[%dma_wait3A_76, %dma_wait3A_77] : memref<1000000x8xf32, #tpu.memory_space<hbm>> -> memref<1000000x8xf32, #tpu.memory_space<hbm>>
    tpu.wait_indirect_dma semaphore(%arg7 : memref<!tpu.dma_semaphore, #tpu.memory_space<semaphore_mem>>) src(%dma_wait3A_78 : memref<1000000x8xf32, #tpu.memory_space<hbm>>) dst(%dma_wait3A_73 : memref<128x8xf32, #tpu.memory_space<vmem>>)
    %dma_wait3A_79 = arith.constant 5504 : i32
    %dma_wait3A_80 = arith.constant 0 : i32
    %dma_wait3A_81 = tpu.memref_slice %arg6[%dma_wait3A_79, %dma_wait3A_80] : memref<6400x8xf32, #tpu.memory_space<vmem>> -> memref<128x8xf32, #tpu.memory_space<vmem>>
    %dma_wait3A_82 = arith.constant 5504 : i32
    %dma_wait3A_83 = tpu.memref_slice %arg5[%dma_wait3A_82] : memref<6400xi32, #tpu.memory_space<vmem>> -> memref<128xi32, #tpu.memory_space<vmem>>
    %dma_wait3A_84 = arith.constant 0 : i32
    %dma_wait3A_85 = arith.constant 0 : i32
    %dma_wait3A_86 = tpu.memref_slice %arg2[%dma_wait3A_84, %dma_wait3A_85] : memref<1000000x8xf32, #tpu.memory_space<hbm>> -> memref<1000000x8xf32, #tpu.memory_space<hbm>>
    tpu.wait_indirect_dma semaphore(%arg7 : memref<!tpu.dma_semaphore, #tpu.memory_space<semaphore_mem>>) src(%dma_wait3A_86 : memref<1000000x8xf32, #tpu.memory_space<hbm>>) dst(%dma_wait3A_81 : memref<128x8xf32, #tpu.memory_space<vmem>>)
    %dma_wait3A_87 = arith.constant 5632 : i32
    %dma_wait3A_88 = arith.constant 0 : i32
    %dma_wait3A_89 = tpu.memref_slice %arg6[%dma_wait3A_87, %dma_wait3A_88] : memref<6400x8xf32, #tpu.memory_space<vmem>> -> memref<128x8xf32, #tpu.memory_space<vmem>>
    %dma_wait3A_90 = arith.constant 5632 : i32
    %dma_wait3A_91 = tpu.memref_slice %arg5[%dma_wait3A_90] : memref<6400xi32, #tpu.memory_space<vmem>> -> memref<128xi32, #tpu.memory_space<vmem>>
    %dma_wait3A_92 = arith.constant 0 : i32
    %dma_wait3A_93 = arith.constant 0 : i32
    %dma_wait3A_94 = tpu.memref_slice %arg2[%dma_wait3A_92, %dma_wait3A_93] : memref<1000000x8xf32, #tpu.memory_space<hbm>> -> memref<1000000x8xf32, #tpu.memory_space<hbm>>
    tpu.wait_indirect_dma semaphore(%arg7 : memref<!tpu.dma_semaphore, #tpu.memory_space<semaphore_mem>>) src(%dma_wait3A_94 : memref<1000000x8xf32, #tpu.memory_space<hbm>>) dst(%dma_wait3A_89 : memref<128x8xf32, #tpu.memory_space<vmem>>)
    %dma_wait3A_95 = arith.constant 5760 : i32
    %dma_wait3A_96 = arith.constant 0 : i32
    %dma_wait3A_97 = tpu.memref_slice %arg6[%dma_wait3A_95, %dma_wait3A_96] : memref<6400x8xf32, #tpu.memory_space<vmem>> -> memref<128x8xf32, #tpu.memory_space<vmem>>
    %dma_wait3A_98 = arith.constant 5760 : i32
    %dma_wait3A_99 = tpu.memref_slice %arg5[%dma_wait3A_98] : memref<6400xi32, #tpu.memory_space<vmem>> -> memref<128xi32, #tpu.memory_space<vmem>>
    %dma_wait3A_100 = arith.constant 0 : i32
    %dma_wait3A_101 = arith.constant 0 : i32
    %dma_wait3A_102 = tpu.memref_slice %arg2[%dma_wait3A_100, %dma_wait3A_101] : memref<1000000x8xf32, #tpu.memory_space<hbm>> -> memref<1000000x8xf32, #tpu.memory_space<hbm>>
    tpu.wait_indirect_dma semaphore(%arg7 : memref<!tpu.dma_semaphore, #tpu.memory_space<semaphore_mem>>) src(%dma_wait3A_102 : memref<1000000x8xf32, #tpu.memory_space<hbm>>) dst(%dma_wait3A_97 : memref<128x8xf32, #tpu.memory_space<vmem>>)
    %dma_wait3A_103 = arith.constant 5888 : i32
    %dma_wait3A_104 = arith.constant 0 : i32
    %dma_wait3A_105 = tpu.memref_slice %arg6[%dma_wait3A_103, %dma_wait3A_104] : memref<6400x8xf32, #tpu.memory_space<vmem>> -> memref<128x8xf32, #tpu.memory_space<vmem>>
    %dma_wait3A_106 = arith.constant 5888 : i32
    %dma_wait3A_107 = tpu.memref_slice %arg5[%dma_wait3A_106] : memref<6400xi32, #tpu.memory_space<vmem>> -> memref<128xi32, #tpu.memory_space<vmem>>
    %dma_wait3A_108 = arith.constant 0 : i32
    %dma_wait3A_109 = arith.constant 0 : i32
    %dma_wait3A_110 = tpu.memref_slice %arg2[%dma_wait3A_108, %dma_wait3A_109] : memref<1000000x8xf32, #tpu.memory_space<hbm>> -> memref<1000000x8xf32, #tpu.memory_space<hbm>>
    tpu.wait_indirect_dma semaphore(%arg7 : memref<!tpu.dma_semaphore, #tpu.memory_space<semaphore_mem>>) src(%dma_wait3A_110 : memref<1000000x8xf32, #tpu.memory_space<hbm>>) dst(%dma_wait3A_105 : memref<128x8xf32, #tpu.memory_space<vmem>>)
    %dma_wait3A_111 = arith.constant 6016 : i32
    %dma_wait3A_112 = arith.constant 0 : i32
    %dma_wait3A_113 = tpu.memref_slice %arg6[%dma_wait3A_111, %dma_wait3A_112] : memref<6400x8xf32, #tpu.memory_space<vmem>> -> memref<128x8xf32, #tpu.memory_space<vmem>>
    %dma_wait3A_114 = arith.constant 6016 : i32
    %dma_wait3A_115 = tpu.memref_slice %arg5[%dma_wait3A_114] : memref<6400xi32, #tpu.memory_space<vmem>> -> memref<128xi32, #tpu.memory_space<vmem>>
    %dma_wait3A_116 = arith.constant 0 : i32
    %dma_wait3A_117 = arith.constant 0 : i32
    %dma_wait3A_118 = tpu.memref_slice %arg2[%dma_wait3A_116, %dma_wait3A_117] : memref<1000000x8xf32, #tpu.memory_space<hbm>> -> memref<1000000x8xf32, #tpu.memory_space<hbm>>
    tpu.wait_indirect_dma semaphore(%arg7 : memref<!tpu.dma_semaphore, #tpu.memory_space<semaphore_mem>>) src(%dma_wait3A_118 : memref<1000000x8xf32, #tpu.memory_space<hbm>>) dst(%dma_wait3A_113 : memref<128x8xf32, #tpu.memory_space<vmem>>)
    %dma_wait3A_119 = arith.constant 6144 : i32
    %dma_wait3A_120 = arith.constant 0 : i32
    %dma_wait3A_121 = tpu.memref_slice %arg6[%dma_wait3A_119, %dma_wait3A_120] : memref<6400x8xf32, #tpu.memory_space<vmem>> -> memref<128x8xf32, #tpu.memory_space<vmem>>
    %dma_wait3A_122 = arith.constant 6144 : i32
    %dma_wait3A_123 = tpu.memref_slice %arg5[%dma_wait3A_122] : memref<6400xi32, #tpu.memory_space<vmem>> -> memref<128xi32, #tpu.memory_space<vmem>>
    %dma_wait3A_124 = arith.constant 0 : i32
    %dma_wait3A_125 = arith.constant 0 : i32
    %dma_wait3A_126 = tpu.memref_slice %arg2[%dma_wait3A_124, %dma_wait3A_125] : memref<1000000x8xf32, #tpu.memory_space<hbm>> -> memref<1000000x8xf32, #tpu.memory_space<hbm>>
    tpu.wait_indirect_dma semaphore(%arg7 : memref<!tpu.dma_semaphore, #tpu.memory_space<semaphore_mem>>) src(%dma_wait3A_126 : memref<1000000x8xf32, #tpu.memory_space<hbm>>) dst(%dma_wait3A_121 : memref<128x8xf32, #tpu.memory_space<vmem>>)
    %dma_wait3A_127 = arith.constant 6272 : i32
    %dma_wait3A_128 = arith.constant 0 : i32
    %dma_wait3A_129 = tpu.memref_slice %arg6[%dma_wait3A_127, %dma_wait3A_128] : memref<6400x8xf32, #tpu.memory_space<vmem>> -> memref<128x8xf32, #tpu.memory_space<vmem>>
    %dma_wait3A_130 = arith.constant 6272 : i32
    %dma_wait3A_131 = tpu.memref_slice %arg5[%dma_wait3A_130] : memref<6400xi32, #tpu.memory_space<vmem>> -> memref<128xi32, #tpu.memory_space<vmem>>
    %dma_wait3A_132 = arith.constant 0 : i32
    %dma_wait3A_133 = arith.constant 0 : i32
    %dma_wait3A_134 = tpu.memref_slice %arg2[%dma_wait3A_132, %dma_wait3A_133] : memref<1000000x8xf32, #tpu.memory_space<hbm>> -> memref<1000000x8xf32, #tpu.memory_space<hbm>>
    tpu.wait_indirect_dma semaphore(%arg7 : memref<!tpu.dma_semaphore, #tpu.memory_space<semaphore_mem>>) src(%dma_wait3A_134 : memref<1000000x8xf32, #tpu.memory_space<hbm>>) dst(%dma_wait3A_129 : memref<128x8xf32, #tpu.memory_space<vmem>>)
    "tpu.region"() ({
      %run_scoped3A = tpu.sem_alloc : memref<!tpu.dma_semaphore, #tpu.memory_space<semaphore_mem>>
      %dma_start3A = arith.constant 0 : i32
      %dma_start3A_135 = arith.constant 0 : i32
      %dma_start3A_136 = tpu.memref_slice %arg4[%add3A, %dma_start3A, %dma_start3A_135] : memref<32x6400x8xf32, #tpu.memory_space<hbm>> -> memref<1x6400x8xf32, #tpu.memory_space<hbm>>
      %dma_start3A_137 = tpu.memref_squeeze %dma_start3A_136 : memref<1x6400x8xf32, #tpu.memory_space<hbm>> -> memref<6400x8xf32, #tpu.memory_space<hbm>>
      %dma_start3A_138 = arith.constant 0 : i32
      %dma_start3A_139 = arith.constant 0 : i32
      %dma_start3A_140 = tpu.memref_slice %arg4[%add3A, %dma_start3A_138, %dma_start3A_139] : memref<32x6400x8xf32, #tpu.memory_space<hbm>> -> memref<1x6400x8xf32, #tpu.memory_space<hbm>>
      %dma_start3A_141 = tpu.memref_squeeze %dma_start3A_140 : memref<1x6400x8xf32, #tpu.memory_space<hbm>> -> memref<6400x8xf32, #tpu.memory_space<hbm>>
      tpu.enqueue_dma source(%arg6 : memref<6400x8xf32, #tpu.memory_space<vmem>>) target(%dma_start3A_141 : memref<6400x8xf32, #tpu.memory_space<hbm>>) target_semaphore(%run_scoped3A : memref<!tpu.dma_semaphore, #tpu.memory_space<semaphore_mem>>)
      %dma_wait3A_142 = arith.constant 0 : i32
      %dma_wait3A_143 = arith.constant 0 : i32
      %dma_wait3A_144 = tpu.memref_slice %arg4[%add3A, %dma_wait3A_142, %dma_wait3A_143] : memref<32x6400x8xf32, #tpu.memory_space<hbm>> -> memref<1x6400x8xf32, #tpu.memory_space<hbm>>
      %dma_wait3A_145 = tpu.memref_squeeze %dma_wait3A_144 : memref<1x6400x8xf32, #tpu.memory_space<hbm>> -> memref<6400x8xf32, #tpu.memory_space<hbm>>
      %dma_wait3A_146 = arith.constant 0 : i32
      %dma_wait3A_147 = arith.constant 0 : i32
      %dma_wait3A_148 = tpu.memref_slice %arg4[%add3A, %dma_wait3A_146, %dma_wait3A_147] : memref<32x6400x8xf32, #tpu.memory_space<hbm>> -> memref<1x6400x8xf32, #tpu.memory_space<hbm>>
      %dma_wait3A_149 = tpu.memref_squeeze %dma_wait3A_148 : memref<1x6400x8xf32, #tpu.memory_space<hbm>> -> memref<6400x8xf32, #tpu.memory_space<hbm>>
      tpu.wait_dma2 semaphore(%run_scoped3A : memref<!tpu.dma_semaphore, #tpu.memory_space<semaphore_mem>>) src(%arg6 : memref<6400x8xf32, #tpu.memory_space<vmem>>) dst(%dma_wait3A_149 : memref<6400x8xf32, #tpu.memory_space<hbm>>)
      tpu.yield
    }) : () -> ()
    return
  }
}

#map = affine_map<(d0, d1) -> (0, 0)>
#map1 = affine_map<(d0, d1) -> (0)>
module attributes {stable_mosaic.version = 14 : i64} {
  func.func @transpose(%arg0: i32, %arg1: i32, %arg2: memref<4x1000000xf32, #tpu.memory_space<hbm>>, %arg3: memref<8000000xf32, #tpu.memory_space<hbm>>, %arg4: memref<2x4x4000xf32, #tpu.memory_space<vmem>>, %arg5: memref<2x32000xf32, #tpu.memory_space<vmem>>, %arg6: memref<!tpu.dma_semaphore, #tpu.memory_space<semaphore_mem>>, %arg7: memref<!tpu.dma_semaphore, #tpu.memory_space<semaphore_mem>>, %arg8: memref<!tpu.dma_semaphore, #tpu.memory_space<semaphore_mem>>, %arg9: memref<!tpu.dma_semaphore, #tpu.memory_space<semaphore_mem>>) attributes {dimension_semantics = [#tpu.dimension_semantics<core_parallel>, #tpu.dimension_semantics<subcore_parallel>], iteration_bounds = array<i64: 2, 16>, scalar_prefetch = 0 : i64, scratch_operands = 6 : i64, tpu.core_type = #tpu.core_type<sc_vector_subcore>, window_params = [{transform_indices = #map}, {transform_indices = #map1}]} {
    %mul3A = arith.constant 2 : i32
    %mul3A_0 = arith.muli %arg1, %mul3A : i32
    %add3A = arith.addi %mul3A_0, %arg0 : i32
    %iota3A = tpu.iota {dimensions = array<i32: 0>} : vector<16xi32>
    %mul3A_1 = arith.constant 8 : i32
    %mul3A_2 = vector.broadcast %mul3A_1 : i32 to vector<16xi32>
    %mul3A_3 = arith.muli %iota3A, %mul3A_2 : vector<16xi32>
    %broadcast_in_dim3A = arith.constant 0.000000e+00 : f32
    %broadcast_in_dim3A_4 = vector.broadcast %broadcast_in_dim3A : f32 to vector<16xf32>
    %scan3A = arith.constant 0 : i32
    %scan3A_5 = arith.constant 0 : i32
    %scan3A_6 = arith.constant 2000 : i32
    %scan3A_7 = arith.addi %scan3A_5, %scan3A_6 : i32
    %scan3A_8 = arith.constant 1 : i32
    scf.for %scan3A_147 = %scan3A_5 to %scan3A_7 step %scan3A_8  : i32 {
      %mul3A_148 = arith.constant 16 : i32
      %mul3A_149 = arith.muli %scan3A_147, %mul3A_148 : i32
      %swap3A = arith.constant 0 : i32
      %swap3A_150 = arith.index_cast %swap3A : i32 to index
      %swap3A_151 = arith.index_cast %mul3A_149 : i32 to index
      %swap3A_152 = tpu.vector_load %arg5[%swap3A_150, %swap3A_151] {strides = array<i32>} : memref<2x32000xf32, #tpu.memory_space<vmem>>, vector<16xf32>,
      tpu.vector_store %arg5[%swap3A_150, %swap3A_151], %broadcast_in_dim3A_4 {strides = array<i32>} : memref<2x32000xf32, #tpu.memory_space<vmem>>, vector<16xf32>,
      %mul3A_153 = arith.constant 16 : i32
      %mul3A_154 = arith.muli %scan3A_147, %mul3A_153 : i32
      %swap3A_155 = arith.constant 1 : i32
      %swap3A_156 = arith.index_cast %swap3A_155 : i32 to index
      %swap3A_157 = arith.index_cast %mul3A_154 : i32 to index
      %swap3A_158 = tpu.vector_load %arg5[%swap3A_156, %swap3A_157] {strides = array<i32>} : memref<2x32000xf32, #tpu.memory_space<vmem>>, vector<16xf32>,
      tpu.vector_store %arg5[%swap3A_156, %swap3A_157], %broadcast_in_dim3A_4 {strides = array<i32>} : memref<2x32000xf32, #tpu.memory_space<vmem>>, vector<16xf32>,
    }
    %scan3A_9 = arith.constant 2000 : i32
    %add3A_10 = arith.constant 0 : i32
    %add3A_11 = arith.addi %add3A, %add3A_10 : i32
    %lt3A = arith.constant 250 : i32
    %lt3A_12 = arith.cmpi slt, %add3A_11, %lt3A : i32
    %convert_element_type3A = arith.extui %lt3A_12 : i1 to i32
    %cond3A = arith.constant 0 : i32
    %cond3A_13 = arith.cmpi ne, %convert_element_type3A, %cond3A : i32
    scf.if %cond3A_13 {
      %mul3A_147 = arith.constant 4000 : i32
      %mul3A_148 = arith.muli %add3A_11, %mul3A_147 : i32
      %dma_start3A = arith.constant 0 : i32
      %dma_start3A_149 = arith.constant 0 : i32
      %dma_start3A_150 = arith.constant 0 : i32
      %dma_start3A_151 = arith.constant 0 : i32
      %dma_start3A_152 = tpu.memref_slice %arg4[%dma_start3A_149, %dma_start3A_150, %dma_start3A_151] : memref<2x4x4000xf32, #tpu.memory_space<vmem>> -> memref<1x1x4000xf32, #tpu.memory_space<vmem>>
      %dma_start3A_153 = tpu.memref_squeeze %dma_start3A_152 : memref<1x1x4000xf32, #tpu.memory_space<vmem>> -> memref<4000xf32, #tpu.memory_space<vmem>>
      %dma_start3A_154 = tpu.memref_slice %arg2[%dma_start3A, %mul3A_148] : memref<4x1000000xf32, #tpu.memory_space<hbm>> -> memref<1x4000xf32, #tpu.memory_space<hbm>>
      %dma_start3A_155 = tpu.memref_squeeze %dma_start3A_154 : memref<1x4000xf32, #tpu.memory_space<hbm>> -> memref<4000xf32, #tpu.memory_space<hbm>>
      %dma_start3A_156 = arith.constant 0 : i32
      %dma_start3A_157 = tpu.memref_slice %arg4[%dma_start3A_149, %dma_start3A_150, %dma_start3A_156] : memref<2x4x4000xf32, #tpu.memory_space<vmem>> -> memref<1x1x4000xf32, #tpu.memory_space<vmem>>
      %dma_start3A_158 = tpu.memref_squeeze %dma_start3A_157 : memref<1x1x4000xf32, #tpu.memory_space<vmem>> -> memref<4000xf32, #tpu.memory_space<vmem>>
      %dma_start3A_159 = tpu.memref_slice %arg2[%dma_start3A, %mul3A_148] : memref<4x1000000xf32, #tpu.memory_space<hbm>> -> memref<1x4000xf32, #tpu.memory_space<hbm>>
      %dma_start3A_160 = tpu.memref_squeeze %dma_start3A_159 : memref<1x4000xf32, #tpu.memory_space<hbm>> -> memref<4000xf32, #tpu.memory_space<hbm>>
      tpu.enqueue_dma source(%dma_start3A_160 : memref<4000xf32, #tpu.memory_space<hbm>>) target(%dma_start3A_158 : memref<4000xf32, #tpu.memory_space<vmem>>) target_semaphore(%arg6 : memref<!tpu.dma_semaphore, #tpu.memory_space<semaphore_mem>>)
      %mul3A_161 = arith.constant 4000 : i32
      %mul3A_162 = arith.muli %add3A_11, %mul3A_161 : i32
      %dma_start3A_163 = arith.constant 1 : i32
      %dma_start3A_164 = arith.constant 0 : i32
      %dma_start3A_165 = arith.constant 1 : i32
      %dma_start3A_166 = arith.constant 0 : i32
      %dma_start3A_167 = tpu.memref_slice %arg4[%dma_start3A_164, %dma_start3A_165, %dma_start3A_166] : memref<2x4x4000xf32, #tpu.memory_space<vmem>> -> memref<1x1x4000xf32, #tpu.memory_space<vmem>>
      %dma_start3A_168 = tpu.memref_squeeze %dma_start3A_167 : memref<1x1x4000xf32, #tpu.memory_space<vmem>> -> memref<4000xf32, #tpu.memory_space<vmem>>
      %dma_start3A_169 = tpu.memref_slice %arg2[%dma_start3A_163, %mul3A_162] : memref<4x1000000xf32, #tpu.memory_space<hbm>> -> memref<1x4000xf32, #tpu.memory_space<hbm>>
      %dma_start3A_170 = tpu.memref_squeeze %dma_start3A_169 : memref<1x4000xf32, #tpu.memory_space<hbm>> -> memref<4000xf32, #tpu.memory_space<hbm>>
      %dma_start3A_171 = arith.constant 0 : i32
      %dma_start3A_172 = tpu.memref_slice %arg4[%dma_start3A_164, %dma_start3A_165, %dma_start3A_171] : memref<2x4x4000xf32, #tpu.memory_space<vmem>> -> memref<1x1x4000xf32, #tpu.memory_space<vmem>>
      %dma_start3A_173 = tpu.memref_squeeze %dma_start3A_172 : memref<1x1x4000xf32, #tpu.memory_space<vmem>> -> memref<4000xf32, #tpu.memory_space<vmem>>
      %dma_start3A_174 = tpu.memref_slice %arg2[%dma_start3A_163, %mul3A_162] : memref<4x1000000xf32, #tpu.memory_space<hbm>> -> memref<1x4000xf32, #tpu.memory_space<hbm>>
      %dma_start3A_175 = tpu.memref_squeeze %dma_start3A_174 : memref<1x4000xf32, #tpu.memory_space<hbm>> -> memref<4000xf32, #tpu.memory_space<hbm>>
      tpu.enqueue_dma source(%dma_start3A_175 : memref<4000xf32, #tpu.memory_space<hbm>>) target(%dma_start3A_173 : memref<4000xf32, #tpu.memory_space<vmem>>) target_semaphore(%arg6 : memref<!tpu.dma_semaphore, #tpu.memory_space<semaphore_mem>>)
      %mul3A_176 = arith.constant 4000 : i32
      %mul3A_177 = arith.muli %add3A_11, %mul3A_176 : i32
      %dma_start3A_178 = arith.constant 2 : i32
      %dma_start3A_179 = arith.constant 0 : i32
      %dma_start3A_180 = arith.constant 2 : i32
      %dma_start3A_181 = arith.constant 0 : i32
      %dma_start3A_182 = tpu.memref_slice %arg4[%dma_start3A_179, %dma_start3A_180, %dma_start3A_181] : memref<2x4x4000xf32, #tpu.memory_space<vmem>> -> memref<1x1x4000xf32, #tpu.memory_space<vmem>>
      %dma_start3A_183 = tpu.memref_squeeze %dma_start3A_182 : memref<1x1x4000xf32, #tpu.memory_space<vmem>> -> memref<4000xf32, #tpu.memory_space<vmem>>
      %dma_start3A_184 = tpu.memref_slice %arg2[%dma_start3A_178, %mul3A_177] : memref<4x1000000xf32, #tpu.memory_space<hbm>> -> memref<1x4000xf32, #tpu.memory_space<hbm>>
      %dma_start3A_185 = tpu.memref_squeeze %dma_start3A_184 : memref<1x4000xf32, #tpu.memory_space<hbm>> -> memref<4000xf32, #tpu.memory_space<hbm>>
      %dma_start3A_186 = arith.constant 0 : i32
      %dma_start3A_187 = tpu.memref_slice %arg4[%dma_start3A_179, %dma_start3A_180, %dma_start3A_186] : memref<2x4x4000xf32, #tpu.memory_space<vmem>> -> memref<1x1x4000xf32, #tpu.memory_space<vmem>>
      %dma_start3A_188 = tpu.memref_squeeze %dma_start3A_187 : memref<1x1x4000xf32, #tpu.memory_space<vmem>> -> memref<4000xf32, #tpu.memory_space<vmem>>
      %dma_start3A_189 = tpu.memref_slice %arg2[%dma_start3A_178, %mul3A_177] : memref<4x1000000xf32, #tpu.memory_space<hbm>> -> memref<1x4000xf32, #tpu.memory_space<hbm>>
      %dma_start3A_190 = tpu.memref_squeeze %dma_start3A_189 : memref<1x4000xf32, #tpu.memory_space<hbm>> -> memref<4000xf32, #tpu.memory_space<hbm>>
      tpu.enqueue_dma source(%dma_start3A_190 : memref<4000xf32, #tpu.memory_space<hbm>>) target(%dma_start3A_188 : memref<4000xf32, #tpu.memory_space<vmem>>) target_semaphore(%arg6 : memref<!tpu.dma_semaphore, #tpu.memory_space<semaphore_mem>>)
      %mul3A_191 = arith.constant 4000 : i32
      %mul3A_192 = arith.muli %add3A_11, %mul3A_191 : i32
      %dma_start3A_193 = arith.constant 3 : i32
      %dma_start3A_194 = arith.constant 0 : i32
      %dma_start3A_195 = arith.constant 3 : i32
      %dma_start3A_196 = arith.constant 0 : i32
      %dma_start3A_197 = tpu.memref_slice %arg4[%dma_start3A_194, %dma_start3A_195, %dma_start3A_196] : memref<2x4x4000xf32, #tpu.memory_space<vmem>> -> memref<1x1x4000xf32, #tpu.memory_space<vmem>>
      %dma_start3A_198 = tpu.memref_squeeze %dma_start3A_197 : memref<1x1x4000xf32, #tpu.memory_space<vmem>> -> memref<4000xf32, #tpu.memory_space<vmem>>
      %dma_start3A_199 = tpu.memref_slice %arg2[%dma_start3A_193, %mul3A_192] : memref<4x1000000xf32, #tpu.memory_space<hbm>> -> memref<1x4000xf32, #tpu.memory_space<hbm>>
      %dma_start3A_200 = tpu.memref_squeeze %dma_start3A_199 : memref<1x4000xf32, #tpu.memory_space<hbm>> -> memref<4000xf32, #tpu.memory_space<hbm>>
      %dma_start3A_201 = arith.constant 0 : i32
      %dma_start3A_202 = tpu.memref_slice %arg4[%dma_start3A_194, %dma_start3A_195, %dma_start3A_201] : memref<2x4x4000xf32, #tpu.memory_space<vmem>> -> memref<1x1x4000xf32, #tpu.memory_space<vmem>>
      %dma_start3A_203 = tpu.memref_squeeze %dma_start3A_202 : memref<1x1x4000xf32, #tpu.memory_space<vmem>> -> memref<4000xf32, #tpu.memory_space<vmem>>
      %dma_start3A_204 = tpu.memref_slice %arg2[%dma_start3A_193, %mul3A_192] : memref<4x1000000xf32, #tpu.memory_space<hbm>> -> memref<1x4000xf32, #tpu.memory_space<hbm>>
      %dma_start3A_205 = tpu.memref_squeeze %dma_start3A_204 : memref<1x4000xf32, #tpu.memory_space<hbm>> -> memref<4000xf32, #tpu.memory_space<hbm>>
      tpu.enqueue_dma source(%dma_start3A_205 : memref<4000xf32, #tpu.memory_space<hbm>>) target(%dma_start3A_203 : memref<4000xf32, #tpu.memory_space<vmem>>) target_semaphore(%arg6 : memref<!tpu.dma_semaphore, #tpu.memory_space<semaphore_mem>>)
    } else {
    }
    %add3A_14 = arith.constant 0 : i32
    %add3A_15 = arith.addi %add3A, %add3A_14 : i32
    %add3A_16 = arith.constant 32 : i32
    %add3A_17 = arith.addi %add3A, %add3A_16 : i32
    %lt3A_18 = arith.constant 250 : i32
    %lt3A_19 = arith.cmpi slt, %add3A_17, %lt3A_18 : i32
    %convert_element_type3A_20 = arith.extui %lt3A_19 : i1 to i32
    %cond3A_21 = arith.constant 0 : i32
    %cond3A_22 = arith.cmpi ne, %convert_element_type3A_20, %cond3A_21 : i32
    scf.if %cond3A_22 {
      %mul3A_147 = arith.constant 4000 : i32
      %mul3A_148 = arith.muli %add3A_17, %mul3A_147 : i32
      %dma_start3A = arith.constant 0 : i32
      %dma_start3A_149 = arith.constant 1 : i32
      %dma_start3A_150 = arith.constant 0 : i32
      %dma_start3A_151 = arith.constant 0 : i32
      %dma_start3A_152 = tpu.memref_slice %arg4[%dma_start3A_149, %dma_start3A_150, %dma_start3A_151] : memref<2x4x4000xf32, #tpu.memory_space<vmem>> -> memref<1x1x4000xf32, #tpu.memory_space<vmem>>
      %dma_start3A_153 = tpu.memref_squeeze %dma_start3A_152 : memref<1x1x4000xf32, #tpu.memory_space<vmem>> -> memref<4000xf32, #tpu.memory_space<vmem>>
      %dma_start3A_154 = tpu.memref_slice %arg2[%dma_start3A, %mul3A_148] : memref<4x1000000xf32, #tpu.memory_space<hbm>> -> memref<1x4000xf32, #tpu.memory_space<hbm>>
      %dma_start3A_155 = tpu.memref_squeeze %dma_start3A_154 : memref<1x4000xf32, #tpu.memory_space<hbm>> -> memref<4000xf32, #tpu.memory_space<hbm>>
      %dma_start3A_156 = arith.constant 0 : i32
      %dma_start3A_157 = tpu.memref_slice %arg4[%dma_start3A_149, %dma_start3A_150, %dma_start3A_156] : memref<2x4x4000xf32, #tpu.memory_space<vmem>> -> memref<1x1x4000xf32, #tpu.memory_space<vmem>>
      %dma_start3A_158 = tpu.memref_squeeze %dma_start3A_157 : memref<1x1x4000xf32, #tpu.memory_space<vmem>> -> memref<4000xf32, #tpu.memory_space<vmem>>
      %dma_start3A_159 = tpu.memref_slice %arg2[%dma_start3A, %mul3A_148] : memref<4x1000000xf32, #tpu.memory_space<hbm>> -> memref<1x4000xf32, #tpu.memory_space<hbm>>
      %dma_start3A_160 = tpu.memref_squeeze %dma_start3A_159 : memref<1x4000xf32, #tpu.memory_space<hbm>> -> memref<4000xf32, #tpu.memory_space<hbm>>
      tpu.enqueue_dma source(%dma_start3A_160 : memref<4000xf32, #tpu.memory_space<hbm>>) target(%dma_start3A_158 : memref<4000xf32, #tpu.memory_space<vmem>>) target_semaphore(%arg7 : memref<!tpu.dma_semaphore, #tpu.memory_space<semaphore_mem>>)
      %mul3A_161 = arith.constant 4000 : i32
      %mul3A_162 = arith.muli %add3A_17, %mul3A_161 : i32
      %dma_start3A_163 = arith.constant 1 : i32
      %dma_start3A_164 = arith.constant 1 : i32
      %dma_start3A_165 = arith.constant 1 : i32
      %dma_start3A_166 = arith.constant 0 : i32
      %dma_start3A_167 = tpu.memref_slice %arg4[%dma_start3A_164, %dma_start3A_165, %dma_start3A_166] : memref<2x4x4000xf32, #tpu.memory_space<vmem>> -> memref<1x1x4000xf32, #tpu.memory_space<vmem>>
      %dma_start3A_168 = tpu.memref_squeeze %dma_start3A_167 : memref<1x1x4000xf32, #tpu.memory_space<vmem>> -> memref<4000xf32, #tpu.memory_space<vmem>>
      %dma_start3A_169 = tpu.memref_slice %arg2[%dma_start3A_163, %mul3A_162] : memref<4x1000000xf32, #tpu.memory_space<hbm>> -> memref<1x4000xf32, #tpu.memory_space<hbm>>
      %dma_start3A_170 = tpu.memref_squeeze %dma_start3A_169 : memref<1x4000xf32, #tpu.memory_space<hbm>> -> memref<4000xf32, #tpu.memory_space<hbm>>
      %dma_start3A_171 = arith.constant 0 : i32
      %dma_start3A_172 = tpu.memref_slice %arg4[%dma_start3A_164, %dma_start3A_165, %dma_start3A_171] : memref<2x4x4000xf32, #tpu.memory_space<vmem>> -> memref<1x1x4000xf32, #tpu.memory_space<vmem>>
      %dma_start3A_173 = tpu.memref_squeeze %dma_start3A_172 : memref<1x1x4000xf32, #tpu.memory_space<vmem>> -> memref<4000xf32, #tpu.memory_space<vmem>>
      %dma_start3A_174 = tpu.memref_slice %arg2[%dma_start3A_163, %mul3A_162] : memref<4x1000000xf32, #tpu.memory_space<hbm>> -> memref<1x4000xf32, #tpu.memory_space<hbm>>
      %dma_start3A_175 = tpu.memref_squeeze %dma_start3A_174 : memref<1x4000xf32, #tpu.memory_space<hbm>> -> memref<4000xf32, #tpu.memory_space<hbm>>
      tpu.enqueue_dma source(%dma_start3A_175 : memref<4000xf32, #tpu.memory_space<hbm>>) target(%dma_start3A_173 : memref<4000xf32, #tpu.memory_space<vmem>>) target_semaphore(%arg7 : memref<!tpu.dma_semaphore, #tpu.memory_space<semaphore_mem>>)
      %mul3A_176 = arith.constant 4000 : i32
      %mul3A_177 = arith.muli %add3A_17, %mul3A_176 : i32
      %dma_start3A_178 = arith.constant 2 : i32
      %dma_start3A_179 = arith.constant 1 : i32
      %dma_start3A_180 = arith.constant 2 : i32
      %dma_start3A_181 = arith.constant 0 : i32
      %dma_start3A_182 = tpu.memref_slice %arg4[%dma_start3A_179, %dma_start3A_180, %dma_start3A_181] : memref<2x4x4000xf32, #tpu.memory_space<vmem>> -> memref<1x1x4000xf32, #tpu.memory_space<vmem>>
      %dma_start3A_183 = tpu.memref_squeeze %dma_start3A_182 : memref<1x1x4000xf32, #tpu.memory_space<vmem>> -> memref<4000xf32, #tpu.memory_space<vmem>>
      %dma_start3A_184 = tpu.memref_slice %arg2[%dma_start3A_178, %mul3A_177] : memref<4x1000000xf32, #tpu.memory_space<hbm>> -> memref<1x4000xf32, #tpu.memory_space<hbm>>
      %dma_start3A_185 = tpu.memref_squeeze %dma_start3A_184 : memref<1x4000xf32, #tpu.memory_space<hbm>> -> memref<4000xf32, #tpu.memory_space<hbm>>
      %dma_start3A_186 = arith.constant 0 : i32
      %dma_start3A_187 = tpu.memref_slice %arg4[%dma_start3A_179, %dma_start3A_180, %dma_start3A_186] : memref<2x4x4000xf32, #tpu.memory_space<vmem>> -> memref<1x1x4000xf32, #tpu.memory_space<vmem>>
      %dma_start3A_188 = tpu.memref_squeeze %dma_start3A_187 : memref<1x1x4000xf32, #tpu.memory_space<vmem>> -> memref<4000xf32, #tpu.memory_space<vmem>>
      %dma_start3A_189 = tpu.memref_slice %arg2[%dma_start3A_178, %mul3A_177] : memref<4x1000000xf32, #tpu.memory_space<hbm>> -> memref<1x4000xf32, #tpu.memory_space<hbm>>
      %dma_start3A_190 = tpu.memref_squeeze %dma_start3A_189 : memref<1x4000xf32, #tpu.memory_space<hbm>> -> memref<4000xf32, #tpu.memory_space<hbm>>
      tpu.enqueue_dma source(%dma_start3A_190 : memref<4000xf32, #tpu.memory_space<hbm>>) target(%dma_start3A_188 : memref<4000xf32, #tpu.memory_space<vmem>>) target_semaphore(%arg7 : memref<!tpu.dma_semaphore, #tpu.memory_space<semaphore_mem>>)
      %mul3A_191 = arith.constant 4000 : i32
      %mul3A_192 = arith.muli %add3A_17, %mul3A_191 : i32
      %dma_start3A_193 = arith.constant 3 : i32
      %dma_start3A_194 = arith.constant 1 : i32
      %dma_start3A_195 = arith.constant 3 : i32
      %dma_start3A_196 = arith.constant 0 : i32
      %dma_start3A_197 = tpu.memref_slice %arg4[%dma_start3A_194, %dma_start3A_195, %dma_start3A_196] : memref<2x4x4000xf32, #tpu.memory_space<vmem>> -> memref<1x1x4000xf32, #tpu.memory_space<vmem>>
      %dma_start3A_198 = tpu.memref_squeeze %dma_start3A_197 : memref<1x1x4000xf32, #tpu.memory_space<vmem>> -> memref<4000xf32, #tpu.memory_space<vmem>>
      %dma_start3A_199 = tpu.memref_slice %arg2[%dma_start3A_193, %mul3A_192] : memref<4x1000000xf32, #tpu.memory_space<hbm>> -> memref<1x4000xf32, #tpu.memory_space<hbm>>
      %dma_start3A_200 = tpu.memref_squeeze %dma_start3A_199 : memref<1x4000xf32, #tpu.memory_space<hbm>> -> memref<4000xf32, #tpu.memory_space<hbm>>
      %dma_start3A_201 = arith.constant 0 : i32
      %dma_start3A_202 = tpu.memref_slice %arg4[%dma_start3A_194, %dma_start3A_195, %dma_start3A_201] : memref<2x4x4000xf32, #tpu.memory_space<vmem>> -> memref<1x1x4000xf32, #tpu.memory_space<vmem>>
      %dma_start3A_203 = tpu.memref_squeeze %dma_start3A_202 : memref<1x1x4000xf32, #tpu.memory_space<vmem>> -> memref<4000xf32, #tpu.memory_space<vmem>>
      %dma_start3A_204 = tpu.memref_slice %arg2[%dma_start3A_193, %mul3A_192] : memref<4x1000000xf32, #tpu.memory_space<hbm>> -> memref<1x4000xf32, #tpu.memory_space<hbm>>
      %dma_start3A_205 = tpu.memref_squeeze %dma_start3A_204 : memref<1x4000xf32, #tpu.memory_space<hbm>> -> memref<4000xf32, #tpu.memory_space<hbm>>
      tpu.enqueue_dma source(%dma_start3A_205 : memref<4000xf32, #tpu.memory_space<hbm>>) target(%dma_start3A_203 : memref<4000xf32, #tpu.memory_space<vmem>>) target_semaphore(%arg7 : memref<!tpu.dma_semaphore, #tpu.memory_space<semaphore_mem>>)
    } else {
    }
    %lt3A_23 = arith.constant 250 : i32
    %lt3A_24 = arith.cmpi slt, %add3A_15, %lt3A_23 : i32
    %convert_element_type3A_25 = arith.extui %lt3A_24 : i1 to i32
    %cond3A_26 = arith.constant 0 : i32
    %cond3A_27 = arith.cmpi ne, %convert_element_type3A_25, %cond3A_26 : i32
    scf.if %cond3A_27 {
      %mul3A_147 = arith.constant 4000 : i32
      %mul3A_148 = arith.muli %add3A_15, %mul3A_147 : i32
      %dma_wait3A_149 = arith.constant 0 : i32
      %dma_wait3A_150 = arith.constant 0 : i32
      %dma_wait3A_151 = arith.constant 0 : i32
      %dma_wait3A_152 = arith.constant 0 : i32
      %dma_wait3A_153 = tpu.memref_slice %arg4[%dma_wait3A_150, %dma_wait3A_151, %dma_wait3A_152] : memref<2x4x4000xf32, #tpu.memory_space<vmem>> -> memref<1x1x4000xf32, #tpu.memory_space<vmem>>
      %dma_wait3A_154 = tpu.memref_squeeze %dma_wait3A_153 : memref<1x1x4000xf32, #tpu.memory_space<vmem>> -> memref<4000xf32, #tpu.memory_space<vmem>>
      %dma_wait3A_155 = tpu.memref_slice %arg2[%dma_wait3A_149, %mul3A_148] : memref<4x1000000xf32, #tpu.memory_space<hbm>> -> memref<1x4000xf32, #tpu.memory_space<hbm>>
      %dma_wait3A_156 = tpu.memref_squeeze %dma_wait3A_155 : memref<1x4000xf32, #tpu.memory_space<hbm>> -> memref<4000xf32, #tpu.memory_space<hbm>>
      %dma_wait3A_157 = arith.constant 0 : i32
      %dma_wait3A_158 = tpu.memref_slice %arg4[%dma_wait3A_150, %dma_wait3A_151, %dma_wait3A_157] : memref<2x4x4000xf32, #tpu.memory_space<vmem>> -> memref<1x1x4000xf32, #tpu.memory_space<vmem>>
      %dma_wait3A_159 = tpu.memref_squeeze %dma_wait3A_158 : memref<1x1x4000xf32, #tpu.memory_space<vmem>> -> memref<4000xf32, #tpu.memory_space<vmem>>
      %dma_wait3A_160 = tpu.memref_slice %arg2[%dma_wait3A_149, %mul3A_148] : memref<4x1000000xf32, #tpu.memory_space<hbm>> -> memref<1x4000xf32, #tpu.memory_space<hbm>>
      %dma_wait3A_161 = tpu.memref_squeeze %dma_wait3A_160 : memref<1x4000xf32, #tpu.memory_space<hbm>> -> memref<4000xf32, #tpu.memory_space<hbm>>
      tpu.wait_dma2 semaphore(%arg6 : memref<!tpu.dma_semaphore, #tpu.memory_space<semaphore_mem>>) src(%dma_wait3A_161 : memref<4000xf32, #tpu.memory_space<hbm>>) dst(%dma_wait3A_159 : memref<4000xf32, #tpu.memory_space<vmem>>)
      %mul3A_162 = arith.constant 4000 : i32
      %mul3A_163 = arith.muli %add3A_15, %mul3A_162 : i32
      %dma_wait3A_164 = arith.constant 1 : i32
      %dma_wait3A_165 = arith.constant 0 : i32
      %dma_wait3A_166 = arith.constant 1 : i32
      %dma_wait3A_167 = arith.constant 0 : i32
      %dma_wait3A_168 = tpu.memref_slice %arg4[%dma_wait3A_165, %dma_wait3A_166, %dma_wait3A_167] : memref<2x4x4000xf32, #tpu.memory_space<vmem>> -> memref<1x1x4000xf32, #tpu.memory_space<vmem>>
      %dma_wait3A_169 = tpu.memref_squeeze %dma_wait3A_168 : memref<1x1x4000xf32, #tpu.memory_space<vmem>> -> memref<4000xf32, #tpu.memory_space<vmem>>
      %dma_wait3A_170 = tpu.memref_slice %arg2[%dma_wait3A_164, %mul3A_163] : memref<4x1000000xf32, #tpu.memory_space<hbm>> -> memref<1x4000xf32, #tpu.memory_space<hbm>>
      %dma_wait3A_171 = tpu.memref_squeeze %dma_wait3A_170 : memref<1x4000xf32, #tpu.memory_space<hbm>> -> memref<4000xf32, #tpu.memory_space<hbm>>
      %dma_wait3A_172 = arith.constant 0 : i32
      %dma_wait3A_173 = tpu.memref_slice %arg4[%dma_wait3A_165, %dma_wait3A_166, %dma_wait3A_172] : memref<2x4x4000xf32, #tpu.memory_space<vmem>> -> memref<1x1x4000xf32, #tpu.memory_space<vmem>>
      %dma_wait3A_174 = tpu.memref_squeeze %dma_wait3A_173 : memref<1x1x4000xf32, #tpu.memory_space<vmem>> -> memref<4000xf32, #tpu.memory_space<vmem>>
      %dma_wait3A_175 = tpu.memref_slice %arg2[%dma_wait3A_164, %mul3A_163] : memref<4x1000000xf32, #tpu.memory_space<hbm>> -> memref<1x4000xf32, #tpu.memory_space<hbm>>
      %dma_wait3A_176 = tpu.memref_squeeze %dma_wait3A_175 : memref<1x4000xf32, #tpu.memory_space<hbm>> -> memref<4000xf32, #tpu.memory_space<hbm>>
      tpu.wait_dma2 semaphore(%arg6 : memref<!tpu.dma_semaphore, #tpu.memory_space<semaphore_mem>>) src(%dma_wait3A_176 : memref<4000xf32, #tpu.memory_space<hbm>>) dst(%dma_wait3A_174 : memref<4000xf32, #tpu.memory_space<vmem>>)
      %mul3A_177 = arith.constant 4000 : i32
      %mul3A_178 = arith.muli %add3A_15, %mul3A_177 : i32
      %dma_wait3A_179 = arith.constant 2 : i32
      %dma_wait3A_180 = arith.constant 0 : i32
      %dma_wait3A_181 = arith.constant 2 : i32
      %dma_wait3A_182 = arith.constant 0 : i32
      %dma_wait3A_183 = tpu.memref_slice %arg4[%dma_wait3A_180, %dma_wait3A_181, %dma_wait3A_182] : memref<2x4x4000xf32, #tpu.memory_space<vmem>> -> memref<1x1x4000xf32, #tpu.memory_space<vmem>>
      %dma_wait3A_184 = tpu.memref_squeeze %dma_wait3A_183 : memref<1x1x4000xf32, #tpu.memory_space<vmem>> -> memref<4000xf32, #tpu.memory_space<vmem>>
      %dma_wait3A_185 = tpu.memref_slice %arg2[%dma_wait3A_179, %mul3A_178] : memref<4x1000000xf32, #tpu.memory_space<hbm>> -> memref<1x4000xf32, #tpu.memory_space<hbm>>
      %dma_wait3A_186 = tpu.memref_squeeze %dma_wait3A_185 : memref<1x4000xf32, #tpu.memory_space<hbm>> -> memref<4000xf32, #tpu.memory_space<hbm>>
      %dma_wait3A_187 = arith.constant 0 : i32
      %dma_wait3A_188 = tpu.memref_slice %arg4[%dma_wait3A_180, %dma_wait3A_181, %dma_wait3A_187] : memref<2x4x4000xf32, #tpu.memory_space<vmem>> -> memref<1x1x4000xf32, #tpu.memory_space<vmem>>
      %dma_wait3A_189 = tpu.memref_squeeze %dma_wait3A_188 : memref<1x1x4000xf32, #tpu.memory_space<vmem>> -> memref<4000xf32, #tpu.memory_space<vmem>>
      %dma_wait3A_190 = tpu.memref_slice %arg2[%dma_wait3A_179, %mul3A_178] : memref<4x1000000xf32, #tpu.memory_space<hbm>> -> memref<1x4000xf32, #tpu.memory_space<hbm>>
      %dma_wait3A_191 = tpu.memref_squeeze %dma_wait3A_190 : memref<1x4000xf32, #tpu.memory_space<hbm>> -> memref<4000xf32, #tpu.memory_space<hbm>>
      tpu.wait_dma2 semaphore(%arg6 : memref<!tpu.dma_semaphore, #tpu.memory_space<semaphore_mem>>) src(%dma_wait3A_191 : memref<4000xf32, #tpu.memory_space<hbm>>) dst(%dma_wait3A_189 : memref<4000xf32, #tpu.memory_space<vmem>>)
      %mul3A_192 = arith.constant 4000 : i32
      %mul3A_193 = arith.muli %add3A_15, %mul3A_192 : i32
      %dma_wait3A_194 = arith.constant 3 : i32
      %dma_wait3A_195 = arith.constant 0 : i32
      %dma_wait3A_196 = arith.constant 3 : i32
      %dma_wait3A_197 = arith.constant 0 : i32
      %dma_wait3A_198 = tpu.memref_slice %arg4[%dma_wait3A_195, %dma_wait3A_196, %dma_wait3A_197] : memref<2x4x4000xf32, #tpu.memory_space<vmem>> -> memref<1x1x4000xf32, #tpu.memory_space<vmem>>
      %dma_wait3A_199 = tpu.memref_squeeze %dma_wait3A_198 : memref<1x1x4000xf32, #tpu.memory_space<vmem>> -> memref<4000xf32, #tpu.memory_space<vmem>>
      %dma_wait3A_200 = tpu.memref_slice %arg2[%dma_wait3A_194, %mul3A_193] : memref<4x1000000xf32, #tpu.memory_space<hbm>> -> memref<1x4000xf32, #tpu.memory_space<hbm>>
      %dma_wait3A_201 = tpu.memref_squeeze %dma_wait3A_200 : memref<1x4000xf32, #tpu.memory_space<hbm>> -> memref<4000xf32, #tpu.memory_space<hbm>>
      %dma_wait3A_202 = arith.constant 0 : i32
      %dma_wait3A_203 = tpu.memref_slice %arg4[%dma_wait3A_195, %dma_wait3A_196, %dma_wait3A_202] : memref<2x4x4000xf32, #tpu.memory_space<vmem>> -> memref<1x1x4000xf32, #tpu.memory_space<vmem>>
      %dma_wait3A_204 = tpu.memref_squeeze %dma_wait3A_203 : memref<1x1x4000xf32, #tpu.memory_space<vmem>> -> memref<4000xf32, #tpu.memory_space<vmem>>
      %dma_wait3A_205 = tpu.memref_slice %arg2[%dma_wait3A_194, %mul3A_193] : memref<4x1000000xf32, #tpu.memory_space<hbm>> -> memref<1x4000xf32, #tpu.memory_space<hbm>>
      %dma_wait3A_206 = tpu.memref_squeeze %dma_wait3A_205 : memref<1x4000xf32, #tpu.memory_space<hbm>> -> memref<4000xf32, #tpu.memory_space<hbm>>
      tpu.wait_dma2 semaphore(%arg6 : memref<!tpu.dma_semaphore, #tpu.memory_space<semaphore_mem>>) src(%dma_wait3A_206 : memref<4000xf32, #tpu.memory_space<hbm>>) dst(%dma_wait3A_204 : memref<4000xf32, #tpu.memory_space<vmem>>)
      %scan3A_207 = arith.constant 0 : i32
      %scan3A_208 = arith.constant 0 : i32
      %scan3A_209 = arith.constant 250 : i32
      %scan3A_210 = arith.addi %scan3A_208, %scan3A_209 : i32
      %scan3A_211 = arith.constant 2 : i32
      scf.for %scan3A_225 = %scan3A_208 to %scan3A_210 step %scan3A_211  : i32 {
        %mul3A_226 = arith.constant 16 : i32
        %mul3A_227 = arith.muli %scan3A_225, %mul3A_226 : i32
        %mul3A_228 = arith.constant 8 : i32
        %mul3A_229 = arith.muli %mul3A_227, %mul3A_228 : i32
        %add3A_230 = arith.constant 0 : i32
        %add3A_231 = arith.addi %mul3A_229, %add3A_230 : i32
        %add3A_232 = vector.broadcast %add3A_231 : i32 to vector<16xi32>
        %add3A_233 = arith.addi %mul3A_3, %add3A_232 : vector<16xi32>
        %mul3A_234 = arith.constant 16 : i32
        %mul3A_235 = arith.muli %scan3A_225, %mul3A_234 : i32
        %get3A = arith.constant 0 : i32
        %get3A_236 = arith.constant 0 : i32
        %get3A_237 = arith.index_cast %get3A : i32 to index
        %get3A_238 = arith.index_cast %get3A_236 : i32 to index
        %get3A_239 = arith.index_cast %mul3A_235 : i32 to index
        %get3A_240 = tpu.vector_load %arg4[%get3A_237, %get3A_238, %get3A_239] {strides = array<i32>} : memref<2x4x4000xf32, #tpu.memory_space<vmem>>, vector<16xf32>,
        %scatter3A = arith.constant 0 : i32
        %scatter3A_241 = arith.constant 0 : i32
        %scatter3A_242 = tpu.memref_slice %arg5[%scatter3A, %scatter3A_241] : memref<2x32000xf32, #tpu.memory_space<vmem>> -> memref<1x32000xf32, #tpu.memory_space<vmem>>
        %scatter3A_243 = tpu.memref_squeeze %scatter3A_242 : memref<1x32000xf32, #tpu.memory_space<vmem>> -> memref<32000xf32, #tpu.memory_space<vmem>>
        tpu.vector_store_idx %scatter3A_243[%add3A_233], %get3A_240 : memref<32000xf32, #tpu.memory_space<vmem>>[vector<16xi32>], vector<16xf32>,
        %mul3A_244 = arith.constant 16 : i32
        %mul3A_245 = arith.muli %scan3A_225, %mul3A_244 : i32
        %mul3A_246 = arith.constant 8 : i32
        %mul3A_247 = arith.muli %mul3A_245, %mul3A_246 : i32
        %add3A_248 = arith.constant 1 : i32
        %add3A_249 = arith.addi %mul3A_247, %add3A_248 : i32
        %add3A_250 = vector.broadcast %add3A_249 : i32 to vector<16xi32>
        %add3A_251 = arith.addi %mul3A_3, %add3A_250 : vector<16xi32>
        %mul3A_252 = arith.constant 16 : i32
        %mul3A_253 = arith.muli %scan3A_225, %mul3A_252 : i32
        %get3A_254 = arith.constant 0 : i32
        %get3A_255 = arith.constant 1 : i32
        %get3A_256 = arith.index_cast %get3A_254 : i32 to index
        %get3A_257 = arith.index_cast %get3A_255 : i32 to index
        %get3A_258 = arith.index_cast %mul3A_253 : i32 to index
        %get3A_259 = tpu.vector_load %arg4[%get3A_256, %get3A_257, %get3A_258] {strides = array<i32>} : memref<2x4x4000xf32, #tpu.memory_space<vmem>>, vector<16xf32>,
        %scatter3A_260 = arith.constant 0 : i32
        %scatter3A_261 = arith.constant 0 : i32
        %scatter3A_262 = tpu.memref_slice %arg5[%scatter3A_260, %scatter3A_261] : memref<2x32000xf32, #tpu.memory_space<vmem>> -> memref<1x32000xf32, #tpu.memory_space<vmem>>
        %scatter3A_263 = tpu.memref_squeeze %scatter3A_262 : memref<1x32000xf32, #tpu.memory_space<vmem>> -> memref<32000xf32, #tpu.memory_space<vmem>>
        tpu.vector_store_idx %scatter3A_263[%add3A_251], %get3A_259 : memref<32000xf32, #tpu.memory_space<vmem>>[vector<16xi32>], vector<16xf32>,
        %mul3A_264 = arith.constant 16 : i32
        %mul3A_265 = arith.muli %scan3A_225, %mul3A_264 : i32
        %mul3A_266 = arith.constant 8 : i32
        %mul3A_267 = arith.muli %mul3A_265, %mul3A_266 : i32
        %add3A_268 = arith.constant 2 : i32
        %add3A_269 = arith.addi %mul3A_267, %add3A_268 : i32
        %add3A_270 = vector.broadcast %add3A_269 : i32 to vector<16xi32>
        %add3A_271 = arith.addi %mul3A_3, %add3A_270 : vector<16xi32>
        %mul3A_272 = arith.constant 16 : i32
        %mul3A_273 = arith.muli %scan3A_225, %mul3A_272 : i32
        %get3A_274 = arith.constant 0 : i32
        %get3A_275 = arith.constant 2 : i32
        %get3A_276 = arith.index_cast %get3A_274 : i32 to index
        %get3A_277 = arith.index_cast %get3A_275 : i32 to index
        %get3A_278 = arith.index_cast %mul3A_273 : i32 to index
        %get3A_279 = tpu.vector_load %arg4[%get3A_276, %get3A_277, %get3A_278] {strides = array<i32>} : memref<2x4x4000xf32, #tpu.memory_space<vmem>>, vector<16xf32>,
        %scatter3A_280 = arith.constant 0 : i32
        %scatter3A_281 = arith.constant 0 : i32
        %scatter3A_282 = tpu.memref_slice %arg5[%scatter3A_280, %scatter3A_281] : memref<2x32000xf32, #tpu.memory_space<vmem>> -> memref<1x32000xf32, #tpu.memory_space<vmem>>
        %scatter3A_283 = tpu.memref_squeeze %scatter3A_282 : memref<1x32000xf32, #tpu.memory_space<vmem>> -> memref<32000xf32, #tpu.memory_space<vmem>>
        tpu.vector_store_idx %scatter3A_283[%add3A_271], %get3A_279 : memref<32000xf32, #tpu.memory_space<vmem>>[vector<16xi32>], vector<16xf32>,
        %mul3A_284 = arith.constant 16 : i32
        %mul3A_285 = arith.muli %scan3A_225, %mul3A_284 : i32
        %mul3A_286 = arith.constant 8 : i32
        %mul3A_287 = arith.muli %mul3A_285, %mul3A_286 : i32
        %add3A_288 = arith.constant 3 : i32
        %add3A_289 = arith.addi %mul3A_287, %add3A_288 : i32
        %add3A_290 = vector.broadcast %add3A_289 : i32 to vector<16xi32>
        %add3A_291 = arith.addi %mul3A_3, %add3A_290 : vector<16xi32>
        %mul3A_292 = arith.constant 16 : i32
        %mul3A_293 = arith.muli %scan3A_225, %mul3A_292 : i32
        %get3A_294 = arith.constant 0 : i32
        %get3A_295 = arith.constant 3 : i32
        %get3A_296 = arith.index_cast %get3A_294 : i32 to index
        %get3A_297 = arith.index_cast %get3A_295 : i32 to index
        %get3A_298 = arith.index_cast %mul3A_293 : i32 to index
        %get3A_299 = tpu.vector_load %arg4[%get3A_296, %get3A_297, %get3A_298] {strides = array<i32>} : memref<2x4x4000xf32, #tpu.memory_space<vmem>>, vector<16xf32>,
        %scatter3A_300 = arith.constant 0 : i32
        %scatter3A_301 = arith.constant 0 : i32
        %scatter3A_302 = tpu.memref_slice %arg5[%scatter3A_300, %scatter3A_301] : memref<2x32000xf32, #tpu.memory_space<vmem>> -> memref<1x32000xf32, #tpu.memory_space<vmem>>
        %scatter3A_303 = tpu.memref_squeeze %scatter3A_302 : memref<1x32000xf32, #tpu.memory_space<vmem>> -> memref<32000xf32, #tpu.memory_space<vmem>>
        tpu.vector_store_idx %scatter3A_303[%add3A_291], %get3A_299 : memref<32000xf32, #tpu.memory_space<vmem>>[vector<16xi32>], vector<16xf32>,
        %scan3A_304 = arith.constant 1 : i32
        %scan3A_305 = arith.addi %scan3A_225, %scan3A_304 : i32
        %mul3A_306 = arith.constant 16 : i32
        %mul3A_307 = arith.muli %scan3A_305, %mul3A_306 : i32
        %mul3A_308 = arith.constant 8 : i32
        %mul3A_309 = arith.muli %mul3A_307, %mul3A_308 : i32
        %add3A_310 = arith.constant 0 : i32
        %add3A_311 = arith.addi %mul3A_309, %add3A_310 : i32
        %add3A_312 = vector.broadcast %add3A_311 : i32 to vector<16xi32>
        %add3A_313 = arith.addi %mul3A_3, %add3A_312 : vector<16xi32>
        %mul3A_314 = arith.constant 16 : i32
        %mul3A_315 = arith.muli %scan3A_305, %mul3A_314 : i32
        %get3A_316 = arith.constant 0 : i32
        %get3A_317 = arith.constant 0 : i32
        %get3A_318 = arith.index_cast %get3A_316 : i32 to index
        %get3A_319 = arith.index_cast %get3A_317 : i32 to index
        %get3A_320 = arith.index_cast %mul3A_315 : i32 to index
        %get3A_321 = tpu.vector_load %arg4[%get3A_318, %get3A_319, %get3A_320] {strides = array<i32>} : memref<2x4x4000xf32, #tpu.memory_space<vmem>>, vector<16xf32>,
        %scatter3A_322 = arith.constant 0 : i32
        %scatter3A_323 = arith.constant 0 : i32
        %scatter3A_324 = tpu.memref_slice %arg5[%scatter3A_322, %scatter3A_323] : memref<2x32000xf32, #tpu.memory_space<vmem>> -> memref<1x32000xf32, #tpu.memory_space<vmem>>
        %scatter3A_325 = tpu.memref_squeeze %scatter3A_324 : memref<1x32000xf32, #tpu.memory_space<vmem>> -> memref<32000xf32, #tpu.memory_space<vmem>>
        tpu.vector_store_idx %scatter3A_325[%add3A_313], %get3A_321 : memref<32000xf32, #tpu.memory_space<vmem>>[vector<16xi32>], vector<16xf32>,
        %mul3A_326 = arith.constant 16 : i32
        %mul3A_327 = arith.muli %scan3A_305, %mul3A_326 : i32
        %mul3A_328 = arith.constant 8 : i32
        %mul3A_329 = arith.muli %mul3A_327, %mul3A_328 : i32
        %add3A_330 = arith.constant 1 : i32
        %add3A_331 = arith.addi %mul3A_329, %add3A_330 : i32
        %add3A_332 = vector.broadcast %add3A_331 : i32 to vector<16xi32>
        %add3A_333 = arith.addi %mul3A_3, %add3A_332 : vector<16xi32>
        %mul3A_334 = arith.constant 16 : i32
        %mul3A_335 = arith.muli %scan3A_305, %mul3A_334 : i32
        %get3A_336 = arith.constant 0 : i32
        %get3A_337 = arith.constant 1 : i32
        %get3A_338 = arith.index_cast %get3A_336 : i32 to index
        %get3A_339 = arith.index_cast %get3A_337 : i32 to index
        %get3A_340 = arith.index_cast %mul3A_335 : i32 to index
        %get3A_341 = tpu.vector_load %arg4[%get3A_338, %get3A_339, %get3A_340] {strides = array<i32>} : memref<2x4x4000xf32, #tpu.memory_space<vmem>>, vector<16xf32>,
        %scatter3A_342 = arith.constant 0 : i32
        %scatter3A_343 = arith.constant 0 : i32
        %scatter3A_344 = tpu.memref_slice %arg5[%scatter3A_342, %scatter3A_343] : memref<2x32000xf32, #tpu.memory_space<vmem>> -> memref<1x32000xf32, #tpu.memory_space<vmem>>
        %scatter3A_345 = tpu.memref_squeeze %scatter3A_344 : memref<1x32000xf32, #tpu.memory_space<vmem>> -> memref<32000xf32, #tpu.memory_space<vmem>>
        tpu.vector_store_idx %scatter3A_345[%add3A_333], %get3A_341 : memref<32000xf32, #tpu.memory_space<vmem>>[vector<16xi32>], vector<16xf32>,
        %mul3A_346 = arith.constant 16 : i32
        %mul3A_347 = arith.muli %scan3A_305, %mul3A_346 : i32
        %mul3A_348 = arith.constant 8 : i32
        %mul3A_349 = arith.muli %mul3A_347, %mul3A_348 : i32
        %add3A_350 = arith.constant 2 : i32
        %add3A_351 = arith.addi %mul3A_349, %add3A_350 : i32
        %add3A_352 = vector.broadcast %add3A_351 : i32 to vector<16xi32>
        %add3A_353 = arith.addi %mul3A_3, %add3A_352 : vector<16xi32>
        %mul3A_354 = arith.constant 16 : i32
        %mul3A_355 = arith.muli %scan3A_305, %mul3A_354 : i32
        %get3A_356 = arith.constant 0 : i32
        %get3A_357 = arith.constant 2 : i32
        %get3A_358 = arith.index_cast %get3A_356 : i32 to index
        %get3A_359 = arith.index_cast %get3A_357 : i32 to index
        %get3A_360 = arith.index_cast %mul3A_355 : i32 to index
        %get3A_361 = tpu.vector_load %arg4[%get3A_358, %get3A_359, %get3A_360] {strides = array<i32>} : memref<2x4x4000xf32, #tpu.memory_space<vmem>>, vector<16xf32>,
        %scatter3A_362 = arith.constant 0 : i32
        %scatter3A_363 = arith.constant 0 : i32
        %scatter3A_364 = tpu.memref_slice %arg5[%scatter3A_362, %scatter3A_363] : memref<2x32000xf32, #tpu.memory_space<vmem>> -> memref<1x32000xf32, #tpu.memory_space<vmem>>
        %scatter3A_365 = tpu.memref_squeeze %scatter3A_364 : memref<1x32000xf32, #tpu.memory_space<vmem>> -> memref<32000xf32, #tpu.memory_space<vmem>>
        tpu.vector_store_idx %scatter3A_365[%add3A_353], %get3A_361 : memref<32000xf32, #tpu.memory_space<vmem>>[vector<16xi32>], vector<16xf32>,
        %mul3A_366 = arith.constant 16 : i32
        %mul3A_367 = arith.muli %scan3A_305, %mul3A_366 : i32
        %mul3A_368 = arith.constant 8 : i32
        %mul3A_369 = arith.muli %mul3A_367, %mul3A_368 : i32
        %add3A_370 = arith.constant 3 : i32
        %add3A_371 = arith.addi %mul3A_369, %add3A_370 : i32
        %add3A_372 = vector.broadcast %add3A_371 : i32 to vector<16xi32>
        %add3A_373 = arith.addi %mul3A_3, %add3A_372 : vector<16xi32>
        %mul3A_374 = arith.constant 16 : i32
        %mul3A_375 = arith.muli %scan3A_305, %mul3A_374 : i32
        %get3A_376 = arith.constant 0 : i32
        %get3A_377 = arith.constant 3 : i32
        %get3A_378 = arith.index_cast %get3A_376 : i32 to index
        %get3A_379 = arith.index_cast %get3A_377 : i32 to index
        %get3A_380 = arith.index_cast %mul3A_375 : i32 to index
        %get3A_381 = tpu.vector_load %arg4[%get3A_378, %get3A_379, %get3A_380] {strides = array<i32>} : memref<2x4x4000xf32, #tpu.memory_space<vmem>>, vector<16xf32>,
        %scatter3A_382 = arith.constant 0 : i32
        %scatter3A_383 = arith.constant 0 : i32
        %scatter3A_384 = tpu.memref_slice %arg5[%scatter3A_382, %scatter3A_383] : memref<2x32000xf32, #tpu.memory_space<vmem>> -> memref<1x32000xf32, #tpu.memory_space<vmem>>
        %scatter3A_385 = tpu.memref_squeeze %scatter3A_384 : memref<1x32000xf32, #tpu.memory_space<vmem>> -> memref<32000xf32, #tpu.memory_space<vmem>>
        tpu.vector_store_idx %scatter3A_385[%add3A_373], %get3A_381 : memref<32000xf32, #tpu.memory_space<vmem>>[vector<16xi32>], vector<16xf32>,
      }
      %scan3A_212 = arith.constant 250 : i32
      %mul3A_213 = arith.constant 4000 : i32
      %mul3A_214 = arith.muli %add3A_15, %mul3A_213 : i32
      %mul3A_215 = arith.constant 8 : i32
      %mul3A_216 = arith.muli %mul3A_214, %mul3A_215 : i32
      %dma_start3A = arith.constant 0 : i32
      %dma_start3A_217 = arith.constant 0 : i32
      %dma_start3A_218 = tpu.memref_slice %arg5[%dma_start3A, %dma_start3A_217] : memref<2x32000xf32, #tpu.memory_space<vmem>> -> memref<1x32000xf32, #tpu.memory_space<vmem>>
      %dma_start3A_219 = tpu.memref_squeeze %dma_start3A_218 : memref<1x32000xf32, #tpu.memory_space<vmem>> -> memref<32000xf32, #tpu.memory_space<vmem>>
      %dma_start3A_220 = tpu.memref_slice %arg3[%mul3A_216] : memref<8000000xf32, #tpu.memory_space<hbm>> -> memref<32000xf32, #tpu.memory_space<hbm>>
      %dma_start3A_221 = tpu.memref_slice %arg3[%mul3A_216] : memref<8000000xf32, #tpu.memory_space<hbm>> -> memref<32000xf32, #tpu.memory_space<hbm>>
      %dma_start3A_222 = arith.constant 0 : i32
      %dma_start3A_223 = tpu.memref_slice %arg5[%dma_start3A, %dma_start3A_222] : memref<2x32000xf32, #tpu.memory_space<vmem>> -> memref<1x32000xf32, #tpu.memory_space<vmem>>
      %dma_start3A_224 = tpu.memref_squeeze %dma_start3A_223 : memref<1x32000xf32, #tpu.memory_space<vmem>> -> memref<32000xf32, #tpu.memory_space<vmem>>
      tpu.enqueue_dma source(%dma_start3A_224 : memref<32000xf32, #tpu.memory_space<vmem>>) target(%dma_start3A_221 : memref<32000xf32, #tpu.memory_space<hbm>>) target_semaphore(%arg8 : memref<!tpu.dma_semaphore, #tpu.memory_space<semaphore_mem>>)
    } else {
    }
    %add3A_28 = arith.constant 32 : i32
    %add3A_29 = arith.addi %add3A, %add3A_28 : i32
    %add3A_30 = arith.constant 64 : i32
    %add3A_31 = arith.addi %add3A, %add3A_30 : i32
    %lt3A_32 = arith.constant 250 : i32
    %lt3A_33 = arith.cmpi slt, %add3A_31, %lt3A_32 : i32
    %convert_element_type3A_34 = arith.extui %lt3A_33 : i1 to i32
    %cond3A_35 = arith.constant 0 : i32
    %cond3A_36 = arith.cmpi ne, %convert_element_type3A_34, %cond3A_35 : i32
    scf.if %cond3A_36 {
      %mul3A_147 = arith.constant 4000 : i32
      %mul3A_148 = arith.muli %add3A_31, %mul3A_147 : i32
      %dma_start3A = arith.constant 0 : i32
      %dma_start3A_149 = arith.constant 0 : i32
      %dma_start3A_150 = arith.constant 0 : i32
      %dma_start3A_151 = arith.constant 0 : i32
      %dma_start3A_152 = tpu.memref_slice %arg4[%dma_start3A_149, %dma_start3A_150, %dma_start3A_151] : memref<2x4x4000xf32, #tpu.memory_space<vmem>> -> memref<1x1x4000xf32, #tpu.memory_space<vmem>>
      %dma_start3A_153 = tpu.memref_squeeze %dma_start3A_152 : memref<1x1x4000xf32, #tpu.memory_space<vmem>> -> memref<4000xf32, #tpu.memory_space<vmem>>
      %dma_start3A_154 = tpu.memref_slice %arg2[%dma_start3A, %mul3A_148] : memref<4x1000000xf32, #tpu.memory_space<hbm>> -> memref<1x4000xf32, #tpu.memory_space<hbm>>
      %dma_start3A_155 = tpu.memref_squeeze %dma_start3A_154 : memref<1x4000xf32, #tpu.memory_space<hbm>> -> memref<4000xf32, #tpu.memory_space<hbm>>
      %dma_start3A_156 = arith.constant 0 : i32
      %dma_start3A_157 = tpu.memref_slice %arg4[%dma_start3A_149, %dma_start3A_150, %dma_start3A_156] : memref<2x4x4000xf32, #tpu.memory_space<vmem>> -> memref<1x1x4000xf32, #tpu.memory_space<vmem>>
      %dma_start3A_158 = tpu.memref_squeeze %dma_start3A_157 : memref<1x1x4000xf32, #tpu.memory_space<vmem>> -> memref<4000xf32, #tpu.memory_space<vmem>>
      %dma_start3A_159 = tpu.memref_slice %arg2[%dma_start3A, %mul3A_148] : memref<4x1000000xf32, #tpu.memory_space<hbm>> -> memref<1x4000xf32, #tpu.memory_space<hbm>>
      %dma_start3A_160 = tpu.memref_squeeze %dma_start3A_159 : memref<1x4000xf32, #tpu.memory_space<hbm>> -> memref<4000xf32, #tpu.memory_space<hbm>>
      tpu.enqueue_dma source(%dma_start3A_160 : memref<4000xf32, #tpu.memory_space<hbm>>) target(%dma_start3A_158 : memref<4000xf32, #tpu.memory_space<vmem>>) target_semaphore(%arg6 : memref<!tpu.dma_semaphore, #tpu.memory_space<semaphore_mem>>)
      %mul3A_161 = arith.constant 4000 : i32
      %mul3A_162 = arith.muli %add3A_31, %mul3A_161 : i32
      %dma_start3A_163 = arith.constant 1 : i32
      %dma_start3A_164 = arith.constant 0 : i32
      %dma_start3A_165 = arith.constant 1 : i32
      %dma_start3A_166 = arith.constant 0 : i32
      %dma_start3A_167 = tpu.memref_slice %arg4[%dma_start3A_164, %dma_start3A_165, %dma_start3A_166] : memref<2x4x4000xf32, #tpu.memory_space<vmem>> -> memref<1x1x4000xf32, #tpu.memory_space<vmem>>
      %dma_start3A_168 = tpu.memref_squeeze %dma_start3A_167 : memref<1x1x4000xf32, #tpu.memory_space<vmem>> -> memref<4000xf32, #tpu.memory_space<vmem>>
      %dma_start3A_169 = tpu.memref_slice %arg2[%dma_start3A_163, %mul3A_162] : memref<4x1000000xf32, #tpu.memory_space<hbm>> -> memref<1x4000xf32, #tpu.memory_space<hbm>>
      %dma_start3A_170 = tpu.memref_squeeze %dma_start3A_169 : memref<1x4000xf32, #tpu.memory_space<hbm>> -> memref<4000xf32, #tpu.memory_space<hbm>>
      %dma_start3A_171 = arith.constant 0 : i32
      %dma_start3A_172 = tpu.memref_slice %arg4[%dma_start3A_164, %dma_start3A_165, %dma_start3A_171] : memref<2x4x4000xf32, #tpu.memory_space<vmem>> -> memref<1x1x4000xf32, #tpu.memory_space<vmem>>
      %dma_start3A_173 = tpu.memref_squeeze %dma_start3A_172 : memref<1x1x4000xf32, #tpu.memory_space<vmem>> -> memref<4000xf32, #tpu.memory_space<vmem>>
      %dma_start3A_174 = tpu.memref_slice %arg2[%dma_start3A_163, %mul3A_162] : memref<4x1000000xf32, #tpu.memory_space<hbm>> -> memref<1x4000xf32, #tpu.memory_space<hbm>>
      %dma_start3A_175 = tpu.memref_squeeze %dma_start3A_174 : memref<1x4000xf32, #tpu.memory_space<hbm>> -> memref<4000xf32, #tpu.memory_space<hbm>>
      tpu.enqueue_dma source(%dma_start3A_175 : memref<4000xf32, #tpu.memory_space<hbm>>) target(%dma_start3A_173 : memref<4000xf32, #tpu.memory_space<vmem>>) target_semaphore(%arg6 : memref<!tpu.dma_semaphore, #tpu.memory_space<semaphore_mem>>)
      %mul3A_176 = arith.constant 4000 : i32
      %mul3A_177 = arith.muli %add3A_31, %mul3A_176 : i32
      %dma_start3A_178 = arith.constant 2 : i32
      %dma_start3A_179 = arith.constant 0 : i32
      %dma_start3A_180 = arith.constant 2 : i32
      %dma_start3A_181 = arith.constant 0 : i32
      %dma_start3A_182 = tpu.memref_slice %arg4[%dma_start3A_179, %dma_start3A_180, %dma_start3A_181] : memref<2x4x4000xf32, #tpu.memory_space<vmem>> -> memref<1x1x4000xf32, #tpu.memory_space<vmem>>
      %dma_start3A_183 = tpu.memref_squeeze %dma_start3A_182 : memref<1x1x4000xf32, #tpu.memory_space<vmem>> -> memref<4000xf32, #tpu.memory_space<vmem>>
      %dma_start3A_184 = tpu.memref_slice %arg2[%dma_start3A_178, %mul3A_177] : memref<4x1000000xf32, #tpu.memory_space<hbm>> -> memref<1x4000xf32, #tpu.memory_space<hbm>>
      %dma_start3A_185 = tpu.memref_squeeze %dma_start3A_184 : memref<1x4000xf32, #tpu.memory_space<hbm>> -> memref<4000xf32, #tpu.memory_space<hbm>>
      %dma_start3A_186 = arith.constant 0 : i32
      %dma_start3A_187 = tpu.memref_slice %arg4[%dma_start3A_179, %dma_start3A_180, %dma_start3A_186] : memref<2x4x4000xf32, #tpu.memory_space<vmem>> -> memref<1x1x4000xf32, #tpu.memory_space<vmem>>
      %dma_start3A_188 = tpu.memref_squeeze %dma_start3A_187 : memref<1x1x4000xf32, #tpu.memory_space<vmem>> -> memref<4000xf32, #tpu.memory_space<vmem>>
      %dma_start3A_189 = tpu.memref_slice %arg2[%dma_start3A_178, %mul3A_177] : memref<4x1000000xf32, #tpu.memory_space<hbm>> -> memref<1x4000xf32, #tpu.memory_space<hbm>>
      %dma_start3A_190 = tpu.memref_squeeze %dma_start3A_189 : memref<1x4000xf32, #tpu.memory_space<hbm>> -> memref<4000xf32, #tpu.memory_space<hbm>>
      tpu.enqueue_dma source(%dma_start3A_190 : memref<4000xf32, #tpu.memory_space<hbm>>) target(%dma_start3A_188 : memref<4000xf32, #tpu.memory_space<vmem>>) target_semaphore(%arg6 : memref<!tpu.dma_semaphore, #tpu.memory_space<semaphore_mem>>)
      %mul3A_191 = arith.constant 4000 : i32
      %mul3A_192 = arith.muli %add3A_31, %mul3A_191 : i32
      %dma_start3A_193 = arith.constant 3 : i32
      %dma_start3A_194 = arith.constant 0 : i32
      %dma_start3A_195 = arith.constant 3 : i32
      %dma_start3A_196 = arith.constant 0 : i32
      %dma_start3A_197 = tpu.memref_slice %arg4[%dma_start3A_194, %dma_start3A_195, %dma_start3A_196] : memref<2x4x4000xf32, #tpu.memory_space<vmem>> -> memref<1x1x4000xf32, #tpu.memory_space<vmem>>
      %dma_start3A_198 = tpu.memref_squeeze %dma_start3A_197 : memref<1x1x4000xf32, #tpu.memory_space<vmem>> -> memref<4000xf32, #tpu.memory_space<vmem>>
      %dma_start3A_199 = tpu.memref_slice %arg2[%dma_start3A_193, %mul3A_192] : memref<4x1000000xf32, #tpu.memory_space<hbm>> -> memref<1x4000xf32, #tpu.memory_space<hbm>>
      %dma_start3A_200 = tpu.memref_squeeze %dma_start3A_199 : memref<1x4000xf32, #tpu.memory_space<hbm>> -> memref<4000xf32, #tpu.memory_space<hbm>>
      %dma_start3A_201 = arith.constant 0 : i32
      %dma_start3A_202 = tpu.memref_slice %arg4[%dma_start3A_194, %dma_start3A_195, %dma_start3A_201] : memref<2x4x4000xf32, #tpu.memory_space<vmem>> -> memref<1x1x4000xf32, #tpu.memory_space<vmem>>
      %dma_start3A_203 = tpu.memref_squeeze %dma_start3A_202 : memref<1x1x4000xf32, #tpu.memory_space<vmem>> -> memref<4000xf32, #tpu.memory_space<vmem>>
      %dma_start3A_204 = tpu.memref_slice %arg2[%dma_start3A_193, %mul3A_192] : memref<4x1000000xf32, #tpu.memory_space<hbm>> -> memref<1x4000xf32, #tpu.memory_space<hbm>>
      %dma_start3A_205 = tpu.memref_squeeze %dma_start3A_204 : memref<1x4000xf32, #tpu.memory_space<hbm>> -> memref<4000xf32, #tpu.memory_space<hbm>>
      tpu.enqueue_dma source(%dma_start3A_205 : memref<4000xf32, #tpu.memory_space<hbm>>) target(%dma_start3A_203 : memref<4000xf32, #tpu.memory_space<vmem>>) target_semaphore(%arg6 : memref<!tpu.dma_semaphore, #tpu.memory_space<semaphore_mem>>)
    } else {
    }
    %lt3A_37 = arith.constant 250 : i32
    %lt3A_38 = arith.cmpi slt, %add3A_29, %lt3A_37 : i32
    %convert_element_type3A_39 = arith.extui %lt3A_38 : i1 to i32
    %cond3A_40 = arith.constant 0 : i32
    %cond3A_41 = arith.cmpi ne, %convert_element_type3A_39, %cond3A_40 : i32
    scf.if %cond3A_41 {
      %mul3A_147 = arith.constant 4000 : i32
      %mul3A_148 = arith.muli %add3A_29, %mul3A_147 : i32
      %dma_wait3A_149 = arith.constant 0 : i32
      %dma_wait3A_150 = arith.constant 1 : i32
      %dma_wait3A_151 = arith.constant 0 : i32
      %dma_wait3A_152 = arith.constant 0 : i32
      %dma_wait3A_153 = tpu.memref_slice %arg4[%dma_wait3A_150, %dma_wait3A_151, %dma_wait3A_152] : memref<2x4x4000xf32, #tpu.memory_space<vmem>> -> memref<1x1x4000xf32, #tpu.memory_space<vmem>>
      %dma_wait3A_154 = tpu.memref_squeeze %dma_wait3A_153 : memref<1x1x4000xf32, #tpu.memory_space<vmem>> -> memref<4000xf32, #tpu.memory_space<vmem>>
      %dma_wait3A_155 = tpu.memref_slice %arg2[%dma_wait3A_149, %mul3A_148] : memref<4x1000000xf32, #tpu.memory_space<hbm>> -> memref<1x4000xf32, #tpu.memory_space<hbm>>
      %dma_wait3A_156 = tpu.memref_squeeze %dma_wait3A_155 : memref<1x4000xf32, #tpu.memory_space<hbm>> -> memref<4000xf32, #tpu.memory_space<hbm>>
      %dma_wait3A_157 = arith.constant 0 : i32
      %dma_wait3A_158 = tpu.memref_slice %arg4[%dma_wait3A_150, %dma_wait3A_151, %dma_wait3A_157] : memref<2x4x4000xf32, #tpu.memory_space<vmem>> -> memref<1x1x4000xf32, #tpu.memory_space<vmem>>
      %dma_wait3A_159 = tpu.memref_squeeze %dma_wait3A_158 : memref<1x1x4000xf32, #tpu.memory_space<vmem>> -> memref<4000xf32, #tpu.memory_space<vmem>>
      %dma_wait3A_160 = tpu.memref_slice %arg2[%dma_wait3A_149, %mul3A_148] : memref<4x1000000xf32, #tpu.memory_space<hbm>> -> memref<1x4000xf32, #tpu.memory_space<hbm>>
      %dma_wait3A_161 = tpu.memref_squeeze %dma_wait3A_160 : memref<1x4000xf32, #tpu.memory_space<hbm>> -> memref<4000xf32, #tpu.memory_space<hbm>>
      tpu.wait_dma2 semaphore(%arg7 : memref<!tpu.dma_semaphore, #tpu.memory_space<semaphore_mem>>) src(%dma_wait3A_161 : memref<4000xf32, #tpu.memory_space<hbm>>) dst(%dma_wait3A_159 : memref<4000xf32, #tpu.memory_space<vmem>>)
      %mul3A_162 = arith.constant 4000 : i32
      %mul3A_163 = arith.muli %add3A_29, %mul3A_162 : i32
      %dma_wait3A_164 = arith.constant 1 : i32
      %dma_wait3A_165 = arith.constant 1 : i32
      %dma_wait3A_166 = arith.constant 1 : i32
      %dma_wait3A_167 = arith.constant 0 : i32
      %dma_wait3A_168 = tpu.memref_slice %arg4[%dma_wait3A_165, %dma_wait3A_166, %dma_wait3A_167] : memref<2x4x4000xf32, #tpu.memory_space<vmem>> -> memref<1x1x4000xf32, #tpu.memory_space<vmem>>
      %dma_wait3A_169 = tpu.memref_squeeze %dma_wait3A_168 : memref<1x1x4000xf32, #tpu.memory_space<vmem>> -> memref<4000xf32, #tpu.memory_space<vmem>>
      %dma_wait3A_170 = tpu.memref_slice %arg2[%dma_wait3A_164, %mul3A_163] : memref<4x1000000xf32, #tpu.memory_space<hbm>> -> memref<1x4000xf32, #tpu.memory_space<hbm>>
      %dma_wait3A_171 = tpu.memref_squeeze %dma_wait3A_170 : memref<1x4000xf32, #tpu.memory_space<hbm>> -> memref<4000xf32, #tpu.memory_space<hbm>>
      %dma_wait3A_172 = arith.constant 0 : i32
      %dma_wait3A_173 = tpu.memref_slice %arg4[%dma_wait3A_165, %dma_wait3A_166, %dma_wait3A_172] : memref<2x4x4000xf32, #tpu.memory_space<vmem>> -> memref<1x1x4000xf32, #tpu.memory_space<vmem>>
      %dma_wait3A_174 = tpu.memref_squeeze %dma_wait3A_173 : memref<1x1x4000xf32, #tpu.memory_space<vmem>> -> memref<4000xf32, #tpu.memory_space<vmem>>
      %dma_wait3A_175 = tpu.memref_slice %arg2[%dma_wait3A_164, %mul3A_163] : memref<4x1000000xf32, #tpu.memory_space<hbm>> -> memref<1x4000xf32, #tpu.memory_space<hbm>>
      %dma_wait3A_176 = tpu.memref_squeeze %dma_wait3A_175 : memref<1x4000xf32, #tpu.memory_space<hbm>> -> memref<4000xf32, #tpu.memory_space<hbm>>
      tpu.wait_dma2 semaphore(%arg7 : memref<!tpu.dma_semaphore, #tpu.memory_space<semaphore_mem>>) src(%dma_wait3A_176 : memref<4000xf32, #tpu.memory_space<hbm>>) dst(%dma_wait3A_174 : memref<4000xf32, #tpu.memory_space<vmem>>)
      %mul3A_177 = arith.constant 4000 : i32
      %mul3A_178 = arith.muli %add3A_29, %mul3A_177 : i32
      %dma_wait3A_179 = arith.constant 2 : i32
      %dma_wait3A_180 = arith.constant 1 : i32
      %dma_wait3A_181 = arith.constant 2 : i32
      %dma_wait3A_182 = arith.constant 0 : i32
      %dma_wait3A_183 = tpu.memref_slice %arg4[%dma_wait3A_180, %dma_wait3A_181, %dma_wait3A_182] : memref<2x4x4000xf32, #tpu.memory_space<vmem>> -> memref<1x1x4000xf32, #tpu.memory_space<vmem>>
      %dma_wait3A_184 = tpu.memref_squeeze %dma_wait3A_183 : memref<1x1x4000xf32, #tpu.memory_space<vmem>> -> memref<4000xf32, #tpu.memory_space<vmem>>
      %dma_wait3A_185 = tpu.memref_slice %arg2[%dma_wait3A_179, %mul3A_178] : memref<4x1000000xf32, #tpu.memory_space<hbm>> -> memref<1x4000xf32, #tpu.memory_space<hbm>>
      %dma_wait3A_186 = tpu.memref_squeeze %dma_wait3A_185 : memref<1x4000xf32, #tpu.memory_space<hbm>> -> memref<4000xf32, #tpu.memory_space<hbm>>
      %dma_wait3A_187 = arith.constant 0 : i32
      %dma_wait3A_188 = tpu.memref_slice %arg4[%dma_wait3A_180, %dma_wait3A_181, %dma_wait3A_187] : memref<2x4x4000xf32, #tpu.memory_space<vmem>> -> memref<1x1x4000xf32, #tpu.memory_space<vmem>>
      %dma_wait3A_189 = tpu.memref_squeeze %dma_wait3A_188 : memref<1x1x4000xf32, #tpu.memory_space<vmem>> -> memref<4000xf32, #tpu.memory_space<vmem>>
      %dma_wait3A_190 = tpu.memref_slice %arg2[%dma_wait3A_179, %mul3A_178] : memref<4x1000000xf32, #tpu.memory_space<hbm>> -> memref<1x4000xf32, #tpu.memory_space<hbm>>
      %dma_wait3A_191 = tpu.memref_squeeze %dma_wait3A_190 : memref<1x4000xf32, #tpu.memory_space<hbm>> -> memref<4000xf32, #tpu.memory_space<hbm>>
      tpu.wait_dma2 semaphore(%arg7 : memref<!tpu.dma_semaphore, #tpu.memory_space<semaphore_mem>>) src(%dma_wait3A_191 : memref<4000xf32, #tpu.memory_space<hbm>>) dst(%dma_wait3A_189 : memref<4000xf32, #tpu.memory_space<vmem>>)
      %mul3A_192 = arith.constant 4000 : i32
      %mul3A_193 = arith.muli %add3A_29, %mul3A_192 : i32
      %dma_wait3A_194 = arith.constant 3 : i32
      %dma_wait3A_195 = arith.constant 1 : i32
      %dma_wait3A_196 = arith.constant 3 : i32
      %dma_wait3A_197 = arith.constant 0 : i32
      %dma_wait3A_198 = tpu.memref_slice %arg4[%dma_wait3A_195, %dma_wait3A_196, %dma_wait3A_197] : memref<2x4x4000xf32, #tpu.memory_space<vmem>> -> memref<1x1x4000xf32, #tpu.memory_space<vmem>>
      %dma_wait3A_199 = tpu.memref_squeeze %dma_wait3A_198 : memref<1x1x4000xf32, #tpu.memory_space<vmem>> -> memref<4000xf32, #tpu.memory_space<vmem>>
      %dma_wait3A_200 = tpu.memref_slice %arg2[%dma_wait3A_194, %mul3A_193] : memref<4x1000000xf32, #tpu.memory_space<hbm>> -> memref<1x4000xf32, #tpu.memory_space<hbm>>
      %dma_wait3A_201 = tpu.memref_squeeze %dma_wait3A_200 : memref<1x4000xf32, #tpu.memory_space<hbm>> -> memref<4000xf32, #tpu.memory_space<hbm>>
      %dma_wait3A_202 = arith.constant 0 : i32
      %dma_wait3A_203 = tpu.memref_slice %arg4[%dma_wait3A_195, %dma_wait3A_196, %dma_wait3A_202] : memref<2x4x4000xf32, #tpu.memory_space<vmem>> -> memref<1x1x4000xf32, #tpu.memory_space<vmem>>
      %dma_wait3A_204 = tpu.memref_squeeze %dma_wait3A_203 : memref<1x1x4000xf32, #tpu.memory_space<vmem>> -> memref<4000xf32, #tpu.memory_space<vmem>>
      %dma_wait3A_205 = tpu.memref_slice %arg2[%dma_wait3A_194, %mul3A_193] : memref<4x1000000xf32, #tpu.memory_space<hbm>> -> memref<1x4000xf32, #tpu.memory_space<hbm>>
      %dma_wait3A_206 = tpu.memref_squeeze %dma_wait3A_205 : memref<1x4000xf32, #tpu.memory_space<hbm>> -> memref<4000xf32, #tpu.memory_space<hbm>>
      tpu.wait_dma2 semaphore(%arg7 : memref<!tpu.dma_semaphore, #tpu.memory_space<semaphore_mem>>) src(%dma_wait3A_206 : memref<4000xf32, #tpu.memory_space<hbm>>) dst(%dma_wait3A_204 : memref<4000xf32, #tpu.memory_space<vmem>>)
      %scan3A_207 = arith.constant 0 : i32
      %scan3A_208 = arith.constant 0 : i32
      %scan3A_209 = arith.constant 250 : i32
      %scan3A_210 = arith.addi %scan3A_208, %scan3A_209 : i32
      %scan3A_211 = arith.constant 2 : i32
      scf.for %scan3A_225 = %scan3A_208 to %scan3A_210 step %scan3A_211  : i32 {
        %mul3A_226 = arith.constant 16 : i32
        %mul3A_227 = arith.muli %scan3A_225, %mul3A_226 : i32
        %mul3A_228 = arith.constant 8 : i32
        %mul3A_229 = arith.muli %mul3A_227, %mul3A_228 : i32
        %add3A_230 = arith.constant 0 : i32
        %add3A_231 = arith.addi %mul3A_229, %add3A_230 : i32
        %add3A_232 = vector.broadcast %add3A_231 : i32 to vector<16xi32>
        %add3A_233 = arith.addi %mul3A_3, %add3A_232 : vector<16xi32>
        %mul3A_234 = arith.constant 16 : i32
        %mul3A_235 = arith.muli %scan3A_225, %mul3A_234 : i32
        %get3A = arith.constant 1 : i32
        %get3A_236 = arith.constant 0 : i32
        %get3A_237 = arith.index_cast %get3A : i32 to index
        %get3A_238 = arith.index_cast %get3A_236 : i32 to index
        %get3A_239 = arith.index_cast %mul3A_235 : i32 to index
        %get3A_240 = tpu.vector_load %arg4[%get3A_237, %get3A_238, %get3A_239] {strides = array<i32>} : memref<2x4x4000xf32, #tpu.memory_space<vmem>>, vector<16xf32>,
        %scatter3A = arith.constant 1 : i32
        %scatter3A_241 = arith.constant 0 : i32
        %scatter3A_242 = tpu.memref_slice %arg5[%scatter3A, %scatter3A_241] : memref<2x32000xf32, #tpu.memory_space<vmem>> -> memref<1x32000xf32, #tpu.memory_space<vmem>>
        %scatter3A_243 = tpu.memref_squeeze %scatter3A_242 : memref<1x32000xf32, #tpu.memory_space<vmem>> -> memref<32000xf32, #tpu.memory_space<vmem>>
        tpu.vector_store_idx %scatter3A_243[%add3A_233], %get3A_240 : memref<32000xf32, #tpu.memory_space<vmem>>[vector<16xi32>], vector<16xf32>,
        %mul3A_244 = arith.constant 16 : i32
        %mul3A_245 = arith.muli %scan3A_225, %mul3A_244 : i32
        %mul3A_246 = arith.constant 8 : i32
        %mul3A_247 = arith.muli %mul3A_245, %mul3A_246 : i32
        %add3A_248 = arith.constant 1 : i32
        %add3A_249 = arith.addi %mul3A_247, %add3A_248 : i32
        %add3A_250 = vector.broadcast %add3A_249 : i32 to vector<16xi32>
        %add3A_251 = arith.addi %mul3A_3, %add3A_250 : vector<16xi32>
        %mul3A_252 = arith.constant 16 : i32
        %mul3A_253 = arith.muli %scan3A_225, %mul3A_252 : i32
        %get3A_254 = arith.constant 1 : i32
        %get3A_255 = arith.constant 1 : i32
        %get3A_256 = arith.index_cast %get3A_254 : i32 to index
        %get3A_257 = arith.index_cast %get3A_255 : i32 to index
        %get3A_258 = arith.index_cast %mul3A_253 : i32 to index
        %get3A_259 = tpu.vector_load %arg4[%get3A_256, %get3A_257, %get3A_258] {strides = array<i32>} : memref<2x4x4000xf32, #tpu.memory_space<vmem>>, vector<16xf32>,
        %scatter3A_260 = arith.constant 1 : i32
        %scatter3A_261 = arith.constant 0 : i32
        %scatter3A_262 = tpu.memref_slice %arg5[%scatter3A_260, %scatter3A_261] : memref<2x32000xf32, #tpu.memory_space<vmem>> -> memref<1x32000xf32, #tpu.memory_space<vmem>>
        %scatter3A_263 = tpu.memref_squeeze %scatter3A_262 : memref<1x32000xf32, #tpu.memory_space<vmem>> -> memref<32000xf32, #tpu.memory_space<vmem>>
        tpu.vector_store_idx %scatter3A_263[%add3A_251], %get3A_259 : memref<32000xf32, #tpu.memory_space<vmem>>[vector<16xi32>], vector<16xf32>,
        %mul3A_264 = arith.constant 16 : i32
        %mul3A_265 = arith.muli %scan3A_225, %mul3A_264 : i32
        %mul3A_266 = arith.constant 8 : i32
        %mul3A_267 = arith.muli %mul3A_265, %mul3A_266 : i32
        %add3A_268 = arith.constant 2 : i32
        %add3A_269 = arith.addi %mul3A_267, %add3A_268 : i32
        %add3A_270 = vector.broadcast %add3A_269 : i32 to vector<16xi32>
        %add3A_271 = arith.addi %mul3A_3, %add3A_270 : vector<16xi32>
        %mul3A_272 = arith.constant 16 : i32
        %mul3A_273 = arith.muli %scan3A_225, %mul3A_272 : i32
        %get3A_274 = arith.constant 1 : i32
        %get3A_275 = arith.constant 2 : i32
        %get3A_276 = arith.index_cast %get3A_274 : i32 to index
        %get3A_277 = arith.index_cast %get3A_275 : i32 to index
        %get3A_278 = arith.index_cast %mul3A_273 : i32 to index
        %get3A_279 = tpu.vector_load %arg4[%get3A_276, %get3A_277, %get3A_278] {strides = array<i32>} : memref<2x4x4000xf32, #tpu.memory_space<vmem>>, vector<16xf32>,
        %scatter3A_280 = arith.constant 1 : i32
        %scatter3A_281 = arith.constant 0 : i32
        %scatter3A_282 = tpu.memref_slice %arg5[%scatter3A_280, %scatter3A_281] : memref<2x32000xf32, #tpu.memory_space<vmem>> -> memref<1x32000xf32, #tpu.memory_space<vmem>>
        %scatter3A_283 = tpu.memref_squeeze %scatter3A_282 : memref<1x32000xf32, #tpu.memory_space<vmem>> -> memref<32000xf32, #tpu.memory_space<vmem>>
        tpu.vector_store_idx %scatter3A_283[%add3A_271], %get3A_279 : memref<32000xf32, #tpu.memory_space<vmem>>[vector<16xi32>], vector<16xf32>,
        %mul3A_284 = arith.constant 16 : i32
        %mul3A_285 = arith.muli %scan3A_225, %mul3A_284 : i32
        %mul3A_286 = arith.constant 8 : i32
        %mul3A_287 = arith.muli %mul3A_285, %mul3A_286 : i32
        %add3A_288 = arith.constant 3 : i32
        %add3A_289 = arith.addi %mul3A_287, %add3A_288 : i32
        %add3A_290 = vector.broadcast %add3A_289 : i32 to vector<16xi32>
        %add3A_291 = arith.addi %mul3A_3, %add3A_290 : vector<16xi32>
        %mul3A_292 = arith.constant 16 : i32
        %mul3A_293 = arith.muli %scan3A_225, %mul3A_292 : i32
        %get3A_294 = arith.constant 1 : i32
        %get3A_295 = arith.constant 3 : i32
        %get3A_296 = arith.index_cast %get3A_294 : i32 to index
        %get3A_297 = arith.index_cast %get3A_295 : i32 to index
        %get3A_298 = arith.index_cast %mul3A_293 : i32 to index
        %get3A_299 = tpu.vector_load %arg4[%get3A_296, %get3A_297, %get3A_298] {strides = array<i32>} : memref<2x4x4000xf32, #tpu.memory_space<vmem>>, vector<16xf32>,
        %scatter3A_300 = arith.constant 1 : i32
        %scatter3A_301 = arith.constant 0 : i32
        %scatter3A_302 = tpu.memref_slice %arg5[%scatter3A_300, %scatter3A_301] : memref<2x32000xf32, #tpu.memory_space<vmem>> -> memref<1x32000xf32, #tpu.memory_space<vmem>>
        %scatter3A_303 = tpu.memref_squeeze %scatter3A_302 : memref<1x32000xf32, #tpu.memory_space<vmem>> -> memref<32000xf32, #tpu.memory_space<vmem>>
        tpu.vector_store_idx %scatter3A_303[%add3A_291], %get3A_299 : memref<32000xf32, #tpu.memory_space<vmem>>[vector<16xi32>], vector<16xf32>,
        %scan3A_304 = arith.constant 1 : i32
        %scan3A_305 = arith.addi %scan3A_225, %scan3A_304 : i32
        %mul3A_306 = arith.constant 16 : i32
        %mul3A_307 = arith.muli %scan3A_305, %mul3A_306 : i32
        %mul3A_308 = arith.constant 8 : i32
        %mul3A_309 = arith.muli %mul3A_307, %mul3A_308 : i32
        %add3A_310 = arith.constant 0 : i32
        %add3A_311 = arith.addi %mul3A_309, %add3A_310 : i32
        %add3A_312 = vector.broadcast %add3A_311 : i32 to vector<16xi32>
        %add3A_313 = arith.addi %mul3A_3, %add3A_312 : vector<16xi32>
        %mul3A_314 = arith.constant 16 : i32
        %mul3A_315 = arith.muli %scan3A_305, %mul3A_314 : i32
        %get3A_316 = arith.constant 1 : i32
        %get3A_317 = arith.constant 0 : i32
        %get3A_318 = arith.index_cast %get3A_316 : i32 to index
        %get3A_319 = arith.index_cast %get3A_317 : i32 to index
        %get3A_320 = arith.index_cast %mul3A_315 : i32 to index
        %get3A_321 = tpu.vector_load %arg4[%get3A_318, %get3A_319, %get3A_320] {strides = array<i32>} : memref<2x4x4000xf32, #tpu.memory_space<vmem>>, vector<16xf32>,
        %scatter3A_322 = arith.constant 1 : i32
        %scatter3A_323 = arith.constant 0 : i32
        %scatter3A_324 = tpu.memref_slice %arg5[%scatter3A_322, %scatter3A_323] : memref<2x32000xf32, #tpu.memory_space<vmem>> -> memref<1x32000xf32, #tpu.memory_space<vmem>>
        %scatter3A_325 = tpu.memref_squeeze %scatter3A_324 : memref<1x32000xf32, #tpu.memory_space<vmem>> -> memref<32000xf32, #tpu.memory_space<vmem>>
        tpu.vector_store_idx %scatter3A_325[%add3A_313], %get3A_321 : memref<32000xf32, #tpu.memory_space<vmem>>[vector<16xi32>], vector<16xf32>,
        %mul3A_326 = arith.constant 16 : i32
        %mul3A_327 = arith.muli %scan3A_305, %mul3A_326 : i32
        %mul3A_328 = arith.constant 8 : i32
        %mul3A_329 = arith.muli %mul3A_327, %mul3A_328 : i32
        %add3A_330 = arith.constant 1 : i32
        %add3A_331 = arith.addi %mul3A_329, %add3A_330 : i32
        %add3A_332 = vector.broadcast %add3A_331 : i32 to vector<16xi32>
        %add3A_333 = arith.addi %mul3A_3, %add3A_332 : vector<16xi32>
        %mul3A_334 = arith.constant 16 : i32
        %mul3A_335 = arith.muli %scan3A_305, %mul3A_334 : i32
        %get3A_336 = arith.constant 1 : i32
        %get3A_337 = arith.constant 1 : i32
        %get3A_338 = arith.index_cast %get3A_336 : i32 to index
        %get3A_339 = arith.index_cast %get3A_337 : i32 to index
        %get3A_340 = arith.index_cast %mul3A_335 : i32 to index
        %get3A_341 = tpu.vector_load %arg4[%get3A_338, %get3A_339, %get3A_340] {strides = array<i32>} : memref<2x4x4000xf32, #tpu.memory_space<vmem>>, vector<16xf32>,
        %scatter3A_342 = arith.constant 1 : i32
        %scatter3A_343 = arith.constant 0 : i32
        %scatter3A_344 = tpu.memref_slice %arg5[%scatter3A_342, %scatter3A_343] : memref<2x32000xf32, #tpu.memory_space<vmem>> -> memref<1x32000xf32, #tpu.memory_space<vmem>>
        %scatter3A_345 = tpu.memref_squeeze %scatter3A_344 : memref<1x32000xf32, #tpu.memory_space<vmem>> -> memref<32000xf32, #tpu.memory_space<vmem>>
        tpu.vector_store_idx %scatter3A_345[%add3A_333], %get3A_341 : memref<32000xf32, #tpu.memory_space<vmem>>[vector<16xi32>], vector<16xf32>,
        %mul3A_346 = arith.constant 16 : i32
        %mul3A_347 = arith.muli %scan3A_305, %mul3A_346 : i32
        %mul3A_348 = arith.constant 8 : i32
        %mul3A_349 = arith.muli %mul3A_347, %mul3A_348 : i32
        %add3A_350 = arith.constant 2 : i32
        %add3A_351 = arith.addi %mul3A_349, %add3A_350 : i32
        %add3A_352 = vector.broadcast %add3A_351 : i32 to vector<16xi32>
        %add3A_353 = arith.addi %mul3A_3, %add3A_352 : vector<16xi32>
        %mul3A_354 = arith.constant 16 : i32
        %mul3A_355 = arith.muli %scan3A_305, %mul3A_354 : i32
        %get3A_356 = arith.constant 1 : i32
        %get3A_357 = arith.constant 2 : i32
        %get3A_358 = arith.index_cast %get3A_356 : i32 to index
        %get3A_359 = arith.index_cast %get3A_357 : i32 to index
        %get3A_360 = arith.index_cast %mul3A_355 : i32 to index
        %get3A_361 = tpu.vector_load %arg4[%get3A_358, %get3A_359, %get3A_360] {strides = array<i32>} : memref<2x4x4000xf32, #tpu.memory_space<vmem>>, vector<16xf32>,
        %scatter3A_362 = arith.constant 1 : i32
        %scatter3A_363 = arith.constant 0 : i32
        %scatter3A_364 = tpu.memref_slice %arg5[%scatter3A_362, %scatter3A_363] : memref<2x32000xf32, #tpu.memory_space<vmem>> -> memref<1x32000xf32, #tpu.memory_space<vmem>>
        %scatter3A_365 = tpu.memref_squeeze %scatter3A_364 : memref<1x32000xf32, #tpu.memory_space<vmem>> -> memref<32000xf32, #tpu.memory_space<vmem>>
        tpu.vector_store_idx %scatter3A_365[%add3A_353], %get3A_361 : memref<32000xf32, #tpu.memory_space<vmem>>[vector<16xi32>], vector<16xf32>,
        %mul3A_366 = arith.constant 16 : i32
        %mul3A_367 = arith.muli %scan3A_305, %mul3A_366 : i32
        %mul3A_368 = arith.constant 8 : i32
        %mul3A_369 = arith.muli %mul3A_367, %mul3A_368 : i32
        %add3A_370 = arith.constant 3 : i32
        %add3A_371 = arith.addi %mul3A_369, %add3A_370 : i32
        %add3A_372 = vector.broadcast %add3A_371 : i32 to vector<16xi32>
        %add3A_373 = arith.addi %mul3A_3, %add3A_372 : vector<16xi32>
        %mul3A_374 = arith.constant 16 : i32
        %mul3A_375 = arith.muli %scan3A_305, %mul3A_374 : i32
        %get3A_376 = arith.constant 1 : i32
        %get3A_377 = arith.constant 3 : i32
        %get3A_378 = arith.index_cast %get3A_376 : i32 to index
        %get3A_379 = arith.index_cast %get3A_377 : i32 to index
        %get3A_380 = arith.index_cast %mul3A_375 : i32 to index
        %get3A_381 = tpu.vector_load %arg4[%get3A_378, %get3A_379, %get3A_380] {strides = array<i32>} : memref<2x4x4000xf32, #tpu.memory_space<vmem>>, vector<16xf32>,
        %scatter3A_382 = arith.constant 1 : i32
        %scatter3A_383 = arith.constant 0 : i32
        %scatter3A_384 = tpu.memref_slice %arg5[%scatter3A_382, %scatter3A_383] : memref<2x32000xf32, #tpu.memory_space<vmem>> -> memref<1x32000xf32, #tpu.memory_space<vmem>>
        %scatter3A_385 = tpu.memref_squeeze %scatter3A_384 : memref<1x32000xf32, #tpu.memory_space<vmem>> -> memref<32000xf32, #tpu.memory_space<vmem>>
        tpu.vector_store_idx %scatter3A_385[%add3A_373], %get3A_381 : memref<32000xf32, #tpu.memory_space<vmem>>[vector<16xi32>], vector<16xf32>,
      }
      %scan3A_212 = arith.constant 250 : i32
      %mul3A_213 = arith.constant 4000 : i32
      %mul3A_214 = arith.muli %add3A_29, %mul3A_213 : i32
      %mul3A_215 = arith.constant 8 : i32
      %mul3A_216 = arith.muli %mul3A_214, %mul3A_215 : i32
      %dma_start3A = arith.constant 1 : i32
      %dma_start3A_217 = arith.constant 0 : i32
      %dma_start3A_218 = tpu.memref_slice %arg5[%dma_start3A, %dma_start3A_217] : memref<2x32000xf32, #tpu.memory_space<vmem>> -> memref<1x32000xf32, #tpu.memory_space<vmem>>
      %dma_start3A_219 = tpu.memref_squeeze %dma_start3A_218 : memref<1x32000xf32, #tpu.memory_space<vmem>> -> memref<32000xf32, #tpu.memory_space<vmem>>
      %dma_start3A_220 = tpu.memref_slice %arg3[%mul3A_216] : memref<8000000xf32, #tpu.memory_space<hbm>> -> memref<32000xf32, #tpu.memory_space<hbm>>
      %dma_start3A_221 = tpu.memref_slice %arg3[%mul3A_216] : memref<8000000xf32, #tpu.memory_space<hbm>> -> memref<32000xf32, #tpu.memory_space<hbm>>
      %dma_start3A_222 = arith.constant 0 : i32
      %dma_start3A_223 = tpu.memref_slice %arg5[%dma_start3A, %dma_start3A_222] : memref<2x32000xf32, #tpu.memory_space<vmem>> -> memref<1x32000xf32, #tpu.memory_space<vmem>>
      %dma_start3A_224 = tpu.memref_squeeze %dma_start3A_223 : memref<1x32000xf32, #tpu.memory_space<vmem>> -> memref<32000xf32, #tpu.memory_space<vmem>>
      tpu.enqueue_dma source(%dma_start3A_224 : memref<32000xf32, #tpu.memory_space<vmem>>) target(%dma_start3A_221 : memref<32000xf32, #tpu.memory_space<hbm>>) target_semaphore(%arg9 : memref<!tpu.dma_semaphore, #tpu.memory_space<semaphore_mem>>)
    } else {
    }
    %add3A_42 = arith.constant 64 : i32
    %add3A_43 = arith.addi %add3A, %add3A_42 : i32
    %add3A_44 = arith.constant 96 : i32
    %add3A_45 = arith.addi %add3A, %add3A_44 : i32
    %lt3A_46 = arith.constant 250 : i32
    %lt3A_47 = arith.cmpi slt, %add3A_45, %lt3A_46 : i32
    %convert_element_type3A_48 = arith.extui %lt3A_47 : i1 to i32
    %cond3A_49 = arith.constant 0 : i32
    %cond3A_50 = arith.cmpi ne, %convert_element_type3A_48, %cond3A_49 : i32
    scf.if %cond3A_50 {
      %mul3A_147 = arith.constant 4000 : i32
      %mul3A_148 = arith.muli %add3A_45, %mul3A_147 : i32
      %dma_start3A = arith.constant 0 : i32
      %dma_start3A_149 = arith.constant 1 : i32
      %dma_start3A_150 = arith.constant 0 : i32
      %dma_start3A_151 = arith.constant 0 : i32
      %dma_start3A_152 = tpu.memref_slice %arg4[%dma_start3A_149, %dma_start3A_150, %dma_start3A_151] : memref<2x4x4000xf32, #tpu.memory_space<vmem>> -> memref<1x1x4000xf32, #tpu.memory_space<vmem>>
      %dma_start3A_153 = tpu.memref_squeeze %dma_start3A_152 : memref<1x1x4000xf32, #tpu.memory_space<vmem>> -> memref<4000xf32, #tpu.memory_space<vmem>>
      %dma_start3A_154 = tpu.memref_slice %arg2[%dma_start3A, %mul3A_148] : memref<4x1000000xf32, #tpu.memory_space<hbm>> -> memref<1x4000xf32, #tpu.memory_space<hbm>>
      %dma_start3A_155 = tpu.memref_squeeze %dma_start3A_154 : memref<1x4000xf32, #tpu.memory_space<hbm>> -> memref<4000xf32, #tpu.memory_space<hbm>>
      %dma_start3A_156 = arith.constant 0 : i32
      %dma_start3A_157 = tpu.memref_slice %arg4[%dma_start3A_149, %dma_start3A_150, %dma_start3A_156] : memref<2x4x4000xf32, #tpu.memory_space<vmem>> -> memref<1x1x4000xf32, #tpu.memory_space<vmem>>
      %dma_start3A_158 = tpu.memref_squeeze %dma_start3A_157 : memref<1x1x4000xf32, #tpu.memory_space<vmem>> -> memref<4000xf32, #tpu.memory_space<vmem>>
      %dma_start3A_159 = tpu.memref_slice %arg2[%dma_start3A, %mul3A_148] : memref<4x1000000xf32, #tpu.memory_space<hbm>> -> memref<1x4000xf32, #tpu.memory_space<hbm>>
      %dma_start3A_160 = tpu.memref_squeeze %dma_start3A_159 : memref<1x4000xf32, #tpu.memory_space<hbm>> -> memref<4000xf32, #tpu.memory_space<hbm>>
      tpu.enqueue_dma source(%dma_start3A_160 : memref<4000xf32, #tpu.memory_space<hbm>>) target(%dma_start3A_158 : memref<4000xf32, #tpu.memory_space<vmem>>) target_semaphore(%arg7 : memref<!tpu.dma_semaphore, #tpu.memory_space<semaphore_mem>>)
      %mul3A_161 = arith.constant 4000 : i32
      %mul3A_162 = arith.muli %add3A_45, %mul3A_161 : i32
      %dma_start3A_163 = arith.constant 1 : i32
      %dma_start3A_164 = arith.constant 1 : i32
      %dma_start3A_165 = arith.constant 1 : i32
      %dma_start3A_166 = arith.constant 0 : i32
      %dma_start3A_167 = tpu.memref_slice %arg4[%dma_start3A_164, %dma_start3A_165, %dma_start3A_166] : memref<2x4x4000xf32, #tpu.memory_space<vmem>> -> memref<1x1x4000xf32, #tpu.memory_space<vmem>>
      %dma_start3A_168 = tpu.memref_squeeze %dma_start3A_167 : memref<1x1x4000xf32, #tpu.memory_space<vmem>> -> memref<4000xf32, #tpu.memory_space<vmem>>
      %dma_start3A_169 = tpu.memref_slice %arg2[%dma_start3A_163, %mul3A_162] : memref<4x1000000xf32, #tpu.memory_space<hbm>> -> memref<1x4000xf32, #tpu.memory_space<hbm>>
      %dma_start3A_170 = tpu.memref_squeeze %dma_start3A_169 : memref<1x4000xf32, #tpu.memory_space<hbm>> -> memref<4000xf32, #tpu.memory_space<hbm>>
      %dma_start3A_171 = arith.constant 0 : i32
      %dma_start3A_172 = tpu.memref_slice %arg4[%dma_start3A_164, %dma_start3A_165, %dma_start3A_171] : memref<2x4x4000xf32, #tpu.memory_space<vmem>> -> memref<1x1x4000xf32, #tpu.memory_space<vmem>>
      %dma_start3A_173 = tpu.memref_squeeze %dma_start3A_172 : memref<1x1x4000xf32, #tpu.memory_space<vmem>> -> memref<4000xf32, #tpu.memory_space<vmem>>
      %dma_start3A_174 = tpu.memref_slice %arg2[%dma_start3A_163, %mul3A_162] : memref<4x1000000xf32, #tpu.memory_space<hbm>> -> memref<1x4000xf32, #tpu.memory_space<hbm>>
      %dma_start3A_175 = tpu.memref_squeeze %dma_start3A_174 : memref<1x4000xf32, #tpu.memory_space<hbm>> -> memref<4000xf32, #tpu.memory_space<hbm>>
      tpu.enqueue_dma source(%dma_start3A_175 : memref<4000xf32, #tpu.memory_space<hbm>>) target(%dma_start3A_173 : memref<4000xf32, #tpu.memory_space<vmem>>) target_semaphore(%arg7 : memref<!tpu.dma_semaphore, #tpu.memory_space<semaphore_mem>>)
      %mul3A_176 = arith.constant 4000 : i32
      %mul3A_177 = arith.muli %add3A_45, %mul3A_176 : i32
      %dma_start3A_178 = arith.constant 2 : i32
      %dma_start3A_179 = arith.constant 1 : i32
      %dma_start3A_180 = arith.constant 2 : i32
      %dma_start3A_181 = arith.constant 0 : i32
      %dma_start3A_182 = tpu.memref_slice %arg4[%dma_start3A_179, %dma_start3A_180, %dma_start3A_181] : memref<2x4x4000xf32, #tpu.memory_space<vmem>> -> memref<1x1x4000xf32, #tpu.memory_space<vmem>>
      %dma_start3A_183 = tpu.memref_squeeze %dma_start3A_182 : memref<1x1x4000xf32, #tpu.memory_space<vmem>> -> memref<4000xf32, #tpu.memory_space<vmem>>
      %dma_start3A_184 = tpu.memref_slice %arg2[%dma_start3A_178, %mul3A_177] : memref<4x1000000xf32, #tpu.memory_space<hbm>> -> memref<1x4000xf32, #tpu.memory_space<hbm>>
      %dma_start3A_185 = tpu.memref_squeeze %dma_start3A_184 : memref<1x4000xf32, #tpu.memory_space<hbm>> -> memref<4000xf32, #tpu.memory_space<hbm>>
      %dma_start3A_186 = arith.constant 0 : i32
      %dma_start3A_187 = tpu.memref_slice %arg4[%dma_start3A_179, %dma_start3A_180, %dma_start3A_186] : memref<2x4x4000xf32, #tpu.memory_space<vmem>> -> memref<1x1x4000xf32, #tpu.memory_space<vmem>>
      %dma_start3A_188 = tpu.memref_squeeze %dma_start3A_187 : memref<1x1x4000xf32, #tpu.memory_space<vmem>> -> memref<4000xf32, #tpu.memory_space<vmem>>
      %dma_start3A_189 = tpu.memref_slice %arg2[%dma_start3A_178, %mul3A_177] : memref<4x1000000xf32, #tpu.memory_space<hbm>> -> memref<1x4000xf32, #tpu.memory_space<hbm>>
      %dma_start3A_190 = tpu.memref_squeeze %dma_start3A_189 : memref<1x4000xf32, #tpu.memory_space<hbm>> -> memref<4000xf32, #tpu.memory_space<hbm>>
      tpu.enqueue_dma source(%dma_start3A_190 : memref<4000xf32, #tpu.memory_space<hbm>>) target(%dma_start3A_188 : memref<4000xf32, #tpu.memory_space<vmem>>) target_semaphore(%arg7 : memref<!tpu.dma_semaphore, #tpu.memory_space<semaphore_mem>>)
      %mul3A_191 = arith.constant 4000 : i32
      %mul3A_192 = arith.muli %add3A_45, %mul3A_191 : i32
      %dma_start3A_193 = arith.constant 3 : i32
      %dma_start3A_194 = arith.constant 1 : i32
      %dma_start3A_195 = arith.constant 3 : i32
      %dma_start3A_196 = arith.constant 0 : i32
      %dma_start3A_197 = tpu.memref_slice %arg4[%dma_start3A_194, %dma_start3A_195, %dma_start3A_196] : memref<2x4x4000xf32, #tpu.memory_space<vmem>> -> memref<1x1x4000xf32, #tpu.memory_space<vmem>>
      %dma_start3A_198 = tpu.memref_squeeze %dma_start3A_197 : memref<1x1x4000xf32, #tpu.memory_space<vmem>> -> memref<4000xf32, #tpu.memory_space<vmem>>
      %dma_start3A_199 = tpu.memref_slice %arg2[%dma_start3A_193, %mul3A_192] : memref<4x1000000xf32, #tpu.memory_space<hbm>> -> memref<1x4000xf32, #tpu.memory_space<hbm>>
      %dma_start3A_200 = tpu.memref_squeeze %dma_start3A_199 : memref<1x4000xf32, #tpu.memory_space<hbm>> -> memref<4000xf32, #tpu.memory_space<hbm>>
      %dma_start3A_201 = arith.constant 0 : i32
      %dma_start3A_202 = tpu.memref_slice %arg4[%dma_start3A_194, %dma_start3A_195, %dma_start3A_201] : memref<2x4x4000xf32, #tpu.memory_space<vmem>> -> memref<1x1x4000xf32, #tpu.memory_space<vmem>>
      %dma_start3A_203 = tpu.memref_squeeze %dma_start3A_202 : memref<1x1x4000xf32, #tpu.memory_space<vmem>> -> memref<4000xf32, #tpu.memory_space<vmem>>
      %dma_start3A_204 = tpu.memref_slice %arg2[%dma_start3A_193, %mul3A_192] : memref<4x1000000xf32, #tpu.memory_space<hbm>> -> memref<1x4000xf32, #tpu.memory_space<hbm>>
      %dma_start3A_205 = tpu.memref_squeeze %dma_start3A_204 : memref<1x4000xf32, #tpu.memory_space<hbm>> -> memref<4000xf32, #tpu.memory_space<hbm>>
      tpu.enqueue_dma source(%dma_start3A_205 : memref<4000xf32, #tpu.memory_space<hbm>>) target(%dma_start3A_203 : memref<4000xf32, #tpu.memory_space<vmem>>) target_semaphore(%arg7 : memref<!tpu.dma_semaphore, #tpu.memory_space<semaphore_mem>>)
    } else {
    }
    %lt3A_51 = arith.constant 250 : i32
    %lt3A_52 = arith.cmpi slt, %add3A_43, %lt3A_51 : i32
    %convert_element_type3A_53 = arith.extui %lt3A_52 : i1 to i32
    %cond3A_54 = arith.constant 0 : i32
    %cond3A_55 = arith.cmpi ne, %convert_element_type3A_53, %cond3A_54 : i32
    scf.if %cond3A_55 {
      %mul3A_147 = arith.constant 4000 : i32
      %mul3A_148 = arith.muli %add3A_43, %mul3A_147 : i32
      %dma_wait3A_149 = arith.constant 0 : i32
      %dma_wait3A_150 = arith.constant 0 : i32
      %dma_wait3A_151 = arith.constant 0 : i32
      %dma_wait3A_152 = arith.constant 0 : i32
      %dma_wait3A_153 = tpu.memref_slice %arg4[%dma_wait3A_150, %dma_wait3A_151, %dma_wait3A_152] : memref<2x4x4000xf32, #tpu.memory_space<vmem>> -> memref<1x1x4000xf32, #tpu.memory_space<vmem>>
      %dma_wait3A_154 = tpu.memref_squeeze %dma_wait3A_153 : memref<1x1x4000xf32, #tpu.memory_space<vmem>> -> memref<4000xf32, #tpu.memory_space<vmem>>
      %dma_wait3A_155 = tpu.memref_slice %arg2[%dma_wait3A_149, %mul3A_148] : memref<4x1000000xf32, #tpu.memory_space<hbm>> -> memref<1x4000xf32, #tpu.memory_space<hbm>>
      %dma_wait3A_156 = tpu.memref_squeeze %dma_wait3A_155 : memref<1x4000xf32, #tpu.memory_space<hbm>> -> memref<4000xf32, #tpu.memory_space<hbm>>
      %dma_wait3A_157 = arith.constant 0 : i32
      %dma_wait3A_158 = tpu.memref_slice %arg4[%dma_wait3A_150, %dma_wait3A_151, %dma_wait3A_157] : memref<2x4x4000xf32, #tpu.memory_space<vmem>> -> memref<1x1x4000xf32, #tpu.memory_space<vmem>>
      %dma_wait3A_159 = tpu.memref_squeeze %dma_wait3A_158 : memref<1x1x4000xf32, #tpu.memory_space<vmem>> -> memref<4000xf32, #tpu.memory_space<vmem>>
      %dma_wait3A_160 = tpu.memref_slice %arg2[%dma_wait3A_149, %mul3A_148] : memref<4x1000000xf32, #tpu.memory_space<hbm>> -> memref<1x4000xf32, #tpu.memory_space<hbm>>
      %dma_wait3A_161 = tpu.memref_squeeze %dma_wait3A_160 : memref<1x4000xf32, #tpu.memory_space<hbm>> -> memref<4000xf32, #tpu.memory_space<hbm>>
      tpu.wait_dma2 semaphore(%arg6 : memref<!tpu.dma_semaphore, #tpu.memory_space<semaphore_mem>>) src(%dma_wait3A_161 : memref<4000xf32, #tpu.memory_space<hbm>>) dst(%dma_wait3A_159 : memref<4000xf32, #tpu.memory_space<vmem>>)
      %mul3A_162 = arith.constant 4000 : i32
      %mul3A_163 = arith.muli %add3A_43, %mul3A_162 : i32
      %dma_wait3A_164 = arith.constant 1 : i32
      %dma_wait3A_165 = arith.constant 0 : i32
      %dma_wait3A_166 = arith.constant 1 : i32
      %dma_wait3A_167 = arith.constant 0 : i32
      %dma_wait3A_168 = tpu.memref_slice %arg4[%dma_wait3A_165, %dma_wait3A_166, %dma_wait3A_167] : memref<2x4x4000xf32, #tpu.memory_space<vmem>> -> memref<1x1x4000xf32, #tpu.memory_space<vmem>>
      %dma_wait3A_169 = tpu.memref_squeeze %dma_wait3A_168 : memref<1x1x4000xf32, #tpu.memory_space<vmem>> -> memref<4000xf32, #tpu.memory_space<vmem>>
      %dma_wait3A_170 = tpu.memref_slice %arg2[%dma_wait3A_164, %mul3A_163] : memref<4x1000000xf32, #tpu.memory_space<hbm>> -> memref<1x4000xf32, #tpu.memory_space<hbm>>
      %dma_wait3A_171 = tpu.memref_squeeze %dma_wait3A_170 : memref<1x4000xf32, #tpu.memory_space<hbm>> -> memref<4000xf32, #tpu.memory_space<hbm>>
      %dma_wait3A_172 = arith.constant 0 : i32
      %dma_wait3A_173 = tpu.memref_slice %arg4[%dma_wait3A_165, %dma_wait3A_166, %dma_wait3A_172] : memref<2x4x4000xf32, #tpu.memory_space<vmem>> -> memref<1x1x4000xf32, #tpu.memory_space<vmem>>
      %dma_wait3A_174 = tpu.memref_squeeze %dma_wait3A_173 : memref<1x1x4000xf32, #tpu.memory_space<vmem>> -> memref<4000xf32, #tpu.memory_space<vmem>>
      %dma_wait3A_175 = tpu.memref_slice %arg2[%dma_wait3A_164, %mul3A_163] : memref<4x1000000xf32, #tpu.memory_space<hbm>> -> memref<1x4000xf32, #tpu.memory_space<hbm>>
      %dma_wait3A_176 = tpu.memref_squeeze %dma_wait3A_175 : memref<1x4000xf32, #tpu.memory_space<hbm>> -> memref<4000xf32, #tpu.memory_space<hbm>>
      tpu.wait_dma2 semaphore(%arg6 : memref<!tpu.dma_semaphore, #tpu.memory_space<semaphore_mem>>) src(%dma_wait3A_176 : memref<4000xf32, #tpu.memory_space<hbm>>) dst(%dma_wait3A_174 : memref<4000xf32, #tpu.memory_space<vmem>>)
      %mul3A_177 = arith.constant 4000 : i32
      %mul3A_178 = arith.muli %add3A_43, %mul3A_177 : i32
      %dma_wait3A_179 = arith.constant 2 : i32
      %dma_wait3A_180 = arith.constant 0 : i32
      %dma_wait3A_181 = arith.constant 2 : i32
      %dma_wait3A_182 = arith.constant 0 : i32
      %dma_wait3A_183 = tpu.memref_slice %arg4[%dma_wait3A_180, %dma_wait3A_181, %dma_wait3A_182] : memref<2x4x4000xf32, #tpu.memory_space<vmem>> -> memref<1x1x4000xf32, #tpu.memory_space<vmem>>
      %dma_wait3A_184 = tpu.memref_squeeze %dma_wait3A_183 : memref<1x1x4000xf32, #tpu.memory_space<vmem>> -> memref<4000xf32, #tpu.memory_space<vmem>>
      %dma_wait3A_185 = tpu.memref_slice %arg2[%dma_wait3A_179, %mul3A_178] : memref<4x1000000xf32, #tpu.memory_space<hbm>> -> memref<1x4000xf32, #tpu.memory_space<hbm>>
      %dma_wait3A_186 = tpu.memref_squeeze %dma_wait3A_185 : memref<1x4000xf32, #tpu.memory_space<hbm>> -> memref<4000xf32, #tpu.memory_space<hbm>>
      %dma_wait3A_187 = arith.constant 0 : i32
      %dma_wait3A_188 = tpu.memref_slice %arg4[%dma_wait3A_180, %dma_wait3A_181, %dma_wait3A_187] : memref<2x4x4000xf32, #tpu.memory_space<vmem>> -> memref<1x1x4000xf32, #tpu.memory_space<vmem>>
      %dma_wait3A_189 = tpu.memref_squeeze %dma_wait3A_188 : memref<1x1x4000xf32, #tpu.memory_space<vmem>> -> memref<4000xf32, #tpu.memory_space<vmem>>
      %dma_wait3A_190 = tpu.memref_slice %arg2[%dma_wait3A_179, %mul3A_178] : memref<4x1000000xf32, #tpu.memory_space<hbm>> -> memref<1x4000xf32, #tpu.memory_space<hbm>>
      %dma_wait3A_191 = tpu.memref_squeeze %dma_wait3A_190 : memref<1x4000xf32, #tpu.memory_space<hbm>> -> memref<4000xf32, #tpu.memory_space<hbm>>
      tpu.wait_dma2 semaphore(%arg6 : memref<!tpu.dma_semaphore, #tpu.memory_space<semaphore_mem>>) src(%dma_wait3A_191 : memref<4000xf32, #tpu.memory_space<hbm>>) dst(%dma_wait3A_189 : memref<4000xf32, #tpu.memory_space<vmem>>)
      %mul3A_192 = arith.constant 4000 : i32
      %mul3A_193 = arith.muli %add3A_43, %mul3A_192 : i32
      %dma_wait3A_194 = arith.constant 3 : i32
      %dma_wait3A_195 = arith.constant 0 : i32
      %dma_wait3A_196 = arith.constant 3 : i32
      %dma_wait3A_197 = arith.constant 0 : i32
      %dma_wait3A_198 = tpu.memref_slice %arg4[%dma_wait3A_195, %dma_wait3A_196, %dma_wait3A_197] : memref<2x4x4000xf32, #tpu.memory_space<vmem>> -> memref<1x1x4000xf32, #tpu.memory_space<vmem>>
      %dma_wait3A_199 = tpu.memref_squeeze %dma_wait3A_198 : memref<1x1x4000xf32, #tpu.memory_space<vmem>> -> memref<4000xf32, #tpu.memory_space<vmem>>
      %dma_wait3A_200 = tpu.memref_slice %arg2[%dma_wait3A_194, %mul3A_193] : memref<4x1000000xf32, #tpu.memory_space<hbm>> -> memref<1x4000xf32, #tpu.memory_space<hbm>>
      %dma_wait3A_201 = tpu.memref_squeeze %dma_wait3A_200 : memref<1x4000xf32, #tpu.memory_space<hbm>> -> memref<4000xf32, #tpu.memory_space<hbm>>
      %dma_wait3A_202 = arith.constant 0 : i32
      %dma_wait3A_203 = tpu.memref_slice %arg4[%dma_wait3A_195, %dma_wait3A_196, %dma_wait3A_202] : memref<2x4x4000xf32, #tpu.memory_space<vmem>> -> memref<1x1x4000xf32, #tpu.memory_space<vmem>>
      %dma_wait3A_204 = tpu.memref_squeeze %dma_wait3A_203 : memref<1x1x4000xf32, #tpu.memory_space<vmem>> -> memref<4000xf32, #tpu.memory_space<vmem>>
      %dma_wait3A_205 = tpu.memref_slice %arg2[%dma_wait3A_194, %mul3A_193] : memref<4x1000000xf32, #tpu.memory_space<hbm>> -> memref<1x4000xf32, #tpu.memory_space<hbm>>
      %dma_wait3A_206 = tpu.memref_squeeze %dma_wait3A_205 : memref<1x4000xf32, #tpu.memory_space<hbm>> -> memref<4000xf32, #tpu.memory_space<hbm>>
      tpu.wait_dma2 semaphore(%arg6 : memref<!tpu.dma_semaphore, #tpu.memory_space<semaphore_mem>>) src(%dma_wait3A_206 : memref<4000xf32, #tpu.memory_space<hbm>>) dst(%dma_wait3A_204 : memref<4000xf32, #tpu.memory_space<vmem>>)
      %mul3A_207 = arith.constant 4000 : i32
      %mul3A_208 = arith.muli %add3A_43, %mul3A_207 : i32
      %mul3A_209 = arith.constant 8 : i32
      %mul3A_210 = arith.muli %mul3A_208, %mul3A_209 : i32
      %dma_wait3A_211 = arith.constant 0 : i32
      %dma_wait3A_212 = arith.constant 0 : i32
      %dma_wait3A_213 = tpu.memref_slice %arg5[%dma_wait3A_211, %dma_wait3A_212] : memref<2x32000xf32, #tpu.memory_space<vmem>> -> memref<1x32000xf32, #tpu.memory_space<vmem>>
      %dma_wait3A_214 = tpu.memref_squeeze %dma_wait3A_213 : memref<1x32000xf32, #tpu.memory_space<vmem>> -> memref<32000xf32, #tpu.memory_space<vmem>>
      %dma_wait3A_215 = tpu.memref_slice %arg3[%mul3A_210] : memref<8000000xf32, #tpu.memory_space<hbm>> -> memref<32000xf32, #tpu.memory_space<hbm>>
      %dma_wait3A_216 = tpu.memref_slice %arg3[%mul3A_210] : memref<8000000xf32, #tpu.memory_space<hbm>> -> memref<32000xf32, #tpu.memory_space<hbm>>
      %dma_wait3A_217 = arith.constant 0 : i32
      %dma_wait3A_218 = tpu.memref_slice %arg5[%dma_wait3A_211, %dma_wait3A_217] : memref<2x32000xf32, #tpu.memory_space<vmem>> -> memref<1x32000xf32, #tpu.memory_space<vmem>>
      %dma_wait3A_219 = tpu.memref_squeeze %dma_wait3A_218 : memref<1x32000xf32, #tpu.memory_space<vmem>> -> memref<32000xf32, #tpu.memory_space<vmem>>
      tpu.wait_dma2 semaphore(%arg8 : memref<!tpu.dma_semaphore, #tpu.memory_space<semaphore_mem>>) src(%dma_wait3A_219 : memref<32000xf32, #tpu.memory_space<vmem>>) dst(%dma_wait3A_216 : memref<32000xf32, #tpu.memory_space<hbm>>)
      %scan3A_220 = arith.constant 0 : i32
      %scan3A_221 = arith.constant 0 : i32
      %scan3A_222 = arith.constant 250 : i32
      %scan3A_223 = arith.addi %scan3A_221, %scan3A_222 : i32
      %scan3A_224 = arith.constant 2 : i32
      scf.for %scan3A_238 = %scan3A_221 to %scan3A_223 step %scan3A_224  : i32 {
        %mul3A_239 = arith.constant 16 : i32
        %mul3A_240 = arith.muli %scan3A_238, %mul3A_239 : i32
        %mul3A_241 = arith.constant 8 : i32
        %mul3A_242 = arith.muli %mul3A_240, %mul3A_241 : i32
        %add3A_243 = arith.constant 0 : i32
        %add3A_244 = arith.addi %mul3A_242, %add3A_243 : i32
        %add3A_245 = vector.broadcast %add3A_244 : i32 to vector<16xi32>
        %add3A_246 = arith.addi %mul3A_3, %add3A_245 : vector<16xi32>
        %mul3A_247 = arith.constant 16 : i32
        %mul3A_248 = arith.muli %scan3A_238, %mul3A_247 : i32
        %get3A = arith.constant 0 : i32
        %get3A_249 = arith.constant 0 : i32
        %get3A_250 = arith.index_cast %get3A : i32 to index
        %get3A_251 = arith.index_cast %get3A_249 : i32 to index
        %get3A_252 = arith.index_cast %mul3A_248 : i32 to index
        %get3A_253 = tpu.vector_load %arg4[%get3A_250, %get3A_251, %get3A_252] {strides = array<i32>} : memref<2x4x4000xf32, #tpu.memory_space<vmem>>, vector<16xf32>,
        %scatter3A = arith.constant 0 : i32
        %scatter3A_254 = arith.constant 0 : i32
        %scatter3A_255 = tpu.memref_slice %arg5[%scatter3A, %scatter3A_254] : memref<2x32000xf32, #tpu.memory_space<vmem>> -> memref<1x32000xf32, #tpu.memory_space<vmem>>
        %scatter3A_256 = tpu.memref_squeeze %scatter3A_255 : memref<1x32000xf32, #tpu.memory_space<vmem>> -> memref<32000xf32, #tpu.memory_space<vmem>>
        tpu.vector_store_idx %scatter3A_256[%add3A_246], %get3A_253 : memref<32000xf32, #tpu.memory_space<vmem>>[vector<16xi32>], vector<16xf32>,
        %mul3A_257 = arith.constant 16 : i32
        %mul3A_258 = arith.muli %scan3A_238, %mul3A_257 : i32
        %mul3A_259 = arith.constant 8 : i32
        %mul3A_260 = arith.muli %mul3A_258, %mul3A_259 : i32
        %add3A_261 = arith.constant 1 : i32
        %add3A_262 = arith.addi %mul3A_260, %add3A_261 : i32
        %add3A_263 = vector.broadcast %add3A_262 : i32 to vector<16xi32>
        %add3A_264 = arith.addi %mul3A_3, %add3A_263 : vector<16xi32>
        %mul3A_265 = arith.constant 16 : i32
        %mul3A_266 = arith.muli %scan3A_238, %mul3A_265 : i32
        %get3A_267 = arith.constant 0 : i32
        %get3A_268 = arith.constant 1 : i32
        %get3A_269 = arith.index_cast %get3A_267 : i32 to index
        %get3A_270 = arith.index_cast %get3A_268 : i32 to index
        %get3A_271 = arith.index_cast %mul3A_266 : i32 to index
        %get3A_272 = tpu.vector_load %arg4[%get3A_269, %get3A_270, %get3A_271] {strides = array<i32>} : memref<2x4x4000xf32, #tpu.memory_space<vmem>>, vector<16xf32>,
        %scatter3A_273 = arith.constant 0 : i32
        %scatter3A_274 = arith.constant 0 : i32
        %scatter3A_275 = tpu.memref_slice %arg5[%scatter3A_273, %scatter3A_274] : memref<2x32000xf32, #tpu.memory_space<vmem>> -> memref<1x32000xf32, #tpu.memory_space<vmem>>
        %scatter3A_276 = tpu.memref_squeeze %scatter3A_275 : memref<1x32000xf32, #tpu.memory_space<vmem>> -> memref<32000xf32, #tpu.memory_space<vmem>>
        tpu.vector_store_idx %scatter3A_276[%add3A_264], %get3A_272 : memref<32000xf32, #tpu.memory_space<vmem>>[vector<16xi32>], vector<16xf32>,
        %mul3A_277 = arith.constant 16 : i32
        %mul3A_278 = arith.muli %scan3A_238, %mul3A_277 : i32
        %mul3A_279 = arith.constant 8 : i32
        %mul3A_280 = arith.muli %mul3A_278, %mul3A_279 : i32
        %add3A_281 = arith.constant 2 : i32
        %add3A_282 = arith.addi %mul3A_280, %add3A_281 : i32
        %add3A_283 = vector.broadcast %add3A_282 : i32 to vector<16xi32>
        %add3A_284 = arith.addi %mul3A_3, %add3A_283 : vector<16xi32>
        %mul3A_285 = arith.constant 16 : i32
        %mul3A_286 = arith.muli %scan3A_238, %mul3A_285 : i32
        %get3A_287 = arith.constant 0 : i32
        %get3A_288 = arith.constant 2 : i32
        %get3A_289 = arith.index_cast %get3A_287 : i32 to index
        %get3A_290 = arith.index_cast %get3A_288 : i32 to index
        %get3A_291 = arith.index_cast %mul3A_286 : i32 to index
        %get3A_292 = tpu.vector_load %arg4[%get3A_289, %get3A_290, %get3A_291] {strides = array<i32>} : memref<2x4x4000xf32, #tpu.memory_space<vmem>>, vector<16xf32>,
        %scatter3A_293 = arith.constant 0 : i32
        %scatter3A_294 = arith.constant 0 : i32
        %scatter3A_295 = tpu.memref_slice %arg5[%scatter3A_293, %scatter3A_294] : memref<2x32000xf32, #tpu.memory_space<vmem>> -> memref<1x32000xf32, #tpu.memory_space<vmem>>
        %scatter3A_296 = tpu.memref_squeeze %scatter3A_295 : memref<1x32000xf32, #tpu.memory_space<vmem>> -> memref<32000xf32, #tpu.memory_space<vmem>>
        tpu.vector_store_idx %scatter3A_296[%add3A_284], %get3A_292 : memref<32000xf32, #tpu.memory_space<vmem>>[vector<16xi32>], vector<16xf32>,
        %mul3A_297 = arith.constant 16 : i32
        %mul3A_298 = arith.muli %scan3A_238, %mul3A_297 : i32
        %mul3A_299 = arith.constant 8 : i32
        %mul3A_300 = arith.muli %mul3A_298, %mul3A_299 : i32
        %add3A_301 = arith.constant 3 : i32
        %add3A_302 = arith.addi %mul3A_300, %add3A_301 : i32
        %add3A_303 = vector.broadcast %add3A_302 : i32 to vector<16xi32>
        %add3A_304 = arith.addi %mul3A_3, %add3A_303 : vector<16xi32>
        %mul3A_305 = arith.constant 16 : i32
        %mul3A_306 = arith.muli %scan3A_238, %mul3A_305 : i32
        %get3A_307 = arith.constant 0 : i32
        %get3A_308 = arith.constant 3 : i32
        %get3A_309 = arith.index_cast %get3A_307 : i32 to index
        %get3A_310 = arith.index_cast %get3A_308 : i32 to index
        %get3A_311 = arith.index_cast %mul3A_306 : i32 to index
        %get3A_312 = tpu.vector_load %arg4[%get3A_309, %get3A_310, %get3A_311] {strides = array<i32>} : memref<2x4x4000xf32, #tpu.memory_space<vmem>>, vector<16xf32>,
        %scatter3A_313 = arith.constant 0 : i32
        %scatter3A_314 = arith.constant 0 : i32
        %scatter3A_315 = tpu.memref_slice %arg5[%scatter3A_313, %scatter3A_314] : memref<2x32000xf32, #tpu.memory_space<vmem>> -> memref<1x32000xf32, #tpu.memory_space<vmem>>
        %scatter3A_316 = tpu.memref_squeeze %scatter3A_315 : memref<1x32000xf32, #tpu.memory_space<vmem>> -> memref<32000xf32, #tpu.memory_space<vmem>>
        tpu.vector_store_idx %scatter3A_316[%add3A_304], %get3A_312 : memref<32000xf32, #tpu.memory_space<vmem>>[vector<16xi32>], vector<16xf32>,
        %scan3A_317 = arith.constant 1 : i32
        %scan3A_318 = arith.addi %scan3A_238, %scan3A_317 : i32
        %mul3A_319 = arith.constant 16 : i32
        %mul3A_320 = arith.muli %scan3A_318, %mul3A_319 : i32
        %mul3A_321 = arith.constant 8 : i32
        %mul3A_322 = arith.muli %mul3A_320, %mul3A_321 : i32
        %add3A_323 = arith.constant 0 : i32
        %add3A_324 = arith.addi %mul3A_322, %add3A_323 : i32
        %add3A_325 = vector.broadcast %add3A_324 : i32 to vector<16xi32>
        %add3A_326 = arith.addi %mul3A_3, %add3A_325 : vector<16xi32>
        %mul3A_327 = arith.constant 16 : i32
        %mul3A_328 = arith.muli %scan3A_318, %mul3A_327 : i32
        %get3A_329 = arith.constant 0 : i32
        %get3A_330 = arith.constant 0 : i32
        %get3A_331 = arith.index_cast %get3A_329 : i32 to index
        %get3A_332 = arith.index_cast %get3A_330 : i32 to index
        %get3A_333 = arith.index_cast %mul3A_328 : i32 to index
        %get3A_334 = tpu.vector_load %arg4[%get3A_331, %get3A_332, %get3A_333] {strides = array<i32>} : memref<2x4x4000xf32, #tpu.memory_space<vmem>>, vector<16xf32>,
        %scatter3A_335 = arith.constant 0 : i32
        %scatter3A_336 = arith.constant 0 : i32
        %scatter3A_337 = tpu.memref_slice %arg5[%scatter3A_335, %scatter3A_336] : memref<2x32000xf32, #tpu.memory_space<vmem>> -> memref<1x32000xf32, #tpu.memory_space<vmem>>
        %scatter3A_338 = tpu.memref_squeeze %scatter3A_337 : memref<1x32000xf32, #tpu.memory_space<vmem>> -> memref<32000xf32, #tpu.memory_space<vmem>>
        tpu.vector_store_idx %scatter3A_338[%add3A_326], %get3A_334 : memref<32000xf32, #tpu.memory_space<vmem>>[vector<16xi32>], vector<16xf32>,
        %mul3A_339 = arith.constant 16 : i32
        %mul3A_340 = arith.muli %scan3A_318, %mul3A_339 : i32
        %mul3A_341 = arith.constant 8 : i32
        %mul3A_342 = arith.muli %mul3A_340, %mul3A_341 : i32
        %add3A_343 = arith.constant 1 : i32
        %add3A_344 = arith.addi %mul3A_342, %add3A_343 : i32
        %add3A_345 = vector.broadcast %add3A_344 : i32 to vector<16xi32>
        %add3A_346 = arith.addi %mul3A_3, %add3A_345 : vector<16xi32>
        %mul3A_347 = arith.constant 16 : i32
        %mul3A_348 = arith.muli %scan3A_318, %mul3A_347 : i32
        %get3A_349 = arith.constant 0 : i32
        %get3A_350 = arith.constant 1 : i32
        %get3A_351 = arith.index_cast %get3A_349 : i32 to index
        %get3A_352 = arith.index_cast %get3A_350 : i32 to index
        %get3A_353 = arith.index_cast %mul3A_348 : i32 to index
        %get3A_354 = tpu.vector_load %arg4[%get3A_351, %get3A_352, %get3A_353] {strides = array<i32>} : memref<2x4x4000xf32, #tpu.memory_space<vmem>>, vector<16xf32>,
        %scatter3A_355 = arith.constant 0 : i32
        %scatter3A_356 = arith.constant 0 : i32
        %scatter3A_357 = tpu.memref_slice %arg5[%scatter3A_355, %scatter3A_356] : memref<2x32000xf32, #tpu.memory_space<vmem>> -> memref<1x32000xf32, #tpu.memory_space<vmem>>
        %scatter3A_358 = tpu.memref_squeeze %scatter3A_357 : memref<1x32000xf32, #tpu.memory_space<vmem>> -> memref<32000xf32, #tpu.memory_space<vmem>>
        tpu.vector_store_idx %scatter3A_358[%add3A_346], %get3A_354 : memref<32000xf32, #tpu.memory_space<vmem>>[vector<16xi32>], vector<16xf32>,
        %mul3A_359 = arith.constant 16 : i32
        %mul3A_360 = arith.muli %scan3A_318, %mul3A_359 : i32
        %mul3A_361 = arith.constant 8 : i32
        %mul3A_362 = arith.muli %mul3A_360, %mul3A_361 : i32
        %add3A_363 = arith.constant 2 : i32
        %add3A_364 = arith.addi %mul3A_362, %add3A_363 : i32
        %add3A_365 = vector.broadcast %add3A_364 : i32 to vector<16xi32>
        %add3A_366 = arith.addi %mul3A_3, %add3A_365 : vector<16xi32>
        %mul3A_367 = arith.constant 16 : i32
        %mul3A_368 = arith.muli %scan3A_318, %mul3A_367 : i32
        %get3A_369 = arith.constant 0 : i32
        %get3A_370 = arith.constant 2 : i32
        %get3A_371 = arith.index_cast %get3A_369 : i32 to index
        %get3A_372 = arith.index_cast %get3A_370 : i32 to index
        %get3A_373 = arith.index_cast %mul3A_368 : i32 to index
        %get3A_374 = tpu.vector_load %arg4[%get3A_371, %get3A_372, %get3A_373] {strides = array<i32>} : memref<2x4x4000xf32, #tpu.memory_space<vmem>>, vector<16xf32>,
        %scatter3A_375 = arith.constant 0 : i32
        %scatter3A_376 = arith.constant 0 : i32
        %scatter3A_377 = tpu.memref_slice %arg5[%scatter3A_375, %scatter3A_376] : memref<2x32000xf32, #tpu.memory_space<vmem>> -> memref<1x32000xf32, #tpu.memory_space<vmem>>
        %scatter3A_378 = tpu.memref_squeeze %scatter3A_377 : memref<1x32000xf32, #tpu.memory_space<vmem>> -> memref<32000xf32, #tpu.memory_space<vmem>>
        tpu.vector_store_idx %scatter3A_378[%add3A_366], %get3A_374 : memref<32000xf32, #tpu.memory_space<vmem>>[vector<16xi32>], vector<16xf32>,
        %mul3A_379 = arith.constant 16 : i32
        %mul3A_380 = arith.muli %scan3A_318, %mul3A_379 : i32
        %mul3A_381 = arith.constant 8 : i32
        %mul3A_382 = arith.muli %mul3A_380, %mul3A_381 : i32
        %add3A_383 = arith.constant 3 : i32
        %add3A_384 = arith.addi %mul3A_382, %add3A_383 : i32
        %add3A_385 = vector.broadcast %add3A_384 : i32 to vector<16xi32>
        %add3A_386 = arith.addi %mul3A_3, %add3A_385 : vector<16xi32>
        %mul3A_387 = arith.constant 16 : i32
        %mul3A_388 = arith.muli %scan3A_318, %mul3A_387 : i32
        %get3A_389 = arith.constant 0 : i32
        %get3A_390 = arith.constant 3 : i32
        %get3A_391 = arith.index_cast %get3A_389 : i32 to index
        %get3A_392 = arith.index_cast %get3A_390 : i32 to index
        %get3A_393 = arith.index_cast %mul3A_388 : i32 to index
        %get3A_394 = tpu.vector_load %arg4[%get3A_391, %get3A_392, %get3A_393] {strides = array<i32>} : memref<2x4x4000xf32, #tpu.memory_space<vmem>>, vector<16xf32>,
        %scatter3A_395 = arith.constant 0 : i32
        %scatter3A_396 = arith.constant 0 : i32
        %scatter3A_397 = tpu.memref_slice %arg5[%scatter3A_395, %scatter3A_396] : memref<2x32000xf32, #tpu.memory_space<vmem>> -> memref<1x32000xf32, #tpu.memory_space<vmem>>
        %scatter3A_398 = tpu.memref_squeeze %scatter3A_397 : memref<1x32000xf32, #tpu.memory_space<vmem>> -> memref<32000xf32, #tpu.memory_space<vmem>>
        tpu.vector_store_idx %scatter3A_398[%add3A_386], %get3A_394 : memref<32000xf32, #tpu.memory_space<vmem>>[vector<16xi32>], vector<16xf32>,
      }
      %scan3A_225 = arith.constant 250 : i32
      %mul3A_226 = arith.constant 4000 : i32
      %mul3A_227 = arith.muli %add3A_43, %mul3A_226 : i32
      %mul3A_228 = arith.constant 8 : i32
      %mul3A_229 = arith.muli %mul3A_227, %mul3A_228 : i32
      %dma_start3A = arith.constant 0 : i32
      %dma_start3A_230 = arith.constant 0 : i32
      %dma_start3A_231 = tpu.memref_slice %arg5[%dma_start3A, %dma_start3A_230] : memref<2x32000xf32, #tpu.memory_space<vmem>> -> memref<1x32000xf32, #tpu.memory_space<vmem>>
      %dma_start3A_232 = tpu.memref_squeeze %dma_start3A_231 : memref<1x32000xf32, #tpu.memory_space<vmem>> -> memref<32000xf32, #tpu.memory_space<vmem>>
      %dma_start3A_233 = tpu.memref_slice %arg3[%mul3A_229] : memref<8000000xf32, #tpu.memory_space<hbm>> -> memref<32000xf32, #tpu.memory_space<hbm>>
      %dma_start3A_234 = tpu.memref_slice %arg3[%mul3A_229] : memref<8000000xf32, #tpu.memory_space<hbm>> -> memref<32000xf32, #tpu.memory_space<hbm>>
      %dma_start3A_235 = arith.constant 0 : i32
      %dma_start3A_236 = tpu.memref_slice %arg5[%dma_start3A, %dma_start3A_235] : memref<2x32000xf32, #tpu.memory_space<vmem>> -> memref<1x32000xf32, #tpu.memory_space<vmem>>
      %dma_start3A_237 = tpu.memref_squeeze %dma_start3A_236 : memref<1x32000xf32, #tpu.memory_space<vmem>> -> memref<32000xf32, #tpu.memory_space<vmem>>
      tpu.enqueue_dma source(%dma_start3A_237 : memref<32000xf32, #tpu.memory_space<vmem>>) target(%dma_start3A_234 : memref<32000xf32, #tpu.memory_space<hbm>>) target_semaphore(%arg8 : memref<!tpu.dma_semaphore, #tpu.memory_space<semaphore_mem>>)
    } else {
    }
    %add3A_56 = arith.constant 96 : i32
    %add3A_57 = arith.addi %add3A, %add3A_56 : i32
    %add3A_58 = arith.constant 128 : i32
    %add3A_59 = arith.addi %add3A, %add3A_58 : i32
    %lt3A_60 = arith.constant 250 : i32
    %lt3A_61 = arith.cmpi slt, %add3A_59, %lt3A_60 : i32
    %convert_element_type3A_62 = arith.extui %lt3A_61 : i1 to i32
    %cond3A_63 = arith.constant 0 : i32
    %cond3A_64 = arith.cmpi ne, %convert_element_type3A_62, %cond3A_63 : i32
    scf.if %cond3A_64 {
      %mul3A_147 = arith.constant 4000 : i32
      %mul3A_148 = arith.muli %add3A_59, %mul3A_147 : i32
      %dma_start3A = arith.constant 0 : i32
      %dma_start3A_149 = arith.constant 0 : i32
      %dma_start3A_150 = arith.constant 0 : i32
      %dma_start3A_151 = arith.constant 0 : i32
      %dma_start3A_152 = tpu.memref_slice %arg4[%dma_start3A_149, %dma_start3A_150, %dma_start3A_151] : memref<2x4x4000xf32, #tpu.memory_space<vmem>> -> memref<1x1x4000xf32, #tpu.memory_space<vmem>>
      %dma_start3A_153 = tpu.memref_squeeze %dma_start3A_152 : memref<1x1x4000xf32, #tpu.memory_space<vmem>> -> memref<4000xf32, #tpu.memory_space<vmem>>
      %dma_start3A_154 = tpu.memref_slice %arg2[%dma_start3A, %mul3A_148] : memref<4x1000000xf32, #tpu.memory_space<hbm>> -> memref<1x4000xf32, #tpu.memory_space<hbm>>
      %dma_start3A_155 = tpu.memref_squeeze %dma_start3A_154 : memref<1x4000xf32, #tpu.memory_space<hbm>> -> memref<4000xf32, #tpu.memory_space<hbm>>
      %dma_start3A_156 = arith.constant 0 : i32
      %dma_start3A_157 = tpu.memref_slice %arg4[%dma_start3A_149, %dma_start3A_150, %dma_start3A_156] : memref<2x4x4000xf32, #tpu.memory_space<vmem>> -> memref<1x1x4000xf32, #tpu.memory_space<vmem>>
      %dma_start3A_158 = tpu.memref_squeeze %dma_start3A_157 : memref<1x1x4000xf32, #tpu.memory_space<vmem>> -> memref<4000xf32, #tpu.memory_space<vmem>>
      %dma_start3A_159 = tpu.memref_slice %arg2[%dma_start3A, %mul3A_148] : memref<4x1000000xf32, #tpu.memory_space<hbm>> -> memref<1x4000xf32, #tpu.memory_space<hbm>>
      %dma_start3A_160 = tpu.memref_squeeze %dma_start3A_159 : memref<1x4000xf32, #tpu.memory_space<hbm>> -> memref<4000xf32, #tpu.memory_space<hbm>>
      tpu.enqueue_dma source(%dma_start3A_160 : memref<4000xf32, #tpu.memory_space<hbm>>) target(%dma_start3A_158 : memref<4000xf32, #tpu.memory_space<vmem>>) target_semaphore(%arg6 : memref<!tpu.dma_semaphore, #tpu.memory_space<semaphore_mem>>)
      %mul3A_161 = arith.constant 4000 : i32
      %mul3A_162 = arith.muli %add3A_59, %mul3A_161 : i32
      %dma_start3A_163 = arith.constant 1 : i32
      %dma_start3A_164 = arith.constant 0 : i32
      %dma_start3A_165 = arith.constant 1 : i32
      %dma_start3A_166 = arith.constant 0 : i32
      %dma_start3A_167 = tpu.memref_slice %arg4[%dma_start3A_164, %dma_start3A_165, %dma_start3A_166] : memref<2x4x4000xf32, #tpu.memory_space<vmem>> -> memref<1x1x4000xf32, #tpu.memory_space<vmem>>
      %dma_start3A_168 = tpu.memref_squeeze %dma_start3A_167 : memref<1x1x4000xf32, #tpu.memory_space<vmem>> -> memref<4000xf32, #tpu.memory_space<vmem>>
      %dma_start3A_169 = tpu.memref_slice %arg2[%dma_start3A_163, %mul3A_162] : memref<4x1000000xf32, #tpu.memory_space<hbm>> -> memref<1x4000xf32, #tpu.memory_space<hbm>>
      %dma_start3A_170 = tpu.memref_squeeze %dma_start3A_169 : memref<1x4000xf32, #tpu.memory_space<hbm>> -> memref<4000xf32, #tpu.memory_space<hbm>>
      %dma_start3A_171 = arith.constant 0 : i32
      %dma_start3A_172 = tpu.memref_slice %arg4[%dma_start3A_164, %dma_start3A_165, %dma_start3A_171] : memref<2x4x4000xf32, #tpu.memory_space<vmem>> -> memref<1x1x4000xf32, #tpu.memory_space<vmem>>
      %dma_start3A_173 = tpu.memref_squeeze %dma_start3A_172 : memref<1x1x4000xf32, #tpu.memory_space<vmem>> -> memref<4000xf32, #tpu.memory_space<vmem>>
      %dma_start3A_174 = tpu.memref_slice %arg2[%dma_start3A_163, %mul3A_162] : memref<4x1000000xf32, #tpu.memory_space<hbm>> -> memref<1x4000xf32, #tpu.memory_space<hbm>>
      %dma_start3A_175 = tpu.memref_squeeze %dma_start3A_174 : memref<1x4000xf32, #tpu.memory_space<hbm>> -> memref<4000xf32, #tpu.memory_space<hbm>>
      tpu.enqueue_dma source(%dma_start3A_175 : memref<4000xf32, #tpu.memory_space<hbm>>) target(%dma_start3A_173 : memref<4000xf32, #tpu.memory_space<vmem>>) target_semaphore(%arg6 : memref<!tpu.dma_semaphore, #tpu.memory_space<semaphore_mem>>)
      %mul3A_176 = arith.constant 4000 : i32
      %mul3A_177 = arith.muli %add3A_59, %mul3A_176 : i32
      %dma_start3A_178 = arith.constant 2 : i32
      %dma_start3A_179 = arith.constant 0 : i32
      %dma_start3A_180 = arith.constant 2 : i32
      %dma_start3A_181 = arith.constant 0 : i32
      %dma_start3A_182 = tpu.memref_slice %arg4[%dma_start3A_179, %dma_start3A_180, %dma_start3A_181] : memref<2x4x4000xf32, #tpu.memory_space<vmem>> -> memref<1x1x4000xf32, #tpu.memory_space<vmem>>
      %dma_start3A_183 = tpu.memref_squeeze %dma_start3A_182 : memref<1x1x4000xf32, #tpu.memory_space<vmem>> -> memref<4000xf32, #tpu.memory_space<vmem>>
      %dma_start3A_184 = tpu.memref_slice %arg2[%dma_start3A_178, %mul3A_177] : memref<4x1000000xf32, #tpu.memory_space<hbm>> -> memref<1x4000xf32, #tpu.memory_space<hbm>>
      %dma_start3A_185 = tpu.memref_squeeze %dma_start3A_184 : memref<1x4000xf32, #tpu.memory_space<hbm>> -> memref<4000xf32, #tpu.memory_space<hbm>>
      %dma_start3A_186 = arith.constant 0 : i32
      %dma_start3A_187 = tpu.memref_slice %arg4[%dma_start3A_179, %dma_start3A_180, %dma_start3A_186] : memref<2x4x4000xf32, #tpu.memory_space<vmem>> -> memref<1x1x4000xf32, #tpu.memory_space<vmem>>
      %dma_start3A_188 = tpu.memref_squeeze %dma_start3A_187 : memref<1x1x4000xf32, #tpu.memory_space<vmem>> -> memref<4000xf32, #tpu.memory_space<vmem>>
      %dma_start3A_189 = tpu.memref_slice %arg2[%dma_start3A_178, %mul3A_177] : memref<4x1000000xf32, #tpu.memory_space<hbm>> -> memref<1x4000xf32, #tpu.memory_space<hbm>>
      %dma_start3A_190 = tpu.memref_squeeze %dma_start3A_189 : memref<1x4000xf32, #tpu.memory_space<hbm>> -> memref<4000xf32, #tpu.memory_space<hbm>>
      tpu.enqueue_dma source(%dma_start3A_190 : memref<4000xf32, #tpu.memory_space<hbm>>) target(%dma_start3A_188 : memref<4000xf32, #tpu.memory_space<vmem>>) target_semaphore(%arg6 : memref<!tpu.dma_semaphore, #tpu.memory_space<semaphore_mem>>)
      %mul3A_191 = arith.constant 4000 : i32
      %mul3A_192 = arith.muli %add3A_59, %mul3A_191 : i32
      %dma_start3A_193 = arith.constant 3 : i32
      %dma_start3A_194 = arith.constant 0 : i32
      %dma_start3A_195 = arith.constant 3 : i32
      %dma_start3A_196 = arith.constant 0 : i32
      %dma_start3A_197 = tpu.memref_slice %arg4[%dma_start3A_194, %dma_start3A_195, %dma_start3A_196] : memref<2x4x4000xf32, #tpu.memory_space<vmem>> -> memref<1x1x4000xf32, #tpu.memory_space<vmem>>
      %dma_start3A_198 = tpu.memref_squeeze %dma_start3A_197 : memref<1x1x4000xf32, #tpu.memory_space<vmem>> -> memref<4000xf32, #tpu.memory_space<vmem>>
      %dma_start3A_199 = tpu.memref_slice %arg2[%dma_start3A_193, %mul3A_192] : memref<4x1000000xf32, #tpu.memory_space<hbm>> -> memref<1x4000xf32, #tpu.memory_space<hbm>>
      %dma_start3A_200 = tpu.memref_squeeze %dma_start3A_199 : memref<1x4000xf32, #tpu.memory_space<hbm>> -> memref<4000xf32, #tpu.memory_space<hbm>>
      %dma_start3A_201 = arith.constant 0 : i32
      %dma_start3A_202 = tpu.memref_slice %arg4[%dma_start3A_194, %dma_start3A_195, %dma_start3A_201] : memref<2x4x4000xf32, #tpu.memory_space<vmem>> -> memref<1x1x4000xf32, #tpu.memory_space<vmem>>
      %dma_start3A_203 = tpu.memref_squeeze %dma_start3A_202 : memref<1x1x4000xf32, #tpu.memory_space<vmem>> -> memref<4000xf32, #tpu.memory_space<vmem>>
      %dma_start3A_204 = tpu.memref_slice %arg2[%dma_start3A_193, %mul3A_192] : memref<4x1000000xf32, #tpu.memory_space<hbm>> -> memref<1x4000xf32, #tpu.memory_space<hbm>>
      %dma_start3A_205 = tpu.memref_squeeze %dma_start3A_204 : memref<1x4000xf32, #tpu.memory_space<hbm>> -> memref<4000xf32, #tpu.memory_space<hbm>>
      tpu.enqueue_dma source(%dma_start3A_205 : memref<4000xf32, #tpu.memory_space<hbm>>) target(%dma_start3A_203 : memref<4000xf32, #tpu.memory_space<vmem>>) target_semaphore(%arg6 : memref<!tpu.dma_semaphore, #tpu.memory_space<semaphore_mem>>)
    } else {
    }
    %lt3A_65 = arith.constant 250 : i32
    %lt3A_66 = arith.cmpi slt, %add3A_57, %lt3A_65 : i32
    %convert_element_type3A_67 = arith.extui %lt3A_66 : i1 to i32
    %cond3A_68 = arith.constant 0 : i32
    %cond3A_69 = arith.cmpi ne, %convert_element_type3A_67, %cond3A_68 : i32
    scf.if %cond3A_69 {
      %mul3A_147 = arith.constant 4000 : i32
      %mul3A_148 = arith.muli %add3A_57, %mul3A_147 : i32
      %dma_wait3A_149 = arith.constant 0 : i32
      %dma_wait3A_150 = arith.constant 1 : i32
      %dma_wait3A_151 = arith.constant 0 : i32
      %dma_wait3A_152 = arith.constant 0 : i32
      %dma_wait3A_153 = tpu.memref_slice %arg4[%dma_wait3A_150, %dma_wait3A_151, %dma_wait3A_152] : memref<2x4x4000xf32, #tpu.memory_space<vmem>> -> memref<1x1x4000xf32, #tpu.memory_space<vmem>>
      %dma_wait3A_154 = tpu.memref_squeeze %dma_wait3A_153 : memref<1x1x4000xf32, #tpu.memory_space<vmem>> -> memref<4000xf32, #tpu.memory_space<vmem>>
      %dma_wait3A_155 = tpu.memref_slice %arg2[%dma_wait3A_149, %mul3A_148] : memref<4x1000000xf32, #tpu.memory_space<hbm>> -> memref<1x4000xf32, #tpu.memory_space<hbm>>
      %dma_wait3A_156 = tpu.memref_squeeze %dma_wait3A_155 : memref<1x4000xf32, #tpu.memory_space<hbm>> -> memref<4000xf32, #tpu.memory_space<hbm>>
      %dma_wait3A_157 = arith.constant 0 : i32
      %dma_wait3A_158 = tpu.memref_slice %arg4[%dma_wait3A_150, %dma_wait3A_151, %dma_wait3A_157] : memref<2x4x4000xf32, #tpu.memory_space<vmem>> -> memref<1x1x4000xf32, #tpu.memory_space<vmem>>
      %dma_wait3A_159 = tpu.memref_squeeze %dma_wait3A_158 : memref<1x1x4000xf32, #tpu.memory_space<vmem>> -> memref<4000xf32, #tpu.memory_space<vmem>>
      %dma_wait3A_160 = tpu.memref_slice %arg2[%dma_wait3A_149, %mul3A_148] : memref<4x1000000xf32, #tpu.memory_space<hbm>> -> memref<1x4000xf32, #tpu.memory_space<hbm>>
      %dma_wait3A_161 = tpu.memref_squeeze %dma_wait3A_160 : memref<1x4000xf32, #tpu.memory_space<hbm>> -> memref<4000xf32, #tpu.memory_space<hbm>>
      tpu.wait_dma2 semaphore(%arg7 : memref<!tpu.dma_semaphore, #tpu.memory_space<semaphore_mem>>) src(%dma_wait3A_161 : memref<4000xf32, #tpu.memory_space<hbm>>) dst(%dma_wait3A_159 : memref<4000xf32, #tpu.memory_space<vmem>>)
      %mul3A_162 = arith.constant 4000 : i32
      %mul3A_163 = arith.muli %add3A_57, %mul3A_162 : i32
      %dma_wait3A_164 = arith.constant 1 : i32
      %dma_wait3A_165 = arith.constant 1 : i32
      %dma_wait3A_166 = arith.constant 1 : i32
      %dma_wait3A_167 = arith.constant 0 : i32
      %dma_wait3A_168 = tpu.memref_slice %arg4[%dma_wait3A_165, %dma_wait3A_166, %dma_wait3A_167] : memref<2x4x4000xf32, #tpu.memory_space<vmem>> -> memref<1x1x4000xf32, #tpu.memory_space<vmem>>
      %dma_wait3A_169 = tpu.memref_squeeze %dma_wait3A_168 : memref<1x1x4000xf32, #tpu.memory_space<vmem>> -> memref<4000xf32, #tpu.memory_space<vmem>>
      %dma_wait3A_170 = tpu.memref_slice %arg2[%dma_wait3A_164, %mul3A_163] : memref<4x1000000xf32, #tpu.memory_space<hbm>> -> memref<1x4000xf32, #tpu.memory_space<hbm>>
      %dma_wait3A_171 = tpu.memref_squeeze %dma_wait3A_170 : memref<1x4000xf32, #tpu.memory_space<hbm>> -> memref<4000xf32, #tpu.memory_space<hbm>>
      %dma_wait3A_172 = arith.constant 0 : i32
      %dma_wait3A_173 = tpu.memref_slice %arg4[%dma_wait3A_165, %dma_wait3A_166, %dma_wait3A_172] : memref<2x4x4000xf32, #tpu.memory_space<vmem>> -> memref<1x1x4000xf32, #tpu.memory_space<vmem>>
      %dma_wait3A_174 = tpu.memref_squeeze %dma_wait3A_173 : memref<1x1x4000xf32, #tpu.memory_space<vmem>> -> memref<4000xf32, #tpu.memory_space<vmem>>
      %dma_wait3A_175 = tpu.memref_slice %arg2[%dma_wait3A_164, %mul3A_163] : memref<4x1000000xf32, #tpu.memory_space<hbm>> -> memref<1x4000xf32, #tpu.memory_space<hbm>>
      %dma_wait3A_176 = tpu.memref_squeeze %dma_wait3A_175 : memref<1x4000xf32, #tpu.memory_space<hbm>> -> memref<4000xf32, #tpu.memory_space<hbm>>
      tpu.wait_dma2 semaphore(%arg7 : memref<!tpu.dma_semaphore, #tpu.memory_space<semaphore_mem>>) src(%dma_wait3A_176 : memref<4000xf32, #tpu.memory_space<hbm>>) dst(%dma_wait3A_174 : memref<4000xf32, #tpu.memory_space<vmem>>)
      %mul3A_177 = arith.constant 4000 : i32
      %mul3A_178 = arith.muli %add3A_57, %mul3A_177 : i32
      %dma_wait3A_179 = arith.constant 2 : i32
      %dma_wait3A_180 = arith.constant 1 : i32
      %dma_wait3A_181 = arith.constant 2 : i32
      %dma_wait3A_182 = arith.constant 0 : i32
      %dma_wait3A_183 = tpu.memref_slice %arg4[%dma_wait3A_180, %dma_wait3A_181, %dma_wait3A_182] : memref<2x4x4000xf32, #tpu.memory_space<vmem>> -> memref<1x1x4000xf32, #tpu.memory_space<vmem>>
      %dma_wait3A_184 = tpu.memref_squeeze %dma_wait3A_183 : memref<1x1x4000xf32, #tpu.memory_space<vmem>> -> memref<4000xf32, #tpu.memory_space<vmem>>
      %dma_wait3A_185 = tpu.memref_slice %arg2[%dma_wait3A_179, %mul3A_178] : memref<4x1000000xf32, #tpu.memory_space<hbm>> -> memref<1x4000xf32, #tpu.memory_space<hbm>>
      %dma_wait3A_186 = tpu.memref_squeeze %dma_wait3A_185 : memref<1x4000xf32, #tpu.memory_space<hbm>> -> memref<4000xf32, #tpu.memory_space<hbm>>
      %dma_wait3A_187 = arith.constant 0 : i32
      %dma_wait3A_188 = tpu.memref_slice %arg4[%dma_wait3A_180, %dma_wait3A_181, %dma_wait3A_187] : memref<2x4x4000xf32, #tpu.memory_space<vmem>> -> memref<1x1x4000xf32, #tpu.memory_space<vmem>>
      %dma_wait3A_189 = tpu.memref_squeeze %dma_wait3A_188 : memref<1x1x4000xf32, #tpu.memory_space<vmem>> -> memref<4000xf32, #tpu.memory_space<vmem>>
      %dma_wait3A_190 = tpu.memref_slice %arg2[%dma_wait3A_179, %mul3A_178] : memref<4x1000000xf32, #tpu.memory_space<hbm>> -> memref<1x4000xf32, #tpu.memory_space<hbm>>
      %dma_wait3A_191 = tpu.memref_squeeze %dma_wait3A_190 : memref<1x4000xf32, #tpu.memory_space<hbm>> -> memref<4000xf32, #tpu.memory_space<hbm>>
      tpu.wait_dma2 semaphore(%arg7 : memref<!tpu.dma_semaphore, #tpu.memory_space<semaphore_mem>>) src(%dma_wait3A_191 : memref<4000xf32, #tpu.memory_space<hbm>>) dst(%dma_wait3A_189 : memref<4000xf32, #tpu.memory_space<vmem>>)
      %mul3A_192 = arith.constant 4000 : i32
      %mul3A_193 = arith.muli %add3A_57, %mul3A_192 : i32
      %dma_wait3A_194 = arith.constant 3 : i32
      %dma_wait3A_195 = arith.constant 1 : i32
      %dma_wait3A_196 = arith.constant 3 : i32
      %dma_wait3A_197 = arith.constant 0 : i32
      %dma_wait3A_198 = tpu.memref_slice %arg4[%dma_wait3A_195, %dma_wait3A_196, %dma_wait3A_197] : memref<2x4x4000xf32, #tpu.memory_space<vmem>> -> memref<1x1x4000xf32, #tpu.memory_space<vmem>>
      %dma_wait3A_199 = tpu.memref_squeeze %dma_wait3A_198 : memref<1x1x4000xf32, #tpu.memory_space<vmem>> -> memref<4000xf32, #tpu.memory_space<vmem>>
      %dma_wait3A_200 = tpu.memref_slice %arg2[%dma_wait3A_194, %mul3A_193] : memref<4x1000000xf32, #tpu.memory_space<hbm>> -> memref<1x4000xf32, #tpu.memory_space<hbm>>
      %dma_wait3A_201 = tpu.memref_squeeze %dma_wait3A_200 : memref<1x4000xf32, #tpu.memory_space<hbm>> -> memref<4000xf32, #tpu.memory_space<hbm>>
      %dma_wait3A_202 = arith.constant 0 : i32
      %dma_wait3A_203 = tpu.memref_slice %arg4[%dma_wait3A_195, %dma_wait3A_196, %dma_wait3A_202] : memref<2x4x4000xf32, #tpu.memory_space<vmem>> -> memref<1x1x4000xf32, #tpu.memory_space<vmem>>
      %dma_wait3A_204 = tpu.memref_squeeze %dma_wait3A_203 : memref<1x1x4000xf32, #tpu.memory_space<vmem>> -> memref<4000xf32, #tpu.memory_space<vmem>>
      %dma_wait3A_205 = tpu.memref_slice %arg2[%dma_wait3A_194, %mul3A_193] : memref<4x1000000xf32, #tpu.memory_space<hbm>> -> memref<1x4000xf32, #tpu.memory_space<hbm>>
      %dma_wait3A_206 = tpu.memref_squeeze %dma_wait3A_205 : memref<1x4000xf32, #tpu.memory_space<hbm>> -> memref<4000xf32, #tpu.memory_space<hbm>>
      tpu.wait_dma2 semaphore(%arg7 : memref<!tpu.dma_semaphore, #tpu.memory_space<semaphore_mem>>) src(%dma_wait3A_206 : memref<4000xf32, #tpu.memory_space<hbm>>) dst(%dma_wait3A_204 : memref<4000xf32, #tpu.memory_space<vmem>>)
      %mul3A_207 = arith.constant 4000 : i32
      %mul3A_208 = arith.muli %add3A_57, %mul3A_207 : i32
      %mul3A_209 = arith.constant 8 : i32
      %mul3A_210 = arith.muli %mul3A_208, %mul3A_209 : i32
      %dma_wait3A_211 = arith.constant 1 : i32
      %dma_wait3A_212 = arith.constant 0 : i32
      %dma_wait3A_213 = tpu.memref_slice %arg5[%dma_wait3A_211, %dma_wait3A_212] : memref<2x32000xf32, #tpu.memory_space<vmem>> -> memref<1x32000xf32, #tpu.memory_space<vmem>>
      %dma_wait3A_214 = tpu.memref_squeeze %dma_wait3A_213 : memref<1x32000xf32, #tpu.memory_space<vmem>> -> memref<32000xf32, #tpu.memory_space<vmem>>
      %dma_wait3A_215 = tpu.memref_slice %arg3[%mul3A_210] : memref<8000000xf32, #tpu.memory_space<hbm>> -> memref<32000xf32, #tpu.memory_space<hbm>>
      %dma_wait3A_216 = tpu.memref_slice %arg3[%mul3A_210] : memref<8000000xf32, #tpu.memory_space<hbm>> -> memref<32000xf32, #tpu.memory_space<hbm>>
      %dma_wait3A_217 = arith.constant 0 : i32
      %dma_wait3A_218 = tpu.memref_slice %arg5[%dma_wait3A_211, %dma_wait3A_217] : memref<2x32000xf32, #tpu.memory_space<vmem>> -> memref<1x32000xf32, #tpu.memory_space<vmem>>
      %dma_wait3A_219 = tpu.memref_squeeze %dma_wait3A_218 : memref<1x32000xf32, #tpu.memory_space<vmem>> -> memref<32000xf32, #tpu.memory_space<vmem>>
      tpu.wait_dma2 semaphore(%arg9 : memref<!tpu.dma_semaphore, #tpu.memory_space<semaphore_mem>>) src(%dma_wait3A_219 : memref<32000xf32, #tpu.memory_space<vmem>>) dst(%dma_wait3A_216 : memref<32000xf32, #tpu.memory_space<hbm>>)
      %scan3A_220 = arith.constant 0 : i32
      %scan3A_221 = arith.constant 0 : i32
      %scan3A_222 = arith.constant 250 : i32
      %scan3A_223 = arith.addi %scan3A_221, %scan3A_222 : i32
      %scan3A_224 = arith.constant 2 : i32
      scf.for %scan3A_238 = %scan3A_221 to %scan3A_223 step %scan3A_224  : i32 {
        %mul3A_239 = arith.constant 16 : i32
        %mul3A_240 = arith.muli %scan3A_238, %mul3A_239 : i32
        %mul3A_241 = arith.constant 8 : i32
        %mul3A_242 = arith.muli %mul3A_240, %mul3A_241 : i32
        %add3A_243 = arith.constant 0 : i32
        %add3A_244 = arith.addi %mul3A_242, %add3A_243 : i32
        %add3A_245 = vector.broadcast %add3A_244 : i32 to vector<16xi32>
        %add3A_246 = arith.addi %mul3A_3, %add3A_245 : vector<16xi32>
        %mul3A_247 = arith.constant 16 : i32
        %mul3A_248 = arith.muli %scan3A_238, %mul3A_247 : i32
        %get3A = arith.constant 1 : i32
        %get3A_249 = arith.constant 0 : i32
        %get3A_250 = arith.index_cast %get3A : i32 to index
        %get3A_251 = arith.index_cast %get3A_249 : i32 to index
        %get3A_252 = arith.index_cast %mul3A_248 : i32 to index
        %get3A_253 = tpu.vector_load %arg4[%get3A_250, %get3A_251, %get3A_252] {strides = array<i32>} : memref<2x4x4000xf32, #tpu.memory_space<vmem>>, vector<16xf32>,
        %scatter3A = arith.constant 1 : i32
        %scatter3A_254 = arith.constant 0 : i32
        %scatter3A_255 = tpu.memref_slice %arg5[%scatter3A, %scatter3A_254] : memref<2x32000xf32, #tpu.memory_space<vmem>> -> memref<1x32000xf32, #tpu.memory_space<vmem>>
        %scatter3A_256 = tpu.memref_squeeze %scatter3A_255 : memref<1x32000xf32, #tpu.memory_space<vmem>> -> memref<32000xf32, #tpu.memory_space<vmem>>
        tpu.vector_store_idx %scatter3A_256[%add3A_246], %get3A_253 : memref<32000xf32, #tpu.memory_space<vmem>>[vector<16xi32>], vector<16xf32>,
        %mul3A_257 = arith.constant 16 : i32
        %mul3A_258 = arith.muli %scan3A_238, %mul3A_257 : i32
        %mul3A_259 = arith.constant 8 : i32
        %mul3A_260 = arith.muli %mul3A_258, %mul3A_259 : i32
        %add3A_261 = arith.constant 1 : i32
        %add3A_262 = arith.addi %mul3A_260, %add3A_261 : i32
        %add3A_263 = vector.broadcast %add3A_262 : i32 to vector<16xi32>
        %add3A_264 = arith.addi %mul3A_3, %add3A_263 : vector<16xi32>
        %mul3A_265 = arith.constant 16 : i32
        %mul3A_266 = arith.muli %scan3A_238, %mul3A_265 : i32
        %get3A_267 = arith.constant 1 : i32
        %get3A_268 = arith.constant 1 : i32
        %get3A_269 = arith.index_cast %get3A_267 : i32 to index
        %get3A_270 = arith.index_cast %get3A_268 : i32 to index
        %get3A_271 = arith.index_cast %mul3A_266 : i32 to index
        %get3A_272 = tpu.vector_load %arg4[%get3A_269, %get3A_270, %get3A_271] {strides = array<i32>} : memref<2x4x4000xf32, #tpu.memory_space<vmem>>, vector<16xf32>,
        %scatter3A_273 = arith.constant 1 : i32
        %scatter3A_274 = arith.constant 0 : i32
        %scatter3A_275 = tpu.memref_slice %arg5[%scatter3A_273, %scatter3A_274] : memref<2x32000xf32, #tpu.memory_space<vmem>> -> memref<1x32000xf32, #tpu.memory_space<vmem>>
        %scatter3A_276 = tpu.memref_squeeze %scatter3A_275 : memref<1x32000xf32, #tpu.memory_space<vmem>> -> memref<32000xf32, #tpu.memory_space<vmem>>
        tpu.vector_store_idx %scatter3A_276[%add3A_264], %get3A_272 : memref<32000xf32, #tpu.memory_space<vmem>>[vector<16xi32>], vector<16xf32>,
        %mul3A_277 = arith.constant 16 : i32
        %mul3A_278 = arith.muli %scan3A_238, %mul3A_277 : i32
        %mul3A_279 = arith.constant 8 : i32
        %mul3A_280 = arith.muli %mul3A_278, %mul3A_279 : i32
        %add3A_281 = arith.constant 2 : i32
        %add3A_282 = arith.addi %mul3A_280, %add3A_281 : i32
        %add3A_283 = vector.broadcast %add3A_282 : i32 to vector<16xi32>
        %add3A_284 = arith.addi %mul3A_3, %add3A_283 : vector<16xi32>
        %mul3A_285 = arith.constant 16 : i32
        %mul3A_286 = arith.muli %scan3A_238, %mul3A_285 : i32
        %get3A_287 = arith.constant 1 : i32
        %get3A_288 = arith.constant 2 : i32
        %get3A_289 = arith.index_cast %get3A_287 : i32 to index
        %get3A_290 = arith.index_cast %get3A_288 : i32 to index
        %get3A_291 = arith.index_cast %mul3A_286 : i32 to index
        %get3A_292 = tpu.vector_load %arg4[%get3A_289, %get3A_290, %get3A_291] {strides = array<i32>} : memref<2x4x4000xf32, #tpu.memory_space<vmem>>, vector<16xf32>,
        %scatter3A_293 = arith.constant 1 : i32
        %scatter3A_294 = arith.constant 0 : i32
        %scatter3A_295 = tpu.memref_slice %arg5[%scatter3A_293, %scatter3A_294] : memref<2x32000xf32, #tpu.memory_space<vmem>> -> memref<1x32000xf32, #tpu.memory_space<vmem>>
        %scatter3A_296 = tpu.memref_squeeze %scatter3A_295 : memref<1x32000xf32, #tpu.memory_space<vmem>> -> memref<32000xf32, #tpu.memory_space<vmem>>
        tpu.vector_store_idx %scatter3A_296[%add3A_284], %get3A_292 : memref<32000xf32, #tpu.memory_space<vmem>>[vector<16xi32>], vector<16xf32>,
        %mul3A_297 = arith.constant 16 : i32
        %mul3A_298 = arith.muli %scan3A_238, %mul3A_297 : i32
        %mul3A_299 = arith.constant 8 : i32
        %mul3A_300 = arith.muli %mul3A_298, %mul3A_299 : i32
        %add3A_301 = arith.constant 3 : i32
        %add3A_302 = arith.addi %mul3A_300, %add3A_301 : i32
        %add3A_303 = vector.broadcast %add3A_302 : i32 to vector<16xi32>
        %add3A_304 = arith.addi %mul3A_3, %add3A_303 : vector<16xi32>
        %mul3A_305 = arith.constant 16 : i32
        %mul3A_306 = arith.muli %scan3A_238, %mul3A_305 : i32
        %get3A_307 = arith.constant 1 : i32
        %get3A_308 = arith.constant 3 : i32
        %get3A_309 = arith.index_cast %get3A_307 : i32 to index
        %get3A_310 = arith.index_cast %get3A_308 : i32 to index
        %get3A_311 = arith.index_cast %mul3A_306 : i32 to index
        %get3A_312 = tpu.vector_load %arg4[%get3A_309, %get3A_310, %get3A_311] {strides = array<i32>} : memref<2x4x4000xf32, #tpu.memory_space<vmem>>, vector<16xf32>,
        %scatter3A_313 = arith.constant 1 : i32
        %scatter3A_314 = arith.constant 0 : i32
        %scatter3A_315 = tpu.memref_slice %arg5[%scatter3A_313, %scatter3A_314] : memref<2x32000xf32, #tpu.memory_space<vmem>> -> memref<1x32000xf32, #tpu.memory_space<vmem>>
        %scatter3A_316 = tpu.memref_squeeze %scatter3A_315 : memref<1x32000xf32, #tpu.memory_space<vmem>> -> memref<32000xf32, #tpu.memory_space<vmem>>
        tpu.vector_store_idx %scatter3A_316[%add3A_304], %get3A_312 : memref<32000xf32, #tpu.memory_space<vmem>>[vector<16xi32>], vector<16xf32>,
        %scan3A_317 = arith.constant 1 : i32
        %scan3A_318 = arith.addi %scan3A_238, %scan3A_317 : i32
        %mul3A_319 = arith.constant 16 : i32
        %mul3A_320 = arith.muli %scan3A_318, %mul3A_319 : i32
        %mul3A_321 = arith.constant 8 : i32
        %mul3A_322 = arith.muli %mul3A_320, %mul3A_321 : i32
        %add3A_323 = arith.constant 0 : i32
        %add3A_324 = arith.addi %mul3A_322, %add3A_323 : i32
        %add3A_325 = vector.broadcast %add3A_324 : i32 to vector<16xi32>
        %add3A_326 = arith.addi %mul3A_3, %add3A_325 : vector<16xi32>
        %mul3A_327 = arith.constant 16 : i32
        %mul3A_328 = arith.muli %scan3A_318, %mul3A_327 : i32
        %get3A_329 = arith.constant 1 : i32
        %get3A_330 = arith.constant 0 : i32
        %get3A_331 = arith.index_cast %get3A_329 : i32 to index
        %get3A_332 = arith.index_cast %get3A_330 : i32 to index
        %get3A_333 = arith.index_cast %mul3A_328 : i32 to index
        %get3A_334 = tpu.vector_load %arg4[%get3A_331, %get3A_332, %get3A_333] {strides = array<i32>} : memref<2x4x4000xf32, #tpu.memory_space<vmem>>, vector<16xf32>,
        %scatter3A_335 = arith.constant 1 : i32
        %scatter3A_336 = arith.constant 0 : i32
        %scatter3A_337 = tpu.memref_slice %arg5[%scatter3A_335, %scatter3A_336] : memref<2x32000xf32, #tpu.memory_space<vmem>> -> memref<1x32000xf32, #tpu.memory_space<vmem>>
        %scatter3A_338 = tpu.memref_squeeze %scatter3A_337 : memref<1x32000xf32, #tpu.memory_space<vmem>> -> memref<32000xf32, #tpu.memory_space<vmem>>
        tpu.vector_store_idx %scatter3A_338[%add3A_326], %get3A_334 : memref<32000xf32, #tpu.memory_space<vmem>>[vector<16xi32>], vector<16xf32>,
        %mul3A_339 = arith.constant 16 : i32
        %mul3A_340 = arith.muli %scan3A_318, %mul3A_339 : i32
        %mul3A_341 = arith.constant 8 : i32
        %mul3A_342 = arith.muli %mul3A_340, %mul3A_341 : i32
        %add3A_343 = arith.constant 1 : i32
        %add3A_344 = arith.addi %mul3A_342, %add3A_343 : i32
        %add3A_345 = vector.broadcast %add3A_344 : i32 to vector<16xi32>
        %add3A_346 = arith.addi %mul3A_3, %add3A_345 : vector<16xi32>
        %mul3A_347 = arith.constant 16 : i32
        %mul3A_348 = arith.muli %scan3A_318, %mul3A_347 : i32
        %get3A_349 = arith.constant 1 : i32
        %get3A_350 = arith.constant 1 : i32
        %get3A_351 = arith.index_cast %get3A_349 : i32 to index
        %get3A_352 = arith.index_cast %get3A_350 : i32 to index
        %get3A_353 = arith.index_cast %mul3A_348 : i32 to index
        %get3A_354 = tpu.vector_load %arg4[%get3A_351, %get3A_352, %get3A_353] {strides = array<i32>} : memref<2x4x4000xf32, #tpu.memory_space<vmem>>, vector<16xf32>,
        %scatter3A_355 = arith.constant 1 : i32
        %scatter3A_356 = arith.constant 0 : i32
        %scatter3A_357 = tpu.memref_slice %arg5[%scatter3A_355, %scatter3A_356] : memref<2x32000xf32, #tpu.memory_space<vmem>> -> memref<1x32000xf32, #tpu.memory_space<vmem>>
        %scatter3A_358 = tpu.memref_squeeze %scatter3A_357 : memref<1x32000xf32, #tpu.memory_space<vmem>> -> memref<32000xf32, #tpu.memory_space<vmem>>
        tpu.vector_store_idx %scatter3A_358[%add3A_346], %get3A_354 : memref<32000xf32, #tpu.memory_space<vmem>>[vector<16xi32>], vector<16xf32>,
        %mul3A_359 = arith.constant 16 : i32
        %mul3A_360 = arith.muli %scan3A_318, %mul3A_359 : i32
        %mul3A_361 = arith.constant 8 : i32
        %mul3A_362 = arith.muli %mul3A_360, %mul3A_361 : i32
        %add3A_363 = arith.constant 2 : i32
        %add3A_364 = arith.addi %mul3A_362, %add3A_363 : i32
        %add3A_365 = vector.broadcast %add3A_364 : i32 to vector<16xi32>
        %add3A_366 = arith.addi %mul3A_3, %add3A_365 : vector<16xi32>
        %mul3A_367 = arith.constant 16 : i32
        %mul3A_368 = arith.muli %scan3A_318, %mul3A_367 : i32
        %get3A_369 = arith.constant 1 : i32
        %get3A_370 = arith.constant 2 : i32
        %get3A_371 = arith.index_cast %get3A_369 : i32 to index
        %get3A_372 = arith.index_cast %get3A_370 : i32 to index
        %get3A_373 = arith.index_cast %mul3A_368 : i32 to index
        %get3A_374 = tpu.vector_load %arg4[%get3A_371, %get3A_372, %get3A_373] {strides = array<i32>} : memref<2x4x4000xf32, #tpu.memory_space<vmem>>, vector<16xf32>,
        %scatter3A_375 = arith.constant 1 : i32
        %scatter3A_376 = arith.constant 0 : i32
        %scatter3A_377 = tpu.memref_slice %arg5[%scatter3A_375, %scatter3A_376] : memref<2x32000xf32, #tpu.memory_space<vmem>> -> memref<1x32000xf32, #tpu.memory_space<vmem>>
        %scatter3A_378 = tpu.memref_squeeze %scatter3A_377 : memref<1x32000xf32, #tpu.memory_space<vmem>> -> memref<32000xf32, #tpu.memory_space<vmem>>
        tpu.vector_store_idx %scatter3A_378[%add3A_366], %get3A_374 : memref<32000xf32, #tpu.memory_space<vmem>>[vector<16xi32>], vector<16xf32>,
        %mul3A_379 = arith.constant 16 : i32
        %mul3A_380 = arith.muli %scan3A_318, %mul3A_379 : i32
        %mul3A_381 = arith.constant 8 : i32
        %mul3A_382 = arith.muli %mul3A_380, %mul3A_381 : i32
        %add3A_383 = arith.constant 3 : i32
        %add3A_384 = arith.addi %mul3A_382, %add3A_383 : i32
        %add3A_385 = vector.broadcast %add3A_384 : i32 to vector<16xi32>
        %add3A_386 = arith.addi %mul3A_3, %add3A_385 : vector<16xi32>
        %mul3A_387 = arith.constant 16 : i32
        %mul3A_388 = arith.muli %scan3A_318, %mul3A_387 : i32
        %get3A_389 = arith.constant 1 : i32
        %get3A_390 = arith.constant 3 : i32
        %get3A_391 = arith.index_cast %get3A_389 : i32 to index
        %get3A_392 = arith.index_cast %get3A_390 : i32 to index
        %get3A_393 = arith.index_cast %mul3A_388 : i32 to index
        %get3A_394 = tpu.vector_load %arg4[%get3A_391, %get3A_392, %get3A_393] {strides = array<i32>} : memref<2x4x4000xf32, #tpu.memory_space<vmem>>, vector<16xf32>,
        %scatter3A_395 = arith.constant 1 : i32
        %scatter3A_396 = arith.constant 0 : i32
        %scatter3A_397 = tpu.memref_slice %arg5[%scatter3A_395, %scatter3A_396] : memref<2x32000xf32, #tpu.memory_space<vmem>> -> memref<1x32000xf32, #tpu.memory_space<vmem>>
        %scatter3A_398 = tpu.memref_squeeze %scatter3A_397 : memref<1x32000xf32, #tpu.memory_space<vmem>> -> memref<32000xf32, #tpu.memory_space<vmem>>
        tpu.vector_store_idx %scatter3A_398[%add3A_386], %get3A_394 : memref<32000xf32, #tpu.memory_space<vmem>>[vector<16xi32>], vector<16xf32>,
      }
      %scan3A_225 = arith.constant 250 : i32
      %mul3A_226 = arith.constant 4000 : i32
      %mul3A_227 = arith.muli %add3A_57, %mul3A_226 : i32
      %mul3A_228 = arith.constant 8 : i32
      %mul3A_229 = arith.muli %mul3A_227, %mul3A_228 : i32
      %dma_start3A = arith.constant 1 : i32
      %dma_start3A_230 = arith.constant 0 : i32
      %dma_start3A_231 = tpu.memref_slice %arg5[%dma_start3A, %dma_start3A_230] : memref<2x32000xf32, #tpu.memory_space<vmem>> -> memref<1x32000xf32, #tpu.memory_space<vmem>>
      %dma_start3A_232 = tpu.memref_squeeze %dma_start3A_231 : memref<1x32000xf32, #tpu.memory_space<vmem>> -> memref<32000xf32, #tpu.memory_space<vmem>>
      %dma_start3A_233 = tpu.memref_slice %arg3[%mul3A_229] : memref<8000000xf32, #tpu.memory_space<hbm>> -> memref<32000xf32, #tpu.memory_space<hbm>>
      %dma_start3A_234 = tpu.memref_slice %arg3[%mul3A_229] : memref<8000000xf32, #tpu.memory_space<hbm>> -> memref<32000xf32, #tpu.memory_space<hbm>>
      %dma_start3A_235 = arith.constant 0 : i32
      %dma_start3A_236 = tpu.memref_slice %arg5[%dma_start3A, %dma_start3A_235] : memref<2x32000xf32, #tpu.memory_space<vmem>> -> memref<1x32000xf32, #tpu.memory_space<vmem>>
      %dma_start3A_237 = tpu.memref_squeeze %dma_start3A_236 : memref<1x32000xf32, #tpu.memory_space<vmem>> -> memref<32000xf32, #tpu.memory_space<vmem>>
      tpu.enqueue_dma source(%dma_start3A_237 : memref<32000xf32, #tpu.memory_space<vmem>>) target(%dma_start3A_234 : memref<32000xf32, #tpu.memory_space<hbm>>) target_semaphore(%arg9 : memref<!tpu.dma_semaphore, #tpu.memory_space<semaphore_mem>>)
    } else {
    }
    %add3A_70 = arith.constant 128 : i32
    %add3A_71 = arith.addi %add3A, %add3A_70 : i32
    %add3A_72 = arith.constant 160 : i32
    %add3A_73 = arith.addi %add3A, %add3A_72 : i32
    %lt3A_74 = arith.constant 250 : i32
    %lt3A_75 = arith.cmpi slt, %add3A_73, %lt3A_74 : i32
    %convert_element_type3A_76 = arith.extui %lt3A_75 : i1 to i32
    %cond3A_77 = arith.constant 0 : i32
    %cond3A_78 = arith.cmpi ne, %convert_element_type3A_76, %cond3A_77 : i32
    scf.if %cond3A_78 {
      %mul3A_147 = arith.constant 4000 : i32
      %mul3A_148 = arith.muli %add3A_73, %mul3A_147 : i32
      %dma_start3A = arith.constant 0 : i32
      %dma_start3A_149 = arith.constant 1 : i32
      %dma_start3A_150 = arith.constant 0 : i32
      %dma_start3A_151 = arith.constant 0 : i32
      %dma_start3A_152 = tpu.memref_slice %arg4[%dma_start3A_149, %dma_start3A_150, %dma_start3A_151] : memref<2x4x4000xf32, #tpu.memory_space<vmem>> -> memref<1x1x4000xf32, #tpu.memory_space<vmem>>
      %dma_start3A_153 = tpu.memref_squeeze %dma_start3A_152 : memref<1x1x4000xf32, #tpu.memory_space<vmem>> -> memref<4000xf32, #tpu.memory_space<vmem>>
      %dma_start3A_154 = tpu.memref_slice %arg2[%dma_start3A, %mul3A_148] : memref<4x1000000xf32, #tpu.memory_space<hbm>> -> memref<1x4000xf32, #tpu.memory_space<hbm>>
      %dma_start3A_155 = tpu.memref_squeeze %dma_start3A_154 : memref<1x4000xf32, #tpu.memory_space<hbm>> -> memref<4000xf32, #tpu.memory_space<hbm>>
      %dma_start3A_156 = arith.constant 0 : i32
      %dma_start3A_157 = tpu.memref_slice %arg4[%dma_start3A_149, %dma_start3A_150, %dma_start3A_156] : memref<2x4x4000xf32, #tpu.memory_space<vmem>> -> memref<1x1x4000xf32, #tpu.memory_space<vmem>>
      %dma_start3A_158 = tpu.memref_squeeze %dma_start3A_157 : memref<1x1x4000xf32, #tpu.memory_space<vmem>> -> memref<4000xf32, #tpu.memory_space<vmem>>
      %dma_start3A_159 = tpu.memref_slice %arg2[%dma_start3A, %mul3A_148] : memref<4x1000000xf32, #tpu.memory_space<hbm>> -> memref<1x4000xf32, #tpu.memory_space<hbm>>
      %dma_start3A_160 = tpu.memref_squeeze %dma_start3A_159 : memref<1x4000xf32, #tpu.memory_space<hbm>> -> memref<4000xf32, #tpu.memory_space<hbm>>
      tpu.enqueue_dma source(%dma_start3A_160 : memref<4000xf32, #tpu.memory_space<hbm>>) target(%dma_start3A_158 : memref<4000xf32, #tpu.memory_space<vmem>>) target_semaphore(%arg7 : memref<!tpu.dma_semaphore, #tpu.memory_space<semaphore_mem>>)
      %mul3A_161 = arith.constant 4000 : i32
      %mul3A_162 = arith.muli %add3A_73, %mul3A_161 : i32
      %dma_start3A_163 = arith.constant 1 : i32
      %dma_start3A_164 = arith.constant 1 : i32
      %dma_start3A_165 = arith.constant 1 : i32
      %dma_start3A_166 = arith.constant 0 : i32
      %dma_start3A_167 = tpu.memref_slice %arg4[%dma_start3A_164, %dma_start3A_165, %dma_start3A_166] : memref<2x4x4000xf32, #tpu.memory_space<vmem>> -> memref<1x1x4000xf32, #tpu.memory_space<vmem>>
      %dma_start3A_168 = tpu.memref_squeeze %dma_start3A_167 : memref<1x1x4000xf32, #tpu.memory_space<vmem>> -> memref<4000xf32, #tpu.memory_space<vmem>>
      %dma_start3A_169 = tpu.memref_slice %arg2[%dma_start3A_163, %mul3A_162] : memref<4x1000000xf32, #tpu.memory_space<hbm>> -> memref<1x4000xf32, #tpu.memory_space<hbm>>
      %dma_start3A_170 = tpu.memref_squeeze %dma_start3A_169 : memref<1x4000xf32, #tpu.memory_space<hbm>> -> memref<4000xf32, #tpu.memory_space<hbm>>
      %dma_start3A_171 = arith.constant 0 : i32
      %dma_start3A_172 = tpu.memref_slice %arg4[%dma_start3A_164, %dma_start3A_165, %dma_start3A_171] : memref<2x4x4000xf32, #tpu.memory_space<vmem>> -> memref<1x1x4000xf32, #tpu.memory_space<vmem>>
      %dma_start3A_173 = tpu.memref_squeeze %dma_start3A_172 : memref<1x1x4000xf32, #tpu.memory_space<vmem>> -> memref<4000xf32, #tpu.memory_space<vmem>>
      %dma_start3A_174 = tpu.memref_slice %arg2[%dma_start3A_163, %mul3A_162] : memref<4x1000000xf32, #tpu.memory_space<hbm>> -> memref<1x4000xf32, #tpu.memory_space<hbm>>
      %dma_start3A_175 = tpu.memref_squeeze %dma_start3A_174 : memref<1x4000xf32, #tpu.memory_space<hbm>> -> memref<4000xf32, #tpu.memory_space<hbm>>
      tpu.enqueue_dma source(%dma_start3A_175 : memref<4000xf32, #tpu.memory_space<hbm>>) target(%dma_start3A_173 : memref<4000xf32, #tpu.memory_space<vmem>>) target_semaphore(%arg7 : memref<!tpu.dma_semaphore, #tpu.memory_space<semaphore_mem>>)
      %mul3A_176 = arith.constant 4000 : i32
      %mul3A_177 = arith.muli %add3A_73, %mul3A_176 : i32
      %dma_start3A_178 = arith.constant 2 : i32
      %dma_start3A_179 = arith.constant 1 : i32
      %dma_start3A_180 = arith.constant 2 : i32
      %dma_start3A_181 = arith.constant 0 : i32
      %dma_start3A_182 = tpu.memref_slice %arg4[%dma_start3A_179, %dma_start3A_180, %dma_start3A_181] : memref<2x4x4000xf32, #tpu.memory_space<vmem>> -> memref<1x1x4000xf32, #tpu.memory_space<vmem>>
      %dma_start3A_183 = tpu.memref_squeeze %dma_start3A_182 : memref<1x1x4000xf32, #tpu.memory_space<vmem>> -> memref<4000xf32, #tpu.memory_space<vmem>>
      %dma_start3A_184 = tpu.memref_slice %arg2[%dma_start3A_178, %mul3A_177] : memref<4x1000000xf32, #tpu.memory_space<hbm>> -> memref<1x4000xf32, #tpu.memory_space<hbm>>
      %dma_start3A_185 = tpu.memref_squeeze %dma_start3A_184 : memref<1x4000xf32, #tpu.memory_space<hbm>> -> memref<4000xf32, #tpu.memory_space<hbm>>
      %dma_start3A_186 = arith.constant 0 : i32
      %dma_start3A_187 = tpu.memref_slice %arg4[%dma_start3A_179, %dma_start3A_180, %dma_start3A_186] : memref<2x4x4000xf32, #tpu.memory_space<vmem>> -> memref<1x1x4000xf32, #tpu.memory_space<vmem>>
      %dma_start3A_188 = tpu.memref_squeeze %dma_start3A_187 : memref<1x1x4000xf32, #tpu.memory_space<vmem>> -> memref<4000xf32, #tpu.memory_space<vmem>>
      %dma_start3A_189 = tpu.memref_slice %arg2[%dma_start3A_178, %mul3A_177] : memref<4x1000000xf32, #tpu.memory_space<hbm>> -> memref<1x4000xf32, #tpu.memory_space<hbm>>
      %dma_start3A_190 = tpu.memref_squeeze %dma_start3A_189 : memref<1x4000xf32, #tpu.memory_space<hbm>> -> memref<4000xf32, #tpu.memory_space<hbm>>
      tpu.enqueue_dma source(%dma_start3A_190 : memref<4000xf32, #tpu.memory_space<hbm>>) target(%dma_start3A_188 : memref<4000xf32, #tpu.memory_space<vmem>>) target_semaphore(%arg7 : memref<!tpu.dma_semaphore, #tpu.memory_space<semaphore_mem>>)
      %mul3A_191 = arith.constant 4000 : i32
      %mul3A_192 = arith.muli %add3A_73, %mul3A_191 : i32
      %dma_start3A_193 = arith.constant 3 : i32
      %dma_start3A_194 = arith.constant 1 : i32
      %dma_start3A_195 = arith.constant 3 : i32
      %dma_start3A_196 = arith.constant 0 : i32
      %dma_start3A_197 = tpu.memref_slice %arg4[%dma_start3A_194, %dma_start3A_195, %dma_start3A_196] : memref<2x4x4000xf32, #tpu.memory_space<vmem>> -> memref<1x1x4000xf32, #tpu.memory_space<vmem>>
      %dma_start3A_198 = tpu.memref_squeeze %dma_start3A_197 : memref<1x1x4000xf32, #tpu.memory_space<vmem>> -> memref<4000xf32, #tpu.memory_space<vmem>>
      %dma_start3A_199 = tpu.memref_slice %arg2[%dma_start3A_193, %mul3A_192] : memref<4x1000000xf32, #tpu.memory_space<hbm>> -> memref<1x4000xf32, #tpu.memory_space<hbm>>
      %dma_start3A_200 = tpu.memref_squeeze %dma_start3A_199 : memref<1x4000xf32, #tpu.memory_space<hbm>> -> memref<4000xf32, #tpu.memory_space<hbm>>
      %dma_start3A_201 = arith.constant 0 : i32
      %dma_start3A_202 = tpu.memref_slice %arg4[%dma_start3A_194, %dma_start3A_195, %dma_start3A_201] : memref<2x4x4000xf32, #tpu.memory_space<vmem>> -> memref<1x1x4000xf32, #tpu.memory_space<vmem>>
      %dma_start3A_203 = tpu.memref_squeeze %dma_start3A_202 : memref<1x1x4000xf32, #tpu.memory_space<vmem>> -> memref<4000xf32, #tpu.memory_space<vmem>>
      %dma_start3A_204 = tpu.memref_slice %arg2[%dma_start3A_193, %mul3A_192] : memref<4x1000000xf32, #tpu.memory_space<hbm>> -> memref<1x4000xf32, #tpu.memory_space<hbm>>
      %dma_start3A_205 = tpu.memref_squeeze %dma_start3A_204 : memref<1x4000xf32, #tpu.memory_space<hbm>> -> memref<4000xf32, #tpu.memory_space<hbm>>
      tpu.enqueue_dma source(%dma_start3A_205 : memref<4000xf32, #tpu.memory_space<hbm>>) target(%dma_start3A_203 : memref<4000xf32, #tpu.memory_space<vmem>>) target_semaphore(%arg7 : memref<!tpu.dma_semaphore, #tpu.memory_space<semaphore_mem>>)
    } else {
    }
    %lt3A_79 = arith.constant 250 : i32
    %lt3A_80 = arith.cmpi slt, %add3A_71, %lt3A_79 : i32
    %convert_element_type3A_81 = arith.extui %lt3A_80 : i1 to i32
    %cond3A_82 = arith.constant 0 : i32
    %cond3A_83 = arith.cmpi ne, %convert_element_type3A_81, %cond3A_82 : i32
    scf.if %cond3A_83 {
      %mul3A_147 = arith.constant 4000 : i32
      %mul3A_148 = arith.muli %add3A_71, %mul3A_147 : i32
      %dma_wait3A_149 = arith.constant 0 : i32
      %dma_wait3A_150 = arith.constant 0 : i32
      %dma_wait3A_151 = arith.constant 0 : i32
      %dma_wait3A_152 = arith.constant 0 : i32
      %dma_wait3A_153 = tpu.memref_slice %arg4[%dma_wait3A_150, %dma_wait3A_151, %dma_wait3A_152] : memref<2x4x4000xf32, #tpu.memory_space<vmem>> -> memref<1x1x4000xf32, #tpu.memory_space<vmem>>
      %dma_wait3A_154 = tpu.memref_squeeze %dma_wait3A_153 : memref<1x1x4000xf32, #tpu.memory_space<vmem>> -> memref<4000xf32, #tpu.memory_space<vmem>>
      %dma_wait3A_155 = tpu.memref_slice %arg2[%dma_wait3A_149, %mul3A_148] : memref<4x1000000xf32, #tpu.memory_space<hbm>> -> memref<1x4000xf32, #tpu.memory_space<hbm>>
      %dma_wait3A_156 = tpu.memref_squeeze %dma_wait3A_155 : memref<1x4000xf32, #tpu.memory_space<hbm>> -> memref<4000xf32, #tpu.memory_space<hbm>>
      %dma_wait3A_157 = arith.constant 0 : i32
      %dma_wait3A_158 = tpu.memref_slice %arg4[%dma_wait3A_150, %dma_wait3A_151, %dma_wait3A_157] : memref<2x4x4000xf32, #tpu.memory_space<vmem>> -> memref<1x1x4000xf32, #tpu.memory_space<vmem>>
      %dma_wait3A_159 = tpu.memref_squeeze %dma_wait3A_158 : memref<1x1x4000xf32, #tpu.memory_space<vmem>> -> memref<4000xf32, #tpu.memory_space<vmem>>
      %dma_wait3A_160 = tpu.memref_slice %arg2[%dma_wait3A_149, %mul3A_148] : memref<4x1000000xf32, #tpu.memory_space<hbm>> -> memref<1x4000xf32, #tpu.memory_space<hbm>>
      %dma_wait3A_161 = tpu.memref_squeeze %dma_wait3A_160 : memref<1x4000xf32, #tpu.memory_space<hbm>> -> memref<4000xf32, #tpu.memory_space<hbm>>
      tpu.wait_dma2 semaphore(%arg6 : memref<!tpu.dma_semaphore, #tpu.memory_space<semaphore_mem>>) src(%dma_wait3A_161 : memref<4000xf32, #tpu.memory_space<hbm>>) dst(%dma_wait3A_159 : memref<4000xf32, #tpu.memory_space<vmem>>)
      %mul3A_162 = arith.constant 4000 : i32
      %mul3A_163 = arith.muli %add3A_71, %mul3A_162 : i32
      %dma_wait3A_164 = arith.constant 1 : i32
      %dma_wait3A_165 = arith.constant 0 : i32
      %dma_wait3A_166 = arith.constant 1 : i32
      %dma_wait3A_167 = arith.constant 0 : i32
      %dma_wait3A_168 = tpu.memref_slice %arg4[%dma_wait3A_165, %dma_wait3A_166, %dma_wait3A_167] : memref<2x4x4000xf32, #tpu.memory_space<vmem>> -> memref<1x1x4000xf32, #tpu.memory_space<vmem>>
      %dma_wait3A_169 = tpu.memref_squeeze %dma_wait3A_168 : memref<1x1x4000xf32, #tpu.memory_space<vmem>> -> memref<4000xf32, #tpu.memory_space<vmem>>
      %dma_wait3A_170 = tpu.memref_slice %arg2[%dma_wait3A_164, %mul3A_163] : memref<4x1000000xf32, #tpu.memory_space<hbm>> -> memref<1x4000xf32, #tpu.memory_space<hbm>>
      %dma_wait3A_171 = tpu.memref_squeeze %dma_wait3A_170 : memref<1x4000xf32, #tpu.memory_space<hbm>> -> memref<4000xf32, #tpu.memory_space<hbm>>
      %dma_wait3A_172 = arith.constant 0 : i32
      %dma_wait3A_173 = tpu.memref_slice %arg4[%dma_wait3A_165, %dma_wait3A_166, %dma_wait3A_172] : memref<2x4x4000xf32, #tpu.memory_space<vmem>> -> memref<1x1x4000xf32, #tpu.memory_space<vmem>>
      %dma_wait3A_174 = tpu.memref_squeeze %dma_wait3A_173 : memref<1x1x4000xf32, #tpu.memory_space<vmem>> -> memref<4000xf32, #tpu.memory_space<vmem>>
      %dma_wait3A_175 = tpu.memref_slice %arg2[%dma_wait3A_164, %mul3A_163] : memref<4x1000000xf32, #tpu.memory_space<hbm>> -> memref<1x4000xf32, #tpu.memory_space<hbm>>
      %dma_wait3A_176 = tpu.memref_squeeze %dma_wait3A_175 : memref<1x4000xf32, #tpu.memory_space<hbm>> -> memref<4000xf32, #tpu.memory_space<hbm>>
      tpu.wait_dma2 semaphore(%arg6 : memref<!tpu.dma_semaphore, #tpu.memory_space<semaphore_mem>>) src(%dma_wait3A_176 : memref<4000xf32, #tpu.memory_space<hbm>>) dst(%dma_wait3A_174 : memref<4000xf32, #tpu.memory_space<vmem>>)
      %mul3A_177 = arith.constant 4000 : i32
      %mul3A_178 = arith.muli %add3A_71, %mul3A_177 : i32
      %dma_wait3A_179 = arith.constant 2 : i32
      %dma_wait3A_180 = arith.constant 0 : i32
      %dma_wait3A_181 = arith.constant 2 : i32
      %dma_wait3A_182 = arith.constant 0 : i32
      %dma_wait3A_183 = tpu.memref_slice %arg4[%dma_wait3A_180, %dma_wait3A_181, %dma_wait3A_182] : memref<2x4x4000xf32, #tpu.memory_space<vmem>> -> memref<1x1x4000xf32, #tpu.memory_space<vmem>>
      %dma_wait3A_184 = tpu.memref_squeeze %dma_wait3A_183 : memref<1x1x4000xf32, #tpu.memory_space<vmem>> -> memref<4000xf32, #tpu.memory_space<vmem>>
      %dma_wait3A_185 = tpu.memref_slice %arg2[%dma_wait3A_179, %mul3A_178] : memref<4x1000000xf32, #tpu.memory_space<hbm>> -> memref<1x4000xf32, #tpu.memory_space<hbm>>
      %dma_wait3A_186 = tpu.memref_squeeze %dma_wait3A_185 : memref<1x4000xf32, #tpu.memory_space<hbm>> -> memref<4000xf32, #tpu.memory_space<hbm>>
      %dma_wait3A_187 = arith.constant 0 : i32
      %dma_wait3A_188 = tpu.memref_slice %arg4[%dma_wait3A_180, %dma_wait3A_181, %dma_wait3A_187] : memref<2x4x4000xf32, #tpu.memory_space<vmem>> -> memref<1x1x4000xf32, #tpu.memory_space<vmem>>
      %dma_wait3A_189 = tpu.memref_squeeze %dma_wait3A_188 : memref<1x1x4000xf32, #tpu.memory_space<vmem>> -> memref<4000xf32, #tpu.memory_space<vmem>>
      %dma_wait3A_190 = tpu.memref_slice %arg2[%dma_wait3A_179, %mul3A_178] : memref<4x1000000xf32, #tpu.memory_space<hbm>> -> memref<1x4000xf32, #tpu.memory_space<hbm>>
      %dma_wait3A_191 = tpu.memref_squeeze %dma_wait3A_190 : memref<1x4000xf32, #tpu.memory_space<hbm>> -> memref<4000xf32, #tpu.memory_space<hbm>>
      tpu.wait_dma2 semaphore(%arg6 : memref<!tpu.dma_semaphore, #tpu.memory_space<semaphore_mem>>) src(%dma_wait3A_191 : memref<4000xf32, #tpu.memory_space<hbm>>) dst(%dma_wait3A_189 : memref<4000xf32, #tpu.memory_space<vmem>>)
      %mul3A_192 = arith.constant 4000 : i32
      %mul3A_193 = arith.muli %add3A_71, %mul3A_192 : i32
      %dma_wait3A_194 = arith.constant 3 : i32
      %dma_wait3A_195 = arith.constant 0 : i32
      %dma_wait3A_196 = arith.constant 3 : i32
      %dma_wait3A_197 = arith.constant 0 : i32
      %dma_wait3A_198 = tpu.memref_slice %arg4[%dma_wait3A_195, %dma_wait3A_196, %dma_wait3A_197] : memref<2x4x4000xf32, #tpu.memory_space<vmem>> -> memref<1x1x4000xf32, #tpu.memory_space<vmem>>
      %dma_wait3A_199 = tpu.memref_squeeze %dma_wait3A_198 : memref<1x1x4000xf32, #tpu.memory_space<vmem>> -> memref<4000xf32, #tpu.memory_space<vmem>>
      %dma_wait3A_200 = tpu.memref_slice %arg2[%dma_wait3A_194, %mul3A_193] : memref<4x1000000xf32, #tpu.memory_space<hbm>> -> memref<1x4000xf32, #tpu.memory_space<hbm>>
      %dma_wait3A_201 = tpu.memref_squeeze %dma_wait3A_200 : memref<1x4000xf32, #tpu.memory_space<hbm>> -> memref<4000xf32, #tpu.memory_space<hbm>>
      %dma_wait3A_202 = arith.constant 0 : i32
      %dma_wait3A_203 = tpu.memref_slice %arg4[%dma_wait3A_195, %dma_wait3A_196, %dma_wait3A_202] : memref<2x4x4000xf32, #tpu.memory_space<vmem>> -> memref<1x1x4000xf32, #tpu.memory_space<vmem>>
      %dma_wait3A_204 = tpu.memref_squeeze %dma_wait3A_203 : memref<1x1x4000xf32, #tpu.memory_space<vmem>> -> memref<4000xf32, #tpu.memory_space<vmem>>
      %dma_wait3A_205 = tpu.memref_slice %arg2[%dma_wait3A_194, %mul3A_193] : memref<4x1000000xf32, #tpu.memory_space<hbm>> -> memref<1x4000xf32, #tpu.memory_space<hbm>>
      %dma_wait3A_206 = tpu.memref_squeeze %dma_wait3A_205 : memref<1x4000xf32, #tpu.memory_space<hbm>> -> memref<4000xf32, #tpu.memory_space<hbm>>
      tpu.wait_dma2 semaphore(%arg6 : memref<!tpu.dma_semaphore, #tpu.memory_space<semaphore_mem>>) src(%dma_wait3A_206 : memref<4000xf32, #tpu.memory_space<hbm>>) dst(%dma_wait3A_204 : memref<4000xf32, #tpu.memory_space<vmem>>)
      %mul3A_207 = arith.constant 4000 : i32
      %mul3A_208 = arith.muli %add3A_71, %mul3A_207 : i32
      %mul3A_209 = arith.constant 8 : i32
      %mul3A_210 = arith.muli %mul3A_208, %mul3A_209 : i32
      %dma_wait3A_211 = arith.constant 0 : i32
      %dma_wait3A_212 = arith.constant 0 : i32
      %dma_wait3A_213 = tpu.memref_slice %arg5[%dma_wait3A_211, %dma_wait3A_212] : memref<2x32000xf32, #tpu.memory_space<vmem>> -> memref<1x32000xf32, #tpu.memory_space<vmem>>
      %dma_wait3A_214 = tpu.memref_squeeze %dma_wait3A_213 : memref<1x32000xf32, #tpu.memory_space<vmem>> -> memref<32000xf32, #tpu.memory_space<vmem>>
      %dma_wait3A_215 = tpu.memref_slice %arg3[%mul3A_210] : memref<8000000xf32, #tpu.memory_space<hbm>> -> memref<32000xf32, #tpu.memory_space<hbm>>
      %dma_wait3A_216 = tpu.memref_slice %arg3[%mul3A_210] : memref<8000000xf32, #tpu.memory_space<hbm>> -> memref<32000xf32, #tpu.memory_space<hbm>>
      %dma_wait3A_217 = arith.constant 0 : i32
      %dma_wait3A_218 = tpu.memref_slice %arg5[%dma_wait3A_211, %dma_wait3A_217] : memref<2x32000xf32, #tpu.memory_space<vmem>> -> memref<1x32000xf32, #tpu.memory_space<vmem>>
      %dma_wait3A_219 = tpu.memref_squeeze %dma_wait3A_218 : memref<1x32000xf32, #tpu.memory_space<vmem>> -> memref<32000xf32, #tpu.memory_space<vmem>>
      tpu.wait_dma2 semaphore(%arg8 : memref<!tpu.dma_semaphore, #tpu.memory_space<semaphore_mem>>) src(%dma_wait3A_219 : memref<32000xf32, #tpu.memory_space<vmem>>) dst(%dma_wait3A_216 : memref<32000xf32, #tpu.memory_space<hbm>>)
      %scan3A_220 = arith.constant 0 : i32
      %scan3A_221 = arith.constant 0 : i32
      %scan3A_222 = arith.constant 250 : i32
      %scan3A_223 = arith.addi %scan3A_221, %scan3A_222 : i32
      %scan3A_224 = arith.constant 2 : i32
      scf.for %scan3A_238 = %scan3A_221 to %scan3A_223 step %scan3A_224  : i32 {
        %mul3A_239 = arith.constant 16 : i32
        %mul3A_240 = arith.muli %scan3A_238, %mul3A_239 : i32
        %mul3A_241 = arith.constant 8 : i32
        %mul3A_242 = arith.muli %mul3A_240, %mul3A_241 : i32
        %add3A_243 = arith.constant 0 : i32
        %add3A_244 = arith.addi %mul3A_242, %add3A_243 : i32
        %add3A_245 = vector.broadcast %add3A_244 : i32 to vector<16xi32>
        %add3A_246 = arith.addi %mul3A_3, %add3A_245 : vector<16xi32>
        %mul3A_247 = arith.constant 16 : i32
        %mul3A_248 = arith.muli %scan3A_238, %mul3A_247 : i32
        %get3A = arith.constant 0 : i32
        %get3A_249 = arith.constant 0 : i32
        %get3A_250 = arith.index_cast %get3A : i32 to index
        %get3A_251 = arith.index_cast %get3A_249 : i32 to index
        %get3A_252 = arith.index_cast %mul3A_248 : i32 to index
        %get3A_253 = tpu.vector_load %arg4[%get3A_250, %get3A_251, %get3A_252] {strides = array<i32>} : memref<2x4x4000xf32, #tpu.memory_space<vmem>>, vector<16xf32>,
        %scatter3A = arith.constant 0 : i32
        %scatter3A_254 = arith.constant 0 : i32
        %scatter3A_255 = tpu.memref_slice %arg5[%scatter3A, %scatter3A_254] : memref<2x32000xf32, #tpu.memory_space<vmem>> -> memref<1x32000xf32, #tpu.memory_space<vmem>>
        %scatter3A_256 = tpu.memref_squeeze %scatter3A_255 : memref<1x32000xf32, #tpu.memory_space<vmem>> -> memref<32000xf32, #tpu.memory_space<vmem>>
        tpu.vector_store_idx %scatter3A_256[%add3A_246], %get3A_253 : memref<32000xf32, #tpu.memory_space<vmem>>[vector<16xi32>], vector<16xf32>,
        %mul3A_257 = arith.constant 16 : i32
        %mul3A_258 = arith.muli %scan3A_238, %mul3A_257 : i32
        %mul3A_259 = arith.constant 8 : i32
        %mul3A_260 = arith.muli %mul3A_258, %mul3A_259 : i32
        %add3A_261 = arith.constant 1 : i32
        %add3A_262 = arith.addi %mul3A_260, %add3A_261 : i32
        %add3A_263 = vector.broadcast %add3A_262 : i32 to vector<16xi32>
        %add3A_264 = arith.addi %mul3A_3, %add3A_263 : vector<16xi32>
        %mul3A_265 = arith.constant 16 : i32
        %mul3A_266 = arith.muli %scan3A_238, %mul3A_265 : i32
        %get3A_267 = arith.constant 0 : i32
        %get3A_268 = arith.constant 1 : i32
        %get3A_269 = arith.index_cast %get3A_267 : i32 to index
        %get3A_270 = arith.index_cast %get3A_268 : i32 to index
        %get3A_271 = arith.index_cast %mul3A_266 : i32 to index
        %get3A_272 = tpu.vector_load %arg4[%get3A_269, %get3A_270, %get3A_271] {strides = array<i32>} : memref<2x4x4000xf32, #tpu.memory_space<vmem>>, vector<16xf32>,
        %scatter3A_273 = arith.constant 0 : i32
        %scatter3A_274 = arith.constant 0 : i32
        %scatter3A_275 = tpu.memref_slice %arg5[%scatter3A_273, %scatter3A_274] : memref<2x32000xf32, #tpu.memory_space<vmem>> -> memref<1x32000xf32, #tpu.memory_space<vmem>>
        %scatter3A_276 = tpu.memref_squeeze %scatter3A_275 : memref<1x32000xf32, #tpu.memory_space<vmem>> -> memref<32000xf32, #tpu.memory_space<vmem>>
        tpu.vector_store_idx %scatter3A_276[%add3A_264], %get3A_272 : memref<32000xf32, #tpu.memory_space<vmem>>[vector<16xi32>], vector<16xf32>,
        %mul3A_277 = arith.constant 16 : i32
        %mul3A_278 = arith.muli %scan3A_238, %mul3A_277 : i32
        %mul3A_279 = arith.constant 8 : i32
        %mul3A_280 = arith.muli %mul3A_278, %mul3A_279 : i32
        %add3A_281 = arith.constant 2 : i32
        %add3A_282 = arith.addi %mul3A_280, %add3A_281 : i32
        %add3A_283 = vector.broadcast %add3A_282 : i32 to vector<16xi32>
        %add3A_284 = arith.addi %mul3A_3, %add3A_283 : vector<16xi32>
        %mul3A_285 = arith.constant 16 : i32
        %mul3A_286 = arith.muli %scan3A_238, %mul3A_285 : i32
        %get3A_287 = arith.constant 0 : i32
        %get3A_288 = arith.constant 2 : i32
        %get3A_289 = arith.index_cast %get3A_287 : i32 to index
        %get3A_290 = arith.index_cast %get3A_288 : i32 to index
        %get3A_291 = arith.index_cast %mul3A_286 : i32 to index
        %get3A_292 = tpu.vector_load %arg4[%get3A_289, %get3A_290, %get3A_291] {strides = array<i32>} : memref<2x4x4000xf32, #tpu.memory_space<vmem>>, vector<16xf32>,
        %scatter3A_293 = arith.constant 0 : i32
        %scatter3A_294 = arith.constant 0 : i32
        %scatter3A_295 = tpu.memref_slice %arg5[%scatter3A_293, %scatter3A_294] : memref<2x32000xf32, #tpu.memory_space<vmem>> -> memref<1x32000xf32, #tpu.memory_space<vmem>>
        %scatter3A_296 = tpu.memref_squeeze %scatter3A_295 : memref<1x32000xf32, #tpu.memory_space<vmem>> -> memref<32000xf32, #tpu.memory_space<vmem>>
        tpu.vector_store_idx %scatter3A_296[%add3A_284], %get3A_292 : memref<32000xf32, #tpu.memory_space<vmem>>[vector<16xi32>], vector<16xf32>,
        %mul3A_297 = arith.constant 16 : i32
        %mul3A_298 = arith.muli %scan3A_238, %mul3A_297 : i32
        %mul3A_299 = arith.constant 8 : i32
        %mul3A_300 = arith.muli %mul3A_298, %mul3A_299 : i32
        %add3A_301 = arith.constant 3 : i32
        %add3A_302 = arith.addi %mul3A_300, %add3A_301 : i32
        %add3A_303 = vector.broadcast %add3A_302 : i32 to vector<16xi32>
        %add3A_304 = arith.addi %mul3A_3, %add3A_303 : vector<16xi32>
        %mul3A_305 = arith.constant 16 : i32
        %mul3A_306 = arith.muli %scan3A_238, %mul3A_305 : i32
        %get3A_307 = arith.constant 0 : i32
        %get3A_308 = arith.constant 3 : i32
        %get3A_309 = arith.index_cast %get3A_307 : i32 to index
        %get3A_310 = arith.index_cast %get3A_308 : i32 to index
        %get3A_311 = arith.index_cast %mul3A_306 : i32 to index
        %get3A_312 = tpu.vector_load %arg4[%get3A_309, %get3A_310, %get3A_311] {strides = array<i32>} : memref<2x4x4000xf32, #tpu.memory_space<vmem>>, vector<16xf32>,
        %scatter3A_313 = arith.constant 0 : i32
        %scatter3A_314 = arith.constant 0 : i32
        %scatter3A_315 = tpu.memref_slice %arg5[%scatter3A_313, %scatter3A_314] : memref<2x32000xf32, #tpu.memory_space<vmem>> -> memref<1x32000xf32, #tpu.memory_space<vmem>>
        %scatter3A_316 = tpu.memref_squeeze %scatter3A_315 : memref<1x32000xf32, #tpu.memory_space<vmem>> -> memref<32000xf32, #tpu.memory_space<vmem>>
        tpu.vector_store_idx %scatter3A_316[%add3A_304], %get3A_312 : memref<32000xf32, #tpu.memory_space<vmem>>[vector<16xi32>], vector<16xf32>,
        %scan3A_317 = arith.constant 1 : i32
        %scan3A_318 = arith.addi %scan3A_238, %scan3A_317 : i32
        %mul3A_319 = arith.constant 16 : i32
        %mul3A_320 = arith.muli %scan3A_318, %mul3A_319 : i32
        %mul3A_321 = arith.constant 8 : i32
        %mul3A_322 = arith.muli %mul3A_320, %mul3A_321 : i32
        %add3A_323 = arith.constant 0 : i32
        %add3A_324 = arith.addi %mul3A_322, %add3A_323 : i32
        %add3A_325 = vector.broadcast %add3A_324 : i32 to vector<16xi32>
        %add3A_326 = arith.addi %mul3A_3, %add3A_325 : vector<16xi32>
        %mul3A_327 = arith.constant 16 : i32
        %mul3A_328 = arith.muli %scan3A_318, %mul3A_327 : i32
        %get3A_329 = arith.constant 0 : i32
        %get3A_330 = arith.constant 0 : i32
        %get3A_331 = arith.index_cast %get3A_329 : i32 to index
        %get3A_332 = arith.index_cast %get3A_330 : i32 to index
        %get3A_333 = arith.index_cast %mul3A_328 : i32 to index
        %get3A_334 = tpu.vector_load %arg4[%get3A_331, %get3A_332, %get3A_333] {strides = array<i32>} : memref<2x4x4000xf32, #tpu.memory_space<vmem>>, vector<16xf32>,
        %scatter3A_335 = arith.constant 0 : i32
        %scatter3A_336 = arith.constant 0 : i32
        %scatter3A_337 = tpu.memref_slice %arg5[%scatter3A_335, %scatter3A_336] : memref<2x32000xf32, #tpu.memory_space<vmem>> -> memref<1x32000xf32, #tpu.memory_space<vmem>>
        %scatter3A_338 = tpu.memref_squeeze %scatter3A_337 : memref<1x32000xf32, #tpu.memory_space<vmem>> -> memref<32000xf32, #tpu.memory_space<vmem>>
        tpu.vector_store_idx %scatter3A_338[%add3A_326], %get3A_334 : memref<32000xf32, #tpu.memory_space<vmem>>[vector<16xi32>], vector<16xf32>,
        %mul3A_339 = arith.constant 16 : i32
        %mul3A_340 = arith.muli %scan3A_318, %mul3A_339 : i32
        %mul3A_341 = arith.constant 8 : i32
        %mul3A_342 = arith.muli %mul3A_340, %mul3A_341 : i32
        %add3A_343 = arith.constant 1 : i32
        %add3A_344 = arith.addi %mul3A_342, %add3A_343 : i32
        %add3A_345 = vector.broadcast %add3A_344 : i32 to vector<16xi32>
        %add3A_346 = arith.addi %mul3A_3, %add3A_345 : vector<16xi32>
        %mul3A_347 = arith.constant 16 : i32
        %mul3A_348 = arith.muli %scan3A_318, %mul3A_347 : i32
        %get3A_349 = arith.constant 0 : i32
        %get3A_350 = arith.constant 1 : i32
        %get3A_351 = arith.index_cast %get3A_349 : i32 to index
        %get3A_352 = arith.index_cast %get3A_350 : i32 to index
        %get3A_353 = arith.index_cast %mul3A_348 : i32 to index
        %get3A_354 = tpu.vector_load %arg4[%get3A_351, %get3A_352, %get3A_353] {strides = array<i32>} : memref<2x4x4000xf32, #tpu.memory_space<vmem>>, vector<16xf32>,
        %scatter3A_355 = arith.constant 0 : i32
        %scatter3A_356 = arith.constant 0 : i32
        %scatter3A_357 = tpu.memref_slice %arg5[%scatter3A_355, %scatter3A_356] : memref<2x32000xf32, #tpu.memory_space<vmem>> -> memref<1x32000xf32, #tpu.memory_space<vmem>>
        %scatter3A_358 = tpu.memref_squeeze %scatter3A_357 : memref<1x32000xf32, #tpu.memory_space<vmem>> -> memref<32000xf32, #tpu.memory_space<vmem>>
        tpu.vector_store_idx %scatter3A_358[%add3A_346], %get3A_354 : memref<32000xf32, #tpu.memory_space<vmem>>[vector<16xi32>], vector<16xf32>,
        %mul3A_359 = arith.constant 16 : i32
        %mul3A_360 = arith.muli %scan3A_318, %mul3A_359 : i32
        %mul3A_361 = arith.constant 8 : i32
        %mul3A_362 = arith.muli %mul3A_360, %mul3A_361 : i32
        %add3A_363 = arith.constant 2 : i32
        %add3A_364 = arith.addi %mul3A_362, %add3A_363 : i32
        %add3A_365 = vector.broadcast %add3A_364 : i32 to vector<16xi32>
        %add3A_366 = arith.addi %mul3A_3, %add3A_365 : vector<16xi32>
        %mul3A_367 = arith.constant 16 : i32
        %mul3A_368 = arith.muli %scan3A_318, %mul3A_367 : i32
        %get3A_369 = arith.constant 0 : i32
        %get3A_370 = arith.constant 2 : i32
        %get3A_371 = arith.index_cast %get3A_369 : i32 to index
        %get3A_372 = arith.index_cast %get3A_370 : i32 to index
        %get3A_373 = arith.index_cast %mul3A_368 : i32 to index
        %get3A_374 = tpu.vector_load %arg4[%get3A_371, %get3A_372, %get3A_373] {strides = array<i32>} : memref<2x4x4000xf32, #tpu.memory_space<vmem>>, vector<16xf32>,
        %scatter3A_375 = arith.constant 0 : i32
        %scatter3A_376 = arith.constant 0 : i32
        %scatter3A_377 = tpu.memref_slice %arg5[%scatter3A_375, %scatter3A_376] : memref<2x32000xf32, #tpu.memory_space<vmem>> -> memref<1x32000xf32, #tpu.memory_space<vmem>>
        %scatter3A_378 = tpu.memref_squeeze %scatter3A_377 : memref<1x32000xf32, #tpu.memory_space<vmem>> -> memref<32000xf32, #tpu.memory_space<vmem>>
        tpu.vector_store_idx %scatter3A_378[%add3A_366], %get3A_374 : memref<32000xf32, #tpu.memory_space<vmem>>[vector<16xi32>], vector<16xf32>,
        %mul3A_379 = arith.constant 16 : i32
        %mul3A_380 = arith.muli %scan3A_318, %mul3A_379 : i32
        %mul3A_381 = arith.constant 8 : i32
        %mul3A_382 = arith.muli %mul3A_380, %mul3A_381 : i32
        %add3A_383 = arith.constant 3 : i32
        %add3A_384 = arith.addi %mul3A_382, %add3A_383 : i32
        %add3A_385 = vector.broadcast %add3A_384 : i32 to vector<16xi32>
        %add3A_386 = arith.addi %mul3A_3, %add3A_385 : vector<16xi32>
        %mul3A_387 = arith.constant 16 : i32
        %mul3A_388 = arith.muli %scan3A_318, %mul3A_387 : i32
        %get3A_389 = arith.constant 0 : i32
        %get3A_390 = arith.constant 3 : i32
        %get3A_391 = arith.index_cast %get3A_389 : i32 to index
        %get3A_392 = arith.index_cast %get3A_390 : i32 to index
        %get3A_393 = arith.index_cast %mul3A_388 : i32 to index
        %get3A_394 = tpu.vector_load %arg4[%get3A_391, %get3A_392, %get3A_393] {strides = array<i32>} : memref<2x4x4000xf32, #tpu.memory_space<vmem>>, vector<16xf32>,
        %scatter3A_395 = arith.constant 0 : i32
        %scatter3A_396 = arith.constant 0 : i32
        %scatter3A_397 = tpu.memref_slice %arg5[%scatter3A_395, %scatter3A_396] : memref<2x32000xf32, #tpu.memory_space<vmem>> -> memref<1x32000xf32, #tpu.memory_space<vmem>>
        %scatter3A_398 = tpu.memref_squeeze %scatter3A_397 : memref<1x32000xf32, #tpu.memory_space<vmem>> -> memref<32000xf32, #tpu.memory_space<vmem>>
        tpu.vector_store_idx %scatter3A_398[%add3A_386], %get3A_394 : memref<32000xf32, #tpu.memory_space<vmem>>[vector<16xi32>], vector<16xf32>,
      }
      %scan3A_225 = arith.constant 250 : i32
      %mul3A_226 = arith.constant 4000 : i32
      %mul3A_227 = arith.muli %add3A_71, %mul3A_226 : i32
      %mul3A_228 = arith.constant 8 : i32
      %mul3A_229 = arith.muli %mul3A_227, %mul3A_228 : i32
      %dma_start3A = arith.constant 0 : i32
      %dma_start3A_230 = arith.constant 0 : i32
      %dma_start3A_231 = tpu.memref_slice %arg5[%dma_start3A, %dma_start3A_230] : memref<2x32000xf32, #tpu.memory_space<vmem>> -> memref<1x32000xf32, #tpu.memory_space<vmem>>
      %dma_start3A_232 = tpu.memref_squeeze %dma_start3A_231 : memref<1x32000xf32, #tpu.memory_space<vmem>> -> memref<32000xf32, #tpu.memory_space<vmem>>
      %dma_start3A_233 = tpu.memref_slice %arg3[%mul3A_229] : memref<8000000xf32, #tpu.memory_space<hbm>> -> memref<32000xf32, #tpu.memory_space<hbm>>
      %dma_start3A_234 = tpu.memref_slice %arg3[%mul3A_229] : memref<8000000xf32, #tpu.memory_space<hbm>> -> memref<32000xf32, #tpu.memory_space<hbm>>
      %dma_start3A_235 = arith.constant 0 : i32
      %dma_start3A_236 = tpu.memref_slice %arg5[%dma_start3A, %dma_start3A_235] : memref<2x32000xf32, #tpu.memory_space<vmem>> -> memref<1x32000xf32, #tpu.memory_space<vmem>>
      %dma_start3A_237 = tpu.memref_squeeze %dma_start3A_236 : memref<1x32000xf32, #tpu.memory_space<vmem>> -> memref<32000xf32, #tpu.memory_space<vmem>>
      tpu.enqueue_dma source(%dma_start3A_237 : memref<32000xf32, #tpu.memory_space<vmem>>) target(%dma_start3A_234 : memref<32000xf32, #tpu.memory_space<hbm>>) target_semaphore(%arg8 : memref<!tpu.dma_semaphore, #tpu.memory_space<semaphore_mem>>)
    } else {
    }
    %add3A_84 = arith.constant 160 : i32
    %add3A_85 = arith.addi %add3A, %add3A_84 : i32
    %add3A_86 = arith.constant 192 : i32
    %add3A_87 = arith.addi %add3A, %add3A_86 : i32
    %lt3A_88 = arith.constant 250 : i32
    %lt3A_89 = arith.cmpi slt, %add3A_87, %lt3A_88 : i32
    %convert_element_type3A_90 = arith.extui %lt3A_89 : i1 to i32
    %cond3A_91 = arith.constant 0 : i32
    %cond3A_92 = arith.cmpi ne, %convert_element_type3A_90, %cond3A_91 : i32
    scf.if %cond3A_92 {
      %mul3A_147 = arith.constant 4000 : i32
      %mul3A_148 = arith.muli %add3A_87, %mul3A_147 : i32
      %dma_start3A = arith.constant 0 : i32
      %dma_start3A_149 = arith.constant 0 : i32
      %dma_start3A_150 = arith.constant 0 : i32
      %dma_start3A_151 = arith.constant 0 : i32
      %dma_start3A_152 = tpu.memref_slice %arg4[%dma_start3A_149, %dma_start3A_150, %dma_start3A_151] : memref<2x4x4000xf32, #tpu.memory_space<vmem>> -> memref<1x1x4000xf32, #tpu.memory_space<vmem>>
      %dma_start3A_153 = tpu.memref_squeeze %dma_start3A_152 : memref<1x1x4000xf32, #tpu.memory_space<vmem>> -> memref<4000xf32, #tpu.memory_space<vmem>>
      %dma_start3A_154 = tpu.memref_slice %arg2[%dma_start3A, %mul3A_148] : memref<4x1000000xf32, #tpu.memory_space<hbm>> -> memref<1x4000xf32, #tpu.memory_space<hbm>>
      %dma_start3A_155 = tpu.memref_squeeze %dma_start3A_154 : memref<1x4000xf32, #tpu.memory_space<hbm>> -> memref<4000xf32, #tpu.memory_space<hbm>>
      %dma_start3A_156 = arith.constant 0 : i32
      %dma_start3A_157 = tpu.memref_slice %arg4[%dma_start3A_149, %dma_start3A_150, %dma_start3A_156] : memref<2x4x4000xf32, #tpu.memory_space<vmem>> -> memref<1x1x4000xf32, #tpu.memory_space<vmem>>
      %dma_start3A_158 = tpu.memref_squeeze %dma_start3A_157 : memref<1x1x4000xf32, #tpu.memory_space<vmem>> -> memref<4000xf32, #tpu.memory_space<vmem>>
      %dma_start3A_159 = tpu.memref_slice %arg2[%dma_start3A, %mul3A_148] : memref<4x1000000xf32, #tpu.memory_space<hbm>> -> memref<1x4000xf32, #tpu.memory_space<hbm>>
      %dma_start3A_160 = tpu.memref_squeeze %dma_start3A_159 : memref<1x4000xf32, #tpu.memory_space<hbm>> -> memref<4000xf32, #tpu.memory_space<hbm>>
      tpu.enqueue_dma source(%dma_start3A_160 : memref<4000xf32, #tpu.memory_space<hbm>>) target(%dma_start3A_158 : memref<4000xf32, #tpu.memory_space<vmem>>) target_semaphore(%arg6 : memref<!tpu.dma_semaphore, #tpu.memory_space<semaphore_mem>>)
      %mul3A_161 = arith.constant 4000 : i32
      %mul3A_162 = arith.muli %add3A_87, %mul3A_161 : i32
      %dma_start3A_163 = arith.constant 1 : i32
      %dma_start3A_164 = arith.constant 0 : i32
      %dma_start3A_165 = arith.constant 1 : i32
      %dma_start3A_166 = arith.constant 0 : i32
      %dma_start3A_167 = tpu.memref_slice %arg4[%dma_start3A_164, %dma_start3A_165, %dma_start3A_166] : memref<2x4x4000xf32, #tpu.memory_space<vmem>> -> memref<1x1x4000xf32, #tpu.memory_space<vmem>>
      %dma_start3A_168 = tpu.memref_squeeze %dma_start3A_167 : memref<1x1x4000xf32, #tpu.memory_space<vmem>> -> memref<4000xf32, #tpu.memory_space<vmem>>
      %dma_start3A_169 = tpu.memref_slice %arg2[%dma_start3A_163, %mul3A_162] : memref<4x1000000xf32, #tpu.memory_space<hbm>> -> memref<1x4000xf32, #tpu.memory_space<hbm>>
      %dma_start3A_170 = tpu.memref_squeeze %dma_start3A_169 : memref<1x4000xf32, #tpu.memory_space<hbm>> -> memref<4000xf32, #tpu.memory_space<hbm>>
      %dma_start3A_171 = arith.constant 0 : i32
      %dma_start3A_172 = tpu.memref_slice %arg4[%dma_start3A_164, %dma_start3A_165, %dma_start3A_171] : memref<2x4x4000xf32, #tpu.memory_space<vmem>> -> memref<1x1x4000xf32, #tpu.memory_space<vmem>>
      %dma_start3A_173 = tpu.memref_squeeze %dma_start3A_172 : memref<1x1x4000xf32, #tpu.memory_space<vmem>> -> memref<4000xf32, #tpu.memory_space<vmem>>
      %dma_start3A_174 = tpu.memref_slice %arg2[%dma_start3A_163, %mul3A_162] : memref<4x1000000xf32, #tpu.memory_space<hbm>> -> memref<1x4000xf32, #tpu.memory_space<hbm>>
      %dma_start3A_175 = tpu.memref_squeeze %dma_start3A_174 : memref<1x4000xf32, #tpu.memory_space<hbm>> -> memref<4000xf32, #tpu.memory_space<hbm>>
      tpu.enqueue_dma source(%dma_start3A_175 : memref<4000xf32, #tpu.memory_space<hbm>>) target(%dma_start3A_173 : memref<4000xf32, #tpu.memory_space<vmem>>) target_semaphore(%arg6 : memref<!tpu.dma_semaphore, #tpu.memory_space<semaphore_mem>>)
      %mul3A_176 = arith.constant 4000 : i32
      %mul3A_177 = arith.muli %add3A_87, %mul3A_176 : i32
      %dma_start3A_178 = arith.constant 2 : i32
      %dma_start3A_179 = arith.constant 0 : i32
      %dma_start3A_180 = arith.constant 2 : i32
      %dma_start3A_181 = arith.constant 0 : i32
      %dma_start3A_182 = tpu.memref_slice %arg4[%dma_start3A_179, %dma_start3A_180, %dma_start3A_181] : memref<2x4x4000xf32, #tpu.memory_space<vmem>> -> memref<1x1x4000xf32, #tpu.memory_space<vmem>>
      %dma_start3A_183 = tpu.memref_squeeze %dma_start3A_182 : memref<1x1x4000xf32, #tpu.memory_space<vmem>> -> memref<4000xf32, #tpu.memory_space<vmem>>
      %dma_start3A_184 = tpu.memref_slice %arg2[%dma_start3A_178, %mul3A_177] : memref<4x1000000xf32, #tpu.memory_space<hbm>> -> memref<1x4000xf32, #tpu.memory_space<hbm>>
      %dma_start3A_185 = tpu.memref_squeeze %dma_start3A_184 : memref<1x4000xf32, #tpu.memory_space<hbm>> -> memref<4000xf32, #tpu.memory_space<hbm>>
      %dma_start3A_186 = arith.constant 0 : i32
      %dma_start3A_187 = tpu.memref_slice %arg4[%dma_start3A_179, %dma_start3A_180, %dma_start3A_186] : memref<2x4x4000xf32, #tpu.memory_space<vmem>> -> memref<1x1x4000xf32, #tpu.memory_space<vmem>>
      %dma_start3A_188 = tpu.memref_squeeze %dma_start3A_187 : memref<1x1x4000xf32, #tpu.memory_space<vmem>> -> memref<4000xf32, #tpu.memory_space<vmem>>
      %dma_start3A_189 = tpu.memref_slice %arg2[%dma_start3A_178, %mul3A_177] : memref<4x1000000xf32, #tpu.memory_space<hbm>> -> memref<1x4000xf32, #tpu.memory_space<hbm>>
      %dma_start3A_190 = tpu.memref_squeeze %dma_start3A_189 : memref<1x4000xf32, #tpu.memory_space<hbm>> -> memref<4000xf32, #tpu.memory_space<hbm>>
      tpu.enqueue_dma source(%dma_start3A_190 : memref<4000xf32, #tpu.memory_space<hbm>>) target(%dma_start3A_188 : memref<4000xf32, #tpu.memory_space<vmem>>) target_semaphore(%arg6 : memref<!tpu.dma_semaphore, #tpu.memory_space<semaphore_mem>>)
      %mul3A_191 = arith.constant 4000 : i32
      %mul3A_192 = arith.muli %add3A_87, %mul3A_191 : i32
      %dma_start3A_193 = arith.constant 3 : i32
      %dma_start3A_194 = arith.constant 0 : i32
      %dma_start3A_195 = arith.constant 3 : i32
      %dma_start3A_196 = arith.constant 0 : i32
      %dma_start3A_197 = tpu.memref_slice %arg4[%dma_start3A_194, %dma_start3A_195, %dma_start3A_196] : memref<2x4x4000xf32, #tpu.memory_space<vmem>> -> memref<1x1x4000xf32, #tpu.memory_space<vmem>>
      %dma_start3A_198 = tpu.memref_squeeze %dma_start3A_197 : memref<1x1x4000xf32, #tpu.memory_space<vmem>> -> memref<4000xf32, #tpu.memory_space<vmem>>
      %dma_start3A_199 = tpu.memref_slice %arg2[%dma_start3A_193, %mul3A_192] : memref<4x1000000xf32, #tpu.memory_space<hbm>> -> memref<1x4000xf32, #tpu.memory_space<hbm>>
      %dma_start3A_200 = tpu.memref_squeeze %dma_start3A_199 : memref<1x4000xf32, #tpu.memory_space<hbm>> -> memref<4000xf32, #tpu.memory_space<hbm>>
      %dma_start3A_201 = arith.constant 0 : i32
      %dma_start3A_202 = tpu.memref_slice %arg4[%dma_start3A_194, %dma_start3A_195, %dma_start3A_201] : memref<2x4x4000xf32, #tpu.memory_space<vmem>> -> memref<1x1x4000xf32, #tpu.memory_space<vmem>>
      %dma_start3A_203 = tpu.memref_squeeze %dma_start3A_202 : memref<1x1x4000xf32, #tpu.memory_space<vmem>> -> memref<4000xf32, #tpu.memory_space<vmem>>
      %dma_start3A_204 = tpu.memref_slice %arg2[%dma_start3A_193, %mul3A_192] : memref<4x1000000xf32, #tpu.memory_space<hbm>> -> memref<1x4000xf32, #tpu.memory_space<hbm>>
      %dma_start3A_205 = tpu.memref_squeeze %dma_start3A_204 : memref<1x4000xf32, #tpu.memory_space<hbm>> -> memref<4000xf32, #tpu.memory_space<hbm>>
      tpu.enqueue_dma source(%dma_start3A_205 : memref<4000xf32, #tpu.memory_space<hbm>>) target(%dma_start3A_203 : memref<4000xf32, #tpu.memory_space<vmem>>) target_semaphore(%arg6 : memref<!tpu.dma_semaphore, #tpu.memory_space<semaphore_mem>>)
    } else {
    }
    %lt3A_93 = arith.constant 250 : i32
    %lt3A_94 = arith.cmpi slt, %add3A_85, %lt3A_93 : i32
    %convert_element_type3A_95 = arith.extui %lt3A_94 : i1 to i32
    %cond3A_96 = arith.constant 0 : i32
    %cond3A_97 = arith.cmpi ne, %convert_element_type3A_95, %cond3A_96 : i32
    scf.if %cond3A_97 {
      %mul3A_147 = arith.constant 4000 : i32
      %mul3A_148 = arith.muli %add3A_85, %mul3A_147 : i32
      %dma_wait3A_149 = arith.constant 0 : i32
      %dma_wait3A_150 = arith.constant 1 : i32
      %dma_wait3A_151 = arith.constant 0 : i32
      %dma_wait3A_152 = arith.constant 0 : i32
      %dma_wait3A_153 = tpu.memref_slice %arg4[%dma_wait3A_150, %dma_wait3A_151, %dma_wait3A_152] : memref<2x4x4000xf32, #tpu.memory_space<vmem>> -> memref<1x1x4000xf32, #tpu.memory_space<vmem>>
      %dma_wait3A_154 = tpu.memref_squeeze %dma_wait3A_153 : memref<1x1x4000xf32, #tpu.memory_space<vmem>> -> memref<4000xf32, #tpu.memory_space<vmem>>
      %dma_wait3A_155 = tpu.memref_slice %arg2[%dma_wait3A_149, %mul3A_148] : memref<4x1000000xf32, #tpu.memory_space<hbm>> -> memref<1x4000xf32, #tpu.memory_space<hbm>>
      %dma_wait3A_156 = tpu.memref_squeeze %dma_wait3A_155 : memref<1x4000xf32, #tpu.memory_space<hbm>> -> memref<4000xf32, #tpu.memory_space<hbm>>
      %dma_wait3A_157 = arith.constant 0 : i32
      %dma_wait3A_158 = tpu.memref_slice %arg4[%dma_wait3A_150, %dma_wait3A_151, %dma_wait3A_157] : memref<2x4x4000xf32, #tpu.memory_space<vmem>> -> memref<1x1x4000xf32, #tpu.memory_space<vmem>>
      %dma_wait3A_159 = tpu.memref_squeeze %dma_wait3A_158 : memref<1x1x4000xf32, #tpu.memory_space<vmem>> -> memref<4000xf32, #tpu.memory_space<vmem>>
      %dma_wait3A_160 = tpu.memref_slice %arg2[%dma_wait3A_149, %mul3A_148] : memref<4x1000000xf32, #tpu.memory_space<hbm>> -> memref<1x4000xf32, #tpu.memory_space<hbm>>
      %dma_wait3A_161 = tpu.memref_squeeze %dma_wait3A_160 : memref<1x4000xf32, #tpu.memory_space<hbm>> -> memref<4000xf32, #tpu.memory_space<hbm>>
      tpu.wait_dma2 semaphore(%arg7 : memref<!tpu.dma_semaphore, #tpu.memory_space<semaphore_mem>>) src(%dma_wait3A_161 : memref<4000xf32, #tpu.memory_space<hbm>>) dst(%dma_wait3A_159 : memref<4000xf32, #tpu.memory_space<vmem>>)
      %mul3A_162 = arith.constant 4000 : i32
      %mul3A_163 = arith.muli %add3A_85, %mul3A_162 : i32
      %dma_wait3A_164 = arith.constant 1 : i32
      %dma_wait3A_165 = arith.constant 1 : i32
      %dma_wait3A_166 = arith.constant 1 : i32
      %dma_wait3A_167 = arith.constant 0 : i32
      %dma_wait3A_168 = tpu.memref_slice %arg4[%dma_wait3A_165, %dma_wait3A_166, %dma_wait3A_167] : memref<2x4x4000xf32, #tpu.memory_space<vmem>> -> memref<1x1x4000xf32, #tpu.memory_space<vmem>>
      %dma_wait3A_169 = tpu.memref_squeeze %dma_wait3A_168 : memref<1x1x4000xf32, #tpu.memory_space<vmem>> -> memref<4000xf32, #tpu.memory_space<vmem>>
      %dma_wait3A_170 = tpu.memref_slice %arg2[%dma_wait3A_164, %mul3A_163] : memref<4x1000000xf32, #tpu.memory_space<hbm>> -> memref<1x4000xf32, #tpu.memory_space<hbm>>
      %dma_wait3A_171 = tpu.memref_squeeze %dma_wait3A_170 : memref<1x4000xf32, #tpu.memory_space<hbm>> -> memref<4000xf32, #tpu.memory_space<hbm>>
      %dma_wait3A_172 = arith.constant 0 : i32
      %dma_wait3A_173 = tpu.memref_slice %arg4[%dma_wait3A_165, %dma_wait3A_166, %dma_wait3A_172] : memref<2x4x4000xf32, #tpu.memory_space<vmem>> -> memref<1x1x4000xf32, #tpu.memory_space<vmem>>
      %dma_wait3A_174 = tpu.memref_squeeze %dma_wait3A_173 : memref<1x1x4000xf32, #tpu.memory_space<vmem>> -> memref<4000xf32, #tpu.memory_space<vmem>>
      %dma_wait3A_175 = tpu.memref_slice %arg2[%dma_wait3A_164, %mul3A_163] : memref<4x1000000xf32, #tpu.memory_space<hbm>> -> memref<1x4000xf32, #tpu.memory_space<hbm>>
      %dma_wait3A_176 = tpu.memref_squeeze %dma_wait3A_175 : memref<1x4000xf32, #tpu.memory_space<hbm>> -> memref<4000xf32, #tpu.memory_space<hbm>>
      tpu.wait_dma2 semaphore(%arg7 : memref<!tpu.dma_semaphore, #tpu.memory_space<semaphore_mem>>) src(%dma_wait3A_176 : memref<4000xf32, #tpu.memory_space<hbm>>) dst(%dma_wait3A_174 : memref<4000xf32, #tpu.memory_space<vmem>>)
      %mul3A_177 = arith.constant 4000 : i32
      %mul3A_178 = arith.muli %add3A_85, %mul3A_177 : i32
      %dma_wait3A_179 = arith.constant 2 : i32
      %dma_wait3A_180 = arith.constant 1 : i32
      %dma_wait3A_181 = arith.constant 2 : i32
      %dma_wait3A_182 = arith.constant 0 : i32
      %dma_wait3A_183 = tpu.memref_slice %arg4[%dma_wait3A_180, %dma_wait3A_181, %dma_wait3A_182] : memref<2x4x4000xf32, #tpu.memory_space<vmem>> -> memref<1x1x4000xf32, #tpu.memory_space<vmem>>
      %dma_wait3A_184 = tpu.memref_squeeze %dma_wait3A_183 : memref<1x1x4000xf32, #tpu.memory_space<vmem>> -> memref<4000xf32, #tpu.memory_space<vmem>>
      %dma_wait3A_185 = tpu.memref_slice %arg2[%dma_wait3A_179, %mul3A_178] : memref<4x1000000xf32, #tpu.memory_space<hbm>> -> memref<1x4000xf32, #tpu.memory_space<hbm>>
      %dma_wait3A_186 = tpu.memref_squeeze %dma_wait3A_185 : memref<1x4000xf32, #tpu.memory_space<hbm>> -> memref<4000xf32, #tpu.memory_space<hbm>>
      %dma_wait3A_187 = arith.constant 0 : i32
      %dma_wait3A_188 = tpu.memref_slice %arg4[%dma_wait3A_180, %dma_wait3A_181, %dma_wait3A_187] : memref<2x4x4000xf32, #tpu.memory_space<vmem>> -> memref<1x1x4000xf32, #tpu.memory_space<vmem>>
      %dma_wait3A_189 = tpu.memref_squeeze %dma_wait3A_188 : memref<1x1x4000xf32, #tpu.memory_space<vmem>> -> memref<4000xf32, #tpu.memory_space<vmem>>
      %dma_wait3A_190 = tpu.memref_slice %arg2[%dma_wait3A_179, %mul3A_178] : memref<4x1000000xf32, #tpu.memory_space<hbm>> -> memref<1x4000xf32, #tpu.memory_space<hbm>>
      %dma_wait3A_191 = tpu.memref_squeeze %dma_wait3A_190 : memref<1x4000xf32, #tpu.memory_space<hbm>> -> memref<4000xf32, #tpu.memory_space<hbm>>
      tpu.wait_dma2 semaphore(%arg7 : memref<!tpu.dma_semaphore, #tpu.memory_space<semaphore_mem>>) src(%dma_wait3A_191 : memref<4000xf32, #tpu.memory_space<hbm>>) dst(%dma_wait3A_189 : memref<4000xf32, #tpu.memory_space<vmem>>)
      %mul3A_192 = arith.constant 4000 : i32
      %mul3A_193 = arith.muli %add3A_85, %mul3A_192 : i32
      %dma_wait3A_194 = arith.constant 3 : i32
      %dma_wait3A_195 = arith.constant 1 : i32
      %dma_wait3A_196 = arith.constant 3 : i32
      %dma_wait3A_197 = arith.constant 0 : i32
      %dma_wait3A_198 = tpu.memref_slice %arg4[%dma_wait3A_195, %dma_wait3A_196, %dma_wait3A_197] : memref<2x4x4000xf32, #tpu.memory_space<vmem>> -> memref<1x1x4000xf32, #tpu.memory_space<vmem>>
      %dma_wait3A_199 = tpu.memref_squeeze %dma_wait3A_198 : memref<1x1x4000xf32, #tpu.memory_space<vmem>> -> memref<4000xf32, #tpu.memory_space<vmem>>
      %dma_wait3A_200 = tpu.memref_slice %arg2[%dma_wait3A_194, %mul3A_193] : memref<4x1000000xf32, #tpu.memory_space<hbm>> -> memref<1x4000xf32, #tpu.memory_space<hbm>>
      %dma_wait3A_201 = tpu.memref_squeeze %dma_wait3A_200 : memref<1x4000xf32, #tpu.memory_space<hbm>> -> memref<4000xf32, #tpu.memory_space<hbm>>
      %dma_wait3A_202 = arith.constant 0 : i32
      %dma_wait3A_203 = tpu.memref_slice %arg4[%dma_wait3A_195, %dma_wait3A_196, %dma_wait3A_202] : memref<2x4x4000xf32, #tpu.memory_space<vmem>> -> memref<1x1x4000xf32, #tpu.memory_space<vmem>>
      %dma_wait3A_204 = tpu.memref_squeeze %dma_wait3A_203 : memref<1x1x4000xf32, #tpu.memory_space<vmem>> -> memref<4000xf32, #tpu.memory_space<vmem>>
      %dma_wait3A_205 = tpu.memref_slice %arg2[%dma_wait3A_194, %mul3A_193] : memref<4x1000000xf32, #tpu.memory_space<hbm>> -> memref<1x4000xf32, #tpu.memory_space<hbm>>
      %dma_wait3A_206 = tpu.memref_squeeze %dma_wait3A_205 : memref<1x4000xf32, #tpu.memory_space<hbm>> -> memref<4000xf32, #tpu.memory_space<hbm>>
      tpu.wait_dma2 semaphore(%arg7 : memref<!tpu.dma_semaphore, #tpu.memory_space<semaphore_mem>>) src(%dma_wait3A_206 : memref<4000xf32, #tpu.memory_space<hbm>>) dst(%dma_wait3A_204 : memref<4000xf32, #tpu.memory_space<vmem>>)
      %mul3A_207 = arith.constant 4000 : i32
      %mul3A_208 = arith.muli %add3A_85, %mul3A_207 : i32
      %mul3A_209 = arith.constant 8 : i32
      %mul3A_210 = arith.muli %mul3A_208, %mul3A_209 : i32
      %dma_wait3A_211 = arith.constant 1 : i32
      %dma_wait3A_212 = arith.constant 0 : i32
      %dma_wait3A_213 = tpu.memref_slice %arg5[%dma_wait3A_211, %dma_wait3A_212] : memref<2x32000xf32, #tpu.memory_space<vmem>> -> memref<1x32000xf32, #tpu.memory_space<vmem>>
      %dma_wait3A_214 = tpu.memref_squeeze %dma_wait3A_213 : memref<1x32000xf32, #tpu.memory_space<vmem>> -> memref<32000xf32, #tpu.memory_space<vmem>>
      %dma_wait3A_215 = tpu.memref_slice %arg3[%mul3A_210] : memref<8000000xf32, #tpu.memory_space<hbm>> -> memref<32000xf32, #tpu.memory_space<hbm>>
      %dma_wait3A_216 = tpu.memref_slice %arg3[%mul3A_210] : memref<8000000xf32, #tpu.memory_space<hbm>> -> memref<32000xf32, #tpu.memory_space<hbm>>
      %dma_wait3A_217 = arith.constant 0 : i32
      %dma_wait3A_218 = tpu.memref_slice %arg5[%dma_wait3A_211, %dma_wait3A_217] : memref<2x32000xf32, #tpu.memory_space<vmem>> -> memref<1x32000xf32, #tpu.memory_space<vmem>>
      %dma_wait3A_219 = tpu.memref_squeeze %dma_wait3A_218 : memref<1x32000xf32, #tpu.memory_space<vmem>> -> memref<32000xf32, #tpu.memory_space<vmem>>
      tpu.wait_dma2 semaphore(%arg9 : memref<!tpu.dma_semaphore, #tpu.memory_space<semaphore_mem>>) src(%dma_wait3A_219 : memref<32000xf32, #tpu.memory_space<vmem>>) dst(%dma_wait3A_216 : memref<32000xf32, #tpu.memory_space<hbm>>)
      %scan3A_220 = arith.constant 0 : i32
      %scan3A_221 = arith.constant 0 : i32
      %scan3A_222 = arith.constant 250 : i32
      %scan3A_223 = arith.addi %scan3A_221, %scan3A_222 : i32
      %scan3A_224 = arith.constant 2 : i32
      scf.for %scan3A_238 = %scan3A_221 to %scan3A_223 step %scan3A_224  : i32 {
        %mul3A_239 = arith.constant 16 : i32
        %mul3A_240 = arith.muli %scan3A_238, %mul3A_239 : i32
        %mul3A_241 = arith.constant 8 : i32
        %mul3A_242 = arith.muli %mul3A_240, %mul3A_241 : i32
        %add3A_243 = arith.constant 0 : i32
        %add3A_244 = arith.addi %mul3A_242, %add3A_243 : i32
        %add3A_245 = vector.broadcast %add3A_244 : i32 to vector<16xi32>
        %add3A_246 = arith.addi %mul3A_3, %add3A_245 : vector<16xi32>
        %mul3A_247 = arith.constant 16 : i32
        %mul3A_248 = arith.muli %scan3A_238, %mul3A_247 : i32
        %get3A = arith.constant 1 : i32
        %get3A_249 = arith.constant 0 : i32
        %get3A_250 = arith.index_cast %get3A : i32 to index
        %get3A_251 = arith.index_cast %get3A_249 : i32 to index
        %get3A_252 = arith.index_cast %mul3A_248 : i32 to index
        %get3A_253 = tpu.vector_load %arg4[%get3A_250, %get3A_251, %get3A_252] {strides = array<i32>} : memref<2x4x4000xf32, #tpu.memory_space<vmem>>, vector<16xf32>,
        %scatter3A = arith.constant 1 : i32
        %scatter3A_254 = arith.constant 0 : i32
        %scatter3A_255 = tpu.memref_slice %arg5[%scatter3A, %scatter3A_254] : memref<2x32000xf32, #tpu.memory_space<vmem>> -> memref<1x32000xf32, #tpu.memory_space<vmem>>
        %scatter3A_256 = tpu.memref_squeeze %scatter3A_255 : memref<1x32000xf32, #tpu.memory_space<vmem>> -> memref<32000xf32, #tpu.memory_space<vmem>>
        tpu.vector_store_idx %scatter3A_256[%add3A_246], %get3A_253 : memref<32000xf32, #tpu.memory_space<vmem>>[vector<16xi32>], vector<16xf32>,
        %mul3A_257 = arith.constant 16 : i32
        %mul3A_258 = arith.muli %scan3A_238, %mul3A_257 : i32
        %mul3A_259 = arith.constant 8 : i32
        %mul3A_260 = arith.muli %mul3A_258, %mul3A_259 : i32
        %add3A_261 = arith.constant 1 : i32
        %add3A_262 = arith.addi %mul3A_260, %add3A_261 : i32
        %add3A_263 = vector.broadcast %add3A_262 : i32 to vector<16xi32>
        %add3A_264 = arith.addi %mul3A_3, %add3A_263 : vector<16xi32>
        %mul3A_265 = arith.constant 16 : i32
        %mul3A_266 = arith.muli %scan3A_238, %mul3A_265 : i32
        %get3A_267 = arith.constant 1 : i32
        %get3A_268 = arith.constant 1 : i32
        %get3A_269 = arith.index_cast %get3A_267 : i32 to index
        %get3A_270 = arith.index_cast %get3A_268 : i32 to index
        %get3A_271 = arith.index_cast %mul3A_266 : i32 to index
        %get3A_272 = tpu.vector_load %arg4[%get3A_269, %get3A_270, %get3A_271] {strides = array<i32>} : memref<2x4x4000xf32, #tpu.memory_space<vmem>>, vector<16xf32>,
        %scatter3A_273 = arith.constant 1 : i32
        %scatter3A_274 = arith.constant 0 : i32
        %scatter3A_275 = tpu.memref_slice %arg5[%scatter3A_273, %scatter3A_274] : memref<2x32000xf32, #tpu.memory_space<vmem>> -> memref<1x32000xf32, #tpu.memory_space<vmem>>
        %scatter3A_276 = tpu.memref_squeeze %scatter3A_275 : memref<1x32000xf32, #tpu.memory_space<vmem>> -> memref<32000xf32, #tpu.memory_space<vmem>>
        tpu.vector_store_idx %scatter3A_276[%add3A_264], %get3A_272 : memref<32000xf32, #tpu.memory_space<vmem>>[vector<16xi32>], vector<16xf32>,
        %mul3A_277 = arith.constant 16 : i32
        %mul3A_278 = arith.muli %scan3A_238, %mul3A_277 : i32
        %mul3A_279 = arith.constant 8 : i32
        %mul3A_280 = arith.muli %mul3A_278, %mul3A_279 : i32
        %add3A_281 = arith.constant 2 : i32
        %add3A_282 = arith.addi %mul3A_280, %add3A_281 : i32
        %add3A_283 = vector.broadcast %add3A_282 : i32 to vector<16xi32>
        %add3A_284 = arith.addi %mul3A_3, %add3A_283 : vector<16xi32>
        %mul3A_285 = arith.constant 16 : i32
        %mul3A_286 = arith.muli %scan3A_238, %mul3A_285 : i32
        %get3A_287 = arith.constant 1 : i32
        %get3A_288 = arith.constant 2 : i32
        %get3A_289 = arith.index_cast %get3A_287 : i32 to index
        %get3A_290 = arith.index_cast %get3A_288 : i32 to index
        %get3A_291 = arith.index_cast %mul3A_286 : i32 to index
        %get3A_292 = tpu.vector_load %arg4[%get3A_289, %get3A_290, %get3A_291] {strides = array<i32>} : memref<2x4x4000xf32, #tpu.memory_space<vmem>>, vector<16xf32>,
        %scatter3A_293 = arith.constant 1 : i32
        %scatter3A_294 = arith.constant 0 : i32
        %scatter3A_295 = tpu.memref_slice %arg5[%scatter3A_293, %scatter3A_294] : memref<2x32000xf32, #tpu.memory_space<vmem>> -> memref<1x32000xf32, #tpu.memory_space<vmem>>
        %scatter3A_296 = tpu.memref_squeeze %scatter3A_295 : memref<1x32000xf32, #tpu.memory_space<vmem>> -> memref<32000xf32, #tpu.memory_space<vmem>>
        tpu.vector_store_idx %scatter3A_296[%add3A_284], %get3A_292 : memref<32000xf32, #tpu.memory_space<vmem>>[vector<16xi32>], vector<16xf32>,
        %mul3A_297 = arith.constant 16 : i32
        %mul3A_298 = arith.muli %scan3A_238, %mul3A_297 : i32
        %mul3A_299 = arith.constant 8 : i32
        %mul3A_300 = arith.muli %mul3A_298, %mul3A_299 : i32
        %add3A_301 = arith.constant 3 : i32
        %add3A_302 = arith.addi %mul3A_300, %add3A_301 : i32
        %add3A_303 = vector.broadcast %add3A_302 : i32 to vector<16xi32>
        %add3A_304 = arith.addi %mul3A_3, %add3A_303 : vector<16xi32>
        %mul3A_305 = arith.constant 16 : i32
        %mul3A_306 = arith.muli %scan3A_238, %mul3A_305 : i32
        %get3A_307 = arith.constant 1 : i32
        %get3A_308 = arith.constant 3 : i32
        %get3A_309 = arith.index_cast %get3A_307 : i32 to index
        %get3A_310 = arith.index_cast %get3A_308 : i32 to index
        %get3A_311 = arith.index_cast %mul3A_306 : i32 to index
        %get3A_312 = tpu.vector_load %arg4[%get3A_309, %get3A_310, %get3A_311] {strides = array<i32>} : memref<2x4x4000xf32, #tpu.memory_space<vmem>>, vector<16xf32>,
        %scatter3A_313 = arith.constant 1 : i32
        %scatter3A_314 = arith.constant 0 : i32
        %scatter3A_315 = tpu.memref_slice %arg5[%scatter3A_313, %scatter3A_314] : memref<2x32000xf32, #tpu.memory_space<vmem>> -> memref<1x32000xf32, #tpu.memory_space<vmem>>
        %scatter3A_316 = tpu.memref_squeeze %scatter3A_315 : memref<1x32000xf32, #tpu.memory_space<vmem>> -> memref<32000xf32, #tpu.memory_space<vmem>>
        tpu.vector_store_idx %scatter3A_316[%add3A_304], %get3A_312 : memref<32000xf32, #tpu.memory_space<vmem>>[vector<16xi32>], vector<16xf32>,
        %scan3A_317 = arith.constant 1 : i32
        %scan3A_318 = arith.addi %scan3A_238, %scan3A_317 : i32
        %mul3A_319 = arith.constant 16 : i32
        %mul3A_320 = arith.muli %scan3A_318, %mul3A_319 : i32
        %mul3A_321 = arith.constant 8 : i32
        %mul3A_322 = arith.muli %mul3A_320, %mul3A_321 : i32
        %add3A_323 = arith.constant 0 : i32
        %add3A_324 = arith.addi %mul3A_322, %add3A_323 : i32
        %add3A_325 = vector.broadcast %add3A_324 : i32 to vector<16xi32>
        %add3A_326 = arith.addi %mul3A_3, %add3A_325 : vector<16xi32>
        %mul3A_327 = arith.constant 16 : i32
        %mul3A_328 = arith.muli %scan3A_318, %mul3A_327 : i32
        %get3A_329 = arith.constant 1 : i32
        %get3A_330 = arith.constant 0 : i32
        %get3A_331 = arith.index_cast %get3A_329 : i32 to index
        %get3A_332 = arith.index_cast %get3A_330 : i32 to index
        %get3A_333 = arith.index_cast %mul3A_328 : i32 to index
        %get3A_334 = tpu.vector_load %arg4[%get3A_331, %get3A_332, %get3A_333] {strides = array<i32>} : memref<2x4x4000xf32, #tpu.memory_space<vmem>>, vector<16xf32>,
        %scatter3A_335 = arith.constant 1 : i32
        %scatter3A_336 = arith.constant 0 : i32
        %scatter3A_337 = tpu.memref_slice %arg5[%scatter3A_335, %scatter3A_336] : memref<2x32000xf32, #tpu.memory_space<vmem>> -> memref<1x32000xf32, #tpu.memory_space<vmem>>
        %scatter3A_338 = tpu.memref_squeeze %scatter3A_337 : memref<1x32000xf32, #tpu.memory_space<vmem>> -> memref<32000xf32, #tpu.memory_space<vmem>>
        tpu.vector_store_idx %scatter3A_338[%add3A_326], %get3A_334 : memref<32000xf32, #tpu.memory_space<vmem>>[vector<16xi32>], vector<16xf32>,
        %mul3A_339 = arith.constant 16 : i32
        %mul3A_340 = arith.muli %scan3A_318, %mul3A_339 : i32
        %mul3A_341 = arith.constant 8 : i32
        %mul3A_342 = arith.muli %mul3A_340, %mul3A_341 : i32
        %add3A_343 = arith.constant 1 : i32
        %add3A_344 = arith.addi %mul3A_342, %add3A_343 : i32
        %add3A_345 = vector.broadcast %add3A_344 : i32 to vector<16xi32>
        %add3A_346 = arith.addi %mul3A_3, %add3A_345 : vector<16xi32>
        %mul3A_347 = arith.constant 16 : i32
        %mul3A_348 = arith.muli %scan3A_318, %mul3A_347 : i32
        %get3A_349 = arith.constant 1 : i32
        %get3A_350 = arith.constant 1 : i32
        %get3A_351 = arith.index_cast %get3A_349 : i32 to index
        %get3A_352 = arith.index_cast %get3A_350 : i32 to index
        %get3A_353 = arith.index_cast %mul3A_348 : i32 to index
        %get3A_354 = tpu.vector_load %arg4[%get3A_351, %get3A_352, %get3A_353] {strides = array<i32>} : memref<2x4x4000xf32, #tpu.memory_space<vmem>>, vector<16xf32>,
        %scatter3A_355 = arith.constant 1 : i32
        %scatter3A_356 = arith.constant 0 : i32
        %scatter3A_357 = tpu.memref_slice %arg5[%scatter3A_355, %scatter3A_356] : memref<2x32000xf32, #tpu.memory_space<vmem>> -> memref<1x32000xf32, #tpu.memory_space<vmem>>
        %scatter3A_358 = tpu.memref_squeeze %scatter3A_357 : memref<1x32000xf32, #tpu.memory_space<vmem>> -> memref<32000xf32, #tpu.memory_space<vmem>>
        tpu.vector_store_idx %scatter3A_358[%add3A_346], %get3A_354 : memref<32000xf32, #tpu.memory_space<vmem>>[vector<16xi32>], vector<16xf32>,
        %mul3A_359 = arith.constant 16 : i32
        %mul3A_360 = arith.muli %scan3A_318, %mul3A_359 : i32
        %mul3A_361 = arith.constant 8 : i32
        %mul3A_362 = arith.muli %mul3A_360, %mul3A_361 : i32
        %add3A_363 = arith.constant 2 : i32
        %add3A_364 = arith.addi %mul3A_362, %add3A_363 : i32
        %add3A_365 = vector.broadcast %add3A_364 : i32 to vector<16xi32>
        %add3A_366 = arith.addi %mul3A_3, %add3A_365 : vector<16xi32>
        %mul3A_367 = arith.constant 16 : i32
        %mul3A_368 = arith.muli %scan3A_318, %mul3A_367 : i32
        %get3A_369 = arith.constant 1 : i32
        %get3A_370 = arith.constant 2 : i32
        %get3A_371 = arith.index_cast %get3A_369 : i32 to index
        %get3A_372 = arith.index_cast %get3A_370 : i32 to index
        %get3A_373 = arith.index_cast %mul3A_368 : i32 to index
        %get3A_374 = tpu.vector_load %arg4[%get3A_371, %get3A_372, %get3A_373] {strides = array<i32>} : memref<2x4x4000xf32, #tpu.memory_space<vmem>>, vector<16xf32>,
        %scatter3A_375 = arith.constant 1 : i32
        %scatter3A_376 = arith.constant 0 : i32
        %scatter3A_377 = tpu.memref_slice %arg5[%scatter3A_375, %scatter3A_376] : memref<2x32000xf32, #tpu.memory_space<vmem>> -> memref<1x32000xf32, #tpu.memory_space<vmem>>
        %scatter3A_378 = tpu.memref_squeeze %scatter3A_377 : memref<1x32000xf32, #tpu.memory_space<vmem>> -> memref<32000xf32, #tpu.memory_space<vmem>>
        tpu.vector_store_idx %scatter3A_378[%add3A_366], %get3A_374 : memref<32000xf32, #tpu.memory_space<vmem>>[vector<16xi32>], vector<16xf32>,
        %mul3A_379 = arith.constant 16 : i32
        %mul3A_380 = arith.muli %scan3A_318, %mul3A_379 : i32
        %mul3A_381 = arith.constant 8 : i32
        %mul3A_382 = arith.muli %mul3A_380, %mul3A_381 : i32
        %add3A_383 = arith.constant 3 : i32
        %add3A_384 = arith.addi %mul3A_382, %add3A_383 : i32
        %add3A_385 = vector.broadcast %add3A_384 : i32 to vector<16xi32>
        %add3A_386 = arith.addi %mul3A_3, %add3A_385 : vector<16xi32>
        %mul3A_387 = arith.constant 16 : i32
        %mul3A_388 = arith.muli %scan3A_318, %mul3A_387 : i32
        %get3A_389 = arith.constant 1 : i32
        %get3A_390 = arith.constant 3 : i32
        %get3A_391 = arith.index_cast %get3A_389 : i32 to index
        %get3A_392 = arith.index_cast %get3A_390 : i32 to index
        %get3A_393 = arith.index_cast %mul3A_388 : i32 to index
        %get3A_394 = tpu.vector_load %arg4[%get3A_391, %get3A_392, %get3A_393] {strides = array<i32>} : memref<2x4x4000xf32, #tpu.memory_space<vmem>>, vector<16xf32>,
        %scatter3A_395 = arith.constant 1 : i32
        %scatter3A_396 = arith.constant 0 : i32
        %scatter3A_397 = tpu.memref_slice %arg5[%scatter3A_395, %scatter3A_396] : memref<2x32000xf32, #tpu.memory_space<vmem>> -> memref<1x32000xf32, #tpu.memory_space<vmem>>
        %scatter3A_398 = tpu.memref_squeeze %scatter3A_397 : memref<1x32000xf32, #tpu.memory_space<vmem>> -> memref<32000xf32, #tpu.memory_space<vmem>>
        tpu.vector_store_idx %scatter3A_398[%add3A_386], %get3A_394 : memref<32000xf32, #tpu.memory_space<vmem>>[vector<16xi32>], vector<16xf32>,
      }
      %scan3A_225 = arith.constant 250 : i32
      %mul3A_226 = arith.constant 4000 : i32
      %mul3A_227 = arith.muli %add3A_85, %mul3A_226 : i32
      %mul3A_228 = arith.constant 8 : i32
      %mul3A_229 = arith.muli %mul3A_227, %mul3A_228 : i32
      %dma_start3A = arith.constant 1 : i32
      %dma_start3A_230 = arith.constant 0 : i32
      %dma_start3A_231 = tpu.memref_slice %arg5[%dma_start3A, %dma_start3A_230] : memref<2x32000xf32, #tpu.memory_space<vmem>> -> memref<1x32000xf32, #tpu.memory_space<vmem>>
      %dma_start3A_232 = tpu.memref_squeeze %dma_start3A_231 : memref<1x32000xf32, #tpu.memory_space<vmem>> -> memref<32000xf32, #tpu.memory_space<vmem>>
      %dma_start3A_233 = tpu.memref_slice %arg3[%mul3A_229] : memref<8000000xf32, #tpu.memory_space<hbm>> -> memref<32000xf32, #tpu.memory_space<hbm>>
      %dma_start3A_234 = tpu.memref_slice %arg3[%mul3A_229] : memref<8000000xf32, #tpu.memory_space<hbm>> -> memref<32000xf32, #tpu.memory_space<hbm>>
      %dma_start3A_235 = arith.constant 0 : i32
      %dma_start3A_236 = tpu.memref_slice %arg5[%dma_start3A, %dma_start3A_235] : memref<2x32000xf32, #tpu.memory_space<vmem>> -> memref<1x32000xf32, #tpu.memory_space<vmem>>
      %dma_start3A_237 = tpu.memref_squeeze %dma_start3A_236 : memref<1x32000xf32, #tpu.memory_space<vmem>> -> memref<32000xf32, #tpu.memory_space<vmem>>
      tpu.enqueue_dma source(%dma_start3A_237 : memref<32000xf32, #tpu.memory_space<vmem>>) target(%dma_start3A_234 : memref<32000xf32, #tpu.memory_space<hbm>>) target_semaphore(%arg9 : memref<!tpu.dma_semaphore, #tpu.memory_space<semaphore_mem>>)
    } else {
    }
    %add3A_98 = arith.constant 192 : i32
    %add3A_99 = arith.addi %add3A, %add3A_98 : i32
    %add3A_100 = arith.constant 224 : i32
    %add3A_101 = arith.addi %add3A, %add3A_100 : i32
    %lt3A_102 = arith.constant 250 : i32
    %lt3A_103 = arith.cmpi slt, %add3A_101, %lt3A_102 : i32
    %convert_element_type3A_104 = arith.extui %lt3A_103 : i1 to i32
    %cond3A_105 = arith.constant 0 : i32
    %cond3A_106 = arith.cmpi ne, %convert_element_type3A_104, %cond3A_105 : i32
    scf.if %cond3A_106 {
      %mul3A_147 = arith.constant 4000 : i32
      %mul3A_148 = arith.muli %add3A_101, %mul3A_147 : i32
      %dma_start3A = arith.constant 0 : i32
      %dma_start3A_149 = arith.constant 1 : i32
      %dma_start3A_150 = arith.constant 0 : i32
      %dma_start3A_151 = arith.constant 0 : i32
      %dma_start3A_152 = tpu.memref_slice %arg4[%dma_start3A_149, %dma_start3A_150, %dma_start3A_151] : memref<2x4x4000xf32, #tpu.memory_space<vmem>> -> memref<1x1x4000xf32, #tpu.memory_space<vmem>>
      %dma_start3A_153 = tpu.memref_squeeze %dma_start3A_152 : memref<1x1x4000xf32, #tpu.memory_space<vmem>> -> memref<4000xf32, #tpu.memory_space<vmem>>
      %dma_start3A_154 = tpu.memref_slice %arg2[%dma_start3A, %mul3A_148] : memref<4x1000000xf32, #tpu.memory_space<hbm>> -> memref<1x4000xf32, #tpu.memory_space<hbm>>
      %dma_start3A_155 = tpu.memref_squeeze %dma_start3A_154 : memref<1x4000xf32, #tpu.memory_space<hbm>> -> memref<4000xf32, #tpu.memory_space<hbm>>
      %dma_start3A_156 = arith.constant 0 : i32
      %dma_start3A_157 = tpu.memref_slice %arg4[%dma_start3A_149, %dma_start3A_150, %dma_start3A_156] : memref<2x4x4000xf32, #tpu.memory_space<vmem>> -> memref<1x1x4000xf32, #tpu.memory_space<vmem>>
      %dma_start3A_158 = tpu.memref_squeeze %dma_start3A_157 : memref<1x1x4000xf32, #tpu.memory_space<vmem>> -> memref<4000xf32, #tpu.memory_space<vmem>>
      %dma_start3A_159 = tpu.memref_slice %arg2[%dma_start3A, %mul3A_148] : memref<4x1000000xf32, #tpu.memory_space<hbm>> -> memref<1x4000xf32, #tpu.memory_space<hbm>>
      %dma_start3A_160 = tpu.memref_squeeze %dma_start3A_159 : memref<1x4000xf32, #tpu.memory_space<hbm>> -> memref<4000xf32, #tpu.memory_space<hbm>>
      tpu.enqueue_dma source(%dma_start3A_160 : memref<4000xf32, #tpu.memory_space<hbm>>) target(%dma_start3A_158 : memref<4000xf32, #tpu.memory_space<vmem>>) target_semaphore(%arg7 : memref<!tpu.dma_semaphore, #tpu.memory_space<semaphore_mem>>)
      %mul3A_161 = arith.constant 4000 : i32
      %mul3A_162 = arith.muli %add3A_101, %mul3A_161 : i32
      %dma_start3A_163 = arith.constant 1 : i32
      %dma_start3A_164 = arith.constant 1 : i32
      %dma_start3A_165 = arith.constant 1 : i32
      %dma_start3A_166 = arith.constant 0 : i32
      %dma_start3A_167 = tpu.memref_slice %arg4[%dma_start3A_164, %dma_start3A_165, %dma_start3A_166] : memref<2x4x4000xf32, #tpu.memory_space<vmem>> -> memref<1x1x4000xf32, #tpu.memory_space<vmem>>
      %dma_start3A_168 = tpu.memref_squeeze %dma_start3A_167 : memref<1x1x4000xf32, #tpu.memory_space<vmem>> -> memref<4000xf32, #tpu.memory_space<vmem>>
      %dma_start3A_169 = tpu.memref_slice %arg2[%dma_start3A_163, %mul3A_162] : memref<4x1000000xf32, #tpu.memory_space<hbm>> -> memref<1x4000xf32, #tpu.memory_space<hbm>>
      %dma_start3A_170 = tpu.memref_squeeze %dma_start3A_169 : memref<1x4000xf32, #tpu.memory_space<hbm>> -> memref<4000xf32, #tpu.memory_space<hbm>>
      %dma_start3A_171 = arith.constant 0 : i32
      %dma_start3A_172 = tpu.memref_slice %arg4[%dma_start3A_164, %dma_start3A_165, %dma_start3A_171] : memref<2x4x4000xf32, #tpu.memory_space<vmem>> -> memref<1x1x4000xf32, #tpu.memory_space<vmem>>
      %dma_start3A_173 = tpu.memref_squeeze %dma_start3A_172 : memref<1x1x4000xf32, #tpu.memory_space<vmem>> -> memref<4000xf32, #tpu.memory_space<vmem>>
      %dma_start3A_174 = tpu.memref_slice %arg2[%dma_start3A_163, %mul3A_162] : memref<4x1000000xf32, #tpu.memory_space<hbm>> -> memref<1x4000xf32, #tpu.memory_space<hbm>>
      %dma_start3A_175 = tpu.memref_squeeze %dma_start3A_174 : memref<1x4000xf32, #tpu.memory_space<hbm>> -> memref<4000xf32, #tpu.memory_space<hbm>>
      tpu.enqueue_dma source(%dma_start3A_175 : memref<4000xf32, #tpu.memory_space<hbm>>) target(%dma_start3A_173 : memref<4000xf32, #tpu.memory_space<vmem>>) target_semaphore(%arg7 : memref<!tpu.dma_semaphore, #tpu.memory_space<semaphore_mem>>)
      %mul3A_176 = arith.constant 4000 : i32
      %mul3A_177 = arith.muli %add3A_101, %mul3A_176 : i32
      %dma_start3A_178 = arith.constant 2 : i32
      %dma_start3A_179 = arith.constant 1 : i32
      %dma_start3A_180 = arith.constant 2 : i32
      %dma_start3A_181 = arith.constant 0 : i32
      %dma_start3A_182 = tpu.memref_slice %arg4[%dma_start3A_179, %dma_start3A_180, %dma_start3A_181] : memref<2x4x4000xf32, #tpu.memory_space<vmem>> -> memref<1x1x4000xf32, #tpu.memory_space<vmem>>
      %dma_start3A_183 = tpu.memref_squeeze %dma_start3A_182 : memref<1x1x4000xf32, #tpu.memory_space<vmem>> -> memref<4000xf32, #tpu.memory_space<vmem>>
      %dma_start3A_184 = tpu.memref_slice %arg2[%dma_start3A_178, %mul3A_177] : memref<4x1000000xf32, #tpu.memory_space<hbm>> -> memref<1x4000xf32, #tpu.memory_space<hbm>>
      %dma_start3A_185 = tpu.memref_squeeze %dma_start3A_184 : memref<1x4000xf32, #tpu.memory_space<hbm>> -> memref<4000xf32, #tpu.memory_space<hbm>>
      %dma_start3A_186 = arith.constant 0 : i32
      %dma_start3A_187 = tpu.memref_slice %arg4[%dma_start3A_179, %dma_start3A_180, %dma_start3A_186] : memref<2x4x4000xf32, #tpu.memory_space<vmem>> -> memref<1x1x4000xf32, #tpu.memory_space<vmem>>
      %dma_start3A_188 = tpu.memref_squeeze %dma_start3A_187 : memref<1x1x4000xf32, #tpu.memory_space<vmem>> -> memref<4000xf32, #tpu.memory_space<vmem>>
      %dma_start3A_189 = tpu.memref_slice %arg2[%dma_start3A_178, %mul3A_177] : memref<4x1000000xf32, #tpu.memory_space<hbm>> -> memref<1x4000xf32, #tpu.memory_space<hbm>>
      %dma_start3A_190 = tpu.memref_squeeze %dma_start3A_189 : memref<1x4000xf32, #tpu.memory_space<hbm>> -> memref<4000xf32, #tpu.memory_space<hbm>>
      tpu.enqueue_dma source(%dma_start3A_190 : memref<4000xf32, #tpu.memory_space<hbm>>) target(%dma_start3A_188 : memref<4000xf32, #tpu.memory_space<vmem>>) target_semaphore(%arg7 : memref<!tpu.dma_semaphore, #tpu.memory_space<semaphore_mem>>)
      %mul3A_191 = arith.constant 4000 : i32
      %mul3A_192 = arith.muli %add3A_101, %mul3A_191 : i32
      %dma_start3A_193 = arith.constant 3 : i32
      %dma_start3A_194 = arith.constant 1 : i32
      %dma_start3A_195 = arith.constant 3 : i32
      %dma_start3A_196 = arith.constant 0 : i32
      %dma_start3A_197 = tpu.memref_slice %arg4[%dma_start3A_194, %dma_start3A_195, %dma_start3A_196] : memref<2x4x4000xf32, #tpu.memory_space<vmem>> -> memref<1x1x4000xf32, #tpu.memory_space<vmem>>
      %dma_start3A_198 = tpu.memref_squeeze %dma_start3A_197 : memref<1x1x4000xf32, #tpu.memory_space<vmem>> -> memref<4000xf32, #tpu.memory_space<vmem>>
      %dma_start3A_199 = tpu.memref_slice %arg2[%dma_start3A_193, %mul3A_192] : memref<4x1000000xf32, #tpu.memory_space<hbm>> -> memref<1x4000xf32, #tpu.memory_space<hbm>>
      %dma_start3A_200 = tpu.memref_squeeze %dma_start3A_199 : memref<1x4000xf32, #tpu.memory_space<hbm>> -> memref<4000xf32, #tpu.memory_space<hbm>>
      %dma_start3A_201 = arith.constant 0 : i32
      %dma_start3A_202 = tpu.memref_slice %arg4[%dma_start3A_194, %dma_start3A_195, %dma_start3A_201] : memref<2x4x4000xf32, #tpu.memory_space<vmem>> -> memref<1x1x4000xf32, #tpu.memory_space<vmem>>
      %dma_start3A_203 = tpu.memref_squeeze %dma_start3A_202 : memref<1x1x4000xf32, #tpu.memory_space<vmem>> -> memref<4000xf32, #tpu.memory_space<vmem>>
      %dma_start3A_204 = tpu.memref_slice %arg2[%dma_start3A_193, %mul3A_192] : memref<4x1000000xf32, #tpu.memory_space<hbm>> -> memref<1x4000xf32, #tpu.memory_space<hbm>>
      %dma_start3A_205 = tpu.memref_squeeze %dma_start3A_204 : memref<1x4000xf32, #tpu.memory_space<hbm>> -> memref<4000xf32, #tpu.memory_space<hbm>>
      tpu.enqueue_dma source(%dma_start3A_205 : memref<4000xf32, #tpu.memory_space<hbm>>) target(%dma_start3A_203 : memref<4000xf32, #tpu.memory_space<vmem>>) target_semaphore(%arg7 : memref<!tpu.dma_semaphore, #tpu.memory_space<semaphore_mem>>)
    } else {
    }
    %lt3A_107 = arith.constant 250 : i32
    %lt3A_108 = arith.cmpi slt, %add3A_99, %lt3A_107 : i32
    %convert_element_type3A_109 = arith.extui %lt3A_108 : i1 to i32
    %cond3A_110 = arith.constant 0 : i32
    %cond3A_111 = arith.cmpi ne, %convert_element_type3A_109, %cond3A_110 : i32
    scf.if %cond3A_111 {
      %mul3A_147 = arith.constant 4000 : i32
      %mul3A_148 = arith.muli %add3A_99, %mul3A_147 : i32
      %dma_wait3A_149 = arith.constant 0 : i32
      %dma_wait3A_150 = arith.constant 0 : i32
      %dma_wait3A_151 = arith.constant 0 : i32
      %dma_wait3A_152 = arith.constant 0 : i32
      %dma_wait3A_153 = tpu.memref_slice %arg4[%dma_wait3A_150, %dma_wait3A_151, %dma_wait3A_152] : memref<2x4x4000xf32, #tpu.memory_space<vmem>> -> memref<1x1x4000xf32, #tpu.memory_space<vmem>>
      %dma_wait3A_154 = tpu.memref_squeeze %dma_wait3A_153 : memref<1x1x4000xf32, #tpu.memory_space<vmem>> -> memref<4000xf32, #tpu.memory_space<vmem>>
      %dma_wait3A_155 = tpu.memref_slice %arg2[%dma_wait3A_149, %mul3A_148] : memref<4x1000000xf32, #tpu.memory_space<hbm>> -> memref<1x4000xf32, #tpu.memory_space<hbm>>
      %dma_wait3A_156 = tpu.memref_squeeze %dma_wait3A_155 : memref<1x4000xf32, #tpu.memory_space<hbm>> -> memref<4000xf32, #tpu.memory_space<hbm>>
      %dma_wait3A_157 = arith.constant 0 : i32
      %dma_wait3A_158 = tpu.memref_slice %arg4[%dma_wait3A_150, %dma_wait3A_151, %dma_wait3A_157] : memref<2x4x4000xf32, #tpu.memory_space<vmem>> -> memref<1x1x4000xf32, #tpu.memory_space<vmem>>
      %dma_wait3A_159 = tpu.memref_squeeze %dma_wait3A_158 : memref<1x1x4000xf32, #tpu.memory_space<vmem>> -> memref<4000xf32, #tpu.memory_space<vmem>>
      %dma_wait3A_160 = tpu.memref_slice %arg2[%dma_wait3A_149, %mul3A_148] : memref<4x1000000xf32, #tpu.memory_space<hbm>> -> memref<1x4000xf32, #tpu.memory_space<hbm>>
      %dma_wait3A_161 = tpu.memref_squeeze %dma_wait3A_160 : memref<1x4000xf32, #tpu.memory_space<hbm>> -> memref<4000xf32, #tpu.memory_space<hbm>>
      tpu.wait_dma2 semaphore(%arg6 : memref<!tpu.dma_semaphore, #tpu.memory_space<semaphore_mem>>) src(%dma_wait3A_161 : memref<4000xf32, #tpu.memory_space<hbm>>) dst(%dma_wait3A_159 : memref<4000xf32, #tpu.memory_space<vmem>>)
      %mul3A_162 = arith.constant 4000 : i32
      %mul3A_163 = arith.muli %add3A_99, %mul3A_162 : i32
      %dma_wait3A_164 = arith.constant 1 : i32
      %dma_wait3A_165 = arith.constant 0 : i32
      %dma_wait3A_166 = arith.constant 1 : i32
      %dma_wait3A_167 = arith.constant 0 : i32
      %dma_wait3A_168 = tpu.memref_slice %arg4[%dma_wait3A_165, %dma_wait3A_166, %dma_wait3A_167] : memref<2x4x4000xf32, #tpu.memory_space<vmem>> -> memref<1x1x4000xf32, #tpu.memory_space<vmem>>
      %dma_wait3A_169 = tpu.memref_squeeze %dma_wait3A_168 : memref<1x1x4000xf32, #tpu.memory_space<vmem>> -> memref<4000xf32, #tpu.memory_space<vmem>>
      %dma_wait3A_170 = tpu.memref_slice %arg2[%dma_wait3A_164, %mul3A_163] : memref<4x1000000xf32, #tpu.memory_space<hbm>> -> memref<1x4000xf32, #tpu.memory_space<hbm>>
      %dma_wait3A_171 = tpu.memref_squeeze %dma_wait3A_170 : memref<1x4000xf32, #tpu.memory_space<hbm>> -> memref<4000xf32, #tpu.memory_space<hbm>>
      %dma_wait3A_172 = arith.constant 0 : i32
      %dma_wait3A_173 = tpu.memref_slice %arg4[%dma_wait3A_165, %dma_wait3A_166, %dma_wait3A_172] : memref<2x4x4000xf32, #tpu.memory_space<vmem>> -> memref<1x1x4000xf32, #tpu.memory_space<vmem>>
      %dma_wait3A_174 = tpu.memref_squeeze %dma_wait3A_173 : memref<1x1x4000xf32, #tpu.memory_space<vmem>> -> memref<4000xf32, #tpu.memory_space<vmem>>
      %dma_wait3A_175 = tpu.memref_slice %arg2[%dma_wait3A_164, %mul3A_163] : memref<4x1000000xf32, #tpu.memory_space<hbm>> -> memref<1x4000xf32, #tpu.memory_space<hbm>>
      %dma_wait3A_176 = tpu.memref_squeeze %dma_wait3A_175 : memref<1x4000xf32, #tpu.memory_space<hbm>> -> memref<4000xf32, #tpu.memory_space<hbm>>
      tpu.wait_dma2 semaphore(%arg6 : memref<!tpu.dma_semaphore, #tpu.memory_space<semaphore_mem>>) src(%dma_wait3A_176 : memref<4000xf32, #tpu.memory_space<hbm>>) dst(%dma_wait3A_174 : memref<4000xf32, #tpu.memory_space<vmem>>)
      %mul3A_177 = arith.constant 4000 : i32
      %mul3A_178 = arith.muli %add3A_99, %mul3A_177 : i32
      %dma_wait3A_179 = arith.constant 2 : i32
      %dma_wait3A_180 = arith.constant 0 : i32
      %dma_wait3A_181 = arith.constant 2 : i32
      %dma_wait3A_182 = arith.constant 0 : i32
      %dma_wait3A_183 = tpu.memref_slice %arg4[%dma_wait3A_180, %dma_wait3A_181, %dma_wait3A_182] : memref<2x4x4000xf32, #tpu.memory_space<vmem>> -> memref<1x1x4000xf32, #tpu.memory_space<vmem>>
      %dma_wait3A_184 = tpu.memref_squeeze %dma_wait3A_183 : memref<1x1x4000xf32, #tpu.memory_space<vmem>> -> memref<4000xf32, #tpu.memory_space<vmem>>
      %dma_wait3A_185 = tpu.memref_slice %arg2[%dma_wait3A_179, %mul3A_178] : memref<4x1000000xf32, #tpu.memory_space<hbm>> -> memref<1x4000xf32, #tpu.memory_space<hbm>>
      %dma_wait3A_186 = tpu.memref_squeeze %dma_wait3A_185 : memref<1x4000xf32, #tpu.memory_space<hbm>> -> memref<4000xf32, #tpu.memory_space<hbm>>
      %dma_wait3A_187 = arith.constant 0 : i32
      %dma_wait3A_188 = tpu.memref_slice %arg4[%dma_wait3A_180, %dma_wait3A_181, %dma_wait3A_187] : memref<2x4x4000xf32, #tpu.memory_space<vmem>> -> memref<1x1x4000xf32, #tpu.memory_space<vmem>>
      %dma_wait3A_189 = tpu.memref_squeeze %dma_wait3A_188 : memref<1x1x4000xf32, #tpu.memory_space<vmem>> -> memref<4000xf32, #tpu.memory_space<vmem>>
      %dma_wait3A_190 = tpu.memref_slice %arg2[%dma_wait3A_179, %mul3A_178] : memref<4x1000000xf32, #tpu.memory_space<hbm>> -> memref<1x4000xf32, #tpu.memory_space<hbm>>
      %dma_wait3A_191 = tpu.memref_squeeze %dma_wait3A_190 : memref<1x4000xf32, #tpu.memory_space<hbm>> -> memref<4000xf32, #tpu.memory_space<hbm>>
      tpu.wait_dma2 semaphore(%arg6 : memref<!tpu.dma_semaphore, #tpu.memory_space<semaphore_mem>>) src(%dma_wait3A_191 : memref<4000xf32, #tpu.memory_space<hbm>>) dst(%dma_wait3A_189 : memref<4000xf32, #tpu.memory_space<vmem>>)
      %mul3A_192 = arith.constant 4000 : i32
      %mul3A_193 = arith.muli %add3A_99, %mul3A_192 : i32
      %dma_wait3A_194 = arith.constant 3 : i32
      %dma_wait3A_195 = arith.constant 0 : i32
      %dma_wait3A_196 = arith.constant 3 : i32
      %dma_wait3A_197 = arith.constant 0 : i32
      %dma_wait3A_198 = tpu.memref_slice %arg4[%dma_wait3A_195, %dma_wait3A_196, %dma_wait3A_197] : memref<2x4x4000xf32, #tpu.memory_space<vmem>> -> memref<1x1x4000xf32, #tpu.memory_space<vmem>>
      %dma_wait3A_199 = tpu.memref_squeeze %dma_wait3A_198 : memref<1x1x4000xf32, #tpu.memory_space<vmem>> -> memref<4000xf32, #tpu.memory_space<vmem>>
      %dma_wait3A_200 = tpu.memref_slice %arg2[%dma_wait3A_194, %mul3A_193] : memref<4x1000000xf32, #tpu.memory_space<hbm>> -> memref<1x4000xf32, #tpu.memory_space<hbm>>
      %dma_wait3A_201 = tpu.memref_squeeze %dma_wait3A_200 : memref<1x4000xf32, #tpu.memory_space<hbm>> -> memref<4000xf32, #tpu.memory_space<hbm>>
      %dma_wait3A_202 = arith.constant 0 : i32
      %dma_wait3A_203 = tpu.memref_slice %arg4[%dma_wait3A_195, %dma_wait3A_196, %dma_wait3A_202] : memref<2x4x4000xf32, #tpu.memory_space<vmem>> -> memref<1x1x4000xf32, #tpu.memory_space<vmem>>
      %dma_wait3A_204 = tpu.memref_squeeze %dma_wait3A_203 : memref<1x1x4000xf32, #tpu.memory_space<vmem>> -> memref<4000xf32, #tpu.memory_space<vmem>>
      %dma_wait3A_205 = tpu.memref_slice %arg2[%dma_wait3A_194, %mul3A_193] : memref<4x1000000xf32, #tpu.memory_space<hbm>> -> memref<1x4000xf32, #tpu.memory_space<hbm>>
      %dma_wait3A_206 = tpu.memref_squeeze %dma_wait3A_205 : memref<1x4000xf32, #tpu.memory_space<hbm>> -> memref<4000xf32, #tpu.memory_space<hbm>>
      tpu.wait_dma2 semaphore(%arg6 : memref<!tpu.dma_semaphore, #tpu.memory_space<semaphore_mem>>) src(%dma_wait3A_206 : memref<4000xf32, #tpu.memory_space<hbm>>) dst(%dma_wait3A_204 : memref<4000xf32, #tpu.memory_space<vmem>>)
      %mul3A_207 = arith.constant 4000 : i32
      %mul3A_208 = arith.muli %add3A_99, %mul3A_207 : i32
      %mul3A_209 = arith.constant 8 : i32
      %mul3A_210 = arith.muli %mul3A_208, %mul3A_209 : i32
      %dma_wait3A_211 = arith.constant 0 : i32
      %dma_wait3A_212 = arith.constant 0 : i32
      %dma_wait3A_213 = tpu.memref_slice %arg5[%dma_wait3A_211, %dma_wait3A_212] : memref<2x32000xf32, #tpu.memory_space<vmem>> -> memref<1x32000xf32, #tpu.memory_space<vmem>>
      %dma_wait3A_214 = tpu.memref_squeeze %dma_wait3A_213 : memref<1x32000xf32, #tpu.memory_space<vmem>> -> memref<32000xf32, #tpu.memory_space<vmem>>
      %dma_wait3A_215 = tpu.memref_slice %arg3[%mul3A_210] : memref<8000000xf32, #tpu.memory_space<hbm>> -> memref<32000xf32, #tpu.memory_space<hbm>>
      %dma_wait3A_216 = tpu.memref_slice %arg3[%mul3A_210] : memref<8000000xf32, #tpu.memory_space<hbm>> -> memref<32000xf32, #tpu.memory_space<hbm>>
      %dma_wait3A_217 = arith.constant 0 : i32
      %dma_wait3A_218 = tpu.memref_slice %arg5[%dma_wait3A_211, %dma_wait3A_217] : memref<2x32000xf32, #tpu.memory_space<vmem>> -> memref<1x32000xf32, #tpu.memory_space<vmem>>
      %dma_wait3A_219 = tpu.memref_squeeze %dma_wait3A_218 : memref<1x32000xf32, #tpu.memory_space<vmem>> -> memref<32000xf32, #tpu.memory_space<vmem>>
      tpu.wait_dma2 semaphore(%arg8 : memref<!tpu.dma_semaphore, #tpu.memory_space<semaphore_mem>>) src(%dma_wait3A_219 : memref<32000xf32, #tpu.memory_space<vmem>>) dst(%dma_wait3A_216 : memref<32000xf32, #tpu.memory_space<hbm>>)
      %scan3A_220 = arith.constant 0 : i32
      %scan3A_221 = arith.constant 0 : i32
      %scan3A_222 = arith.constant 250 : i32
      %scan3A_223 = arith.addi %scan3A_221, %scan3A_222 : i32
      %scan3A_224 = arith.constant 2 : i32
      scf.for %scan3A_238 = %scan3A_221 to %scan3A_223 step %scan3A_224  : i32 {
        %mul3A_239 = arith.constant 16 : i32
        %mul3A_240 = arith.muli %scan3A_238, %mul3A_239 : i32
        %mul3A_241 = arith.constant 8 : i32
        %mul3A_242 = arith.muli %mul3A_240, %mul3A_241 : i32
        %add3A_243 = arith.constant 0 : i32
        %add3A_244 = arith.addi %mul3A_242, %add3A_243 : i32
        %add3A_245 = vector.broadcast %add3A_244 : i32 to vector<16xi32>
        %add3A_246 = arith.addi %mul3A_3, %add3A_245 : vector<16xi32>
        %mul3A_247 = arith.constant 16 : i32
        %mul3A_248 = arith.muli %scan3A_238, %mul3A_247 : i32
        %get3A = arith.constant 0 : i32
        %get3A_249 = arith.constant 0 : i32
        %get3A_250 = arith.index_cast %get3A : i32 to index
        %get3A_251 = arith.index_cast %get3A_249 : i32 to index
        %get3A_252 = arith.index_cast %mul3A_248 : i32 to index
        %get3A_253 = tpu.vector_load %arg4[%get3A_250, %get3A_251, %get3A_252] {strides = array<i32>} : memref<2x4x4000xf32, #tpu.memory_space<vmem>>, vector<16xf32>,
        %scatter3A = arith.constant 0 : i32
        %scatter3A_254 = arith.constant 0 : i32
        %scatter3A_255 = tpu.memref_slice %arg5[%scatter3A, %scatter3A_254] : memref<2x32000xf32, #tpu.memory_space<vmem>> -> memref<1x32000xf32, #tpu.memory_space<vmem>>
        %scatter3A_256 = tpu.memref_squeeze %scatter3A_255 : memref<1x32000xf32, #tpu.memory_space<vmem>> -> memref<32000xf32, #tpu.memory_space<vmem>>
        tpu.vector_store_idx %scatter3A_256[%add3A_246], %get3A_253 : memref<32000xf32, #tpu.memory_space<vmem>>[vector<16xi32>], vector<16xf32>,
        %mul3A_257 = arith.constant 16 : i32
        %mul3A_258 = arith.muli %scan3A_238, %mul3A_257 : i32
        %mul3A_259 = arith.constant 8 : i32
        %mul3A_260 = arith.muli %mul3A_258, %mul3A_259 : i32
        %add3A_261 = arith.constant 1 : i32
        %add3A_262 = arith.addi %mul3A_260, %add3A_261 : i32
        %add3A_263 = vector.broadcast %add3A_262 : i32 to vector<16xi32>
        %add3A_264 = arith.addi %mul3A_3, %add3A_263 : vector<16xi32>
        %mul3A_265 = arith.constant 16 : i32
        %mul3A_266 = arith.muli %scan3A_238, %mul3A_265 : i32
        %get3A_267 = arith.constant 0 : i32
        %get3A_268 = arith.constant 1 : i32
        %get3A_269 = arith.index_cast %get3A_267 : i32 to index
        %get3A_270 = arith.index_cast %get3A_268 : i32 to index
        %get3A_271 = arith.index_cast %mul3A_266 : i32 to index
        %get3A_272 = tpu.vector_load %arg4[%get3A_269, %get3A_270, %get3A_271] {strides = array<i32>} : memref<2x4x4000xf32, #tpu.memory_space<vmem>>, vector<16xf32>,
        %scatter3A_273 = arith.constant 0 : i32
        %scatter3A_274 = arith.constant 0 : i32
        %scatter3A_275 = tpu.memref_slice %arg5[%scatter3A_273, %scatter3A_274] : memref<2x32000xf32, #tpu.memory_space<vmem>> -> memref<1x32000xf32, #tpu.memory_space<vmem>>
        %scatter3A_276 = tpu.memref_squeeze %scatter3A_275 : memref<1x32000xf32, #tpu.memory_space<vmem>> -> memref<32000xf32, #tpu.memory_space<vmem>>
        tpu.vector_store_idx %scatter3A_276[%add3A_264], %get3A_272 : memref<32000xf32, #tpu.memory_space<vmem>>[vector<16xi32>], vector<16xf32>,
        %mul3A_277 = arith.constant 16 : i32
        %mul3A_278 = arith.muli %scan3A_238, %mul3A_277 : i32
        %mul3A_279 = arith.constant 8 : i32
        %mul3A_280 = arith.muli %mul3A_278, %mul3A_279 : i32
        %add3A_281 = arith.constant 2 : i32
        %add3A_282 = arith.addi %mul3A_280, %add3A_281 : i32
        %add3A_283 = vector.broadcast %add3A_282 : i32 to vector<16xi32>
        %add3A_284 = arith.addi %mul3A_3, %add3A_283 : vector<16xi32>
        %mul3A_285 = arith.constant 16 : i32
        %mul3A_286 = arith.muli %scan3A_238, %mul3A_285 : i32
        %get3A_287 = arith.constant 0 : i32
        %get3A_288 = arith.constant 2 : i32
        %get3A_289 = arith.index_cast %get3A_287 : i32 to index
        %get3A_290 = arith.index_cast %get3A_288 : i32 to index
        %get3A_291 = arith.index_cast %mul3A_286 : i32 to index
        %get3A_292 = tpu.vector_load %arg4[%get3A_289, %get3A_290, %get3A_291] {strides = array<i32>} : memref<2x4x4000xf32, #tpu.memory_space<vmem>>, vector<16xf32>,
        %scatter3A_293 = arith.constant 0 : i32
        %scatter3A_294 = arith.constant 0 : i32
        %scatter3A_295 = tpu.memref_slice %arg5[%scatter3A_293, %scatter3A_294] : memref<2x32000xf32, #tpu.memory_space<vmem>> -> memref<1x32000xf32, #tpu.memory_space<vmem>>
        %scatter3A_296 = tpu.memref_squeeze %scatter3A_295 : memref<1x32000xf32, #tpu.memory_space<vmem>> -> memref<32000xf32, #tpu.memory_space<vmem>>
        tpu.vector_store_idx %scatter3A_296[%add3A_284], %get3A_292 : memref<32000xf32, #tpu.memory_space<vmem>>[vector<16xi32>], vector<16xf32>,
        %mul3A_297 = arith.constant 16 : i32
        %mul3A_298 = arith.muli %scan3A_238, %mul3A_297 : i32
        %mul3A_299 = arith.constant 8 : i32
        %mul3A_300 = arith.muli %mul3A_298, %mul3A_299 : i32
        %add3A_301 = arith.constant 3 : i32
        %add3A_302 = arith.addi %mul3A_300, %add3A_301 : i32
        %add3A_303 = vector.broadcast %add3A_302 : i32 to vector<16xi32>
        %add3A_304 = arith.addi %mul3A_3, %add3A_303 : vector<16xi32>
        %mul3A_305 = arith.constant 16 : i32
        %mul3A_306 = arith.muli %scan3A_238, %mul3A_305 : i32
        %get3A_307 = arith.constant 0 : i32
        %get3A_308 = arith.constant 3 : i32
        %get3A_309 = arith.index_cast %get3A_307 : i32 to index
        %get3A_310 = arith.index_cast %get3A_308 : i32 to index
        %get3A_311 = arith.index_cast %mul3A_306 : i32 to index
        %get3A_312 = tpu.vector_load %arg4[%get3A_309, %get3A_310, %get3A_311] {strides = array<i32>} : memref<2x4x4000xf32, #tpu.memory_space<vmem>>, vector<16xf32>,
        %scatter3A_313 = arith.constant 0 : i32
        %scatter3A_314 = arith.constant 0 : i32
        %scatter3A_315 = tpu.memref_slice %arg5[%scatter3A_313, %scatter3A_314] : memref<2x32000xf32, #tpu.memory_space<vmem>> -> memref<1x32000xf32, #tpu.memory_space<vmem>>
        %scatter3A_316 = tpu.memref_squeeze %scatter3A_315 : memref<1x32000xf32, #tpu.memory_space<vmem>> -> memref<32000xf32, #tpu.memory_space<vmem>>
        tpu.vector_store_idx %scatter3A_316[%add3A_304], %get3A_312 : memref<32000xf32, #tpu.memory_space<vmem>>[vector<16xi32>], vector<16xf32>,
        %scan3A_317 = arith.constant 1 : i32
        %scan3A_318 = arith.addi %scan3A_238, %scan3A_317 : i32
        %mul3A_319 = arith.constant 16 : i32
        %mul3A_320 = arith.muli %scan3A_318, %mul3A_319 : i32
        %mul3A_321 = arith.constant 8 : i32
        %mul3A_322 = arith.muli %mul3A_320, %mul3A_321 : i32
        %add3A_323 = arith.constant 0 : i32
        %add3A_324 = arith.addi %mul3A_322, %add3A_323 : i32
        %add3A_325 = vector.broadcast %add3A_324 : i32 to vector<16xi32>
        %add3A_326 = arith.addi %mul3A_3, %add3A_325 : vector<16xi32>
        %mul3A_327 = arith.constant 16 : i32
        %mul3A_328 = arith.muli %scan3A_318, %mul3A_327 : i32
        %get3A_329 = arith.constant 0 : i32
        %get3A_330 = arith.constant 0 : i32
        %get3A_331 = arith.index_cast %get3A_329 : i32 to index
        %get3A_332 = arith.index_cast %get3A_330 : i32 to index
        %get3A_333 = arith.index_cast %mul3A_328 : i32 to index
        %get3A_334 = tpu.vector_load %arg4[%get3A_331, %get3A_332, %get3A_333] {strides = array<i32>} : memref<2x4x4000xf32, #tpu.memory_space<vmem>>, vector<16xf32>,
        %scatter3A_335 = arith.constant 0 : i32
        %scatter3A_336 = arith.constant 0 : i32
        %scatter3A_337 = tpu.memref_slice %arg5[%scatter3A_335, %scatter3A_336] : memref<2x32000xf32, #tpu.memory_space<vmem>> -> memref<1x32000xf32, #tpu.memory_space<vmem>>
        %scatter3A_338 = tpu.memref_squeeze %scatter3A_337 : memref<1x32000xf32, #tpu.memory_space<vmem>> -> memref<32000xf32, #tpu.memory_space<vmem>>
        tpu.vector_store_idx %scatter3A_338[%add3A_326], %get3A_334 : memref<32000xf32, #tpu.memory_space<vmem>>[vector<16xi32>], vector<16xf32>,
        %mul3A_339 = arith.constant 16 : i32
        %mul3A_340 = arith.muli %scan3A_318, %mul3A_339 : i32
        %mul3A_341 = arith.constant 8 : i32
        %mul3A_342 = arith.muli %mul3A_340, %mul3A_341 : i32
        %add3A_343 = arith.constant 1 : i32
        %add3A_344 = arith.addi %mul3A_342, %add3A_343 : i32
        %add3A_345 = vector.broadcast %add3A_344 : i32 to vector<16xi32>
        %add3A_346 = arith.addi %mul3A_3, %add3A_345 : vector<16xi32>
        %mul3A_347 = arith.constant 16 : i32
        %mul3A_348 = arith.muli %scan3A_318, %mul3A_347 : i32
        %get3A_349 = arith.constant 0 : i32
        %get3A_350 = arith.constant 1 : i32
        %get3A_351 = arith.index_cast %get3A_349 : i32 to index
        %get3A_352 = arith.index_cast %get3A_350 : i32 to index
        %get3A_353 = arith.index_cast %mul3A_348 : i32 to index
        %get3A_354 = tpu.vector_load %arg4[%get3A_351, %get3A_352, %get3A_353] {strides = array<i32>} : memref<2x4x4000xf32, #tpu.memory_space<vmem>>, vector<16xf32>,
        %scatter3A_355 = arith.constant 0 : i32
        %scatter3A_356 = arith.constant 0 : i32
        %scatter3A_357 = tpu.memref_slice %arg5[%scatter3A_355, %scatter3A_356] : memref<2x32000xf32, #tpu.memory_space<vmem>> -> memref<1x32000xf32, #tpu.memory_space<vmem>>
        %scatter3A_358 = tpu.memref_squeeze %scatter3A_357 : memref<1x32000xf32, #tpu.memory_space<vmem>> -> memref<32000xf32, #tpu.memory_space<vmem>>
        tpu.vector_store_idx %scatter3A_358[%add3A_346], %get3A_354 : memref<32000xf32, #tpu.memory_space<vmem>>[vector<16xi32>], vector<16xf32>,
        %mul3A_359 = arith.constant 16 : i32
        %mul3A_360 = arith.muli %scan3A_318, %mul3A_359 : i32
        %mul3A_361 = arith.constant 8 : i32
        %mul3A_362 = arith.muli %mul3A_360, %mul3A_361 : i32
        %add3A_363 = arith.constant 2 : i32
        %add3A_364 = arith.addi %mul3A_362, %add3A_363 : i32
        %add3A_365 = vector.broadcast %add3A_364 : i32 to vector<16xi32>
        %add3A_366 = arith.addi %mul3A_3, %add3A_365 : vector<16xi32>
        %mul3A_367 = arith.constant 16 : i32
        %mul3A_368 = arith.muli %scan3A_318, %mul3A_367 : i32
        %get3A_369 = arith.constant 0 : i32
        %get3A_370 = arith.constant 2 : i32
        %get3A_371 = arith.index_cast %get3A_369 : i32 to index
        %get3A_372 = arith.index_cast %get3A_370 : i32 to index
        %get3A_373 = arith.index_cast %mul3A_368 : i32 to index
        %get3A_374 = tpu.vector_load %arg4[%get3A_371, %get3A_372, %get3A_373] {strides = array<i32>} : memref<2x4x4000xf32, #tpu.memory_space<vmem>>, vector<16xf32>,
        %scatter3A_375 = arith.constant 0 : i32
        %scatter3A_376 = arith.constant 0 : i32
        %scatter3A_377 = tpu.memref_slice %arg5[%scatter3A_375, %scatter3A_376] : memref<2x32000xf32, #tpu.memory_space<vmem>> -> memref<1x32000xf32, #tpu.memory_space<vmem>>
        %scatter3A_378 = tpu.memref_squeeze %scatter3A_377 : memref<1x32000xf32, #tpu.memory_space<vmem>> -> memref<32000xf32, #tpu.memory_space<vmem>>
        tpu.vector_store_idx %scatter3A_378[%add3A_366], %get3A_374 : memref<32000xf32, #tpu.memory_space<vmem>>[vector<16xi32>], vector<16xf32>,
        %mul3A_379 = arith.constant 16 : i32
        %mul3A_380 = arith.muli %scan3A_318, %mul3A_379 : i32
        %mul3A_381 = arith.constant 8 : i32
        %mul3A_382 = arith.muli %mul3A_380, %mul3A_381 : i32
        %add3A_383 = arith.constant 3 : i32
        %add3A_384 = arith.addi %mul3A_382, %add3A_383 : i32
        %add3A_385 = vector.broadcast %add3A_384 : i32 to vector<16xi32>
        %add3A_386 = arith.addi %mul3A_3, %add3A_385 : vector<16xi32>
        %mul3A_387 = arith.constant 16 : i32
        %mul3A_388 = arith.muli %scan3A_318, %mul3A_387 : i32
        %get3A_389 = arith.constant 0 : i32
        %get3A_390 = arith.constant 3 : i32
        %get3A_391 = arith.index_cast %get3A_389 : i32 to index
        %get3A_392 = arith.index_cast %get3A_390 : i32 to index
        %get3A_393 = arith.index_cast %mul3A_388 : i32 to index
        %get3A_394 = tpu.vector_load %arg4[%get3A_391, %get3A_392, %get3A_393] {strides = array<i32>} : memref<2x4x4000xf32, #tpu.memory_space<vmem>>, vector<16xf32>,
        %scatter3A_395 = arith.constant 0 : i32
        %scatter3A_396 = arith.constant 0 : i32
        %scatter3A_397 = tpu.memref_slice %arg5[%scatter3A_395, %scatter3A_396] : memref<2x32000xf32, #tpu.memory_space<vmem>> -> memref<1x32000xf32, #tpu.memory_space<vmem>>
        %scatter3A_398 = tpu.memref_squeeze %scatter3A_397 : memref<1x32000xf32, #tpu.memory_space<vmem>> -> memref<32000xf32, #tpu.memory_space<vmem>>
        tpu.vector_store_idx %scatter3A_398[%add3A_386], %get3A_394 : memref<32000xf32, #tpu.memory_space<vmem>>[vector<16xi32>], vector<16xf32>,
      }
      %scan3A_225 = arith.constant 250 : i32
      %mul3A_226 = arith.constant 4000 : i32
      %mul3A_227 = arith.muli %add3A_99, %mul3A_226 : i32
      %mul3A_228 = arith.constant 8 : i32
      %mul3A_229 = arith.muli %mul3A_227, %mul3A_228 : i32
      %dma_start3A = arith.constant 0 : i32
      %dma_start3A_230 = arith.constant 0 : i32
      %dma_start3A_231 = tpu.memref_slice %arg5[%dma_start3A, %dma_start3A_230] : memref<2x32000xf32, #tpu.memory_space<vmem>> -> memref<1x32000xf32, #tpu.memory_space<vmem>>
      %dma_start3A_232 = tpu.memref_squeeze %dma_start3A_231 : memref<1x32000xf32, #tpu.memory_space<vmem>> -> memref<32000xf32, #tpu.memory_space<vmem>>
      %dma_start3A_233 = tpu.memref_slice %arg3[%mul3A_229] : memref<8000000xf32, #tpu.memory_space<hbm>> -> memref<32000xf32, #tpu.memory_space<hbm>>
      %dma_start3A_234 = tpu.memref_slice %arg3[%mul3A_229] : memref<8000000xf32, #tpu.memory_space<hbm>> -> memref<32000xf32, #tpu.memory_space<hbm>>
      %dma_start3A_235 = arith.constant 0 : i32
      %dma_start3A_236 = tpu.memref_slice %arg5[%dma_start3A, %dma_start3A_235] : memref<2x32000xf32, #tpu.memory_space<vmem>> -> memref<1x32000xf32, #tpu.memory_space<vmem>>
      %dma_start3A_237 = tpu.memref_squeeze %dma_start3A_236 : memref<1x32000xf32, #tpu.memory_space<vmem>> -> memref<32000xf32, #tpu.memory_space<vmem>>
      tpu.enqueue_dma source(%dma_start3A_237 : memref<32000xf32, #tpu.memory_space<vmem>>) target(%dma_start3A_234 : memref<32000xf32, #tpu.memory_space<hbm>>) target_semaphore(%arg8 : memref<!tpu.dma_semaphore, #tpu.memory_space<semaphore_mem>>)
    } else {
    }
    %add3A_112 = arith.constant 224 : i32
    %add3A_113 = arith.addi %add3A, %add3A_112 : i32
    %add3A_114 = arith.constant 256 : i32
    %add3A_115 = arith.addi %add3A, %add3A_114 : i32
    %lt3A_116 = arith.constant 250 : i32
    %lt3A_117 = arith.cmpi slt, %add3A_115, %lt3A_116 : i32
    %convert_element_type3A_118 = arith.extui %lt3A_117 : i1 to i32
    %cond3A_119 = arith.constant 0 : i32
    %cond3A_120 = arith.cmpi ne, %convert_element_type3A_118, %cond3A_119 : i32
    scf.if %cond3A_120 {
      %mul3A_147 = arith.constant 4000 : i32
      %mul3A_148 = arith.muli %add3A_115, %mul3A_147 : i32
      %dma_start3A = arith.constant 0 : i32
      %dma_start3A_149 = arith.constant 0 : i32
      %dma_start3A_150 = arith.constant 0 : i32
      %dma_start3A_151 = arith.constant 0 : i32
      %dma_start3A_152 = tpu.memref_slice %arg4[%dma_start3A_149, %dma_start3A_150, %dma_start3A_151] : memref<2x4x4000xf32, #tpu.memory_space<vmem>> -> memref<1x1x4000xf32, #tpu.memory_space<vmem>>
      %dma_start3A_153 = tpu.memref_squeeze %dma_start3A_152 : memref<1x1x4000xf32, #tpu.memory_space<vmem>> -> memref<4000xf32, #tpu.memory_space<vmem>>
      %dma_start3A_154 = tpu.memref_slice %arg2[%dma_start3A, %mul3A_148] : memref<4x1000000xf32, #tpu.memory_space<hbm>> -> memref<1x4000xf32, #tpu.memory_space<hbm>>
      %dma_start3A_155 = tpu.memref_squeeze %dma_start3A_154 : memref<1x4000xf32, #tpu.memory_space<hbm>> -> memref<4000xf32, #tpu.memory_space<hbm>>
      %dma_start3A_156 = arith.constant 0 : i32
      %dma_start3A_157 = tpu.memref_slice %arg4[%dma_start3A_149, %dma_start3A_150, %dma_start3A_156] : memref<2x4x4000xf32, #tpu.memory_space<vmem>> -> memref<1x1x4000xf32, #tpu.memory_space<vmem>>
      %dma_start3A_158 = tpu.memref_squeeze %dma_start3A_157 : memref<1x1x4000xf32, #tpu.memory_space<vmem>> -> memref<4000xf32, #tpu.memory_space<vmem>>
      %dma_start3A_159 = tpu.memref_slice %arg2[%dma_start3A, %mul3A_148] : memref<4x1000000xf32, #tpu.memory_space<hbm>> -> memref<1x4000xf32, #tpu.memory_space<hbm>>
      %dma_start3A_160 = tpu.memref_squeeze %dma_start3A_159 : memref<1x4000xf32, #tpu.memory_space<hbm>> -> memref<4000xf32, #tpu.memory_space<hbm>>
      tpu.enqueue_dma source(%dma_start3A_160 : memref<4000xf32, #tpu.memory_space<hbm>>) target(%dma_start3A_158 : memref<4000xf32, #tpu.memory_space<vmem>>) target_semaphore(%arg6 : memref<!tpu.dma_semaphore, #tpu.memory_space<semaphore_mem>>)
      %mul3A_161 = arith.constant 4000 : i32
      %mul3A_162 = arith.muli %add3A_115, %mul3A_161 : i32
      %dma_start3A_163 = arith.constant 1 : i32
      %dma_start3A_164 = arith.constant 0 : i32
      %dma_start3A_165 = arith.constant 1 : i32
      %dma_start3A_166 = arith.constant 0 : i32
      %dma_start3A_167 = tpu.memref_slice %arg4[%dma_start3A_164, %dma_start3A_165, %dma_start3A_166] : memref<2x4x4000xf32, #tpu.memory_space<vmem>> -> memref<1x1x4000xf32, #tpu.memory_space<vmem>>
      %dma_start3A_168 = tpu.memref_squeeze %dma_start3A_167 : memref<1x1x4000xf32, #tpu.memory_space<vmem>> -> memref<4000xf32, #tpu.memory_space<vmem>>
      %dma_start3A_169 = tpu.memref_slice %arg2[%dma_start3A_163, %mul3A_162] : memref<4x1000000xf32, #tpu.memory_space<hbm>> -> memref<1x4000xf32, #tpu.memory_space<hbm>>
      %dma_start3A_170 = tpu.memref_squeeze %dma_start3A_169 : memref<1x4000xf32, #tpu.memory_space<hbm>> -> memref<4000xf32, #tpu.memory_space<hbm>>
      %dma_start3A_171 = arith.constant 0 : i32
      %dma_start3A_172 = tpu.memref_slice %arg4[%dma_start3A_164, %dma_start3A_165, %dma_start3A_171] : memref<2x4x4000xf32, #tpu.memory_space<vmem>> -> memref<1x1x4000xf32, #tpu.memory_space<vmem>>
      %dma_start3A_173 = tpu.memref_squeeze %dma_start3A_172 : memref<1x1x4000xf32, #tpu.memory_space<vmem>> -> memref<4000xf32, #tpu.memory_space<vmem>>
      %dma_start3A_174 = tpu.memref_slice %arg2[%dma_start3A_163, %mul3A_162] : memref<4x1000000xf32, #tpu.memory_space<hbm>> -> memref<1x4000xf32, #tpu.memory_space<hbm>>
      %dma_start3A_175 = tpu.memref_squeeze %dma_start3A_174 : memref<1x4000xf32, #tpu.memory_space<hbm>> -> memref<4000xf32, #tpu.memory_space<hbm>>
      tpu.enqueue_dma source(%dma_start3A_175 : memref<4000xf32, #tpu.memory_space<hbm>>) target(%dma_start3A_173 : memref<4000xf32, #tpu.memory_space<vmem>>) target_semaphore(%arg6 : memref<!tpu.dma_semaphore, #tpu.memory_space<semaphore_mem>>)
      %mul3A_176 = arith.constant 4000 : i32
      %mul3A_177 = arith.muli %add3A_115, %mul3A_176 : i32
      %dma_start3A_178 = arith.constant 2 : i32
      %dma_start3A_179 = arith.constant 0 : i32
      %dma_start3A_180 = arith.constant 2 : i32
      %dma_start3A_181 = arith.constant 0 : i32
      %dma_start3A_182 = tpu.memref_slice %arg4[%dma_start3A_179, %dma_start3A_180, %dma_start3A_181] : memref<2x4x4000xf32, #tpu.memory_space<vmem>> -> memref<1x1x4000xf32, #tpu.memory_space<vmem>>
      %dma_start3A_183 = tpu.memref_squeeze %dma_start3A_182 : memref<1x1x4000xf32, #tpu.memory_space<vmem>> -> memref<4000xf32, #tpu.memory_space<vmem>>
      %dma_start3A_184 = tpu.memref_slice %arg2[%dma_start3A_178, %mul3A_177] : memref<4x1000000xf32, #tpu.memory_space<hbm>> -> memref<1x4000xf32, #tpu.memory_space<hbm>>
      %dma_start3A_185 = tpu.memref_squeeze %dma_start3A_184 : memref<1x4000xf32, #tpu.memory_space<hbm>> -> memref<4000xf32, #tpu.memory_space<hbm>>
      %dma_start3A_186 = arith.constant 0 : i32
      %dma_start3A_187 = tpu.memref_slice %arg4[%dma_start3A_179, %dma_start3A_180, %dma_start3A_186] : memref<2x4x4000xf32, #tpu.memory_space<vmem>> -> memref<1x1x4000xf32, #tpu.memory_space<vmem>>
      %dma_start3A_188 = tpu.memref_squeeze %dma_start3A_187 : memref<1x1x4000xf32, #tpu.memory_space<vmem>> -> memref<4000xf32, #tpu.memory_space<vmem>>
      %dma_start3A_189 = tpu.memref_slice %arg2[%dma_start3A_178, %mul3A_177] : memref<4x1000000xf32, #tpu.memory_space<hbm>> -> memref<1x4000xf32, #tpu.memory_space<hbm>>
      %dma_start3A_190 = tpu.memref_squeeze %dma_start3A_189 : memref<1x4000xf32, #tpu.memory_space<hbm>> -> memref<4000xf32, #tpu.memory_space<hbm>>
      tpu.enqueue_dma source(%dma_start3A_190 : memref<4000xf32, #tpu.memory_space<hbm>>) target(%dma_start3A_188 : memref<4000xf32, #tpu.memory_space<vmem>>) target_semaphore(%arg6 : memref<!tpu.dma_semaphore, #tpu.memory_space<semaphore_mem>>)
      %mul3A_191 = arith.constant 4000 : i32
      %mul3A_192 = arith.muli %add3A_115, %mul3A_191 : i32
      %dma_start3A_193 = arith.constant 3 : i32
      %dma_start3A_194 = arith.constant 0 : i32
      %dma_start3A_195 = arith.constant 3 : i32
      %dma_start3A_196 = arith.constant 0 : i32
      %dma_start3A_197 = tpu.memref_slice %arg4[%dma_start3A_194, %dma_start3A_195, %dma_start3A_196] : memref<2x4x4000xf32, #tpu.memory_space<vmem>> -> memref<1x1x4000xf32, #tpu.memory_space<vmem>>
      %dma_start3A_198 = tpu.memref_squeeze %dma_start3A_197 : memref<1x1x4000xf32, #tpu.memory_space<vmem>> -> memref<4000xf32, #tpu.memory_space<vmem>>
      %dma_start3A_199 = tpu.memref_slice %arg2[%dma_start3A_193, %mul3A_192] : memref<4x1000000xf32, #tpu.memory_space<hbm>> -> memref<1x4000xf32, #tpu.memory_space<hbm>>
      %dma_start3A_200 = tpu.memref_squeeze %dma_start3A_199 : memref<1x4000xf32, #tpu.memory_space<hbm>> -> memref<4000xf32, #tpu.memory_space<hbm>>
      %dma_start3A_201 = arith.constant 0 : i32
      %dma_start3A_202 = tpu.memref_slice %arg4[%dma_start3A_194, %dma_start3A_195, %dma_start3A_201] : memref<2x4x4000xf32, #tpu.memory_space<vmem>> -> memref<1x1x4000xf32, #tpu.memory_space<vmem>>
      %dma_start3A_203 = tpu.memref_squeeze %dma_start3A_202 : memref<1x1x4000xf32, #tpu.memory_space<vmem>> -> memref<4000xf32, #tpu.memory_space<vmem>>
      %dma_start3A_204 = tpu.memref_slice %arg2[%dma_start3A_193, %mul3A_192] : memref<4x1000000xf32, #tpu.memory_space<hbm>> -> memref<1x4000xf32, #tpu.memory_space<hbm>>
      %dma_start3A_205 = tpu.memref_squeeze %dma_start3A_204 : memref<1x4000xf32, #tpu.memory_space<hbm>> -> memref<4000xf32, #tpu.memory_space<hbm>>
      tpu.enqueue_dma source(%dma_start3A_205 : memref<4000xf32, #tpu.memory_space<hbm>>) target(%dma_start3A_203 : memref<4000xf32, #tpu.memory_space<vmem>>) target_semaphore(%arg6 : memref<!tpu.dma_semaphore, #tpu.memory_space<semaphore_mem>>)
    } else {
    }
    %lt3A_121 = arith.constant 250 : i32
    %lt3A_122 = arith.cmpi slt, %add3A_113, %lt3A_121 : i32
    %convert_element_type3A_123 = arith.extui %lt3A_122 : i1 to i32
    %cond3A_124 = arith.constant 0 : i32
    %cond3A_125 = arith.cmpi ne, %convert_element_type3A_123, %cond3A_124 : i32
    scf.if %cond3A_125 {
      %mul3A_147 = arith.constant 4000 : i32
      %mul3A_148 = arith.muli %add3A_113, %mul3A_147 : i32
      %dma_wait3A_149 = arith.constant 0 : i32
      %dma_wait3A_150 = arith.constant 1 : i32
      %dma_wait3A_151 = arith.constant 0 : i32
      %dma_wait3A_152 = arith.constant 0 : i32
      %dma_wait3A_153 = tpu.memref_slice %arg4[%dma_wait3A_150, %dma_wait3A_151, %dma_wait3A_152] : memref<2x4x4000xf32, #tpu.memory_space<vmem>> -> memref<1x1x4000xf32, #tpu.memory_space<vmem>>
      %dma_wait3A_154 = tpu.memref_squeeze %dma_wait3A_153 : memref<1x1x4000xf32, #tpu.memory_space<vmem>> -> memref<4000xf32, #tpu.memory_space<vmem>>
      %dma_wait3A_155 = tpu.memref_slice %arg2[%dma_wait3A_149, %mul3A_148] : memref<4x1000000xf32, #tpu.memory_space<hbm>> -> memref<1x4000xf32, #tpu.memory_space<hbm>>
      %dma_wait3A_156 = tpu.memref_squeeze %dma_wait3A_155 : memref<1x4000xf32, #tpu.memory_space<hbm>> -> memref<4000xf32, #tpu.memory_space<hbm>>
      %dma_wait3A_157 = arith.constant 0 : i32
      %dma_wait3A_158 = tpu.memref_slice %arg4[%dma_wait3A_150, %dma_wait3A_151, %dma_wait3A_157] : memref<2x4x4000xf32, #tpu.memory_space<vmem>> -> memref<1x1x4000xf32, #tpu.memory_space<vmem>>
      %dma_wait3A_159 = tpu.memref_squeeze %dma_wait3A_158 : memref<1x1x4000xf32, #tpu.memory_space<vmem>> -> memref<4000xf32, #tpu.memory_space<vmem>>
      %dma_wait3A_160 = tpu.memref_slice %arg2[%dma_wait3A_149, %mul3A_148] : memref<4x1000000xf32, #tpu.memory_space<hbm>> -> memref<1x4000xf32, #tpu.memory_space<hbm>>
      %dma_wait3A_161 = tpu.memref_squeeze %dma_wait3A_160 : memref<1x4000xf32, #tpu.memory_space<hbm>> -> memref<4000xf32, #tpu.memory_space<hbm>>
      tpu.wait_dma2 semaphore(%arg7 : memref<!tpu.dma_semaphore, #tpu.memory_space<semaphore_mem>>) src(%dma_wait3A_161 : memref<4000xf32, #tpu.memory_space<hbm>>) dst(%dma_wait3A_159 : memref<4000xf32, #tpu.memory_space<vmem>>)
      %mul3A_162 = arith.constant 4000 : i32
      %mul3A_163 = arith.muli %add3A_113, %mul3A_162 : i32
      %dma_wait3A_164 = arith.constant 1 : i32
      %dma_wait3A_165 = arith.constant 1 : i32
      %dma_wait3A_166 = arith.constant 1 : i32
      %dma_wait3A_167 = arith.constant 0 : i32
      %dma_wait3A_168 = tpu.memref_slice %arg4[%dma_wait3A_165, %dma_wait3A_166, %dma_wait3A_167] : memref<2x4x4000xf32, #tpu.memory_space<vmem>> -> memref<1x1x4000xf32, #tpu.memory_space<vmem>>
      %dma_wait3A_169 = tpu.memref_squeeze %dma_wait3A_168 : memref<1x1x4000xf32, #tpu.memory_space<vmem>> -> memref<4000xf32, #tpu.memory_space<vmem>>
      %dma_wait3A_170 = tpu.memref_slice %arg2[%dma_wait3A_164, %mul3A_163] : memref<4x1000000xf32, #tpu.memory_space<hbm>> -> memref<1x4000xf32, #tpu.memory_space<hbm>>
      %dma_wait3A_171 = tpu.memref_squeeze %dma_wait3A_170 : memref<1x4000xf32, #tpu.memory_space<hbm>> -> memref<4000xf32, #tpu.memory_space<hbm>>
      %dma_wait3A_172 = arith.constant 0 : i32
      %dma_wait3A_173 = tpu.memref_slice %arg4[%dma_wait3A_165, %dma_wait3A_166, %dma_wait3A_172] : memref<2x4x4000xf32, #tpu.memory_space<vmem>> -> memref<1x1x4000xf32, #tpu.memory_space<vmem>>
      %dma_wait3A_174 = tpu.memref_squeeze %dma_wait3A_173 : memref<1x1x4000xf32, #tpu.memory_space<vmem>> -> memref<4000xf32, #tpu.memory_space<vmem>>
      %dma_wait3A_175 = tpu.memref_slice %arg2[%dma_wait3A_164, %mul3A_163] : memref<4x1000000xf32, #tpu.memory_space<hbm>> -> memref<1x4000xf32, #tpu.memory_space<hbm>>
      %dma_wait3A_176 = tpu.memref_squeeze %dma_wait3A_175 : memref<1x4000xf32, #tpu.memory_space<hbm>> -> memref<4000xf32, #tpu.memory_space<hbm>>
      tpu.wait_dma2 semaphore(%arg7 : memref<!tpu.dma_semaphore, #tpu.memory_space<semaphore_mem>>) src(%dma_wait3A_176 : memref<4000xf32, #tpu.memory_space<hbm>>) dst(%dma_wait3A_174 : memref<4000xf32, #tpu.memory_space<vmem>>)
      %mul3A_177 = arith.constant 4000 : i32
      %mul3A_178 = arith.muli %add3A_113, %mul3A_177 : i32
      %dma_wait3A_179 = arith.constant 2 : i32
      %dma_wait3A_180 = arith.constant 1 : i32
      %dma_wait3A_181 = arith.constant 2 : i32
      %dma_wait3A_182 = arith.constant 0 : i32
      %dma_wait3A_183 = tpu.memref_slice %arg4[%dma_wait3A_180, %dma_wait3A_181, %dma_wait3A_182] : memref<2x4x4000xf32, #tpu.memory_space<vmem>> -> memref<1x1x4000xf32, #tpu.memory_space<vmem>>
      %dma_wait3A_184 = tpu.memref_squeeze %dma_wait3A_183 : memref<1x1x4000xf32, #tpu.memory_space<vmem>> -> memref<4000xf32, #tpu.memory_space<vmem>>
      %dma_wait3A_185 = tpu.memref_slice %arg2[%dma_wait3A_179, %mul3A_178] : memref<4x1000000xf32, #tpu.memory_space<hbm>> -> memref<1x4000xf32, #tpu.memory_space<hbm>>
      %dma_wait3A_186 = tpu.memref_squeeze %dma_wait3A_185 : memref<1x4000xf32, #tpu.memory_space<hbm>> -> memref<4000xf32, #tpu.memory_space<hbm>>
      %dma_wait3A_187 = arith.constant 0 : i32
      %dma_wait3A_188 = tpu.memref_slice %arg4[%dma_wait3A_180, %dma_wait3A_181, %dma_wait3A_187] : memref<2x4x4000xf32, #tpu.memory_space<vmem>> -> memref<1x1x4000xf32, #tpu.memory_space<vmem>>
      %dma_wait3A_189 = tpu.memref_squeeze %dma_wait3A_188 : memref<1x1x4000xf32, #tpu.memory_space<vmem>> -> memref<4000xf32, #tpu.memory_space<vmem>>
      %dma_wait3A_190 = tpu.memref_slice %arg2[%dma_wait3A_179, %mul3A_178] : memref<4x1000000xf32, #tpu.memory_space<hbm>> -> memref<1x4000xf32, #tpu.memory_space<hbm>>
      %dma_wait3A_191 = tpu.memref_squeeze %dma_wait3A_190 : memref<1x4000xf32, #tpu.memory_space<hbm>> -> memref<4000xf32, #tpu.memory_space<hbm>>
      tpu.wait_dma2 semaphore(%arg7 : memref<!tpu.dma_semaphore, #tpu.memory_space<semaphore_mem>>) src(%dma_wait3A_191 : memref<4000xf32, #tpu.memory_space<hbm>>) dst(%dma_wait3A_189 : memref<4000xf32, #tpu.memory_space<vmem>>)
      %mul3A_192 = arith.constant 4000 : i32
      %mul3A_193 = arith.muli %add3A_113, %mul3A_192 : i32
      %dma_wait3A_194 = arith.constant 3 : i32
      %dma_wait3A_195 = arith.constant 1 : i32
      %dma_wait3A_196 = arith.constant 3 : i32
      %dma_wait3A_197 = arith.constant 0 : i32
      %dma_wait3A_198 = tpu.memref_slice %arg4[%dma_wait3A_195, %dma_wait3A_196, %dma_wait3A_197] : memref<2x4x4000xf32, #tpu.memory_space<vmem>> -> memref<1x1x4000xf32, #tpu.memory_space<vmem>>
      %dma_wait3A_199 = tpu.memref_squeeze %dma_wait3A_198 : memref<1x1x4000xf32, #tpu.memory_space<vmem>> -> memref<4000xf32, #tpu.memory_space<vmem>>
      %dma_wait3A_200 = tpu.memref_slice %arg2[%dma_wait3A_194, %mul3A_193] : memref<4x1000000xf32, #tpu.memory_space<hbm>> -> memref<1x4000xf32, #tpu.memory_space<hbm>>
      %dma_wait3A_201 = tpu.memref_squeeze %dma_wait3A_200 : memref<1x4000xf32, #tpu.memory_space<hbm>> -> memref<4000xf32, #tpu.memory_space<hbm>>
      %dma_wait3A_202 = arith.constant 0 : i32
      %dma_wait3A_203 = tpu.memref_slice %arg4[%dma_wait3A_195, %dma_wait3A_196, %dma_wait3A_202] : memref<2x4x4000xf32, #tpu.memory_space<vmem>> -> memref<1x1x4000xf32, #tpu.memory_space<vmem>>
      %dma_wait3A_204 = tpu.memref_squeeze %dma_wait3A_203 : memref<1x1x4000xf32, #tpu.memory_space<vmem>> -> memref<4000xf32, #tpu.memory_space<vmem>>
      %dma_wait3A_205 = tpu.memref_slice %arg2[%dma_wait3A_194, %mul3A_193] : memref<4x1000000xf32, #tpu.memory_space<hbm>> -> memref<1x4000xf32, #tpu.memory_space<hbm>>
      %dma_wait3A_206 = tpu.memref_squeeze %dma_wait3A_205 : memref<1x4000xf32, #tpu.memory_space<hbm>> -> memref<4000xf32, #tpu.memory_space<hbm>>
      tpu.wait_dma2 semaphore(%arg7 : memref<!tpu.dma_semaphore, #tpu.memory_space<semaphore_mem>>) src(%dma_wait3A_206 : memref<4000xf32, #tpu.memory_space<hbm>>) dst(%dma_wait3A_204 : memref<4000xf32, #tpu.memory_space<vmem>>)
      %mul3A_207 = arith.constant 4000 : i32
      %mul3A_208 = arith.muli %add3A_113, %mul3A_207 : i32
      %mul3A_209 = arith.constant 8 : i32
      %mul3A_210 = arith.muli %mul3A_208, %mul3A_209 : i32
      %dma_wait3A_211 = arith.constant 1 : i32
      %dma_wait3A_212 = arith.constant 0 : i32
      %dma_wait3A_213 = tpu.memref_slice %arg5[%dma_wait3A_211, %dma_wait3A_212] : memref<2x32000xf32, #tpu.memory_space<vmem>> -> memref<1x32000xf32, #tpu.memory_space<vmem>>
      %dma_wait3A_214 = tpu.memref_squeeze %dma_wait3A_213 : memref<1x32000xf32, #tpu.memory_space<vmem>> -> memref<32000xf32, #tpu.memory_space<vmem>>
      %dma_wait3A_215 = tpu.memref_slice %arg3[%mul3A_210] : memref<8000000xf32, #tpu.memory_space<hbm>> -> memref<32000xf32, #tpu.memory_space<hbm>>
      %dma_wait3A_216 = tpu.memref_slice %arg3[%mul3A_210] : memref<8000000xf32, #tpu.memory_space<hbm>> -> memref<32000xf32, #tpu.memory_space<hbm>>
      %dma_wait3A_217 = arith.constant 0 : i32
      %dma_wait3A_218 = tpu.memref_slice %arg5[%dma_wait3A_211, %dma_wait3A_217] : memref<2x32000xf32, #tpu.memory_space<vmem>> -> memref<1x32000xf32, #tpu.memory_space<vmem>>
      %dma_wait3A_219 = tpu.memref_squeeze %dma_wait3A_218 : memref<1x32000xf32, #tpu.memory_space<vmem>> -> memref<32000xf32, #tpu.memory_space<vmem>>
      tpu.wait_dma2 semaphore(%arg9 : memref<!tpu.dma_semaphore, #tpu.memory_space<semaphore_mem>>) src(%dma_wait3A_219 : memref<32000xf32, #tpu.memory_space<vmem>>) dst(%dma_wait3A_216 : memref<32000xf32, #tpu.memory_space<hbm>>)
      %scan3A_220 = arith.constant 0 : i32
      %scan3A_221 = arith.constant 0 : i32
      %scan3A_222 = arith.constant 250 : i32
      %scan3A_223 = arith.addi %scan3A_221, %scan3A_222 : i32
      %scan3A_224 = arith.constant 2 : i32
      scf.for %scan3A_238 = %scan3A_221 to %scan3A_223 step %scan3A_224  : i32 {
        %mul3A_239 = arith.constant 16 : i32
        %mul3A_240 = arith.muli %scan3A_238, %mul3A_239 : i32
        %mul3A_241 = arith.constant 8 : i32
        %mul3A_242 = arith.muli %mul3A_240, %mul3A_241 : i32
        %add3A_243 = arith.constant 0 : i32
        %add3A_244 = arith.addi %mul3A_242, %add3A_243 : i32
        %add3A_245 = vector.broadcast %add3A_244 : i32 to vector<16xi32>
        %add3A_246 = arith.addi %mul3A_3, %add3A_245 : vector<16xi32>
        %mul3A_247 = arith.constant 16 : i32
        %mul3A_248 = arith.muli %scan3A_238, %mul3A_247 : i32
        %get3A = arith.constant 1 : i32
        %get3A_249 = arith.constant 0 : i32
        %get3A_250 = arith.index_cast %get3A : i32 to index
        %get3A_251 = arith.index_cast %get3A_249 : i32 to index
        %get3A_252 = arith.index_cast %mul3A_248 : i32 to index
        %get3A_253 = tpu.vector_load %arg4[%get3A_250, %get3A_251, %get3A_252] {strides = array<i32>} : memref<2x4x4000xf32, #tpu.memory_space<vmem>>, vector<16xf32>,
        %scatter3A = arith.constant 1 : i32
        %scatter3A_254 = arith.constant 0 : i32
        %scatter3A_255 = tpu.memref_slice %arg5[%scatter3A, %scatter3A_254] : memref<2x32000xf32, #tpu.memory_space<vmem>> -> memref<1x32000xf32, #tpu.memory_space<vmem>>
        %scatter3A_256 = tpu.memref_squeeze %scatter3A_255 : memref<1x32000xf32, #tpu.memory_space<vmem>> -> memref<32000xf32, #tpu.memory_space<vmem>>
        tpu.vector_store_idx %scatter3A_256[%add3A_246], %get3A_253 : memref<32000xf32, #tpu.memory_space<vmem>>[vector<16xi32>], vector<16xf32>,
        %mul3A_257 = arith.constant 16 : i32
        %mul3A_258 = arith.muli %scan3A_238, %mul3A_257 : i32
        %mul3A_259 = arith.constant 8 : i32
        %mul3A_260 = arith.muli %mul3A_258, %mul3A_259 : i32
        %add3A_261 = arith.constant 1 : i32
        %add3A_262 = arith.addi %mul3A_260, %add3A_261 : i32
        %add3A_263 = vector.broadcast %add3A_262 : i32 to vector<16xi32>
        %add3A_264 = arith.addi %mul3A_3, %add3A_263 : vector<16xi32>
        %mul3A_265 = arith.constant 16 : i32
        %mul3A_266 = arith.muli %scan3A_238, %mul3A_265 : i32
        %get3A_267 = arith.constant 1 : i32
        %get3A_268 = arith.constant 1 : i32
        %get3A_269 = arith.index_cast %get3A_267 : i32 to index
        %get3A_270 = arith.index_cast %get3A_268 : i32 to index
        %get3A_271 = arith.index_cast %mul3A_266 : i32 to index
        %get3A_272 = tpu.vector_load %arg4[%get3A_269, %get3A_270, %get3A_271] {strides = array<i32>} : memref<2x4x4000xf32, #tpu.memory_space<vmem>>, vector<16xf32>,
        %scatter3A_273 = arith.constant 1 : i32
        %scatter3A_274 = arith.constant 0 : i32
        %scatter3A_275 = tpu.memref_slice %arg5[%scatter3A_273, %scatter3A_274] : memref<2x32000xf32, #tpu.memory_space<vmem>> -> memref<1x32000xf32, #tpu.memory_space<vmem>>
        %scatter3A_276 = tpu.memref_squeeze %scatter3A_275 : memref<1x32000xf32, #tpu.memory_space<vmem>> -> memref<32000xf32, #tpu.memory_space<vmem>>
        tpu.vector_store_idx %scatter3A_276[%add3A_264], %get3A_272 : memref<32000xf32, #tpu.memory_space<vmem>>[vector<16xi32>], vector<16xf32>,
        %mul3A_277 = arith.constant 16 : i32
        %mul3A_278 = arith.muli %scan3A_238, %mul3A_277 : i32
        %mul3A_279 = arith.constant 8 : i32
        %mul3A_280 = arith.muli %mul3A_278, %mul3A_279 : i32
        %add3A_281 = arith.constant 2 : i32
        %add3A_282 = arith.addi %mul3A_280, %add3A_281 : i32
        %add3A_283 = vector.broadcast %add3A_282 : i32 to vector<16xi32>
        %add3A_284 = arith.addi %mul3A_3, %add3A_283 : vector<16xi32>
        %mul3A_285 = arith.constant 16 : i32
        %mul3A_286 = arith.muli %scan3A_238, %mul3A_285 : i32
        %get3A_287 = arith.constant 1 : i32
        %get3A_288 = arith.constant 2 : i32
        %get3A_289 = arith.index_cast %get3A_287 : i32 to index
        %get3A_290 = arith.index_cast %get3A_288 : i32 to index
        %get3A_291 = arith.index_cast %mul3A_286 : i32 to index
        %get3A_292 = tpu.vector_load %arg4[%get3A_289, %get3A_290, %get3A_291] {strides = array<i32>} : memref<2x4x4000xf32, #tpu.memory_space<vmem>>, vector<16xf32>,
        %scatter3A_293 = arith.constant 1 : i32
        %scatter3A_294 = arith.constant 0 : i32
        %scatter3A_295 = tpu.memref_slice %arg5[%scatter3A_293, %scatter3A_294] : memref<2x32000xf32, #tpu.memory_space<vmem>> -> memref<1x32000xf32, #tpu.memory_space<vmem>>
        %scatter3A_296 = tpu.memref_squeeze %scatter3A_295 : memref<1x32000xf32, #tpu.memory_space<vmem>> -> memref<32000xf32, #tpu.memory_space<vmem>>
        tpu.vector_store_idx %scatter3A_296[%add3A_284], %get3A_292 : memref<32000xf32, #tpu.memory_space<vmem>>[vector<16xi32>], vector<16xf32>,
        %mul3A_297 = arith.constant 16 : i32
        %mul3A_298 = arith.muli %scan3A_238, %mul3A_297 : i32
        %mul3A_299 = arith.constant 8 : i32
        %mul3A_300 = arith.muli %mul3A_298, %mul3A_299 : i32
        %add3A_301 = arith.constant 3 : i32
        %add3A_302 = arith.addi %mul3A_300, %add3A_301 : i32
        %add3A_303 = vector.broadcast %add3A_302 : i32 to vector<16xi32>
        %add3A_304 = arith.addi %mul3A_3, %add3A_303 : vector<16xi32>
        %mul3A_305 = arith.constant 16 : i32
        %mul3A_306 = arith.muli %scan3A_238, %mul3A_305 : i32
        %get3A_307 = arith.constant 1 : i32
        %get3A_308 = arith.constant 3 : i32
        %get3A_309 = arith.index_cast %get3A_307 : i32 to index
        %get3A_310 = arith.index_cast %get3A_308 : i32 to index
        %get3A_311 = arith.index_cast %mul3A_306 : i32 to index
        %get3A_312 = tpu.vector_load %arg4[%get3A_309, %get3A_310, %get3A_311] {strides = array<i32>} : memref<2x4x4000xf32, #tpu.memory_space<vmem>>, vector<16xf32>,
        %scatter3A_313 = arith.constant 1 : i32
        %scatter3A_314 = arith.constant 0 : i32
        %scatter3A_315 = tpu.memref_slice %arg5[%scatter3A_313, %scatter3A_314] : memref<2x32000xf32, #tpu.memory_space<vmem>> -> memref<1x32000xf32, #tpu.memory_space<vmem>>
        %scatter3A_316 = tpu.memref_squeeze %scatter3A_315 : memref<1x32000xf32, #tpu.memory_space<vmem>> -> memref<32000xf32, #tpu.memory_space<vmem>>
        tpu.vector_store_idx %scatter3A_316[%add3A_304], %get3A_312 : memref<32000xf32, #tpu.memory_space<vmem>>[vector<16xi32>], vector<16xf32>,
        %scan3A_317 = arith.constant 1 : i32
        %scan3A_318 = arith.addi %scan3A_238, %scan3A_317 : i32
        %mul3A_319 = arith.constant 16 : i32
        %mul3A_320 = arith.muli %scan3A_318, %mul3A_319 : i32
        %mul3A_321 = arith.constant 8 : i32
        %mul3A_322 = arith.muli %mul3A_320, %mul3A_321 : i32
        %add3A_323 = arith.constant 0 : i32
        %add3A_324 = arith.addi %mul3A_322, %add3A_323 : i32
        %add3A_325 = vector.broadcast %add3A_324 : i32 to vector<16xi32>
        %add3A_326 = arith.addi %mul3A_3, %add3A_325 : vector<16xi32>
        %mul3A_327 = arith.constant 16 : i32
        %mul3A_328 = arith.muli %scan3A_318, %mul3A_327 : i32
        %get3A_329 = arith.constant 1 : i32
        %get3A_330 = arith.constant 0 : i32
        %get3A_331 = arith.index_cast %get3A_329 : i32 to index
        %get3A_332 = arith.index_cast %get3A_330 : i32 to index
        %get3A_333 = arith.index_cast %mul3A_328 : i32 to index
        %get3A_334 = tpu.vector_load %arg4[%get3A_331, %get3A_332, %get3A_333] {strides = array<i32>} : memref<2x4x4000xf32, #tpu.memory_space<vmem>>, vector<16xf32>,
        %scatter3A_335 = arith.constant 1 : i32
        %scatter3A_336 = arith.constant 0 : i32
        %scatter3A_337 = tpu.memref_slice %arg5[%scatter3A_335, %scatter3A_336] : memref<2x32000xf32, #tpu.memory_space<vmem>> -> memref<1x32000xf32, #tpu.memory_space<vmem>>
        %scatter3A_338 = tpu.memref_squeeze %scatter3A_337 : memref<1x32000xf32, #tpu.memory_space<vmem>> -> memref<32000xf32, #tpu.memory_space<vmem>>
        tpu.vector_store_idx %scatter3A_338[%add3A_326], %get3A_334 : memref<32000xf32, #tpu.memory_space<vmem>>[vector<16xi32>], vector<16xf32>,
        %mul3A_339 = arith.constant 16 : i32
        %mul3A_340 = arith.muli %scan3A_318, %mul3A_339 : i32
        %mul3A_341 = arith.constant 8 : i32
        %mul3A_342 = arith.muli %mul3A_340, %mul3A_341 : i32
        %add3A_343 = arith.constant 1 : i32
        %add3A_344 = arith.addi %mul3A_342, %add3A_343 : i32
        %add3A_345 = vector.broadcast %add3A_344 : i32 to vector<16xi32>
        %add3A_346 = arith.addi %mul3A_3, %add3A_345 : vector<16xi32>
        %mul3A_347 = arith.constant 16 : i32
        %mul3A_348 = arith.muli %scan3A_318, %mul3A_347 : i32
        %get3A_349 = arith.constant 1 : i32
        %get3A_350 = arith.constant 1 : i32
        %get3A_351 = arith.index_cast %get3A_349 : i32 to index
        %get3A_352 = arith.index_cast %get3A_350 : i32 to index
        %get3A_353 = arith.index_cast %mul3A_348 : i32 to index
        %get3A_354 = tpu.vector_load %arg4[%get3A_351, %get3A_352, %get3A_353] {strides = array<i32>} : memref<2x4x4000xf32, #tpu.memory_space<vmem>>, vector<16xf32>,
        %scatter3A_355 = arith.constant 1 : i32
        %scatter3A_356 = arith.constant 0 : i32
        %scatter3A_357 = tpu.memref_slice %arg5[%scatter3A_355, %scatter3A_356] : memref<2x32000xf32, #tpu.memory_space<vmem>> -> memref<1x32000xf32, #tpu.memory_space<vmem>>
        %scatter3A_358 = tpu.memref_squeeze %scatter3A_357 : memref<1x32000xf32, #tpu.memory_space<vmem>> -> memref<32000xf32, #tpu.memory_space<vmem>>
        tpu.vector_store_idx %scatter3A_358[%add3A_346], %get3A_354 : memref<32000xf32, #tpu.memory_space<vmem>>[vector<16xi32>], vector<16xf32>,
        %mul3A_359 = arith.constant 16 : i32
        %mul3A_360 = arith.muli %scan3A_318, %mul3A_359 : i32
        %mul3A_361 = arith.constant 8 : i32
        %mul3A_362 = arith.muli %mul3A_360, %mul3A_361 : i32
        %add3A_363 = arith.constant 2 : i32
        %add3A_364 = arith.addi %mul3A_362, %add3A_363 : i32
        %add3A_365 = vector.broadcast %add3A_364 : i32 to vector<16xi32>
        %add3A_366 = arith.addi %mul3A_3, %add3A_365 : vector<16xi32>
        %mul3A_367 = arith.constant 16 : i32
        %mul3A_368 = arith.muli %scan3A_318, %mul3A_367 : i32
        %get3A_369 = arith.constant 1 : i32
        %get3A_370 = arith.constant 2 : i32
        %get3A_371 = arith.index_cast %get3A_369 : i32 to index
        %get3A_372 = arith.index_cast %get3A_370 : i32 to index
        %get3A_373 = arith.index_cast %mul3A_368 : i32 to index
        %get3A_374 = tpu.vector_load %arg4[%get3A_371, %get3A_372, %get3A_373] {strides = array<i32>} : memref<2x4x4000xf32, #tpu.memory_space<vmem>>, vector<16xf32>,
        %scatter3A_375 = arith.constant 1 : i32
        %scatter3A_376 = arith.constant 0 : i32
        %scatter3A_377 = tpu.memref_slice %arg5[%scatter3A_375, %scatter3A_376] : memref<2x32000xf32, #tpu.memory_space<vmem>> -> memref<1x32000xf32, #tpu.memory_space<vmem>>
        %scatter3A_378 = tpu.memref_squeeze %scatter3A_377 : memref<1x32000xf32, #tpu.memory_space<vmem>> -> memref<32000xf32, #tpu.memory_space<vmem>>
        tpu.vector_store_idx %scatter3A_378[%add3A_366], %get3A_374 : memref<32000xf32, #tpu.memory_space<vmem>>[vector<16xi32>], vector<16xf32>,
        %mul3A_379 = arith.constant 16 : i32
        %mul3A_380 = arith.muli %scan3A_318, %mul3A_379 : i32
        %mul3A_381 = arith.constant 8 : i32
        %mul3A_382 = arith.muli %mul3A_380, %mul3A_381 : i32
        %add3A_383 = arith.constant 3 : i32
        %add3A_384 = arith.addi %mul3A_382, %add3A_383 : i32
        %add3A_385 = vector.broadcast %add3A_384 : i32 to vector<16xi32>
        %add3A_386 = arith.addi %mul3A_3, %add3A_385 : vector<16xi32>
        %mul3A_387 = arith.constant 16 : i32
        %mul3A_388 = arith.muli %scan3A_318, %mul3A_387 : i32
        %get3A_389 = arith.constant 1 : i32
        %get3A_390 = arith.constant 3 : i32
        %get3A_391 = arith.index_cast %get3A_389 : i32 to index
        %get3A_392 = arith.index_cast %get3A_390 : i32 to index
        %get3A_393 = arith.index_cast %mul3A_388 : i32 to index
        %get3A_394 = tpu.vector_load %arg4[%get3A_391, %get3A_392, %get3A_393] {strides = array<i32>} : memref<2x4x4000xf32, #tpu.memory_space<vmem>>, vector<16xf32>,
        %scatter3A_395 = arith.constant 1 : i32
        %scatter3A_396 = arith.constant 0 : i32
        %scatter3A_397 = tpu.memref_slice %arg5[%scatter3A_395, %scatter3A_396] : memref<2x32000xf32, #tpu.memory_space<vmem>> -> memref<1x32000xf32, #tpu.memory_space<vmem>>
        %scatter3A_398 = tpu.memref_squeeze %scatter3A_397 : memref<1x32000xf32, #tpu.memory_space<vmem>> -> memref<32000xf32, #tpu.memory_space<vmem>>
        tpu.vector_store_idx %scatter3A_398[%add3A_386], %get3A_394 : memref<32000xf32, #tpu.memory_space<vmem>>[vector<16xi32>], vector<16xf32>,
      }
      %scan3A_225 = arith.constant 250 : i32
      %mul3A_226 = arith.constant 4000 : i32
      %mul3A_227 = arith.muli %add3A_113, %mul3A_226 : i32
      %mul3A_228 = arith.constant 8 : i32
      %mul3A_229 = arith.muli %mul3A_227, %mul3A_228 : i32
      %dma_start3A = arith.constant 1 : i32
      %dma_start3A_230 = arith.constant 0 : i32
      %dma_start3A_231 = tpu.memref_slice %arg5[%dma_start3A, %dma_start3A_230] : memref<2x32000xf32, #tpu.memory_space<vmem>> -> memref<1x32000xf32, #tpu.memory_space<vmem>>
      %dma_start3A_232 = tpu.memref_squeeze %dma_start3A_231 : memref<1x32000xf32, #tpu.memory_space<vmem>> -> memref<32000xf32, #tpu.memory_space<vmem>>
      %dma_start3A_233 = tpu.memref_slice %arg3[%mul3A_229] : memref<8000000xf32, #tpu.memory_space<hbm>> -> memref<32000xf32, #tpu.memory_space<hbm>>
      %dma_start3A_234 = tpu.memref_slice %arg3[%mul3A_229] : memref<8000000xf32, #tpu.memory_space<hbm>> -> memref<32000xf32, #tpu.memory_space<hbm>>
      %dma_start3A_235 = arith.constant 0 : i32
      %dma_start3A_236 = tpu.memref_slice %arg5[%dma_start3A, %dma_start3A_235] : memref<2x32000xf32, #tpu.memory_space<vmem>> -> memref<1x32000xf32, #tpu.memory_space<vmem>>
      %dma_start3A_237 = tpu.memref_squeeze %dma_start3A_236 : memref<1x32000xf32, #tpu.memory_space<vmem>> -> memref<32000xf32, #tpu.memory_space<vmem>>
      tpu.enqueue_dma source(%dma_start3A_237 : memref<32000xf32, #tpu.memory_space<vmem>>) target(%dma_start3A_234 : memref<32000xf32, #tpu.memory_space<hbm>>) target_semaphore(%arg9 : memref<!tpu.dma_semaphore, #tpu.memory_space<semaphore_mem>>)
    } else {
    }
    %dma_wait3A = arith.constant 0 : i32
    %dma_wait3A_126 = arith.constant 0 : i32
    %dma_wait3A_127 = tpu.memref_slice %arg5[%dma_wait3A, %dma_wait3A_126] : memref<2x32000xf32, #tpu.memory_space<vmem>> -> memref<1x32000xf32, #tpu.memory_space<vmem>>
    %dma_wait3A_128 = tpu.memref_squeeze %dma_wait3A_127 : memref<1x32000xf32, #tpu.memory_space<vmem>> -> memref<32000xf32, #tpu.memory_space<vmem>>
    %dma_wait3A_129 = arith.constant 0 : i32
    %dma_wait3A_130 = tpu.memref_slice %arg3[%dma_wait3A_129] : memref<8000000xf32, #tpu.memory_space<hbm>> -> memref<32000xf32, #tpu.memory_space<hbm>>
    %dma_wait3A_131 = arith.constant 0 : i32
    %dma_wait3A_132 = tpu.memref_slice %arg3[%dma_wait3A_131] : memref<8000000xf32, #tpu.memory_space<hbm>> -> memref<32000xf32, #tpu.memory_space<hbm>>
    %dma_wait3A_133 = arith.constant 0 : i32
    %dma_wait3A_134 = tpu.memref_slice %arg5[%dma_wait3A, %dma_wait3A_133] : memref<2x32000xf32, #tpu.memory_space<vmem>> -> memref<1x32000xf32, #tpu.memory_space<vmem>>
    %dma_wait3A_135 = tpu.memref_squeeze %dma_wait3A_134 : memref<1x32000xf32, #tpu.memory_space<vmem>> -> memref<32000xf32, #tpu.memory_space<vmem>>
    tpu.wait_dma2 semaphore(%arg8 : memref<!tpu.dma_semaphore, #tpu.memory_space<semaphore_mem>>) src(%dma_wait3A_135 : memref<32000xf32, #tpu.memory_space<vmem>>) dst(%dma_wait3A_132 : memref<32000xf32, #tpu.memory_space<hbm>>)
    %dma_wait3A_136 = arith.constant 1 : i32
    %dma_wait3A_137 = arith.constant 0 : i32
    %dma_wait3A_138 = tpu.memref_slice %arg5[%dma_wait3A_136, %dma_wait3A_137] : memref<2x32000xf32, #tpu.memory_space<vmem>> -> memref<1x32000xf32, #tpu.memory_space<vmem>>
    %dma_wait3A_139 = tpu.memref_squeeze %dma_wait3A_138 : memref<1x32000xf32, #tpu.memory_space<vmem>> -> memref<32000xf32, #tpu.memory_space<vmem>>
    %dma_wait3A_140 = arith.constant 0 : i32
    %dma_wait3A_141 = tpu.memref_slice %arg3[%dma_wait3A_140] : memref<8000000xf32, #tpu.memory_space<hbm>> -> memref<32000xf32, #tpu.memory_space<hbm>>
    %dma_wait3A_142 = arith.constant 0 : i32
    %dma_wait3A_143 = tpu.memref_slice %arg3[%dma_wait3A_142] : memref<8000000xf32, #tpu.memory_space<hbm>> -> memref<32000xf32, #tpu.memory_space<hbm>>
    %dma_wait3A_144 = arith.constant 0 : i32
    %dma_wait3A_145 = tpu.memref_slice %arg5[%dma_wait3A_136, %dma_wait3A_144] : memref<2x32000xf32, #tpu.memory_space<vmem>> -> memref<1x32000xf32, #tpu.memory_space<vmem>>
    %dma_wait3A_146 = tpu.memref_squeeze %dma_wait3A_145 : memref<1x32000xf32, #tpu.memory_space<vmem>> -> memref<32000xf32, #tpu.memory_space<vmem>>
    tpu.wait_dma2 semaphore(%arg9 : memref<!tpu.dma_semaphore, #tpu.memory_space<semaphore_mem>>) src(%dma_wait3A_146 : memref<32000xf32, #tpu.memory_space<vmem>>) dst(%dma_wait3A_143 : memref<32000xf32, #tpu.memory_space<hbm>>)
    return
  }
}

module attributes {stable_mosaic.version = 14 : i64} {
  func.func @body(%arg0: i32, %arg1: memref<1600x128xf32, #tpu.memory_space<vmem>>, %arg2: memref<128x1024xf32, #tpu.memory_space<vmem>>, %arg3: memref<1600x1024xf32, #tpu.memory_space<vmem>>) attributes {dimension_semantics = [#tpu.dimension_semantics<arbitrary>], iteration_bounds = array<i64: 8>, scalar_prefetch = 0 : i64, scratch_operands = 0 : i64, tpu.core_type = #tpu.core_type<tc>, window_params = [{transform_indices = @transform_0, window_bounds = array<i64: 1600, 128>}, {pipeline_mode = #tpu.pipeline_mode<synchronous>, transform_indices = @transform_1, window_bounds = array<i64: 128, 1024>}, {transform_indices = @transform_2, window_bounds = array<i64: 1600, 1024>}]} {
    %get3A = arith.constant 0 : index
    %get3A_0 = arith.constant 0 : index
    %get3A_1 = vector.load %arg1[%get3A, %get3A_0] : memref<1600x128xf32, #tpu.memory_space<vmem>>, vector<1600x128xf32>
    %get3A_2 = arith.constant 0 : index
    %get3A_3 = arith.constant 0 : index
    %get3A_4 = vector.load %arg2[%get3A_2, %get3A_3] : memref<128x1024xf32, #tpu.memory_space<vmem>>, vector<128x1024xf32>
    %dot_general3A = arith.constant dense<0.000000e+00> : vector<1600x1024xf32>
    %dot_general3A_5 = tpu.matmul %get3A_1, %get3A_4, %dot_general3A {dimension_numbers = #tpu.dot_dimension_numbers<[1], [0], [0], [1], [0, 0, 1, 1], [], []>, transpose_lhs_hint = false} : vector<1600x128xf32>, vector<128x1024xf32>, vector<1600x1024xf32> -> vector<1600x1024xf32>
    %swap3A = arith.constant 0 : index
    %swap3A_6 = arith.constant 0 : index
    %swap3A_7 = vector.load %arg3[%swap3A, %swap3A_6] : memref<1600x1024xf32, #tpu.memory_space<vmem>>, vector<1600x1024xf32>
    tpu.vector_store %arg3[%swap3A, %swap3A_6], %dot_general3A_5 {strides = array<i32>} : memref<1600x1024xf32, #tpu.memory_space<vmem>>, vector<1600x1024xf32>,
    return
  }
  func.func @transform_0(%arg0: i32) -> (i32, i32) {
    %c0_i32 = arith.constant 0 : i32
    %c0_i32_0 = arith.constant 0 : i32
    return %arg0, %c0_i32 : i32, i32
  }
  func.func @transform_1(%arg0: i32) -> (i32, i32) {
    %c0_i32 = arith.constant 0 : i32
    %c0_i32_0 = arith.constant 0 : i32
    %c0_i32_1 = arith.constant 0 : i32
    return %c0_i32, %c0_i32_0 : i32, i32
  }
  func.func @transform_2(%arg0: i32) -> (i32, i32) {
    %c0_i32 = arith.constant 0 : i32
    %c0_i32_0 = arith.constant 0 : i32
    return %arg0, %c0_i32 : i32, i32
  }
}

</mosaic_0001>

<sc_bundles>
// kernel: kernel.5.cloned.1.call-start
scs
__scs_entry_jumppad:
0x0: {  	(pc) =	sbr.rel $0x88, $3  }
0x1: {  	(tag) =	ssettag $0x0;
	lr =	simm.s32 $0x1  }
0x2: {  	[smem:$0x3F9E] =	sst lr;
	_ =	strace $0xD0000000  }
0x3: {  	_ = 	snop  }
0x4: {  	_ = 	snop  }
0x5: {  	_ = 	snop  }
0x6: {  	_ = 	snop  }
0x7: {  	_ = 	snop  }
__scs_overlays_trampoline_lowered:
0x8: {  	[smem:$0x3FAD] =	sst s0  }
0x9: {  	[smem:$0x3FAE] =	sst s1  }
0xa: {  	[smem:$0x3FAF] =	sst s2  }
0xb: {  	[smem:$0x3FB0] =	sst s3  }
0xc: {  	[smem:$0x3FB1] =	sst s4  }
0xd: {  	[smem:$0x3FB2] =	sst s5  }
0xe: {  	[smem:$0x3FB3] =	sst s6  }
0xf: {  	[smem:$0x3FB4] =	sst s7  }
0x10: {  	[smem:$0x3FB5] =	sst s8  }
0x11: {  	[smem:$0x3FB6] =	sst s9;
	s0 =	simm.s32 @!p0 $0x0  }
0x12: {  	s1 =	sld [smem:$0x3F9C];
	s0 =	simm.s32 @p0 $0x1  }
0x13: {  	[smem:$0x3FB7] =	sst s0;
	s0 =	simm.s32 @!p1 $0x0  }
0x14: {  	s2 =	sld [smem:$0x3F9B];
	s0 =	simm.s32 @p1 $0x1  }
0x15: {  	[smem:$0x3FB8] =	sst s0;
	s0 =	simm.s32 @!p2 $0x0  }
0x16: {  	s3 =	sld [smem:$0x3FDB];
	s0 =	simm.s32 @p2 $0x1  }
0x17: {  	s4 =	simm.s32 $0x1BF5;
	[smem:$0x3FBA] =	sst s0  }
0x18: {  	s0 =	sld [smem:$0x3F9D];
	_ =	swait.ge [sflag:s4], $0x0  }
0x19: {  	s7 =	sld [smem:$0x3F9E]  }
0x1a: {  	s8 =	sadd.s32 $0xFFFFE003, lr  }
0x1b: {  	s9 =	sadd.s32 $0xFFFFFEF7, lr;
	s5 =	simm.s32 $0xFFFFFFFF;
	p2 =	slt.u32 s8, $0xFFFFF086  }
0x1c: {  	p1 =	slt.u32 s9, $0xF7A;
	s5 =	simm.s32 @!p2 $0x0  }
0x1d: {  	s5 =	simm.s32 @p1 $0x1;
	p0 =	seq.s32 s7, s2  }
0x1e: {  	s7 =	smul.u32 @!p0 $0xF7A, s2;
	p2 =	seq.s32 @!p0 s5, $0x0  }
0x1f: {  	s9 =	smul.u32 $0xF7A, s1;
	s8 =	simm.s32 @!p0 $0x1BF5;
	p2 =	por !p2, p0  }
0x20: {  	[sflag:s8] =	ssyncset.s32 @!p0 $0xFFFFF086;
	s6 =	sadd.s32 @!p0 s3, s7;
	s7 =	simm.s32 @!p0 $0x108  }
0x21: {  	s3 =	sadd.s32 s3, s9;
	s6 =	sadd.s32 @!p0 $0x88, s6;
	s7 =	simm.s32 @p2 $0x1082  }
0x22: {  	[simem:s7], [sflag:s8] =	dma.local @!p0 [hbm:s6], $0xF7A  }
0x23: {  	s9 =	sor.u32 $0xD0000000, s2;
	s6 =	simm.s32 $0x108;
	_ =	swait.ge @!p0 [sflag:s8], $0x0  }
0x24: {  	s3 =	sadd.s32 $0x88, s3;
	s6 =	simm.s32 @!p1 $0x1082;
	[sflag:s4] =	ssyncset.s32 $0xFFFFF086  }
0x25: {  	[simem:s6], [sflag:s4] =	dma.local [hbm:s3], $0xF7A  }
0x26: {  	[smem:$0x3F9E] =	sst s1;
	(tag) =	ssettag s2;
	_ =	strace s9  }
0x27: {  	s1 =	sld [smem:$0x3FAE]  }
0x28: {  	s2 =	sld [smem:$0x3FAF]  }
0x29: {  	s4 =	sld [smem:$0x3FB1]  }
0x2a: {  	p0 =	seq.s32 s5, $0x0;
	s5 =	sld [smem:$0x3FB2]  }
0x2b: {  	s6 =	sld [smem:$0x3FB3]  }
0x2c: {  	s7 =	sld [smem:$0x3FB4]  }
0x2d: {  	s3 =	simm.s32 $0x108;
	s8 =	sld [smem:$0x3FB5]  }
0x2e: {  	s3 =	simm.s32 @!p0 $0x1082;
	s9 =	sld [smem:$0x3FB6]  }
0x2f: {  	lr =	sadd.s32 s0, s3;
	s0 =	sld [smem:$0x3FAD]  }
0x30: {  	s3 =	sld [smem:$0x3FB0]  }
0x31: {  	[smem:$0x3FB9] =	sst s10  }
0x32: {  	s10 =	sld [smem:$0x3FB7];
	_ =	sdelay $0x3  }
0x33: {  	p0 =	seq.s32 s10, $0x1;
	s10 =	sld [smem:$0x3FB9];
	_ =	sdelay $0x3  }
0x34: {  	[smem:$0x3FB9] =	sst s10  }
0x35: {  	s10 =	sld [smem:$0x3FB8];
	_ =	sdelay $0x3  }
0x36: {  	p1 =	seq.s32 s10, $0x1;
	s10 =	sld [smem:$0x3FB9];
	_ =	sdelay $0x3  }
0x37: {  	[smem:$0x3FB9] =	sst s10  }
0x38: {  	s10 =	sld [smem:$0x3FBA]  }
0x39: {  	_ = 	snop;
	(pc) =	sbr.ind lr, $3  }
0x3a: {  	_ = 	snop  }
0x3b: {  	_ = 	snop  }
0x3c: {  	p2 =	seq.s32 s10, $0x1;
	s10 =	sld [smem:$0x3FB9]  }
0x3d: {  	_ =	shalt  }
0x3e: {  	_ =	shalt  }
0x3f: {  	_ =	shalt  }
0x40: {  	_ =	shalt  }
0x41: {  	_ =	shalt  }
0x42: {  	_ =	shalt  }
0x43: {  	_ =	shalt  }
0x44: {  	_ =	shalt  }
0x45: {  	_ =	shalt  }
0x46: {  	_ =	shalt  }
0x47: {  	_ =	shalt  }
0x48: {  	_ =	shalt  }
0x49: {  	_ =	shalt  }
0x4a: {  	_ =	shalt  }
0x4b: {  	_ =	shalt  }
0x4c: {  	_ =	shalt  }
0x4d: {  	_ =	shalt  }
0x4e: {  	_ =	shalt  }
0x4f: {  	_ =	shalt  }
0x50: {  	_ =	shalt  }
0x51: {  	_ =	shalt  }
0x52: {  	_ =	shalt  }
0x53: {  	_ =	shalt  }
0x54: {  	_ =	shalt  }
0x55: {  	_ =	shalt  }
0x56: {  	_ =	shalt  }
0x57: {  	_ =	shalt  }
0x58: {  	_ =	shalt  }
0x59: {  	_ =	shalt  }
0x5a: {  	_ =	shalt  }
0x5b: {  	_ =	shalt  }
0x5c: {  	_ =	shalt  }
0x5d: {  	_ =	shalt  }
0x5e: {  	_ =	shalt  }
0x5f: {  	_ =	shalt  }
0x60: {  	_ =	shalt  }
0x61: {  	_ =	shalt  }
0x62: {  	_ =	shalt  }
0x63: {  	_ =	shalt  }
0x64: {  	_ =	shalt  }
0x65: {  	_ =	shalt  }
0x66: {  	_ =	shalt  }
0x67: {  	_ =	shalt  }
0x68: {  	_ =	shalt  }
0x69: {  	_ =	shalt  }
0x6a: {  	_ =	shalt  }
0x6b: {  	_ =	shalt  }
0x6c: {  	_ =	shalt  }
0x6d: {  	_ =	shalt  }
0x6e: {  	_ =	shalt  }
0x6f: {  	_ =	shalt  }
0x70: {  	_ =	shalt  }
0x71: {  	_ =	shalt  }
0x72: {  	_ =	shalt  }
0x73: {  	_ =	shalt  }
0x74: {  	_ =	shalt  }
0x75: {  	_ =	shalt  }
0x76: {  	_ =	shalt  }
0x77: {  	_ =	shalt  }
0x78: {  	_ =	shalt  }
0x79: {  	_ =	shalt  }
0x7a: {  	_ =	shalt  }
0x7b: {  	_ =	shalt  }
0x7c: {  	_ =	shalt  }
0x7d: {  	_ =	shalt  }
0x7e: {  	_ =	shalt  }
0x7f: {  	_ =	shalt  }
0x80: {  	_ =	shalt  }
0x81: {  	_ =	shalt  }
0x82: {  	_ =	shalt  }
0x83: {  	_ =	shalt  }
0x84: {  	_ =	shalt  }
0x85: {  	_ =	shalt  }
0x86: {  	_ =	shalt  }
0x87: {  	_ =	shalt  }
.Lfunc_end0:
.L_simem_size_0:
called_computation.1_lowered:
.L_overlay_start_0:
0x88: {  	s2 =	sld [smem:$0x3FD9]  }
0x89: {  	s3 =	sld [smem:$0x3FFE];
	_ =	sdelay $0x1  }
0x8a: {  	s1 =	srdreg.scid  }
0x8b: {  	s0 =	sand.u32 $0x1, s1  }
0x8c: {  	s17 =	sshll.u32 s0, $0xA;
	s2 =	sadd.s32 s3, s2  }
0x8d: {  	s2 =	sadd.s32 s2, s17  }
0x8e: {  	[smem:$0x3FC5] =	sst s2  }
0x8f: {  	_ = 	snop  }
0x90: {  	s2 =	sld [smem:$0x3FD0];
	(tm) =	ssettm $0x1  }
0x91: {  	s18 =	sld [smem:$0x3FFB];
	_ =	sdelay $0x3  }
0x92: {  	_ =	strace s18  }
0x93: {  	s3 =	sld [smem:$0x3FFC];
	_ =	sdelay $0x3  }
0x94: {  	_ =	strace s3  }
0x95: {  	s3 =	sld [smem:$0x3FFD];
	_ =	sdelay $0x3  }
0x96: {  	_ =	strace s3  }
0x97: {  	_ =	strace $0x8FFFFFFF  }
0x98: {  	s19 =	sld [smem:$0x3FDB];
	_ =	sdelay $0x1  }
0x99: {  	s4 =	simm.s32 $_scs_section_size  }
0x9a: {  	s5 =	simm.s32 $_size__tile_overlayer_lowered;
	s6 =	simm.s32 $_tile_overlayer_lowered  }
0x9b: {  	s22 =	simm.s32 $0x1BFF;
	s21 =	sshll.u32 s6, $0x1;
	s3 =	sadd.s32 s4, s19  }
0x9c: {  	s7 =	simm.s32 $0x0;
	s20 =	sshll.u32 s5, $0x1;
	s5 =	sadd.s32 s21, s3  }
0x9d: {  	[timem:s7], [sflag:s22] =	dma.local [hbm:s5], s20  }
0x9e: {  	_ =	swait.ge [sflag:s22], s20  }
0x9f: {  	s4 =	ssub.s32 $0x0, s20;
	[sflag:s22] =	ssyncset.done $0x0  }
0xa0: {  	[sflag:s22] =	ssyncadd.s32 s4;
	_ =	sdelay $0x1  }
0xa1: {  	s23 =	simm.s32 $0x1B8B  }
0xa2: {  	_ =	swait.ge [sflag:s23], $0x1  }
0xa3: {  	[sflag:s23] =	ssyncset.done $0x0  }
0xa4: {  	s25 =	simm.s32 $0x1B8E;
	s24 =	sld [smem:$0x3FFE];
	[sflag:s23] =	ssyncadd.s32 $0xFFFFFFFF  }
0xa5: {  	s26 =	simm.s32 $execute0_lowered;
	[smem:$0x3FD2] =	sst s25  }
0xa6: {  	s5 =	sshll.u32 s26, $0x1;
	_ =	strace $0x80000046;
	[dreg:$0x1] =	wrdreg $0xFFFFFFFF  }
0xa7: {  	s28 =	simm.s32 $_size_execute0_lowered;
	s3 =	sadd.s32 s3, s5;
	[dreg:$0x0] =	wrdreg $0x0  }
0xa8: {  	s5 =	sshll.u32 s28, $0x1;
	[dreg:$0x2] =	wrdreg s3  }
0xa9: {  	[dreg:$0x3] =	wrdreg s5  }
0xaa: {  	[dreg:$0x4] =	wrdreg $0xC0  }
0xab: {  	_ =	task [dreg:s7], $0x5FFFF  }
0xac: {  	[dreg:$0x1] =	wrdreg $0xFFFFFFFF  }
0xad: {  	[dreg:$0x0] =	wrdreg $0x60  }
0xae: {  	[dreg:$0x2] =	wrdreg s24  }
0xaf: {  	[dreg:$0x3] =	wrdreg s2  }
0xb0: {  	[dreg:$0x4] =	wrdreg $0x9  }
0xb1: {  	_ =	task.clear_ibuf [dreg:s7], $0x5FFFF;
	_ =	strace $0x90000046  }
0xb2: {  	s29 =	simm.s32 $0x9;
	_ =	strace $0x80000048  }
0xb3: {  	_ =	swait.ge [sflag:s29], $0x1  }
0xb4: {  	[sflag:s29] =	ssyncadd.s32 $0xFFFFFFFF  }
0xb5: {  	_ =	strace $0x90000048  }
0xb6: {  	_ =	sfence  }
0xb7: {  	s30 =	sld [smem:$0x0];
	_ =	sdelay $0x2  }
0xb8: {  	s31 =	sshll.u32 s1, $0xD;
	s1 =	sshrl.u32 s1, $0x2  }
0xb9: {  	s3 =	sand.u32 $0x4000, s31;
	s1 =	sadd.s32 s1, s30  }
0xba: {  	s0 =	sor.u32 s3, s0;
	s1 =	sshll.u32 s1, $0x11  }
0xbb: {  	s0 =	sor.u32 s1, s0  }
0xbc: {  	s0 =	sadd.s32 $0x8F2B, s0  }
0xbd: {  	[sflag:s0] =	ssyncadd.remote.s32 $0x1  }
0xbe: {  	_ =	sfence.sel $0xFFFF  }
0xbf: {  	[dreg:$0x0] =	wrdreg $0xFFFFFFFF;
	(pc) =	sbr.abs _section_cstart, $3  }
0xc0: {  	[dreg:$0x1] =	wrdreg $0xFFFFFFFF  }
0xc1: {  	_ =	task.clear_ibuf [dreg:s7], $0x2FFFF;
	_ =	strace $0x9FFFFFFF  }
0xc2: {  	(tm) =	ssettm $0x7FFFFFFF  }
0xc3: {  	_ =	shalt  }
tec
execute0_lowered:
.L_overlay_start_1:
0x0: {  	(tag) =	ssettag $0x1  }
0x1: {  	s1 =	srdreg.scid;
	s15 =	stileid.u32  }
0x2: {  	s1 =	sand.u32 $0x1, s1;
	s3 =	sshll.u32 s15, $0x1  }
0x3: {  	s0 =	rddreg [dreg:$0x0];
	s3 =	sor.u32 s1, s3  }
0x4: {  	s4 =	rddreg [dreg:$0x1];
	s2 =	simm.s32 $0x0;
	s5 =	smul.u32 $0xFA0, s3  }
0x5: {  	[smem:$0x7FF] =	sst s2  }
0x6: {  	s0 =	sadd.s32 $0x1200, s0;
	_ =	strace $0x80000047;
	s3 =	sshrl.u32 s5, $0x3  }
0x7: {  	s7 =	sadd.s32 $0x1F400, s5;
	s20 =	sadd.s32 $0x3E800, s5;
	s21 =	sadd.s32 $0x5DC00, s5  }
0x8: {  	s11 =	sadd.s32 $0x7D000, s5;
	s24 =	sadd.s32 $0x9C400, s5;
	s25 =	sadd.s32 $0xBB800, s5  }
0x9: {  	s14 =	sadd.s32 $0xDAC00, s5;
	s5 =	sadd.s32 s4, s5;
	s3 =	sadd.s32 s0, s3  }
0xa: {  	s17 =	sshrl.u32 s7, $0x3;
	[dreg:$0xf] =	wrdreg s5;
	s7 =	sadd.s32 s4, s7  }
0xb: {  	s16 =	sadd.s32 $0x1E848, s3;
	[dreg:$0x10] =	wrdreg s7  }
0xc: {  	s1 =	ssub.s32 $0x2, s1;
	s8 =	sadd.s32 $0x3D090, s3;
	[dreg:$0x3] =	wrdreg s16  }
0xd: {  	s6 =	sshrl.u32 s1, $0x1;
	s18 =	sadd.s32 $0x5B8D8, s3;
	[dreg:$0x4] =	wrdreg s8  }
0xe: {  	s1 =	ssub.s32 s1, s6;
	s6 =	sadd.s32 s0, s17;
	[dreg:$0x5] =	wrdreg s18  }
0xf: {  	s9 =	sshrl.u32 s20, $0x3;
	s19 =	sadd.s32 $0x226C8, s3;
	[dreg:$0x6] =	wrdreg s6  }
0x10: {  	s10 =	sshrl.u32 s21, $0x3;
	s9 =	sadd.s32 s0, s9;
	[dreg:$0x7] =	wrdreg s19  }
0x11: {  	s12 =	sshrl.u32 s24, $0x3;
	s22 =	sadd.s32 s0, s10;
	[dreg:$0x8] =	wrdreg s9  }
0x12: {  	s13 =	sshrl.u32 s25, $0x3;
	s12 =	sadd.s32 s0, s12;
	[dreg:$0x9] =	wrdreg s22  }
0x13: {  	s26 =	sadd.s32 s0, s13;
	[dreg:$0xb] =	wrdreg s12  }
0x14: {  	s28 =	simm.s32 $0x4;
	s31 =	sadd.s32 $0x40F10, s3;
	[dreg:$0xc] =	wrdreg s26  }
0x15: {  	s29 =	simm.s32 $0x0;
	s13 =	sadd.s32 s4, s21;
	[dreg:$0xe] =	wrdreg s31  }
0x16: {  	p0 =	sgt.u32 s15, $0xC;
	s17 =	sadd.s32 s4, s24;
	[dreg:$0x12] =	wrdreg s13  }
0x17: {  	s15 =	simm.s32 $0x2EE0;
	s21 =	smax.u32 s1, $0x1;
	[dreg:$0x14] =	wrdreg s17  }
0x18: {  	s23 =	sshrl.u32 s11, $0x3;
	s24 =	sadd.s32 $0x635D8, s3;
	[dreg:$0x18] =	wrdreg s21  }
0x19: {  	s30 =	sshrl.u32 s14, $0x3;
	s9 =	sadd.s32 s0, s23;
	[dreg:$0x1b] =	wrdreg s24  }
0x1a: {  	s5 =	sadd.s32 $0x320C8, s3;
	s0 =	sadd.s32 s0, s30;
	[dreg:$0xa] =	wrdreg s9  }
0x1b: {  	s7 =	sadd.s32 $0x6F158, s3;
	s12 =	sadd.s32 s4, s20;
	[dreg:$0xd] =	wrdreg s0  }
0x1c: {  	s10 =	sadd.s32 $0x72FD8, s3;
	s16 =	sadd.s32 s4, s11;
	[dreg:$0x11] =	wrdreg s12  }
0x1d: {  	s18 =	sadd.s32 s4, s25;
	s19 =	sadd.s32 s4, s14;
	[dreg:$0x13] =	wrdreg s16  }
0x1e: {  	s20 =	sadd.s32 $0x5F758, s3;
	s22 =	sadd.s32 $0x26548, s3;
	[dreg:$0x15] =	wrdreg s18  }
0x1f: {  	s23 =	sadd.s32 $0x44D90, s3;
	s25 =	sadd.s32 $0x2A3C8, s3;
	[dreg:$0x16] =	wrdreg s19  }
0x20: {  	s26 =	sadd.s32 $0x48C10, s3;
	s30 =	sadd.s32 $0x67458, s3;
	[dreg:$0x17] =	wrdreg s20  }
0x21: {  	s31 =	sadd.s32 $0x2E248, s3;
	s4 =	sadd.s32 $0x6B2D8, s3;
	[dreg:$0x19] =	wrdreg s22  }
0x22: {  	s6 =	sadd.s32 $0x50910, s3;
	s8 =	sadd.s32 $0x35F48, s3;
	[dreg:$0x1a] =	wrdreg s23  }
0x23: {  	s11 =	sadd.s32 $0x39DC8, s3;
	s13 =	sadd.s32 $0x76E58, s3;
	[dreg:$0x1c] =	wrdreg s25  }
0x24: {  	s14 =	simm.s32 $0xFA0;
	s17 =	simm.s32 $0x4E20;
	[dreg:$0x1d] =	wrdreg s26  }
.Ltmp0:
0x25: {  	s21 =	simm.s32 $0x7D00;
	[dreg:$0x1e] =	wrdreg s30;
	(pc) =	sbr.rel .LBB2_1-.Ltmp0, $4  }
0x26: {  	v0 =	vlaneseq.u32;
	s24 =	simm.s32 $0x2;
	[dreg:$0x1f] =	wrdreg s31;
	s23 =	sadd.s32 $0x4CA90, s3  }
0x27: {  	v0 =	vmul.u32 $0x8, v0;
	s9 =	sadd.s32 $0x54790, s3;
	s12 =	sadd.s32 $0x58610, s3;
	s16 =	simm.s32 $0x3E80  }
0x28: {  	v1 =	vimm.f32 $0.0e+00;
	s18 =	simm.s32 $0x5DC0;
	s19 =	simm.s32 $0x6D60;
	s20 =	simm.s32 $0x1  }
0x29: {  	v2 =	vor.u32 $0x1, v0;
	v3 =	vor.u32 $0x2, v0;
	v4 =	vor.u32 $0x3, v0;
	s22 =	simm.s32 $0x1F40;
	s25 =	simm.s32 $0xFA00;
	s26 =	simm.s32 $0x3  }
.LBB2_20:
0x2a: {  	_ =	sdelay $0x3  }
0x2b: {  	[tilespmem:v6+s25+$0x0] =	vst.idx.msk $0xffff, v5;
	s0 =	rddreg [dreg:$0x16]  }
0x2c: {  	[hbm4b:s0+s2] =	stream.linear.scatter [tilespmem:s25], [sflag:$0x4], $0x7D00, $0x38;
	[tilespmem:$0x17700] =	vst v63  }
.LBB2_21:
0x2d: {  	_ =	swait.ge [sflag:s26], $0x7D00  }
0x2e: {  	[sflag:s26] =	ssyncset.done $0x0  }
0x2f: {  	[sflag:s26] =	ssyncadd.s32 $0xFFFF8300  }
0x30: {  	_ =	swait.ge [sflag:s28], $0x7D00  }
0x31: {  	s29 =	sadd.s32 $0x1, s29;
	s0 =	rddreg [dreg:$0x18]  }
0x32: {  	p1 =	sne.s32 s29, s0  }
.Ltmp1:
0x33: {  	_ = 	snop;
	(pc) =	sbr.rel @!p1 .LBB2_22-.Ltmp1, $3  }
0x34: {  	_ =	sdelay $0x1  }
0x35: {  	[sflag:s28] =	ssyncset.done $0x0  }
0x36: {  	[sflag:s28] =	ssyncadd.s32 $0xFFFF8300  }
.LBB2_1:
0x37: {  	s1 =	simm.s32 $0x40;
	s30 =	simm.s32 $0x0  }
.LBB2_2:
0x38: {  	p1 =	sne.s32 s1, $0x1F3C0;
	[tilespmem:s30+$0x7D00] =	vst v1;
	s31 =	smov.u32 s1;
	s1 =	sadd.s32 $0x40, s1  }
.Ltmp2:
0x39: {  	[tilespmem:s30+$0xFA00] =	vst v1;
	(pc) =	sbr.rel @p1 .LBB2_2-.Ltmp2, $2  }
0x3a: {  	_ =	sdelay $0x2  }
0x3b: {  	s30 =	sshra.s32 s31, $0x2  }
0x3c: {  	[tilespmem:s30+$0x7D00] =	vst v1  }
0x3d: {  	[tilespmem:s30+$0xFA00] =	vst v1;
	s30 =	simm.s32 $0x0  }
0x3e: {  	[tilespmem:s30], [sflag:$0x1] =	stream.linear.gather [hbm4b:s3+s30], $0xFA0, $0x38;
	[tilespmem:$0x17700] =	vst v63  }
0x3f: {  	s0 =	rddreg [dreg:$0x3]  }
0x40: {  	[tilespmem:s14], [sflag:$0x1] =	stream.linear.gather [hbm4b:s0+s30], $0xFA0, $0x38;
	[tilespmem:$0x17700] =	vst v63  }
0x41: {  	s31 =	simm.s32 $0x1F40;
	s1 =	rddreg [dreg:$0x4]  }
0x42: {  	[tilespmem:s31], [sflag:$0x1] =	stream.linear.gather [hbm4b:s1+s30], $0xFA0, $0x38;
	[tilespmem:$0x17700] =	vst v63  }
0x43: {  	s1 =	rddreg [dreg:$0x5]  }
0x44: {  	[tilespmem:s15], [sflag:$0x1] =	stream.linear.gather [hbm4b:s1+s30], $0xFA0, $0x38;
	[tilespmem:$0x17700] =	vst v63  }
0x45: {  	s1 =	rddreg [dreg:$0x6]  }
0x46: {  	[tilespmem:s16], [sflag:$0x2] =	stream.linear.gather [hbm4b:s1+s30], $0xFA0, $0x38;
	[tilespmem:$0x17700] =	vst v63  }
0x47: {  	s1 =	rddreg [dreg:$0x7]  }
0x48: {  	[tilespmem:s17], [sflag:$0x2] =	stream.linear.gather [hbm4b:s1+s30], $0xFA0, $0x38;
	[tilespmem:$0x17700] =	vst v63  }
0x49: {  	s1 =	rddreg [dreg:$0xe]  }
0x4a: {  	[tilespmem:s18], [sflag:$0x2] =	stream.linear.gather [hbm4b:s1+s30], $0xFA0, $0x38;
	[tilespmem:$0x17700] =	vst v63  }
0x4b: {  	s1 =	rddreg [dreg:$0x17]  }
0x4c: {  	[tilespmem:s19], [sflag:$0x2] =	stream.linear.gather [hbm4b:s1+s30], $0xFA0, $0x38;
	[tilespmem:$0x17700] =	vst v63  }
0x4d: {  	_ =	swait.ge [sflag:s20], $0xFA0  }
0x4e: {  	[sflag:s20] =	ssyncset.done $0x0  }
0x4f: {  	[sflag:s20] =	ssyncadd.s32 $0xFFFFF060  }
0x50: {  	_ =	swait.ge [sflag:s20], $0xFA0  }
0x51: {  	[sflag:s20] =	ssyncset.done $0x0  }
0x52: {  	[sflag:s20] =	ssyncadd.s32 $0xFFFFF060  }
0x53: {  	_ =	swait.ge [sflag:s20], $0xFA0  }
0x54: {  	[sflag:s20] =	ssyncset.done $0x0  }
0x55: {  	[sflag:s20] =	ssyncadd.s32 $0xFFFFF060  }
0x56: {  	_ =	swait.ge [sflag:s20], $0xFA0  }
0x57: {  	[sflag:s20] =	ssyncset.done $0x0  }
0x58: {  	[sflag:s20] =	ssyncadd.s32 $0xFFFFF060  }
0x59: {  	v5 =	vor.u32 s30, v0;
	v6 =	vld [tilespmem:s31+$0xFFFFE0C0];
	_ =	sdelay $0x4  }
0x5a: {  	s1 =	simm.s32 $0x1;
	[tilespmem:v5+s21+$0x0] =	vst.idx.msk $0xffff, v6  }
0x5b: {  	v5 =	vor.u32 s1, v0;
	v6 =	vld [tilespmem:s31+$0xFFFFF060];
	_ =	sdelay $0x4  }
0x5c: {  	s0 =	simm.s32 $0x2;
	[tilespmem:v5+s21+$0x0] =	vst.idx.msk $0xffff, v6  }
0x5d: {  	v5 =	vor.u32 s0, v0;
	v6 =	vld [tilespmem:s31+$0x0];
	_ =	sdelay $0x4  }
0x5e: {  	s0 =	simm.s32 $0x3;
	[tilespmem:v5+s21+$0x0] =	vst.idx.msk $0xffff, v6  }
0x5f: {  	v5 =	vor.u32 s0, v0;
	v6 =	vld [tilespmem:s31+$0xFA0];
	_ =	sdelay $0x4  }
0x60: {  	s0 =	simm.s32 $0x80;
	[tilespmem:v5+s21+$0x0] =	vst.idx.msk $0xffff, v6  }
0x61: {  	v5 =	vor.u32 s0, v0;
	v6 =	vld [tilespmem:s31+$0xFFFFE0D0];
	_ =	sdelay $0x4  }
0x62: {  	[tilespmem:v5+s21+$0x0] =	vst.idx.msk $0xffff, v6  }
0x63: {  	v6 =	vor.u32 s0, v2;
	v5 =	vld [tilespmem:s31+$0xFFFFF070];
	_ =	sdelay $0x4  }
0x64: {  	[tilespmem:v6+s21+$0x0] =	vst.idx.msk $0xffff, v5  }
0x65: {  	v6 =	vor.u32 s0, v3;
	v5 =	vld [tilespmem:s31+$0x10];
	_ =	sdelay $0x4  }
0x66: {  	[tilespmem:v6+s21+$0x0] =	vst.idx.msk $0xffff, v5  }
0x67: {  	s1 =	simm.s32 $0x0;
	v6 =	vor.u32 s0, v4;
	v5 =	vld [tilespmem:s31+$0xFB0]  }
.LBB2_4:
0x68: {  	_ =	sdelay $0x3  }
0x69: {  	s1 =	sadd.s32 $0x2, s1;
	s30 =	sadd.s32 $0x100, s30;
	s31 =	sadd.s32 $0x20, s31;
	[tilespmem:v6+s21+$0x0] =	vst.idx.msk $0xffff, v5  }
0x6a: {  	p1 =	slt.u32 s1, $0xF8;
	v5 =	vor.u32 s30, v0;
	v6 =	vld [tilespmem:s31+$0xFFFFE0C0];
	_ =	sdelay $0x4  }
0x6b: {  	s0 =	sadd.s32 $0x1, s30;
	[tilespmem:v5+s21+$0x0] =	vst.idx.msk $0xffff, v6  }
0x6c: {  	v5 =	vor.u32 s0, v0;
	v6 =	vld [tilespmem:s31+$0xFFFFF060];
	_ =	sdelay $0x4  }
0x6d: {  	s0 =	sadd.s32 $0x2, s30;
	[tilespmem:v5+s21+$0x0] =	vst.idx.msk $0xffff, v6  }
0x6e: {  	v5 =	vor.u32 s0, v0;
	v6 =	vld [tilespmem:s31+$0x0];
	_ =	sdelay $0x4  }
0x6f: {  	s0 =	sadd.s32 $0x3, s30;
	[tilespmem:v5+s21+$0x0] =	vst.idx.msk $0xffff, v6  }
0x70: {  	v5 =	vor.u32 s0, v0;
	v6 =	vld [tilespmem:s31+$0xFA0];
	_ =	sdelay $0x4  }
0x71: {  	s0 =	sadd.s32 $0x80, s30;
	[tilespmem:v5+s21+$0x0] =	vst.idx.msk $0xffff, v6  }
0x72: {  	v5 =	vor.u32 s0, v0;
	v6 =	vld [tilespmem:s31+$0xFFFFE0D0];
	_ =	sdelay $0x4  }
0x73: {  	[tilespmem:v5+s21+$0x0] =	vst.idx.msk $0xffff, v6  }
0x74: {  	v6 =	vor.u32 s0, v2;
	v5 =	vld [tilespmem:s31+$0xFFFFF070];
	_ =	sdelay $0x4  }
0x75: {  	[tilespmem:v6+s21+$0x0] =	vst.idx.msk $0xffff, v5  }
0x76: {  	v6 =	vor.u32 s0, v3;
	v5 =	vld [tilespmem:s31+$0x10];
	_ =	sdelay $0x1  }
.Ltmp3:
0x77: {  	(pc) =	sbr.rel @p1 .LBB2_4-.Ltmp3, $3  }
0x78: {  	_ =	sdelay $0x1  }
0x79: {  	[tilespmem:v6+s21+$0x0] =	vst.idx.msk $0xffff, v5  }
0x7a: {  	v6 =	vor.u32 s0, v4;
	v5 =	vld [tilespmem:s31+$0xFB0]  }
0x7b: {  	_ =	sdelay $0x3  }
0x7c: {  	s0 =	rddreg [dreg:$0xf];
	[tilespmem:v6+s21+$0x0] =	vst.idx.msk $0xffff, v5  }
0x7d: {  	[hbm4b:s0+s2] =	stream.linear.scatter [tilespmem:s21], [sflag:$0x3], $0x7D00, $0x38;
	[tilespmem:$0x17700] =	vst v63  }
0x7e: {  	s1 =	rddreg [dreg:$0x8]  }
0x7f: {  	[tilespmem:s2], [sflag:$0x1] =	stream.linear.gather [hbm4b:s1+s2], $0xFA0, $0x38;
	[tilespmem:$0x17700] =	vst v63  }
0x80: {  	s1 =	rddreg [dreg:$0x19]  }
0x81: {  	[tilespmem:s14], [sflag:$0x1] =	stream.linear.gather [hbm4b:s1+s2], $0xFA0, $0x38;
	[tilespmem:$0x17700] =	vst v63  }
0x82: {  	s1 =	rddreg [dreg:$0x1a]  }
0x83: {  	[tilespmem:s22], [sflag:$0x1] =	stream.linear.gather [hbm4b:s1+s2], $0xFA0, $0x38;
	[tilespmem:$0x17700] =	vst v63  }
0x84: {  	s1 =	rddreg [dreg:$0x1b]  }
0x85: {  	[tilespmem:s15], [sflag:$0x1] =	stream.linear.gather [hbm4b:s1+s2], $0xFA0, $0x38;
	[tilespmem:$0x17700] =	vst v63  }
0x86: {  	_ =	swait.ge [sflag:s24], $0xFA0  }
0x87: {  	[sflag:s24] =	ssyncset.done $0x0  }
0x88: {  	[sflag:s24] =	ssyncadd.s32 $0xFFFFF060  }
0x89: {  	_ =	swait.ge [sflag:s24], $0xFA0  }
0x8a: {  	[sflag:s24] =	ssyncset.done $0x0  }
0x8b: {  	[sflag:s24] =	ssyncadd.s32 $0xFFFFF060  }
0x8c: {  	_ =	swait.ge [sflag:s24], $0xFA0  }
0x8d: {  	[sflag:s24] =	ssyncset.done $0x0  }
0x8e: {  	[sflag:s24] =	ssyncadd.s32 $0xFFFFF060  }
0x8f: {  	_ =	swait.ge [sflag:s24], $0xFA0  }
0x90: {  	[sflag:s24] =	ssyncset.done $0x0  }
0x91: {  	s30 =	simm.s32 $0x6D70;
	s1 =	simm.s32 $0x0;
	[sflag:s24] =	ssyncadd.s32 $0xFFFFF060  }
0x92: {  	v5 =	vor.u32 s1, v0;
	v6 =	vld [tilespmem:s30+$0xFFFFD110];
	_ =	sdelay $0x4  }
0x93: {  	s1 =	simm.s32 $0x1;
	[tilespmem:v5+s25+$0x0] =	vst.idx.msk $0xffff, v6  }
0x94: {  	v5 =	vor.u32 s1, v0;
	v6 =	vld [tilespmem:s30+$0xFFFFE0B0];
	_ =	sdelay $0x4  }
0x95: {  	s1 =	simm.s32 $0x2;
	[tilespmem:v5+s25+$0x0] =	vst.idx.msk $0xffff, v6  }
0x96: {  	v5 =	vor.u32 s1, v0;
	v6 =	vld [tilespmem:s30+$0xFFFFF050];
	_ =	sdelay $0x4  }
0x97: {  	s1 =	simm.s32 $0x3;
	[tilespmem:v5+s25+$0x0] =	vst.idx.msk $0xffff, v6  }
0x98: {  	v5 =	vor.u32 s1, v0;
	v6 =	vld [tilespmem:s30+$0xFFFFFFF0];
	_ =	sdelay $0x4  }
0x99: {  	s1 =	simm.s32 $0x80;
	[tilespmem:v5+s25+$0x0] =	vst.idx.msk $0xffff, v6  }
0x9a: {  	v5 =	vor.u32 s1, v0;
	v6 =	vld [tilespmem:s30+$0xFFFFD120];
	_ =	sdelay $0x4  }
0x9b: {  	[tilespmem:v5+s25+$0x0] =	vst.idx.msk $0xffff, v6  }
0x9c: {  	v6 =	vor.u32 s1, v2;
	v5 =	vld [tilespmem:s30+$0xFFFFE0C0];
	_ =	sdelay $0x4  }
0x9d: {  	[tilespmem:v6+s25+$0x0] =	vst.idx.msk $0xffff, v5  }
0x9e: {  	v6 =	vor.u32 s1, v3;
	v5 =	vld [tilespmem:s30+$0xFFFFF060];
	_ =	sdelay $0x4  }
0x9f: {  	[tilespmem:v6+s25+$0x0] =	vst.idx.msk $0xffff, v5  }
0xa0: {  	v6 =	vor.u32 s1, v4;
	v5 =	vld [tilespmem:s30+$0x0];
	_ =	sdelay $0x3  }
0xa1: {  	s31 =	simm.s32 $0x0;
	s1 =	simm.s32 $0x180  }
.LBB2_6:
0xa2: {  	s0 =	sadd.s32 $0xFFFFFF80, s1;
	s31 =	sadd.s32 $0x2, s31;
	[tilespmem:v6+s25+$0x0] =	vst.idx.msk $0xffff, v5;
	s30 =	sadd.s32 $0x20, s30  }
0xa3: {  	v5 =	vor.u32 s0, v0;
	v6 =	vld [tilespmem:s30+$0xFFFFD110];
	p1 =	slt.u32 s31, $0xF8;
	_ =	sdelay $0x4  }
0xa4: {  	s0 =	sadd.s32 $0xFFFFFF81, s1;
	[tilespmem:v5+s25+$0x0] =	vst.idx.msk $0xffff, v6  }
0xa5: {  	v5 =	vor.u32 s0, v0;
	v6 =	vld [tilespmem:s30+$0xFFFFE0B0];
	_ =	sdelay $0x4  }
0xa6: {  	s0 =	sadd.s32 $0xFFFFFF82, s1;
	[tilespmem:v5+s25+$0x0] =	vst.idx.msk $0xffff, v6  }
0xa7: {  	v5 =	vor.u32 s0, v0;
	v6 =	vld [tilespmem:s30+$0xFFFFF050];
	_ =	sdelay $0x4  }
0xa8: {  	s0 =	sadd.s32 $0xFFFFFF83, s1;
	[tilespmem:v5+s25+$0x0] =	vst.idx.msk $0xffff, v6  }
0xa9: {  	v5 =	vor.u32 s0, v0;
	v6 =	vld [tilespmem:s30+$0xFFFFFFF0];
	_ =	sdelay $0x4  }
0xaa: {  	[tilespmem:v5+s25+$0x0] =	vst.idx.msk $0xffff, v6  }
0xab: {  	v5 =	vor.u32 s1, v0;
	v6 =	vld [tilespmem:s30+$0xFFFFD120];
	_ =	sdelay $0x4  }
0xac: {  	[tilespmem:v5+s25+$0x0] =	vst.idx.msk $0xffff, v6  }
0xad: {  	v6 =	vor.u32 s1, v2;
	v5 =	vld [tilespmem:s30+$0xFFFFE0C0];
	_ =	sdelay $0x4  }
0xae: {  	[tilespmem:v6+s25+$0x0] =	vst.idx.msk $0xffff, v5  }
0xaf: {  	v6 =	vor.u32 s1, v3;
	v5 =	vld [tilespmem:s30+$0xFFFFF060];
	_ =	sdelay $0x4  }
0xb0: {  	[tilespmem:v6+s25+$0x0] =	vst.idx.msk $0xffff, v5  }
.Ltmp4:
0xb1: {  	v6 =	vor.u32 s1, v4;
	v5 =	vld [tilespmem:s30+$0x0];
	(pc) =	sbr.rel @p1 .LBB2_6-.Ltmp4, $2  }
0xb2: {  	_ =	sdelay $0x2  }
0xb3: {  	s1 =	sadd.s32 $0x100, s1  }
0xb4: {  	_ =	sdelay $0x3  }
0xb5: {  	[tilespmem:v6+s25+$0x0] =	vst.idx.msk $0xffff, v5;
	s30 =	simm.s32 $0x0;
	s0 =	rddreg [dreg:$0x10]  }
0xb6: {  	[hbm4b:s0+s30] =	stream.linear.scatter [tilespmem:s25], [sflag:$0x4], $0x7D00, $0x38;
	[tilespmem:$0x17700] =	vst v63  }
0xb7: {  	s1 =	rddreg [dreg:$0x9]  }
0xb8: {  	[tilespmem:s16], [sflag:$0x2] =	stream.linear.gather [hbm4b:s1+s30], $0xFA0, $0x38;
	[tilespmem:$0x17700] =	vst v63  }
0xb9: {  	s1 =	rddreg [dreg:$0x1c]  }
0xba: {  	[tilespmem:s17], [sflag:$0x2] =	stream.linear.gather [hbm4b:s1+s30], $0xFA0, $0x38;
	[tilespmem:$0x17700] =	vst v63  }
0xbb: {  	s1 =	rddreg [dreg:$0x1d]  }
0xbc: {  	[tilespmem:s18], [sflag:$0x2] =	stream.linear.gather [hbm4b:s1+s30], $0xFA0, $0x38;
	[tilespmem:$0x17700] =	vst v63  }
0xbd: {  	s1 =	rddreg [dreg:$0x1e]  }
0xbe: {  	[tilespmem:s19], [sflag:$0x2] =	stream.linear.gather [hbm4b:s1+s30], $0xFA0, $0x38;
	[tilespmem:$0x17700] =	vst v63  }
0xbf: {  	_ =	swait.ge [sflag:s20], $0xFA0  }
0xc0: {  	[sflag:s20] =	ssyncset.done $0x0  }
0xc1: {  	[sflag:s20] =	ssyncadd.s32 $0xFFFFF060  }
0xc2: {  	_ =	swait.ge [sflag:s20], $0xFA0  }
0xc3: {  	[sflag:s20] =	ssyncset.done $0x0  }
0xc4: {  	[sflag:s20] =	ssyncadd.s32 $0xFFFFF060  }
0xc5: {  	_ =	swait.ge [sflag:s20], $0xFA0  }
0xc6: {  	[sflag:s20] =	ssyncset.done $0x0  }
0xc7: {  	[sflag:s20] =	ssyncadd.s32 $0xFFFFF060  }
0xc8: {  	_ =	swait.ge [sflag:s20], $0xFA0  }
0xc9: {  	[sflag:s20] =	ssyncset.done $0x0  }
0xca: {  	[sflag:s20] =	ssyncadd.s32 $0xFFFFF060  }
0xcb: {  	_ =	swait.ge [sflag:s26], $0x7D00  }
0xcc: {  	[sflag:s26] =	ssyncset.done $0x0  }
0xcd: {  	s31 =	simm.s32 $0x1F40;
	[sflag:s26] =	ssyncadd.s32 $0xFFFF8300  }
0xce: {  	v5 =	vor.u32 s30, v0;
	v6 =	vld [tilespmem:s31+$0xFFFFE0C0];
	_ =	sdelay $0x4  }
0xcf: {  	s1 =	simm.s32 $0x1;
	[tilespmem:v5+s21+$0x0] =	vst.idx.msk $0xffff, v6  }
0xd0: {  	v5 =	vor.u32 s1, v0;
	v6 =	vld [tilespmem:s31+$0xFFFFF060];
	_ =	sdelay $0x4  }
0xd1: {  	s1 =	simm.s32 $0x2;
	[tilespmem:v5+s21+$0x0] =	vst.idx.msk $0xffff, v6  }
0xd2: {  	v5 =	vor.u32 s1, v0;
	v6 =	vld [tilespmem:s31+$0x0];
	_ =	sdelay $0x4  }
0xd3: {  	s1 =	simm.s32 $0x3;
	[tilespmem:v5+s21+$0x0] =	vst.idx.msk $0xffff, v6  }
0xd4: {  	v5 =	vor.u32 s1, v0;
	v6 =	vld [tilespmem:s31+$0xFA0];
	_ =	sdelay $0x4  }
0xd5: {  	s0 =	simm.s32 $0x80;
	[tilespmem:v5+s21+$0x0] =	vst.idx.msk $0xffff, v6  }
0xd6: {  	v5 =	vor.u32 s0, v0;
	v6 =	vld [tilespmem:s31+$0xFFFFE0D0];
	_ =	sdelay $0x4  }
0xd7: {  	[tilespmem:v5+s21+$0x0] =	vst.idx.msk $0xffff, v6  }
0xd8: {  	v6 =	vor.u32 s0, v2;
	v5 =	vld [tilespmem:s31+$0xFFFFF070];
	_ =	sdelay $0x4  }
0xd9: {  	[tilespmem:v6+s21+$0x0] =	vst.idx.msk $0xffff, v5  }
0xda: {  	v6 =	vor.u32 s0, v3;
	v5 =	vld [tilespmem:s31+$0x10];
	_ =	sdelay $0x4  }
0xdb: {  	[tilespmem:v6+s21+$0x0] =	vst.idx.msk $0xffff, v5  }
0xdc: {  	s1 =	simm.s32 $0x0;
	v6 =	vor.u32 s0, v4;
	v5 =	vld [tilespmem:s31+$0xFB0]  }
.LBB2_8:
0xdd: {  	_ =	sdelay $0x3  }
0xde: {  	s1 =	sadd.s32 $0x2, s1;
	s30 =	sadd.s32 $0x100, s30;
	s31 =	sadd.s32 $0x20, s31;
	[tilespmem:v6+s21+$0x0] =	vst.idx.msk $0xffff, v5  }
0xdf: {  	p1 =	slt.u32 s1, $0xF8;
	v5 =	vor.u32 s30, v0;
	v6 =	vld [tilespmem:s31+$0xFFFFE0C0];
	_ =	sdelay $0x4  }
0xe0: {  	s0 =	sadd.s32 $0x1, s30;
	[tilespmem:v5+s21+$0x0] =	vst.idx.msk $0xffff, v6  }
0xe1: {  	v5 =	vor.u32 s0, v0;
	v6 =	vld [tilespmem:s31+$0xFFFFF060];
	_ =	sdelay $0x4  }
0xe2: {  	s0 =	sadd.s32 $0x2, s30;
	[tilespmem:v5+s21+$0x0] =	vst.idx.msk $0xffff, v6  }
0xe3: {  	v5 =	vor.u32 s0, v0;
	v6 =	vld [tilespmem:s31+$0x0];
	_ =	sdelay $0x4  }
0xe4: {  	s0 =	sadd.s32 $0x3, s30;
	[tilespmem:v5+s21+$0x0] =	vst.idx.msk $0xffff, v6  }
0xe5: {  	v5 =	vor.u32 s0, v0;
	v6 =	vld [tilespmem:s31+$0xFA0];
	_ =	sdelay $0x4  }
0xe6: {  	s0 =	sadd.s32 $0x80, s30;
	[tilespmem:v5+s21+$0x0] =	vst.idx.msk $0xffff, v6  }
0xe7: {  	v5 =	vor.u32 s0, v0;
	v6 =	vld [tilespmem:s31+$0xFFFFE0D0];
	_ =	sdelay $0x4  }
0xe8: {  	[tilespmem:v5+s21+$0x0] =	vst.idx.msk $0xffff, v6  }
0xe9: {  	v6 =	vor.u32 s0, v2;
	v5 =	vld [tilespmem:s31+$0xFFFFF070];
	_ =	sdelay $0x4  }
0xea: {  	[tilespmem:v6+s21+$0x0] =	vst.idx.msk $0xffff, v5  }
0xeb: {  	v6 =	vor.u32 s0, v3;
	v5 =	vld [tilespmem:s31+$0x10];
	_ =	sdelay $0x1  }
.Ltmp5:
0xec: {  	(pc) =	sbr.rel @p1 .LBB2_8-.Ltmp5, $3  }
0xed: {  	_ =	sdelay $0x1  }
0xee: {  	[tilespmem:v6+s21+$0x0] =	vst.idx.msk $0xffff, v5  }
0xef: {  	v6 =	vor.u32 s0, v4;
	v5 =	vld [tilespmem:s31+$0xFB0]  }
0xf0: {  	_ =	sdelay $0x3  }
0xf1: {  	s0 =	rddreg [dreg:$0x11];
	[tilespmem:v6+s21+$0x0] =	vst.idx.msk $0xffff, v5  }
0xf2: {  	[hbm4b:s0+s2] =	stream.linear.scatter [tilespmem:s21], [sflag:$0x3], $0x7D00, $0x38;
	[tilespmem:$0x17700] =	vst v63  }
0xf3: {  	s1 =	rddreg [dreg:$0xa]  }
0xf4: {  	[tilespmem:s2], [sflag:$0x1] =	stream.linear.gather [hbm4b:s1+s2], $0xFA0, $0x38;
	[tilespmem:$0x17700] =	vst v63  }
0xf5: {  	s1 =	rddreg [dreg:$0x1f]  }
0xf6: {  	[tilespmem:s14], [sflag:$0x1] =	stream.linear.gather [hbm4b:s1+s2], $0xFA0, $0x38;
	[tilespmem:$0x17700] =	vst v63  }
0xf7: {  	_ = 	snop  }
0xf8: {  	[tilespmem:s22], [sflag:$0x1] =	stream.linear.gather [hbm4b:s23+s2], $0xFA0, $0x38;
	[tilespmem:$0x17700] =	vst v63  }
0xf9: {  	_ = 	snop  }
0xfa: {  	[tilespmem:s15], [sflag:$0x1] =	stream.linear.gather [hbm4b:s4+s2], $0xFA0, $0x38;
	[tilespmem:$0x17700] =	vst v63  }
0xfb: {  	_ =	swait.ge [sflag:s24], $0xFA0  }
0xfc: {  	[sflag:s24] =	ssyncset.done $0x0  }
0xfd: {  	[sflag:s24] =	ssyncadd.s32 $0xFFFFF060  }
0xfe: {  	_ =	swait.ge [sflag:s24], $0xFA0  }
0xff: {  	[sflag:s24] =	ssyncset.done $0x0  }
0x100: {  	[sflag:s24] =	ssyncadd.s32 $0xFFFFF060  }
0x101: {  	_ =	swait.ge [sflag:s24], $0xFA0  }
0x102: {  	[sflag:s24] =	ssyncset.done $0x0  }
0x103: {  	[sflag:s24] =	ssyncadd.s32 $0xFFFFF060  }
0x104: {  	_ =	swait.ge [sflag:s24], $0xFA0  }
0x105: {  	[sflag:s24] =	ssyncset.done $0x0  }
0x106: {  	[sflag:s24] =	ssyncadd.s32 $0xFFFFF060  }
0x107: {  	_ =	swait.ge [sflag:s28], $0x7D00  }
0x108: {  	[sflag:s28] =	ssyncset.done $0x0  }
0x109: {  	s30 =	simm.s32 $0x6D70;
	s1 =	simm.s32 $0x0;
	[sflag:s28] =	ssyncadd.s32 $0xFFFF8300  }
0x10a: {  	v5 =	vor.u32 s1, v0;
	v6 =	vld [tilespmem:s30+$0xFFFFD110];
	_ =	sdelay $0x4  }
0x10b: {  	s1 =	simm.s32 $0x1;
	[tilespmem:v5+s25+$0x0] =	vst.idx.msk $0xffff, v6  }
0x10c: {  	v5 =	vor.u32 s1, v0;
	v6 =	vld [tilespmem:s30+$0xFFFFE0B0];
	_ =	sdelay $0x4  }
0x10d: {  	s1 =	simm.s32 $0x2;
	[tilespmem:v5+s25+$0x0] =	vst.idx.msk $0xffff, v6  }
0x10e: {  	v5 =	vor.u32 s1, v0;
	v6 =	vld [tilespmem:s30+$0xFFFFF050];
	_ =	sdelay $0x4  }
0x10f: {  	s1 =	simm.s32 $0x3;
	[tilespmem:v5+s25+$0x0] =	vst.idx.msk $0xffff, v6  }
0x110: {  	v5 =	vor.u32 s1, v0;
	v6 =	vld [tilespmem:s30+$0xFFFFFFF0];
	_ =	sdelay $0x4  }
0x111: {  	s1 =	simm.s32 $0x80;
	[tilespmem:v5+s25+$0x0] =	vst.idx.msk $0xffff, v6  }
0x112: {  	v5 =	vor.u32 s1, v0;
	v6 =	vld [tilespmem:s30+$0xFFFFD120];
	_ =	sdelay $0x4  }
0x113: {  	[tilespmem:v5+s25+$0x0] =	vst.idx.msk $0xffff, v6  }
0x114: {  	v6 =	vor.u32 s1, v2;
	v5 =	vld [tilespmem:s30+$0xFFFFE0C0];
	_ =	sdelay $0x4  }
0x115: {  	[tilespmem:v6+s25+$0x0] =	vst.idx.msk $0xffff, v5  }
0x116: {  	v6 =	vor.u32 s1, v3;
	v5 =	vld [tilespmem:s30+$0xFFFFF060];
	_ =	sdelay $0x4  }
0x117: {  	[tilespmem:v6+s25+$0x0] =	vst.idx.msk $0xffff, v5  }
0x118: {  	v6 =	vor.u32 s1, v4;
	v5 =	vld [tilespmem:s30+$0x0];
	_ =	sdelay $0x3  }
0x119: {  	s31 =	simm.s32 $0x0;
	s1 =	simm.s32 $0x180  }
.LBB2_10:
0x11a: {  	s0 =	sadd.s32 $0xFFFFFF80, s1;
	s31 =	sadd.s32 $0x2, s31;
	[tilespmem:v6+s25+$0x0] =	vst.idx.msk $0xffff, v5;
	s30 =	sadd.s32 $0x20, s30  }
0x11b: {  	v5 =	vor.u32 s0, v0;
	v6 =	vld [tilespmem:s30+$0xFFFFD110];
	p1 =	slt.u32 s31, $0xF8;
	_ =	sdelay $0x4  }
0x11c: {  	s0 =	sadd.s32 $0xFFFFFF81, s1;
	[tilespmem:v5+s25+$0x0] =	vst.idx.msk $0xffff, v6  }
0x11d: {  	v5 =	vor.u32 s0, v0;
	v6 =	vld [tilespmem:s30+$0xFFFFE0B0];
	_ =	sdelay $0x4  }
0x11e: {  	s0 =	sadd.s32 $0xFFFFFF82, s1;
	[tilespmem:v5+s25+$0x0] =	vst.idx.msk $0xffff, v6  }
0x11f: {  	v5 =	vor.u32 s0, v0;
	v6 =	vld [tilespmem:s30+$0xFFFFF050];
	_ =	sdelay $0x4  }
0x120: {  	s0 =	sadd.s32 $0xFFFFFF83, s1;
	[tilespmem:v5+s25+$0x0] =	vst.idx.msk $0xffff, v6  }
0x121: {  	v5 =	vor.u32 s0, v0;
	v6 =	vld [tilespmem:s30+$0xFFFFFFF0];
	_ =	sdelay $0x4  }
0x122: {  	[tilespmem:v5+s25+$0x0] =	vst.idx.msk $0xffff, v6  }
0x123: {  	v5 =	vor.u32 s1, v0;
	v6 =	vld [tilespmem:s30+$0xFFFFD120];
	_ =	sdelay $0x4  }
0x124: {  	[tilespmem:v5+s25+$0x0] =	vst.idx.msk $0xffff, v6  }
0x125: {  	v6 =	vor.u32 s1, v2;
	v5 =	vld [tilespmem:s30+$0xFFFFE0C0];
	_ =	sdelay $0x4  }
0x126: {  	[tilespmem:v6+s25+$0x0] =	vst.idx.msk $0xffff, v5  }
0x127: {  	v6 =	vor.u32 s1, v3;
	v5 =	vld [tilespmem:s30+$0xFFFFF060];
	_ =	sdelay $0x4  }
0x128: {  	[tilespmem:v6+s25+$0x0] =	vst.idx.msk $0xffff, v5  }
.Ltmp6:
0x129: {  	v6 =	vor.u32 s1, v4;
	v5 =	vld [tilespmem:s30+$0x0];
	(pc) =	sbr.rel @p1 .LBB2_10-.Ltmp6, $2  }
0x12a: {  	_ =	sdelay $0x2  }
0x12b: {  	s1 =	sadd.s32 $0x100, s1  }
0x12c: {  	_ =	sdelay $0x3  }
0x12d: {  	[tilespmem:v6+s25+$0x0] =	vst.idx.msk $0xffff, v5;
	s30 =	simm.s32 $0x0;
	s0 =	rddreg [dreg:$0x12]  }
0x12e: {  	[hbm4b:s0+s30] =	stream.linear.scatter [tilespmem:s25], [sflag:$0x4], $0x7D00, $0x38;
	[tilespmem:$0x17700] =	vst v63  }
0x12f: {  	s1 =	rddreg [dreg:$0xb]  }
0x130: {  	[tilespmem:s16], [sflag:$0x2] =	stream.linear.gather [hbm4b:s1+s30], $0xFA0, $0x38;
	[tilespmem:$0x17700] =	vst v63  }
0x131: {  	_ = 	snop  }
0x132: {  	[tilespmem:s17], [sflag:$0x2] =	stream.linear.gather [hbm4b:s5+s30], $0xFA0, $0x38;
	[tilespmem:$0x17700] =	vst v63  }
0x133: {  	_ = 	snop  }
0x134: {  	[tilespmem:s18], [sflag:$0x2] =	stream.linear.gather [hbm4b:s6+s30], $0xFA0, $0x38;
	[tilespmem:$0x17700] =	vst v63  }
0x135: {  	_ = 	snop  }
0x136: {  	[tilespmem:s19], [sflag:$0x2] =	stream.linear.gather [hbm4b:s7+s30], $0xFA0, $0x38;
	[tilespmem:$0x17700] =	vst v63  }
0x137: {  	_ =	swait.ge [sflag:s20], $0xFA0  }
0x138: {  	[sflag:s20] =	ssyncset.done $0x0  }
0x139: {  	[sflag:s20] =	ssyncadd.s32 $0xFFFFF060  }
0x13a: {  	_ =	swait.ge [sflag:s20], $0xFA0  }
0x13b: {  	[sflag:s20] =	ssyncset.done $0x0  }
0x13c: {  	[sflag:s20] =	ssyncadd.s32 $0xFFFFF060  }
0x13d: {  	_ =	swait.ge [sflag:s20], $0xFA0  }
0x13e: {  	[sflag:s20] =	ssyncset.done $0x0  }
0x13f: {  	[sflag:s20] =	ssyncadd.s32 $0xFFFFF060  }
0x140: {  	_ =	swait.ge [sflag:s20], $0xFA0  }
0x141: {  	[sflag:s20] =	ssyncset.done $0x0  }
0x142: {  	[sflag:s20] =	ssyncadd.s32 $0xFFFFF060  }
0x143: {  	_ =	swait.ge [sflag:s26], $0x7D00  }
0x144: {  	[sflag:s26] =	ssyncset.done $0x0  }
0x145: {  	s31 =	simm.s32 $0x1F40;
	[sflag:s26] =	ssyncadd.s32 $0xFFFF8300  }
0x146: {  	v5 =	vor.u32 s30, v0;
	v6 =	vld [tilespmem:s31+$0xFFFFE0C0];
	_ =	sdelay $0x4  }
0x147: {  	s1 =	simm.s32 $0x1;
	[tilespmem:v5+s21+$0x0] =	vst.idx.msk $0xffff, v6  }
0x148: {  	v5 =	vor.u32 s1, v0;
	v6 =	vld [tilespmem:s31+$0xFFFFF060];
	_ =	sdelay $0x4  }
0x149: {  	s1 =	simm.s32 $0x2;
	[tilespmem:v5+s21+$0x0] =	vst.idx.msk $0xffff, v6  }
0x14a: {  	v5 =	vor.u32 s1, v0;
	v6 =	vld [tilespmem:s31+$0x0];
	_ =	sdelay $0x4  }
0x14b: {  	s1 =	simm.s32 $0x3;
	[tilespmem:v5+s21+$0x0] =	vst.idx.msk $0xffff, v6  }
0x14c: {  	v5 =	vor.u32 s1, v0;
	v6 =	vld [tilespmem:s31+$0xFA0];
	_ =	sdelay $0x4  }
0x14d: {  	s0 =	simm.s32 $0x80;
	[tilespmem:v5+s21+$0x0] =	vst.idx.msk $0xffff, v6  }
0x14e: {  	v5 =	vor.u32 s0, v0;
	v6 =	vld [tilespmem:s31+$0xFFFFE0D0];
	_ =	sdelay $0x4  }
0x14f: {  	[tilespmem:v5+s21+$0x0] =	vst.idx.msk $0xffff, v6  }
0x150: {  	v6 =	vor.u32 s0, v2;
	v5 =	vld [tilespmem:s31+$0xFFFFF070];
	_ =	sdelay $0x4  }
0x151: {  	[tilespmem:v6+s21+$0x0] =	vst.idx.msk $0xffff, v5  }
0x152: {  	v6 =	vor.u32 s0, v3;
	v5 =	vld [tilespmem:s31+$0x10];
	_ =	sdelay $0x4  }
0x153: {  	[tilespmem:v6+s21+$0x0] =	vst.idx.msk $0xffff, v5  }
0x154: {  	s1 =	simm.s32 $0x0;
	v6 =	vor.u32 s0, v4;
	v5 =	vld [tilespmem:s31+$0xFB0]  }
.LBB2_12:
0x155: {  	_ =	sdelay $0x3  }
0x156: {  	s1 =	sadd.s32 $0x2, s1;
	s30 =	sadd.s32 $0x100, s30;
	s31 =	sadd.s32 $0x20, s31;
	[tilespmem:v6+s21+$0x0] =	vst.idx.msk $0xffff, v5  }
0x157: {  	p1 =	slt.u32 s1, $0xF8;
	v5 =	vor.u32 s30, v0;
	v6 =	vld [tilespmem:s31+$0xFFFFE0C0];
	_ =	sdelay $0x4  }
0x158: {  	s0 =	sadd.s32 $0x1, s30;
	[tilespmem:v5+s21+$0x0] =	vst.idx.msk $0xffff, v6  }
0x159: {  	v5 =	vor.u32 s0, v0;
	v6 =	vld [tilespmem:s31+$0xFFFFF060];
	_ =	sdelay $0x4  }
0x15a: {  	s0 =	sadd.s32 $0x2, s30;
	[tilespmem:v5+s21+$0x0] =	vst.idx.msk $0xffff, v6  }
0x15b: {  	v5 =	vor.u32 s0, v0;
	v6 =	vld [tilespmem:s31+$0x0];
	_ =	sdelay $0x4  }
0x15c: {  	s0 =	sadd.s32 $0x3, s30;
	[tilespmem:v5+s21+$0x0] =	vst.idx.msk $0xffff, v6  }
0x15d: {  	v5 =	vor.u32 s0, v0;
	v6 =	vld [tilespmem:s31+$0xFA0];
	_ =	sdelay $0x4  }
0x15e: {  	s0 =	sadd.s32 $0x80, s30;
	[tilespmem:v5+s21+$0x0] =	vst.idx.msk $0xffff, v6  }
0x15f: {  	v5 =	vor.u32 s0, v0;
	v6 =	vld [tilespmem:s31+$0xFFFFE0D0];
	_ =	sdelay $0x4  }
0x160: {  	[tilespmem:v5+s21+$0x0] =	vst.idx.msk $0xffff, v6  }
0x161: {  	v6 =	vor.u32 s0, v2;
	v5 =	vld [tilespmem:s31+$0xFFFFF070];
	_ =	sdelay $0x4  }
0x162: {  	[tilespmem:v6+s21+$0x0] =	vst.idx.msk $0xffff, v5  }
0x163: {  	v6 =	vor.u32 s0, v3;
	v5 =	vld [tilespmem:s31+$0x10];
	_ =	sdelay $0x1  }
.Ltmp7:
0x164: {  	(pc) =	sbr.rel @p1 .LBB2_12-.Ltmp7, $3  }
0x165: {  	_ =	sdelay $0x1  }
0x166: {  	[tilespmem:v6+s21+$0x0] =	vst.idx.msk $0xffff, v5  }
0x167: {  	v6 =	vor.u32 s0, v4;
	v5 =	vld [tilespmem:s31+$0xFB0]  }
0x168: {  	_ =	sdelay $0x3  }
0x169: {  	s0 =	rddreg [dreg:$0x13];
	[tilespmem:v6+s21+$0x0] =	vst.idx.msk $0xffff, v5  }
0x16a: {  	[hbm4b:s0+s2] =	stream.linear.scatter [tilespmem:s21], [sflag:$0x3], $0x7D00, $0x38;
	[tilespmem:$0x17700] =	vst v63  }
0x16b: {  	s1 =	rddreg [dreg:$0xc]  }
0x16c: {  	[tilespmem:s2], [sflag:$0x1] =	stream.linear.gather [hbm4b:s1+s2], $0xFA0, $0x38;
	[tilespmem:$0x17700] =	vst v63  }
0x16d: {  	_ = 	snop  }
0x16e: {  	[tilespmem:s14], [sflag:$0x1] =	stream.linear.gather [hbm4b:s8+s2], $0xFA0, $0x38;
	[tilespmem:$0x17700] =	vst v63  }
0x16f: {  	_ = 	snop  }
0x170: {  	[tilespmem:s22], [sflag:$0x1] =	stream.linear.gather [hbm4b:s9+s2], $0xFA0, $0x38;
	[tilespmem:$0x17700] =	vst v63  }
0x171: {  	_ = 	snop  }
0x172: {  	[tilespmem:s15], [sflag:$0x1] =	stream.linear.gather [hbm4b:s10+s2], $0xFA0, $0x38;
	[tilespmem:$0x17700] =	vst v63  }
0x173: {  	_ =	swait.ge [sflag:s24], $0xFA0  }
0x174: {  	[sflag:s24] =	ssyncset.done $0x0  }
0x175: {  	[sflag:s24] =	ssyncadd.s32 $0xFFFFF060  }
0x176: {  	_ =	swait.ge [sflag:s24], $0xFA0  }
0x177: {  	[sflag:s24] =	ssyncset.done $0x0  }
0x178: {  	[sflag:s24] =	ssyncadd.s32 $0xFFFFF060  }
0x179: {  	_ =	swait.ge [sflag:s24], $0xFA0  }
0x17a: {  	[sflag:s24] =	ssyncset.done $0x0  }
0x17b: {  	[sflag:s24] =	ssyncadd.s32 $0xFFFFF060  }
0x17c: {  	_ =	swait.ge [sflag:s24], $0xFA0  }
0x17d: {  	[sflag:s24] =	ssyncset.done $0x0  }
0x17e: {  	[sflag:s24] =	ssyncadd.s32 $0xFFFFF060  }
0x17f: {  	_ =	swait.ge [sflag:s28], $0x7D00  }
0x180: {  	[sflag:s28] =	ssyncset.done $0x0  }
0x181: {  	s30 =	simm.s32 $0x6D70;
	s1 =	simm.s32 $0x0;
	[sflag:s28] =	ssyncadd.s32 $0xFFFF8300  }
0x182: {  	v5 =	vor.u32 s1, v0;
	v6 =	vld [tilespmem:s30+$0xFFFFD110];
	_ =	sdelay $0x4  }
0x183: {  	s1 =	simm.s32 $0x1;
	[tilespmem:v5+s25+$0x0] =	vst.idx.msk $0xffff, v6  }
0x184: {  	v5 =	vor.u32 s1, v0;
	v6 =	vld [tilespmem:s30+$0xFFFFE0B0];
	_ =	sdelay $0x4  }
0x185: {  	s1 =	simm.s32 $0x2;
	[tilespmem:v5+s25+$0x0] =	vst.idx.msk $0xffff, v6  }
0x186: {  	v5 =	vor.u32 s1, v0;
	v6 =	vld [tilespmem:s30+$0xFFFFF050];
	_ =	sdelay $0x4  }
0x187: {  	s1 =	simm.s32 $0x3;
	[tilespmem:v5+s25+$0x0] =	vst.idx.msk $0xffff, v6  }
0x188: {  	v5 =	vor.u32 s1, v0;
	v6 =	vld [tilespmem:s30+$0xFFFFFFF0];
	_ =	sdelay $0x4  }
0x189: {  	s1 =	simm.s32 $0x80;
	[tilespmem:v5+s25+$0x0] =	vst.idx.msk $0xffff, v6  }
0x18a: {  	v5 =	vor.u32 s1, v0;
	v6 =	vld [tilespmem:s30+$0xFFFFD120];
	_ =	sdelay $0x4  }
0x18b: {  	[tilespmem:v5+s25+$0x0] =	vst.idx.msk $0xffff, v6  }
0x18c: {  	v6 =	vor.u32 s1, v2;
	v5 =	vld [tilespmem:s30+$0xFFFFE0C0];
	_ =	sdelay $0x4  }
0x18d: {  	[tilespmem:v6+s25+$0x0] =	vst.idx.msk $0xffff, v5  }
0x18e: {  	v6 =	vor.u32 s1, v3;
	v5 =	vld [tilespmem:s30+$0xFFFFF060];
	_ =	sdelay $0x4  }
0x18f: {  	[tilespmem:v6+s25+$0x0] =	vst.idx.msk $0xffff, v5  }
0x190: {  	v6 =	vor.u32 s1, v4;
	v5 =	vld [tilespmem:s30+$0x0];
	_ =	sdelay $0x3  }
0x191: {  	s31 =	simm.s32 $0x0;
	s1 =	simm.s32 $0x180  }
.LBB2_14:
0x192: {  	s0 =	sadd.s32 $0xFFFFFF80, s1;
	s31 =	sadd.s32 $0x2, s31;
	[tilespmem:v6+s25+$0x0] =	vst.idx.msk $0xffff, v5;
	s30 =	sadd.s32 $0x20, s30  }
0x193: {  	v5 =	vor.u32 s0, v0;
	v6 =	vld [tilespmem:s30+$0xFFFFD110];
	p1 =	slt.u32 s31, $0xF8;
	_ =	sdelay $0x4  }
0x194: {  	s0 =	sadd.s32 $0xFFFFFF81, s1;
	[tilespmem:v5+s25+$0x0] =	vst.idx.msk $0xffff, v6  }
0x195: {  	v5 =	vor.u32 s0, v0;
	v6 =	vld [tilespmem:s30+$0xFFFFE0B0];
	_ =	sdelay $0x4  }
0x196: {  	s0 =	sadd.s32 $0xFFFFFF82, s1;
	[tilespmem:v5+s25+$0x0] =	vst.idx.msk $0xffff, v6  }
0x197: {  	v5 =	vor.u32 s0, v0;
	v6 =	vld [tilespmem:s30+$0xFFFFF050];
	_ =	sdelay $0x4  }
0x198: {  	s0 =	sadd.s32 $0xFFFFFF83, s1;
	[tilespmem:v5+s25+$0x0] =	vst.idx.msk $0xffff, v6  }
0x199: {  	v5 =	vor.u32 s0, v0;
	v6 =	vld [tilespmem:s30+$0xFFFFFFF0];
	_ =	sdelay $0x4  }
0x19a: {  	[tilespmem:v5+s25+$0x0] =	vst.idx.msk $0xffff, v6  }
0x19b: {  	v5 =	vor.u32 s1, v0;
	v6 =	vld [tilespmem:s30+$0xFFFFD120];
	_ =	sdelay $0x4  }
0x19c: {  	[tilespmem:v5+s25+$0x0] =	vst.idx.msk $0xffff, v6  }
0x19d: {  	v6 =	vor.u32 s1, v2;
	v5 =	vld [tilespmem:s30+$0xFFFFE0C0];
	_ =	sdelay $0x4  }
0x19e: {  	[tilespmem:v6+s25+$0x0] =	vst.idx.msk $0xffff, v5  }
0x19f: {  	v6 =	vor.u32 s1, v3;
	v5 =	vld [tilespmem:s30+$0xFFFFF060];
	_ =	sdelay $0x4  }
0x1a0: {  	[tilespmem:v6+s25+$0x0] =	vst.idx.msk $0xffff, v5  }
.Ltmp8:
0x1a1: {  	v6 =	vor.u32 s1, v4;
	v5 =	vld [tilespmem:s30+$0x0];
	(pc) =	sbr.rel @p1 .LBB2_14-.Ltmp8, $2  }
0x1a2: {  	_ =	sdelay $0x2  }
0x1a3: {  	s1 =	sadd.s32 $0x100, s1  }
0x1a4: {  	_ =	sdelay $0x3  }
0x1a5: {  	[tilespmem:v6+s25+$0x0] =	vst.idx.msk $0xffff, v5;
	s0 =	rddreg [dreg:$0x14]  }
0x1a6: {  	[hbm4b:s0+s2] =	stream.linear.scatter [tilespmem:s25], [sflag:$0x4], $0x7D00, $0x38;
	[tilespmem:$0x17700] =	vst v63  }
0x1a7: {  	s1 =	simm.s32 @!p0 $0x3E80;
	s30 =	rddreg [dreg:$0xd];
	s0 =	simm.s32 @!p0 $0x0  }
0x1a8: {  	[tilespmem:s1], [sflag:$0x2] =	stream.linear.gather @!p0 [hbm4b:s30+s0], $0xFA0, $0x38;
	[tilespmem:$0x17700] =	vst v63  }
0x1a9: {  	s1 =	simm.s32 @!p0 $0x4E20  }
0x1aa: {  	[tilespmem:s1], [sflag:$0x2] =	stream.linear.gather @!p0 [hbm4b:s11+s0], $0xFA0, $0x38;
	[tilespmem:$0x17700] =	vst v63  }
0x1ab: {  	s1 =	simm.s32 @!p0 $0x5DC0  }
0x1ac: {  	[tilespmem:s1], [sflag:$0x2] =	stream.linear.gather @!p0 [hbm4b:s12+s0], $0xFA0, $0x38;
	[tilespmem:$0x17700] =	vst v63  }
0x1ad: {  	s1 =	simm.s32 @!p0 $0x6D60  }
0x1ae: {  	[tilespmem:s1], [sflag:$0x2] =	stream.linear.gather @!p0 [hbm4b:s13+s0], $0xFA0, $0x38;
	[tilespmem:$0x17700] =	vst v63  }
0x1af: {  	_ =	swait.ge [sflag:s20], $0xFA0  }
0x1b0: {  	[sflag:s20] =	ssyncset.done $0x0  }
0x1b1: {  	[sflag:s20] =	ssyncadd.s32 $0xFFFFF060  }
0x1b2: {  	_ =	swait.ge [sflag:s20], $0xFA0  }
0x1b3: {  	[sflag:s20] =	ssyncset.done $0x0  }
0x1b4: {  	[sflag:s20] =	ssyncadd.s32 $0xFFFFF060  }
0x1b5: {  	_ =	swait.ge [sflag:s20], $0xFA0  }
0x1b6: {  	[sflag:s20] =	ssyncset.done $0x0  }
0x1b7: {  	[sflag:s20] =	ssyncadd.s32 $0xFFFFF060  }
0x1b8: {  	_ =	swait.ge [sflag:s20], $0xFA0  }
0x1b9: {  	[sflag:s20] =	ssyncset.done $0x0  }
0x1ba: {  	[sflag:s20] =	ssyncadd.s32 $0xFFFFF060  }
0x1bb: {  	_ =	swait.ge [sflag:s26], $0x7D00  }
0x1bc: {  	[sflag:s26] =	ssyncset.done $0x0  }
0x1bd: {  	s31 =	simm.s32 $0x1F40;
	s30 =	simm.s32 $0x0;
	[sflag:s26] =	ssyncadd.s32 $0xFFFF8300  }
0x1be: {  	v5 =	vor.u32 s30, v0;
	v6 =	vld [tilespmem:s31+$0xFFFFE0C0];
	_ =	sdelay $0x4  }
0x1bf: {  	s1 =	simm.s32 $0x1;
	[tilespmem:v5+s21+$0x0] =	vst.idx.msk $0xffff, v6  }
0x1c0: {  	v5 =	vor.u32 s1, v0;
	v6 =	vld [tilespmem:s31+$0xFFFFF060];
	_ =	sdelay $0x4  }
0x1c1: {  	s1 =	simm.s32 $0x2;
	[tilespmem:v5+s21+$0x0] =	vst.idx.msk $0xffff, v6  }
0x1c2: {  	v5 =	vor.u32 s1, v0;
	v6 =	vld [tilespmem:s31+$0x0];
	_ =	sdelay $0x4  }
0x1c3: {  	s1 =	simm.s32 $0x3;
	[tilespmem:v5+s21+$0x0] =	vst.idx.msk $0xffff, v6  }
0x1c4: {  	v5 =	vor.u32 s1, v0;
	v6 =	vld [tilespmem:s31+$0xFA0];
	_ =	sdelay $0x4  }
0x1c5: {  	s0 =	simm.s32 $0x80;
	[tilespmem:v5+s21+$0x0] =	vst.idx.msk $0xffff, v6  }
0x1c6: {  	v5 =	vor.u32 s0, v0;
	v6 =	vld [tilespmem:s31+$0xFFFFE0D0];
	_ =	sdelay $0x4  }
0x1c7: {  	[tilespmem:v5+s21+$0x0] =	vst.idx.msk $0xffff, v6  }
0x1c8: {  	v6 =	vor.u32 s0, v2;
	v5 =	vld [tilespmem:s31+$0xFFFFF070];
	_ =	sdelay $0x4  }
0x1c9: {  	[tilespmem:v6+s21+$0x0] =	vst.idx.msk $0xffff, v5  }
0x1ca: {  	v6 =	vor.u32 s0, v3;
	v5 =	vld [tilespmem:s31+$0x10];
	_ =	sdelay $0x4  }
0x1cb: {  	[tilespmem:v6+s21+$0x0] =	vst.idx.msk $0xffff, v5  }
0x1cc: {  	s1 =	simm.s32 $0x0;
	v6 =	vor.u32 s0, v4;
	v5 =	vld [tilespmem:s31+$0xFB0]  }
.LBB2_16:
0x1cd: {  	_ =	sdelay $0x3  }
0x1ce: {  	s1 =	sadd.s32 $0x2, s1;
	s30 =	sadd.s32 $0x100, s30;
	s31 =	sadd.s32 $0x20, s31;
	[tilespmem:v6+s21+$0x0] =	vst.idx.msk $0xffff, v5  }
0x1cf: {  	p1 =	slt.u32 s1, $0xF8;
	v5 =	vor.u32 s30, v0;
	v6 =	vld [tilespmem:s31+$0xFFFFE0C0];
	_ =	sdelay $0x4  }
0x1d0: {  	s0 =	sadd.s32 $0x1, s30;
	[tilespmem:v5+s21+$0x0] =	vst.idx.msk $0xffff, v6  }
0x1d1: {  	v5 =	vor.u32 s0, v0;
	v6 =	vld [tilespmem:s31+$0xFFFFF060];
	_ =	sdelay $0x4  }
0x1d2: {  	s0 =	sadd.s32 $0x2, s30;
	[tilespmem:v5+s21+$0x0] =	vst.idx.msk $0xffff, v6  }
0x1d3: {  	v5 =	vor.u32 s0, v0;
	v6 =	vld [tilespmem:s31+$0x0];
	_ =	sdelay $0x4  }
0x1d4: {  	s0 =	sadd.s32 $0x3, s30;
	[tilespmem:v5+s21+$0x0] =	vst.idx.msk $0xffff, v6  }
0x1d5: {  	v5 =	vor.u32 s0, v0;
	v6 =	vld [tilespmem:s31+$0xFA0];
	_ =	sdelay $0x4  }
0x1d6: {  	s0 =	sadd.s32 $0x80, s30;
	[tilespmem:v5+s21+$0x0] =	vst.idx.msk $0xffff, v6  }
0x1d7: {  	v5 =	vor.u32 s0, v0;
	v6 =	vld [tilespmem:s31+$0xFFFFE0D0];
	_ =	sdelay $0x4  }
0x1d8: {  	[tilespmem:v5+s21+$0x0] =	vst.idx.msk $0xffff, v6  }
0x1d9: {  	v6 =	vor.u32 s0, v2;
	v5 =	vld [tilespmem:s31+$0xFFFFF070];
	_ =	sdelay $0x4  }
0x1da: {  	[tilespmem:v6+s21+$0x0] =	vst.idx.msk $0xffff, v5  }
0x1db: {  	v6 =	vor.u32 s0, v3;
	v5 =	vld [tilespmem:s31+$0x10];
	_ =	sdelay $0x1  }
.Ltmp9:
0x1dc: {  	(pc) =	sbr.rel @p1 .LBB2_16-.Ltmp9, $3  }
0x1dd: {  	_ =	sdelay $0x1  }
0x1de: {  	[tilespmem:v6+s21+$0x0] =	vst.idx.msk $0xffff, v5  }
0x1df: {  	v6 =	vor.u32 s0, v4;
	v5 =	vld [tilespmem:s31+$0xFB0]  }
0x1e0: {  	_ = 	snop  }
.Ltmp10:
0x1e1: {  	_ = 	snop;
	(pc) =	sbr.rel @p0 .LBB2_21-.Ltmp10, $3  }
0x1e2: {  	_ =	sdelay $0x1  }
0x1e3: {  	s0 =	rddreg [dreg:$0x15];
	[tilespmem:v6+s21+$0x0] =	vst.idx.msk $0xffff, v5  }
0x1e4: {  	[hbm4b:s0+s2] =	stream.linear.scatter [tilespmem:s21], [sflag:$0x3], $0x7D00, $0x38;
	[tilespmem:$0x17700] =	vst v63  }
0x1e5: {  	_ =	swait.ge [sflag:s24], $0xFA0  }
0x1e6: {  	[sflag:s24] =	ssyncset.done $0x0  }
0x1e7: {  	[sflag:s24] =	ssyncadd.s32 $0xFFFFF060  }
0x1e8: {  	_ =	swait.ge [sflag:s24], $0xFA0  }
0x1e9: {  	[sflag:s24] =	ssyncset.done $0x0  }
0x1ea: {  	[sflag:s24] =	ssyncadd.s32 $0xFFFFF060  }
0x1eb: {  	_ =	swait.ge [sflag:s24], $0xFA0  }
0x1ec: {  	[sflag:s24] =	ssyncset.done $0x0  }
0x1ed: {  	[sflag:s24] =	ssyncadd.s32 $0xFFFFF060  }
0x1ee: {  	_ =	swait.ge [sflag:s24], $0xFA0  }
0x1ef: {  	[sflag:s24] =	ssyncset.done $0x0  }
0x1f0: {  	[sflag:s24] =	ssyncadd.s32 $0xFFFFF060  }
0x1f1: {  	_ =	swait.ge [sflag:s28], $0x7D00  }
0x1f2: {  	[sflag:s28] =	ssyncset.done $0x0  }
0x1f3: {  	s30 =	simm.s32 $0x6D70;
	s0 =	simm.s32 $0x0;
	[sflag:s28] =	ssyncadd.s32 $0xFFFF8300  }
0x1f4: {  	v5 =	vor.u32 s0, v0;
	v6 =	vld [tilespmem:s30+$0xFFFFD110];
	_ =	sdelay $0x4  }
0x1f5: {  	s1 =	simm.s32 $0x1;
	[tilespmem:v5+s25+$0x0] =	vst.idx.msk $0xffff, v6  }
0x1f6: {  	v5 =	vor.u32 s1, v0;
	v6 =	vld [tilespmem:s30+$0xFFFFE0B0];
	_ =	sdelay $0x4  }
0x1f7: {  	s1 =	simm.s32 $0x2;
	[tilespmem:v5+s25+$0x0] =	vst.idx.msk $0xffff, v6  }
0x1f8: {  	v5 =	vor.u32 s1, v0;
	v6 =	vld [tilespmem:s30+$0xFFFFF050];
	_ =	sdelay $0x4  }
0x1f9: {  	s1 =	simm.s32 $0x3;
	[tilespmem:v5+s25+$0x0] =	vst.idx.msk $0xffff, v6  }
0x1fa: {  	v5 =	vor.u32 s1, v0;
	v6 =	vld [tilespmem:s30+$0xFFFFFFF0];
	_ =	sdelay $0x4  }
0x1fb: {  	s1 =	simm.s32 $0x80;
	[tilespmem:v5+s25+$0x0] =	vst.idx.msk $0xffff, v6  }
0x1fc: {  	v5 =	vor.u32 s1, v0;
	v6 =	vld [tilespmem:s30+$0xFFFFD120];
	_ =	sdelay $0x4  }
0x1fd: {  	[tilespmem:v5+s25+$0x0] =	vst.idx.msk $0xffff, v6  }
0x1fe: {  	v6 =	vor.u32 s1, v2;
	v5 =	vld [tilespmem:s30+$0xFFFFE0C0];
	_ =	sdelay $0x4  }
0x1ff: {  	[tilespmem:v6+s25+$0x0] =	vst.idx.msk $0xffff, v5  }
0x200: {  	v6 =	vor.u32 s1, v3;
	v5 =	vld [tilespmem:s30+$0xFFFFF060];
	_ =	sdelay $0x4  }
0x201: {  	[tilespmem:v6+s25+$0x0] =	vst.idx.msk $0xffff, v5  }
0x202: {  	v6 =	vor.u32 s1, v4;
	v5 =	vld [tilespmem:s30+$0x0];
	_ =	sdelay $0x3  }
0x203: {  	s31 =	simm.s32 $0x0;
	s1 =	simm.s32 $0x180  }
.LBB2_19:
0x204: {  	s0 =	sadd.s32 $0xFFFFFF80, s1;
	s31 =	sadd.s32 $0x2, s31;
	[tilespmem:v6+s25+$0x0] =	vst.idx.msk $0xffff, v5;
	s30 =	sadd.s32 $0x20, s30  }
0x205: {  	v5 =	vor.u32 s0, v0;
	v6 =	vld [tilespmem:s30+$0xFFFFD110];
	p1 =	slt.u32 s31, $0xF8;
	_ =	sdelay $0x4  }
0x206: {  	s0 =	sadd.s32 $0xFFFFFF81, s1;
	[tilespmem:v5+s25+$0x0] =	vst.idx.msk $0xffff, v6  }
0x207: {  	v5 =	vor.u32 s0, v0;
	v6 =	vld [tilespmem:s30+$0xFFFFE0B0];
	_ =	sdelay $0x4  }
0x208: {  	s0 =	sadd.s32 $0xFFFFFF82, s1;
	[tilespmem:v5+s25+$0x0] =	vst.idx.msk $0xffff, v6  }
0x209: {  	v5 =	vor.u32 s0, v0;
	v6 =	vld [tilespmem:s30+$0xFFFFF050];
	_ =	sdelay $0x4  }
0x20a: {  	s0 =	sadd.s32 $0xFFFFFF83, s1;
	[tilespmem:v5+s25+$0x0] =	vst.idx.msk $0xffff, v6  }
0x20b: {  	v5 =	vor.u32 s0, v0;
	v6 =	vld [tilespmem:s30+$0xFFFFFFF0];
	_ =	sdelay $0x4  }
0x20c: {  	[tilespmem:v5+s25+$0x0] =	vst.idx.msk $0xffff, v6  }
0x20d: {  	v5 =	vor.u32 s1, v0;
	v6 =	vld [tilespmem:s30+$0xFFFFD120];
	_ =	sdelay $0x4  }
0x20e: {  	[tilespmem:v5+s25+$0x0] =	vst.idx.msk $0xffff, v6  }
0x20f: {  	v6 =	vor.u32 s1, v2;
	v5 =	vld [tilespmem:s30+$0xFFFFE0C0];
	_ =	sdelay $0x4  }
0x210: {  	[tilespmem:v6+s25+$0x0] =	vst.idx.msk $0xffff, v5  }
0x211: {  	v6 =	vor.u32 s1, v3;
	v5 =	vld [tilespmem:s30+$0xFFFFF060];
	_ =	sdelay $0x4  }
0x212: {  	[tilespmem:v6+s25+$0x0] =	vst.idx.msk $0xffff, v5  }
.Ltmp11:
0x213: {  	v6 =	vor.u32 s1, v4;
	v5 =	vld [tilespmem:s30+$0x0];
	(pc) =	sbr.rel @p1 .LBB2_19-.Ltmp11, $2  }
0x214: {  	_ =	sdelay $0x2  }
0x215: {  	s1 =	sadd.s32 $0x100, s1  }
.Ltmp12:
0x216: {  	_ = 	snop;
	(pc) =	sbr.rel .LBB2_20-.Ltmp12, $1  }
0x217: {  	_ =	sdelay $0x3  }
.LBB2_22:
0x218: {  	_ =	sfence.sel $0x180000  }
0x219: {  	[bflag:$0x0] =	sbarrier.arrive $0xFFFF  }
0x21a: {  	_ =	strace $0x90000047  }
0x21b: {  	s0 =	stileid.u32;
	[bflag:$0x2] =	sbarrier.arrive $0xFFFF  }
0x21c: {  	p0 =	sne.s32 s0, $0x0;
	s0 =	rddreg [dreg:$0x2]  }
0x21d: {  	s0 =	sadd.s32 @!p0 $0x100000, s0  }
0x21e: {  	[sflag:s0] =	ssyncadd.tile.s32 @!p0 $0x1;
	_ =	shalt  }
.Lfunc_end2:
_tile_overlayer_lowered:
.L_overlay_start_2:
0x21f: {  	(tag) =	ssettag $0x2  }
0x220: {  	s0 =	rddreg [dreg:$0x0];
	s2 =	stileid.u32  }
0x221: {  	s1 =	rddreg [dreg:$0x1];
	p0 =	sne.s32 s2, $0x0  }
0x222: {  	s3 =	rddreg [dreg:$0x2];
	[bflag:$0x3] =	sbarrier.arrive $0xFFFF;
	s2 =	simm.s32 @!p0 $0x1C05  }
0x223: {  	[timem:s3], [sflag:s2] =	dma.local @!p0 [hbm:s0], s1  }
0x224: {  	s0 =	simm.s32 @!p0 $0x5  }
0x225: {  	_ =	swait.ge @!p0 [sflag:s0], s1  }
0x226: {  	s1 =	ssub.s32 @!p0 $0x0, s1;
	[sflag:s0] =	ssyncset.done @!p0 $0x0  }
0x227: {  	[sflag:s0] =	ssyncadd.s32 @!p0 s1  }
0x228: {  	[bflag:$0x3] =	sbarrier.arrive $0xFFFF  }
0x229: {  	_ =	shalt  }

// kernel: kernel.8.cloned.1.call-start
scs
__scs_entry_jumppad:
0x0: {  	(pc) =	sbr.rel $0x88, $3  }
0x1: {  	(tag) =	ssettag $0x0;
	lr =	simm.s32 $0x1  }
0x2: {  	[smem:$0x3F9E] =	sst lr;
	_ =	strace $0xD0000000  }
0x3: {  	_ = 	snop  }
0x4: {  	_ = 	snop  }
0x5: {  	_ = 	snop  }
0x6: {  	_ = 	snop  }
0x7: {  	_ = 	snop  }
__scs_overlays_trampoline_lowered:
0x8: {  	[smem:$0x3FAD] =	sst s0  }
0x9: {  	[smem:$0x3FAE] =	sst s1  }
0xa: {  	[smem:$0x3FAF] =	sst s2  }
0xb: {  	[smem:$0x3FB0] =	sst s3  }
0xc: {  	[smem:$0x3FB1] =	sst s4  }
0xd: {  	[smem:$0x3FB2] =	sst s5  }
0xe: {  	[smem:$0x3FB3] =	sst s6  }
0xf: {  	[smem:$0x3FB4] =	sst s7  }
0x10: {  	[smem:$0x3FB5] =	sst s8  }
0x11: {  	[smem:$0x3FB6] =	sst s9;
	s0 =	simm.s32 @!p0 $0x0  }
0x12: {  	s1 =	sld [smem:$0x3F9C];
	s0 =	simm.s32 @p0 $0x1  }
0x13: {  	[smem:$0x3FB7] =	sst s0;
	s0 =	simm.s32 @!p1 $0x0  }
0x14: {  	s2 =	sld [smem:$0x3F9B];
	s0 =	simm.s32 @p1 $0x1  }
0x15: {  	[smem:$0x3FB8] =	sst s0;
	s0 =	simm.s32 @!p2 $0x0  }
0x16: {  	s3 =	sld [smem:$0x3FDB];
	s0 =	simm.s32 @p2 $0x1  }
0x17: {  	s4 =	simm.s32 $0x1BF5;
	[smem:$0x3FBA] =	sst s0  }
0x18: {  	s0 =	sld [smem:$0x3F9D];
	_ =	swait.ge [sflag:s4], $0x0  }
0x19: {  	s7 =	sld [smem:$0x3F9E]  }
0x1a: {  	s8 =	sadd.s32 $0xFFFFE003, lr  }
0x1b: {  	s9 =	sadd.s32 $0xFFFFFEF7, lr;
	s5 =	simm.s32 $0xFFFFFFFF;
	p2 =	slt.u32 s8, $0xFFFFF086  }
0x1c: {  	p1 =	slt.u32 s9, $0xF7A;
	s5 =	simm.s32 @!p2 $0x0  }
0x1d: {  	s5 =	simm.s32 @p1 $0x1;
	p0 =	seq.s32 s7, s2  }
0x1e: {  	s7 =	smul.u32 @!p0 $0xF7A, s2;
	p2 =	seq.s32 @!p0 s5, $0x0  }
0x1f: {  	s9 =	smul.u32 $0xF7A, s1;
	s8 =	simm.s32 @!p0 $0x1BF5;
	p2 =	por !p2, p0  }
0x20: {  	[sflag:s8] =	ssyncset.s32 @!p0 $0xFFFFF086;
	s6 =	sadd.s32 @!p0 s3, s7;
	s7 =	simm.s32 @!p0 $0x108  }
0x21: {  	s3 =	sadd.s32 s3, s9;
	s6 =	sadd.s32 @!p0 $0x88, s6;
	s7 =	simm.s32 @p2 $0x1082  }
0x22: {  	[simem:s7], [sflag:s8] =	dma.local @!p0 [hbm:s6], $0xF7A  }
0x23: {  	s9 =	sor.u32 $0xD0000000, s2;
	s6 =	simm.s32 $0x108;
	_ =	swait.ge @!p0 [sflag:s8], $0x0  }
0x24: {  	s3 =	sadd.s32 $0x88, s3;
	s6 =	simm.s32 @!p1 $0x1082;
	[sflag:s4] =	ssyncset.s32 $0xFFFFF086  }
0x25: {  	[simem:s6], [sflag:s4] =	dma.local [hbm:s3], $0xF7A  }
0x26: {  	[smem:$0x3F9E] =	sst s1;
	(tag) =	ssettag s2;
	_ =	strace s9  }
0x27: {  	s1 =	sld [smem:$0x3FAE]  }
0x28: {  	s2 =	sld [smem:$0x3FAF]  }
0x29: {  	s4 =	sld [smem:$0x3FB1]  }
0x2a: {  	p0 =	seq.s32 s5, $0x0;
	s5 =	sld [smem:$0x3FB2]  }
0x2b: {  	s6 =	sld [smem:$0x3FB3]  }
0x2c: {  	s7 =	sld [smem:$0x3FB4]  }
0x2d: {  	s3 =	simm.s32 $0x108;
	s8 =	sld [smem:$0x3FB5]  }
0x2e: {  	s3 =	simm.s32 @!p0 $0x1082;
	s9 =	sld [smem:$0x3FB6]  }
0x2f: {  	lr =	sadd.s32 s0, s3;
	s0 =	sld [smem:$0x3FAD]  }
0x30: {  	s3 =	sld [smem:$0x3FB0]  }
0x31: {  	[smem:$0x3FB9] =	sst s10  }
0x32: {  	s10 =	sld [smem:$0x3FB7];
	_ =	sdelay $0x3  }
0x33: {  	p0 =	seq.s32 s10, $0x1;
	s10 =	sld [smem:$0x3FB9];
	_ =	sdelay $0x3  }
0x34: {  	[smem:$0x3FB9] =	sst s10  }
0x35: {  	s10 =	sld [smem:$0x3FB8];
	_ =	sdelay $0x3  }
0x36: {  	p1 =	seq.s32 s10, $0x1;
	s10 =	sld [smem:$0x3FB9];
	_ =	sdelay $0x3  }
0x37: {  	[smem:$0x3FB9] =	sst s10  }
0x38: {  	s10 =	sld [smem:$0x3FBA]  }
0x39: {  	_ = 	snop;
	(pc) =	sbr.ind lr, $3  }
0x3a: {  	_ = 	snop  }
0x3b: {  	_ = 	snop  }
0x3c: {  	p2 =	seq.s32 s10, $0x1;
	s10 =	sld [smem:$0x3FB9]  }
0x3d: {  	_ =	shalt  }
0x3e: {  	_ =	shalt  }
0x3f: {  	_ =	shalt  }
0x40: {  	_ =	shalt  }
0x41: {  	_ =	shalt  }
0x42: {  	_ =	shalt  }
0x43: {  	_ =	shalt  }
0x44: {  	_ =	shalt  }
0x45: {  	_ =	shalt  }
0x46: {  	_ =	shalt  }
0x47: {  	_ =	shalt  }
0x48: {  	_ =	shalt  }
0x49: {  	_ =	shalt  }
0x4a: {  	_ =	shalt  }
0x4b: {  	_ =	shalt  }
0x4c: {  	_ =	shalt  }
0x4d: {  	_ =	shalt  }
0x4e: {  	_ =	shalt  }
0x4f: {  	_ =	shalt  }
0x50: {  	_ =	shalt  }
0x51: {  	_ =	shalt  }
0x52: {  	_ =	shalt  }
0x53: {  	_ =	shalt  }
0x54: {  	_ =	shalt  }
0x55: {  	_ =	shalt  }
0x56: {  	_ =	shalt  }
0x57: {  	_ =	shalt  }
0x58: {  	_ =	shalt  }
0x59: {  	_ =	shalt  }
0x5a: {  	_ =	shalt  }
0x5b: {  	_ =	shalt  }
0x5c: {  	_ =	shalt  }
0x5d: {  	_ =	shalt  }
0x5e: {  	_ =	shalt  }
0x5f: {  	_ =	shalt  }
0x60: {  	_ =	shalt  }
0x61: {  	_ =	shalt  }
0x62: {  	_ =	shalt  }
0x63: {  	_ =	shalt  }
0x64: {  	_ =	shalt  }
0x65: {  	_ =	shalt  }
0x66: {  	_ =	shalt  }
0x67: {  	_ =	shalt  }
0x68: {  	_ =	shalt  }
0x69: {  	_ =	shalt  }
0x6a: {  	_ =	shalt  }
0x6b: {  	_ =	shalt  }
0x6c: {  	_ =	shalt  }
0x6d: {  	_ =	shalt  }
0x6e: {  	_ =	shalt  }
0x6f: {  	_ =	shalt  }
0x70: {  	_ =	shalt  }
0x71: {  	_ =	shalt  }
0x72: {  	_ =	shalt  }
0x73: {  	_ =	shalt  }
0x74: {  	_ =	shalt  }
0x75: {  	_ =	shalt  }
0x76: {  	_ =	shalt  }
0x77: {  	_ =	shalt  }
0x78: {  	_ =	shalt  }
0x79: {  	_ =	shalt  }
0x7a: {  	_ =	shalt  }
0x7b: {  	_ =	shalt  }
0x7c: {  	_ =	shalt  }
0x7d: {  	_ =	shalt  }
0x7e: {  	_ =	shalt  }
0x7f: {  	_ =	shalt  }
0x80: {  	_ =	shalt  }
0x81: {  	_ =	shalt  }
0x82: {  	_ =	shalt  }
0x83: {  	_ =	shalt  }
0x84: {  	_ =	shalt  }
0x85: {  	_ =	shalt  }
0x86: {  	_ =	shalt  }
0x87: {  	_ =	shalt  }
.Lfunc_end0:
.L_simem_size_0:
called_computation.2_lowered:
.L_overlay_start_0:
0x88: {  	s2 =	sld [smem:$0x3FD9]  }
0x89: {  	s3 =	sld [smem:$0x3FFE];
	_ =	sdelay $0x1  }
0x8a: {  	s1 =	srdreg.scid  }
0x8b: {  	s0 =	sand.u32 $0x1, s1  }
0x8c: {  	s17 =	sshll.u32 s0, $0xA;
	s2 =	sadd.s32 s3, s2  }
0x8d: {  	s2 =	sadd.s32 s2, s17  }
0x8e: {  	[smem:$0x3FC5] =	sst s2  }
0x8f: {  	_ = 	snop  }
0x90: {  	s2 =	sld [smem:$0x3FD0];
	(tm) =	ssettm $0x1  }
0x91: {  	s18 =	sld [smem:$0x3FFB];
	_ =	sdelay $0x3  }
0x92: {  	_ =	strace s18  }
0x93: {  	s3 =	sld [smem:$0x3FFC];
	_ =	sdelay $0x3  }
0x94: {  	_ =	strace s3  }
0x95: {  	s3 =	sld [smem:$0x3FFD];
	_ =	sdelay $0x3  }
0x96: {  	_ =	strace s3  }
0x97: {  	_ =	strace $0x8FFFFFFF  }
0x98: {  	s19 =	sld [smem:$0x3FDB];
	_ =	sdelay $0x1  }
0x99: {  	s4 =	simm.s32 $_scs_section_size  }
0x9a: {  	s5 =	simm.s32 $_size__tile_overlayer_lowered;
	s6 =	simm.s32 $_tile_overlayer_lowered  }
0x9b: {  	s22 =	simm.s32 $0x1BFF;
	s21 =	sshll.u32 s6, $0x1;
	s3 =	sadd.s32 s4, s19  }
0x9c: {  	s7 =	simm.s32 $0x0;
	s20 =	sshll.u32 s5, $0x1;
	s5 =	sadd.s32 s21, s3  }
0x9d: {  	[timem:s7], [sflag:s22] =	dma.local [hbm:s5], s20  }
0x9e: {  	_ =	swait.ge [sflag:s22], s20  }
0x9f: {  	s4 =	ssub.s32 $0x0, s20;
	[sflag:s22] =	ssyncset.done $0x0  }
0xa0: {  	[sflag:s22] =	ssyncadd.s32 s4;
	_ =	sdelay $0x1  }
0xa1: {  	s23 =	simm.s32 $0x1B8B  }
0xa2: {  	_ =	swait.ge [sflag:s23], $0x1  }
0xa3: {  	[sflag:s23] =	ssyncset.done $0x0  }
0xa4: {  	s25 =	simm.s32 $0x1B8E;
	s24 =	sld [smem:$0x3FFE];
	[sflag:s23] =	ssyncadd.s32 $0xFFFFFFFF  }
0xa5: {  	s26 =	simm.s32 $execute0_lowered;
	[smem:$0x3FD2] =	sst s25  }
0xa6: {  	s5 =	sshll.u32 s26, $0x1;
	_ =	strace $0x80000049;
	[dreg:$0x1] =	wrdreg $0xFFFFFFFF  }
0xa7: {  	s28 =	simm.s32 $_size_execute0_lowered;
	s3 =	sadd.s32 s3, s5;
	[dreg:$0x0] =	wrdreg $0x0  }
0xa8: {  	s5 =	sshll.u32 s28, $0x1;
	[dreg:$0x2] =	wrdreg s3  }
0xa9: {  	[dreg:$0x3] =	wrdreg s5  }
0xaa: {  	[dreg:$0x4] =	wrdreg $0xC0  }
0xab: {  	_ =	task [dreg:s7], $0x5FFFF  }
0xac: {  	[dreg:$0x1] =	wrdreg $0xFFFFFFFF  }
0xad: {  	[dreg:$0x0] =	wrdreg $0x60  }
0xae: {  	[dreg:$0x2] =	wrdreg s2  }
0xaf: {  	[dreg:$0x3] =	wrdreg s24  }
0xb0: {  	[dreg:$0x4] =	wrdreg $0x9  }
0xb1: {  	_ =	task.clear_ibuf [dreg:s7], $0x5FFFF;
	_ =	strace $0x90000049  }
0xb2: {  	s29 =	simm.s32 $0x9;
	_ =	strace $0x8000004B  }
0xb3: {  	_ =	swait.ge [sflag:s29], $0x1  }
0xb4: {  	[sflag:s29] =	ssyncadd.s32 $0xFFFFFFFF  }
0xb5: {  	_ =	strace $0x9000004B  }
0xb6: {  	_ =	sfence  }
0xb7: {  	s30 =	sld [smem:$0x0];
	_ =	sdelay $0x2  }
0xb8: {  	s31 =	sshll.u32 s1, $0xD;
	s1 =	sshrl.u32 s1, $0x2  }
0xb9: {  	s3 =	sand.u32 $0x4000, s31;
	s1 =	sadd.s32 s1, s30  }
0xba: {  	s0 =	sor.u32 s3, s0;
	s1 =	sshll.u32 s1, $0x11  }
0xbb: {  	s0 =	sor.u32 s1, s0  }
0xbc: {  	s0 =	sadd.s32 $0x8F2B, s0  }
0xbd: {  	[sflag:s0] =	ssyncadd.remote.s32 $0x1  }
0xbe: {  	_ =	sfence.sel $0xFFFF  }
0xbf: {  	[dreg:$0x0] =	wrdreg $0xFFFFFFFF;
	(pc) =	sbr.abs _section_cstart, $3  }
0xc0: {  	[dreg:$0x1] =	wrdreg $0xFFFFFFFF  }
0xc1: {  	_ =	task.clear_ibuf [dreg:s7], $0x2FFFF;
	_ =	strace $0x9FFFFFFF  }
0xc2: {  	(tm) =	ssettm $0x7FFFFFFF  }
0xc3: {  	_ =	shalt  }
tec
execute0_lowered:
.L_overlay_start_1:
0x0: {  	(tag) =	ssettag $0x1  }
0x1: {  	s1 =	srdreg.scid;
	s2 =	rddreg [dreg:$0x0]  }
0x2: {  	s0 =	stileid.u32;
	s5 =	rddreg [dreg:$0x1];
	s3 =	simm.s32 $0x0  }
0x3: {  	s8 =	simm.s32 $0x80;
	s4 =	sand.u32 $0x1, s1;
	s30 =	sshll.u32 s0, $0x1  }
0x4: {  	s9 =	simm.s32 $0x1;
	s10 =	simm.s32 $0x1900;
	s6 =	sor.u32 s4, s30  }
0x5: {  	s11 =	simm.s32 $0x0;
	s1 =	rddreg [dreg:$0x2];
	s7 =	smul.u32 $0x320, s6  }
0x6: {  	[smem:$0x7FF] =	sst s3;
	s4 =	ssub.s32 $0x2, s4;
	s6 =	smul.u32 $0x1900, s6  }
0x7: {  	_ =	strace $0x8000004A;
	s31 =	sshrl.u32 s4, $0x1;
	s7 =	sadd.s32 s7, s5  }
0x8: {  	s5 =	sadd.s32 s6, s5;
	s6 =	ssub.s32 s4, s31;
	s4 =	sadd.s32 $0x7B400, s7  }
0x9: {  	s5 =	sadd.s32 $0x1200, s5;
	s6 =	smax.u32 s6, $0x1;
	s7 =	simm.s32 $0x2  }
.LBB2_1:
0xa: {  	[tilespmem:s3], [sflag:$0x2] =	stream.linear.gather [hbm4b:s4+s3], $0x1900, $0x38;
	[tilespmem:$0xE100] =	vst v63  }
0xb: {  	_ =	swait.ge [sflag:s7], $0x1900  }
0xc: {  	p0 =	por $0x1, $0x1;
	[sflag:s7] =	ssyncset.done $0x0  }
0xd: {  	s15 =	simm.s32 @!p0 $0x1;
	[sflag:s7] =	ssyncadd.s32 $0xFFFFE700  }
0xe: {  	[tilespmem:s10], [sflag:$0x1] =	stream.indirect.gather [hbm4b:s2+s8], $0x8, s3, s8, $0xb8;
	[tilespmem:$0xE100] =	vst v63  }
0xf: {  	s12 =	simm.s32 $0x1;
	_ =	swait.ge @!p0 [sflag:s15], $0x400  }
0x10: {  	s13 =	simm.s32 $0x1D00;
	s14 =	simm.s32 $0x0;
	[sflag:s15] =	ssyncset.done @!p0 $0x0  }
.LBB2_2:
0x11: {  	[sflag:s15] =	ssyncadd.s32 @!p0 $0xFFFFFC00  }
0x12: {  	s14 =	sadd.s32 $0x80, s14;
	s15 =	smov.u32 s12;
	s12 =	sadd.s32 $0x1, s12  }
0x13: {  	p1 =	sne.s32 s12, $0x32  }
0x14: {  	[tilespmem:s13], [sflag:$0x1] =	stream.indirect.gather [hbm4b:s2+s8], $0x8, s14, s8, $0xb8;
	[tilespmem:$0xE100] =	vst v63  }
.Ltmp0:
0x15: {  	_ = 	snop;
	(pc) =	sbr.rel @p1 .LBB2_2-.Ltmp0, $4  }
0x16: {  	p0 =	slt.u32 s15, $0x10  }
0x17: {  	s15 =	simm.s32 @!p0 $0x1  }
0x18: {  	_ =	swait.ge @!p0 [sflag:s15], $0x400  }
0x19: {  	s13 =	sadd.s32 $0x400, s13;
	[sflag:s15] =	ssyncset.done @!p0 $0x0  }
0x1a: {  	[sflag:s15] =	ssyncadd.s32 @!p0 $0xFFFFFC00  }
0x1b: {  	_ =	swait.ge [sflag:s9], $0x400  }
0x1c: {  	[sflag:s9] =	ssyncset.done $0x0  }
0x1d: {  	[sflag:s9] =	ssyncadd.s32 $0xFFFFFC00  }
0x1e: {  	_ =	swait.ge [sflag:s9], $0x400  }
0x1f: {  	[sflag:s9] =	ssyncset.done $0x0  }
0x20: {  	[sflag:s9] =	ssyncadd.s32 $0xFFFFFC00  }
0x21: {  	_ =	swait.ge [sflag:s9], $0x400  }
0x22: {  	[sflag:s9] =	ssyncset.done $0x0  }
0x23: {  	[sflag:s9] =	ssyncadd.s32 $0xFFFFFC00  }
0x24: {  	_ =	swait.ge [sflag:s9], $0x400  }
0x25: {  	[sflag:s9] =	ssyncset.done $0x0  }
0x26: {  	[sflag:s9] =	ssyncadd.s32 $0xFFFFFC00  }
0x27: {  	_ =	swait.ge [sflag:s9], $0x400  }
0x28: {  	[sflag:s9] =	ssyncset.done $0x0  }
0x29: {  	[sflag:s9] =	ssyncadd.s32 $0xFFFFFC00  }
0x2a: {  	_ =	swait.ge [sflag:s9], $0x400  }
0x2b: {  	[sflag:s9] =	ssyncset.done $0x0  }
0x2c: {  	[sflag:s9] =	ssyncadd.s32 $0xFFFFFC00  }
0x2d: {  	_ =	swait.ge [sflag:s9], $0x400  }
0x2e: {  	[sflag:s9] =	ssyncset.done $0x0  }
0x2f: {  	[sflag:s9] =	ssyncadd.s32 $0xFFFFFC00  }
0x30: {  	_ =	swait.ge [sflag:s9], $0x400  }
0x31: {  	[sflag:s9] =	ssyncset.done $0x0  }
0x32: {  	[sflag:s9] =	ssyncadd.s32 $0xFFFFFC00  }
0x33: {  	_ =	swait.ge [sflag:s9], $0x400  }
0x34: {  	[sflag:s9] =	ssyncset.done $0x0  }
0x35: {  	[sflag:s9] =	ssyncadd.s32 $0xFFFFFC00  }
0x36: {  	_ =	swait.ge [sflag:s9], $0x400  }
0x37: {  	[sflag:s9] =	ssyncset.done $0x0  }
0x38: {  	[sflag:s9] =	ssyncadd.s32 $0xFFFFFC00  }
0x39: {  	_ =	swait.ge [sflag:s9], $0x400  }
0x3a: {  	[sflag:s9] =	ssyncset.done $0x0  }
0x3b: {  	[sflag:s9] =	ssyncadd.s32 $0xFFFFFC00  }
0x3c: {  	_ =	swait.ge [sflag:s9], $0x400  }
0x3d: {  	[sflag:s9] =	ssyncset.done $0x0  }
0x3e: {  	[sflag:s9] =	ssyncadd.s32 $0xFFFFFC00  }
0x3f: {  	_ =	swait.ge [sflag:s9], $0x400  }
0x40: {  	[sflag:s9] =	ssyncset.done $0x0  }
0x41: {  	[sflag:s9] =	ssyncadd.s32 $0xFFFFFC00  }
0x42: {  	_ =	swait.ge [sflag:s9], $0x400  }
0x43: {  	[sflag:s9] =	ssyncset.done $0x0  }
0x44: {  	[sflag:s9] =	ssyncadd.s32 $0xFFFFFC00  }
0x45: {  	_ =	swait.ge [sflag:s9], $0x400  }
0x46: {  	[sflag:s9] =	ssyncset.done $0x0  }
0x47: {  	[sflag:s9] =	ssyncadd.s32 $0xFFFFFC00  }
0x48: {  	s11 =	sadd.s32 $0x1, s11;
	_ =	swait.ge [sflag:s9], $0x400  }
0x49: {  	p0 =	sne.s32 s11, s6;
	[sflag:s9] =	ssyncset.done $0x0  }
.Ltmp1:
0x4a: {  	[sflag:s9] =	ssyncadd.s32 $0xFFFFFC00;
	(pc) =	sbr.rel @p0 .LBB2_1-.Ltmp1, $4  }
0x4b: {  	[hbm4b:s5+s3] =	stream.linear.scatter [tilespmem:s10], [sflag:$0x2], $0xC800, $0x38;
	[tilespmem:$0xE100] =	vst v63  }
0x4c: {  	_ =	swait.ge [sflag:s7], $0xC800  }
0x4d: {  	[sflag:s7] =	ssyncset.done $0x0  }
0x4e: {  	[sflag:s7] =	ssyncadd.s32 $0xFFFF3800  }
0x4f: {  	_ =	sfence.sel $0x180000  }
0x50: {  	[bflag:$0x0] =	sbarrier.arrive $0xFFFF  }
0x51: {  	p0 =	sne.s32 s0, $0x0;
	_ =	strace $0x9000004A  }
0x52: {  	s0 =	sadd.s32 @!p0 $0x100000, s1;
	[bflag:$0x2] =	sbarrier.arrive $0xFFFF  }
0x53: {  	[sflag:s0] =	ssyncadd.tile.s32 @!p0 $0x1;
	_ =	shalt  }
.Lfunc_end2:
_tile_overlayer_lowered:
.L_overlay_start_2:
0x54: {  	(tag) =	ssettag $0x2  }
0x55: {  	s0 =	rddreg [dreg:$0x0];
	s2 =	stileid.u32  }
0x56: {  	s1 =	rddreg [dreg:$0x1];
	p0 =	sne.s32 s2, $0x0  }
0x57: {  	s3 =	rddreg [dreg:$0x2];
	[bflag:$0x3] =	sbarrier.arrive $0xFFFF;
	s2 =	simm.s32 @!p0 $0x1C02  }
0x58: {  	[timem:s3], [sflag:s2] =	dma.local @!p0 [hbm:s0], s1  }
0x59: {  	s0 =	simm.s32 @!p0 $0x2  }
0x5a: {  	_ =	swait.ge @!p0 [sflag:s0], s1  }
0x5b: {  	s1 =	ssub.s32 @!p0 $0x0, s1;
	[sflag:s0] =	ssyncset.done @!p0 $0x0  }
0x5c: {  	[sflag:s0] =	ssyncadd.s32 @!p0 s1  }
0x5d: {  	[bflag:$0x3] =	sbarrier.arrive $0xFFFF  }
0x5e: {  	_ =	shalt  }

// kernel: sparse-core-data-format-call.cloned.1.call-start
scs
called_computation_lowered:
.L_overlay_start_0:
0x0: {  	s2 =	sld [smem:$0x3FD9]  }
0x1: {  	s3 =	sld [smem:$0x3FFE];
	_ =	sdelay $0x1  }
0x2: {  	s1 =	srdreg.scid  }
0x3: {  	s0 =	sand.u32 $0x1, s1  }
0x4: {  	s18 =	sshll.u32 s0, $0xA;
	s2 =	sadd.s32 s3, s2  }
0x5: {  	s2 =	sadd.s32 s2, s18  }
0x6: {  	[smem:$0x3FC5] =	sst s2  }
0x7: {  	_ = 	snop  }
0x8: {  	s2 =	sld [smem:$0x3FD0];
	(tm) =	ssettm $0x1  }
0x9: {  	s19 =	sld [smem:$0x3FFB];
	_ =	sdelay $0x3  }
0xa: {  	_ =	strace s19  }
0xb: {  	s3 =	sld [smem:$0x3FFC];
	_ =	sdelay $0x3  }
0xc: {  	_ =	strace s3  }
0xd: {  	s3 =	sld [smem:$0x3FFD];
	_ =	sdelay $0x3  }
0xe: {  	_ =	strace s3  }
0xf: {  	_ =	strace $0x8FFFFFFF  }
0x10: {  	s20 =	sld [smem:$0x3FDB];
	_ =	sdelay $0x1  }
0x11: {  	s4 =	simm.s32 $_scs_section_size  }
0x12: {  	s5 =	simm.s32 $_size__tile_overlayer_lowered;
	s6 =	simm.s32 $_tile_overlayer_lowered  }
0x13: {  	s23 =	simm.s32 $0x1BFF;
	s22 =	sshll.u32 s6, $0x1;
	s3 =	sadd.s32 s4, s20  }
0x14: {  	s7 =	simm.s32 $0x0;
	s21 =	sshll.u32 s5, $0x1;
	s5 =	sadd.s32 s22, s3  }
0x15: {  	[timem:s7], [sflag:s23] =	dma.local [hbm:s5], s21  }
0x16: {  	_ =	swait.ge [sflag:s23], s21  }
0x17: {  	s4 =	ssub.s32 $0x0, s21;
	[sflag:s23] =	ssyncset.done $0x0  }
0x18: {  	[sflag:s23] =	ssyncadd.s32 s4;
	_ =	sdelay $0x1  }
0x19: {  	s24 =	simm.s32 $0x1B8B  }
0x1a: {  	_ =	swait.ge [sflag:s24], $0x1  }
0x1b: {  	[sflag:s24] =	ssyncset.done $0x0  }
0x1c: {  	s26 =	simm.s32 $0x1B8E;
	s25 =	sld [smem:$0x3FFE];
	[sflag:s24] =	ssyncadd.s32 $0xFFFFFFFF  }
0x1d: {  	s27 =	simm.s32 $execute0_lowered;
	[smem:$0x3FD2] =	sst s26  }
0x1e: {  	s5 =	sshll.u32 s27, $0x1;
	_ =	strace $0x8000004C;
	[dreg:$0x1] =	wrdreg $0xFFFFFFFF  }
0x1f: {  	s28 =	simm.s32 $_size_execute0_lowered;
	s3 =	sadd.s32 s3, s5;
	[dreg:$0x0] =	wrdreg $0x0  }
0x20: {  	s5 =	sshll.u32 s28, $0x1;
	[dreg:$0x2] =	wrdreg s3  }
0x21: {  	[dreg:$0x3] =	wrdreg s5  }
0x22: {  	[dreg:$0x4] =	wrdreg $0xC0  }
0x23: {  	_ =	task [dreg:s7], $0x5FFFF  }
0x24: {  	[dreg:$0x1] =	wrdreg $0xFFFFFFFF  }
0x25: {  	[dreg:$0x0] =	wrdreg $0x60  }
0x26: {  	[dreg:$0x2] =	wrdreg s25  }
0x27: {  	[dreg:$0x3] =	wrdreg s2  }
0x28: {  	[dreg:$0x4] =	wrdreg $0x9  }
0x29: {  	_ =	task.clear_ibuf [dreg:s7], $0x5FFFF;
	_ =	strace $0x9000004C  }
0x2a: {  	s29 =	simm.s32 $0x9;
	_ =	strace $0x8000004E  }
0x2b: {  	_ =	swait.ge [sflag:s29], $0x1  }
0x2c: {  	[sflag:s29] =	ssyncadd.s32 $0xFFFFFFFF  }
0x2d: {  	_ =	strace $0x9000004E  }
0x2e: {  	_ =	sfence  }
0x2f: {  	s30 =	sld [smem:$0x0];
	_ =	sdelay $0x2  }
0x30: {  	s31 =	sshll.u32 s1, $0xD;
	s1 =	sshrl.u32 s1, $0x2  }
0x31: {  	s3 =	sand.u32 $0x4000, s31;
	s1 =	sadd.s32 s1, s30  }
0x32: {  	s0 =	sor.u32 s3, s0;
	s1 =	sshll.u32 s1, $0x11  }
0x33: {  	s0 =	sor.u32 s1, s0  }
0x34: {  	s0 =	sadd.s32 $0x8F2B, s0  }
0x35: {  	[sflag:s0] =	ssyncadd.remote.s32 $0x1  }
0x36: {  	_ =	sfence.sel $0xFFFF  }
0x37: {  	[dreg:$0x0] =	wrdreg $0xFFFFFFFF;
	(pc) =	sbr.abs _section_cstart, $3  }
0x38: {  	[dreg:$0x1] =	wrdreg $0xFFFFFFFF  }
0x39: {  	_ =	task.clear_ibuf [dreg:s7], $0x2FFFF;
	_ =	strace $0x9FFFFFFF  }
0x3a: {  	(tm) =	ssettm $0x7FFFFFFF  }
0x3b: {  	_ =	shalt  }
tec
execute0_lowered:
.L_overlay_start_1:
0x0: {  	(tag) =	ssettag $0x1  }
0x1: {  	s0 =	srdreg.scid  }
0x2: {  	s1 =	sshll.u32 s0, $0x4  }
0x3: {  	s0 =	stileid.u32;
	s1 =	sand.u32 $0x10, s1  }
0x4: {  	s1 =	sor.u32 s0, s1  }
0x5: {  	s6 =	rddreg [dreg:$0x0];
	s4 =	simm.s32 $0x1;
	s2 =	sshll.u32 s1, $0x7  }
0x6: {  	s7 =	simm.s32 $0x2;
	s12 =	simm.s32 $0x0;
	s1 =	ssub.s32 $0x1000, s2  }
0x7: {  	s8 =	simm.s32 $0x8000;
	s13 =	simm.s32 $0x0;
	s3 =	sand.u32 $0xF80, s1  }
0x8: {  	s9 =	simm.s32 $0x0;
	s5 =	sshrl.u32 s1, $0xC;
	p0 =	sne.s32 s3, $0x0  }
.Ltmp0:
0x9: {  	s1 =	rddreg [dreg:$0x2];
	s4 =	simm.s32 @!p0 $0x0;
	(pc) =	sbr.rel .LBB1_1-.Ltmp0, $4  }
0xa: {  	s11 =	simm.s32 $0x0;
	s3 =	rddreg [dreg:$0x1];
	s5 =	sadd.s32 s4, s5  }
0xb: {  	_ =	strace $0x8000004D;
	s4 =	simm.s32 $0x1;
	s5 =	smul.u32 $0x32, s5  }
0xc: {  	s6 =	sadd.s32 $0x1200, s6;
	s10 =	smov.u32 s2;
	[sflag:s4] =	ssyncpa.u1 $0x0  }
0xd: {  	p0 =	por $0x0, $0x0;
	[sflag:s7] =	ssyncpa.u1 $0x0;
	s7 =	sor.u32 $0x1, s5  }
.LBB1_4:
0xe: {  	s16 =	sshll.u32 s13, $0x3;
	s17 =	sand.u32 $0x78, s13  }
0xf: {  	s30 =	sand.u32 $0x7E00, s13;
	s12 =	sshll.u32 s12, $0xF;
	s16 =	sand.u32 $0xC00, s16  }
0x10: {  	[tilespmem:s15+$0x810 ss:$0x81] =	vst.msk $0xffff, v2;
	s31 =	sand.u32 $0x7, s13;
	s16 =	sor.u32 s17, s16;
	s17 =	sadd.s32 s3, s30  }
0x11: {  	[tilespmem:s15+$0x1020 ss:$0x81] =	vst.msk $0xffff, v0;
	s13 =	sshll.u32 s31, $0x12;
	s12 =	sadd.s32 s12, s17;
	s16 =	sshrl.u32 s16, $0x3  }
0x12: {  	[tilespmem:s15+$0x0 ss:$0x81] =	vst.msk $0xffff, v1;
	s13 =	sor.u32 $0x400, s13;
	s12 =	sadd.s32 s16, s12  }
0x13: {  	[hbm4b:s12+s13] =	stream.strided.scatter [tilespmem:s14], [sflag:$0x2], $0x2000, s8, s13, $0x20;
	[tilespmem:$0x8080] =	vst v63  }
.LBB1_5:
0x14: {  	s14 =	sadd.s32 $0x1, s9  }
0x15: {  	s12 =	sadd.s32 $0x1000, s10;
	s16 =	smov.u32 s10;
	p2 =	sgt.s32 s14, $0x31  }
0x16: {  	s16 =	smov.u32 @p2 s12  }
0x17: {  	s14 =	simm.s32 @p2 $0x0;
	p2 =	sgt.s32 s16, $0xFFF  }
0x18: {  	s16 =	smov.u32 @p2 s2;
	p2 =	sne.s32 s11, s7  }
.Ltmp1:
0x19: {  	p1 =	slt.u32 s11, $0x2;
	(pc) =	sbr.rel @!p2 .LBB1_6-.Ltmp1, $4  }
0x1a: {  	s15 =	simm.s32 @!p1 $0x2  }
0x1b: {  	s13 =	smov.u32 s10;
	p0 =	por !p0, !p0;
	_ =	swait.ge @!p1 [sflag:s15], $0x2000  }
0x1c: {  	s12 =	smov.u32 s9;
	[sflag:s15] =	ssyncset.done @!p1 $0x0;
	s9 =	smov.u32 s14  }
0x1d: {  	s11 =	sadd.s32 $0x1, s11;
	[sflag:s15] =	ssyncadd.s32 @!p1 $0xFFFFE000;
	s10 =	smov.u32 s16  }
.LBB1_1:
0x1e: {  	p1 =	sge.u32 s11, s5  }
0x1f: {  	s14 =	sand.u32 @!p1 $0x1FFFFFF, s9  }
0x20: {  	s15 =	smulhi.u32 @!p1 $0x4924925, s14;
	_ =	sdelay $0x1  }
0x21: {  	s15 =	smul.u32 @!p1 $0x38, s15  }
0x22: {  	s16 =	sxor.u32 @!p1 $0xFFFFFFFF, s11;
	s17 =	smul.u32 @!p1 $0x380, s10  }
0x23: {  	s31 =	sadd.s32 $0xFFFFFFFF, s11;
	s16 =	sshll.u32 @!p1 s16, $0xD;
	s14 =	ssub.s32 @!p1 s14, s15  }
0x24: {  	s15 =	sand.u32 @!p1 $0x2000, s16;
	s16 =	sadd.s32 @!p1 s6, s17;
	s14 =	sshll.u32 @!p1 s14, $0x4  }
0x25: {  	s17 =	simm.s32 @!p1 $0x1C00;
	s14 =	sadd.s32 @!p1 s14, s16;
	s16 =	simm.s32 @!p1 $0x40  }
0x26: {  	[tilespmem:s15], [sflag:$0x1] =	stream.strided.gather @!p1 [hbm4b:s14+s16], $0x2000, s17, s16, $0x38;
	[tilespmem:$0x8080] =	vst v63  }
0x27: {  	p1 =	sge.u32 s31, s5  }
.Ltmp2:
0x28: {  	_ = 	snop;
	(pc) =	sbr.rel @p1 .LBB1_5-.Ltmp2, $1  }
0x29: {  	_ =	sdelay $0x3  }
0x2a: {  	s14 =	simm.s32 $0x1  }
0x2b: {  	_ =	swait.ge [sflag:s4], $0x2000;
	s14 =	simm.s32 @!p0 $0x0  }
0x2c: {  	[sflag:s4] =	ssyncset.done $0x0;
	s15 =	sshll.u32 s14, $0xD  }
0x2d: {  	[sflag:s4] =	ssyncadd.s32 $0xFFFFE000;
	s18 =	sor.u32 $0x20, s15  }
0x2e: {  	s14 =	smul.u32 $0x8100, s14;
	v3 =	vld [tilespmem:s18+$0x10]  }
0x2f: {  	s30 =	sand.u32 $0x1, s11;
	v2 =	vld [tilespmem:s18+$0xFFFFFFF0]  }
0x30: {  	s15 =	smul.u32 $0x8100, s30;
	s14 =	sshrl.u32 s14, $0x2;
	v0 =	vld [tilespmem:s18+$0x0]  }
0x31: {  	v1 =	vld [tilespmem:s18+$0xFFFFFFE0];
	s16 =	sor.u32 $0x4000, s14  }
0x32: {  	s31 =	sshrl.u32 s15, $0x2;
	s15 =	sadd.s32 $0x0, s16  }
0x33: {  	s17 =	simm.s32 $0x4;
	s18 =	sadd.s32 $0x40, s18;
	s14 =	sor.u32 $0x4000, s31;
	[tilespmem:s15+$0x1830 ss:$0x81] =	vst.msk $0xffff, v3  }
.LBB1_3:
0x34: {  	v3 =	vld [tilespmem:s18+$0x10];
	p1 =	sne.s32 s17, $0x1FC;
	[tilespmem:s15+$0x810 ss:$0x81] =	vst.msk $0xffff, v2;
	s19 =	smov.u32 s17;
	s17 =	sadd.s32 $0x4, s17  }
.Ltmp3:
0x35: {  	v2 =	vld [tilespmem:s18+$0xFFFFFFF0];
	[tilespmem:s15+$0x1020 ss:$0x81] =	vst.msk $0xffff, v0;
	(pc) =	sbr.rel @p1 .LBB1_3-.Ltmp3, $4  }
0x36: {  	v0 =	vld [tilespmem:s18+$0x0];
	[tilespmem:s15+$0x0 ss:$0x81] =	vst.msk $0xffff, v1  }
0x37: {  	s15 =	sshra.s32 s19, $0x2;
	v1 =	vld [tilespmem:s18+$0xFFFFFFE0]  }
0x38: {  	s15 =	sadd.s32 s15, s16  }
0x39: {  	s18 =	sadd.s32 $0x40, s18;
	[tilespmem:s15+$0x1830 ss:$0x81] =	vst.msk $0xffff, v3  }
.Ltmp4:
0x3a: {  	_ = 	snop;
	(pc) =	sbr.rel .LBB1_4-.Ltmp4, $1  }
0x3b: {  	_ =	sdelay $0x3  }
.LBB1_6:
0x3c: {  	_ =	sfence.sel $0x180000  }
0x3d: {  	s2 =	simm.s32 $0x1;
	[bflag:$0x0] =	sbarrier.arrive $0xFFFF  }
0x3e: {  	s31 =	simm.s32 $0x2;
	[sflag:s2] =	ssyncpa.u1 $0x1  }
0x3f: {  	[sflag:s31] =	ssyncpa.u1 $0x1  }
0x40: {  	p0 =	sne.s32 s0, $0x0;
	_ =	strace $0x9000004D  }
0x41: {  	s0 =	sadd.s32 @!p0 $0x100000, s1;
	[bflag:$0x2] =	sbarrier.arrive $0xFFFF  }
0x42: {  	[sflag:s0] =	ssyncadd.tile.s32 @!p0 $0x1;
	_ =	shalt  }
.Lfunc_end1:
_tile_overlayer_lowered:
.L_overlay_start_2:
0x43: {  	(tag) =	ssettag $0x2  }
0x44: {  	s0 =	rddreg [dreg:$0x0];
	s2 =	stileid.u32  }
0x45: {  	s1 =	rddreg [dreg:$0x1];
	p0 =	sne.s32 s2, $0x0  }
0x46: {  	s3 =	rddreg [dreg:$0x2];
	[bflag:$0x3] =	sbarrier.arrive $0xFFFF;
	s2 =	simm.s32 @!p0 $0x1C01  }
0x47: {  	[timem:s3], [sflag:s2] =	dma.local @!p0 [hbm:s0], s1  }
0x48: {  	s0 =	simm.s32 @!p0 $0x1  }
0x49: {  	_ =	swait.ge @!p0 [sflag:s0], s1  }
0x4a: {  	s1 =	ssub.s32 @!p0 $0x0, s1;
	[sflag:s0] =	ssyncset.done @!p0 $0x0  }
0x4b: {  	[sflag:s0] =	ssyncadd.s32 @!p0 s1  }
0x4c: {  	[bflag:$0x3] =	sbarrier.arrive $0xFFFF  }
0x4d: {  	_ =	shalt  }

</sc_bundles>
